<compile_context>
chip_gen: v7x
topology: tpu7x:2x2x1
jax: 0.10.2.dev20260603
libtpu: 0.0.44.dev20260713+nightly
codegen_flags: <defaults>
</compile_context>

<pallas_src>
import functools

import jax
import jax.numpy as jnp
from jax import lax
from jax.experimental import pallas as pl
from jax.experimental.pallas import tpu as pltpu
from jax.experimental.pallas import tpu_sc as plsc

BATCH = 1024
MAX_ATOMS = 128
N_FEAT = 256

SPLIT = 512
MB = 32

LANES = 16
CH = 16
NWORKERS = 32
SC_MOLS = BATCH - SPLIT
MPW = SC_MOLS // NWORKERS
NSLICE = N_FEAT // LANES



HALF = MAX_ATOMS // 2


def _tc_body(ds_ref, a_ref, b_ref, out_ref):
    counts = ds_ref[:, 0]
    j = lax.broadcasted_iota(jnp.int32, (MB, MB * HALF), 1)
    m = lax.broadcasted_iota(jnp.int32, (MB, MB * HALF), 0)
    a = j - m * HALF
    in_mol = (a >= 0) & (a < HALF)
    mask_a = (in_mol & (a < counts[:, None])).astype(jnp.float32)
    mask_b = (in_mol & (a + HALF < counts[:, None])).astype(jnp.float32)
    xa = a_ref[...].reshape(MB * HALF, N_FEAT)
    xb = b_ref[...].reshape(MB * HALF, N_FEAT)
    acc = jax.lax.dot(mask_a, xa, preferred_element_type=jnp.float32)
    acc = acc + jax.lax.dot(mask_b, xb, preferred_element_type=jnp.float32)
    out_ref[...] = jnp.maximum(acc, 0.0)


def _tc_part(node_features, data_slice):
    return pl.pallas_call(
        _tc_body,
        grid=(SPLIT // MB,),
        in_specs=[
            pl.BlockSpec((MB, 2), lambda i: (i, 0)),
            pl.BlockSpec((MB, HALF, N_FEAT), lambda i: (i, 0, 0)),
            pl.BlockSpec((MB, HALF, N_FEAT), lambda i: (i, 1, 0)),
        ],
        out_specs=pl.BlockSpec((MB, N_FEAT), lambda i: (i, 0)),
        out_shape=jax.ShapeDtypeStruct((SPLIT, N_FEAT), jnp.float32),
    )(data_slice, node_features, node_features)



def _sc_body(nf_hbm, cnt_hbm, out_hbm, cnt_v, buf0, buf1, out_v, sem0, sem1):
    core = lax.axis_index("c")
    sub = lax.axis_index("s")
    wid = sub * 2 + core
    base = SPLIT + wid * MPW

    abase = (base // 8) * 8
    off = base - abase
    pltpu.sync_copy(cnt_hbm.at[pl.ds(abase, MPW + 8)], cnt_v.at[pl.ds(0, MPW + 8)])

    def count_of(m):
        return cnt_v[pl.ds(m + off, LANES)][0]

    def issue(m, buf, sem):
        nch = (count_of(m) + (CH - 1)) // CH

        def issue_body(j, carry):
            pltpu.make_async_copy(
                nf_hbm.at[base + m, pl.ds(j * CH, CH)],
                buf.at[pl.ds(j * CH, CH)],
                sem,
            ).start()
            return carry

        lax.fori_loop(0, nch, issue_body, 0)

    def consume(m, buf, sem):
        c = count_of(m)
        nch = (c + (CH - 1)) // CH

        def drain_body(j, carry):
            pltpu.make_async_copy(
                nf_hbm.at[base + m, pl.ds(0, CH)],
                buf.at[pl.ds(0, CH)],
                sem,
            ).wait()
            return carry

        lax.fori_loop(0, nch, drain_body, 0)

        def row4_body(t, acc):
            r = 4 * t
            return tuple(
                acc[k]
                + (
                    (buf[r, pl.ds(k * LANES, LANES)]
                     + buf[r + 1, pl.ds(k * LANES, LANES)])
                    + (buf[r + 2, pl.ds(k * LANES, LANES)]
                       + buf[r + 3, pl.ds(k * LANES, LANES)])
                )
                for k in range(NSLICE)
            )

        acc0 = tuple(jnp.zeros((LANES,), jnp.float32) for _ in range(NSLICE))
        acc = lax.fori_loop(0, c // 4, row4_body, acc0)
        rem = c - (c // 4) * 4
        zero = jnp.zeros((LANES,), jnp.float32)
        for i in range(3):
            take = i < rem
            acc = tuple(
                acc[k]
                + jnp.where(take,
                            buf[(c // 4) * 4 + i, pl.ds(k * LANES, LANES)],
                            zero)
                for k in range(NSLICE)
            )
        for k in range(NSLICE):
            out_v[m, pl.ds(k * LANES, LANES)] = jnp.maximum(acc[k], 0.0)

    issue(0, buf0, sem0)

    def pair_body(t, carry):
        m = 2 * t
        issue(m + 1, buf1, sem1)
        consume(m, buf0, sem0)

        @pl.when(m + 2 < MPW)
        def _():
            issue(m + 2, buf0, sem0)

        consume(m + 1, buf1, sem1)
        return carry

    lax.fori_loop(0, MPW // 2, pair_body, 0)
    pltpu.sync_copy(out_v, out_hbm.at[pl.ds(wid * MPW, MPW)])


def _sc_part(node_features, counts):
    mesh = plsc.VectorSubcoreMesh(core_axis_name="c", subcore_axis_name="s")
    f = functools.partial(
        pl.kernel,
        out_type=jax.ShapeDtypeStruct((SC_MOLS, N_FEAT), jnp.float32),
        mesh=mesh,
        scratch_types=[
            pltpu.VMEM((MPW + 8 + LANES,), jnp.int32),
            pltpu.VMEM((MAX_ATOMS + 3, N_FEAT), jnp.float32),
            pltpu.VMEM((MAX_ATOMS + 3, N_FEAT), jnp.float32),
            pltpu.VMEM((MPW, N_FEAT), jnp.float32),
            pltpu.SemaphoreType.DMA,
            pltpu.SemaphoreType.DMA,
        ],
    )(_sc_body)
    return f(node_features, counts)


def kernel(node_features, data_slice):
    counts = data_slice[:, 0]
    tc_out = _tc_part(node_features, data_slice)
    sc_out = _sc_part(node_features, counts)
    return jnp.concatenate([tc_out, sc_out], axis=0)

# --- scband reference (transcript-rebuilt; emitter-appended) ---
"""Pipeline reference for scband-graph-gather-mol-89653147337355 (READ-ONLY COPY).

The authoritative reference and input builder live on the scoring server;
editing this copy changes nothing except your own understanding.
"""

import jax, jax.numpy as jnp
import numpy as np

BATCH = 1024
MAX_ATOMS = 128
N_FEAT = 256


def setup_inputs(seed: int = 0) -> dict:
    key = jax.random.key(seed)
    k1, k2 = jax.random.split(key)
    node_features = jax.random.normal(k1, (BATCH, MAX_ATOMS, N_FEAT), dtype=jnp.float32)
    # data_slice[i] = [n_atoms_i, n_feat]; n_atoms_i in [1, MAX_ATOMS]
    counts = jax.random.randint(k2, (BATCH,), 1, MAX_ATOMS + 1, dtype=jnp.int32)
    feat_col = jnp.full((BATCH,), N_FEAT, dtype=jnp.int32)
    data_slice = jnp.stack([counts, feat_col], axis=1)
    return {"node_features": node_features, "data_slice": data_slice}


def reference(node_features, data_slice):
    # Faithful translation of GraphGatherMol.graph_gather_mol + activation.
    # Original: for each mol i, slice atoms[i][:n_atoms_i, :n_feat], reduce_sum over atoms,
    # stack -> (batch, n_feat), then relu. data_slice[:,1] == n_feat for all mols, so the
    # feature slice is a no-op; the atom slice is realized as a mask over the atom axis.
    counts = data_slice[:, 0]
    max_atoms = node_features.shape[1]
    mask = (jnp.arange(max_atoms, dtype=counts.dtype)[None, :] < counts[:, None]).astype(node_features.dtype)
    mol_reps = jnp.sum(node_features * mask[:, :, None], axis=1)
    return jax.nn.relu(mol_reps)

if __name__ == "__main__":
    import jax
    _d = setup_inputs()
    print(jax.jit(kernel)(*tuple(_d.values())))

</pallas_src>

<mosaic_0001>
#map = affine_map<(d0, d1) -> (0, 0, 0)>
#map1 = affine_map<(d0, d1) -> (0)>
#map2 = affine_map<(d0, d1) -> (0, 0)>
module attributes {stable_mosaic.version = 14 : i64} {
  func.func @_sc_body(%arg0: i32, %arg1: i32, %arg2: memref<1024x128x256xf32, #tpu.memory_space<hbm>>, %arg3: memref<1024xi32, #tpu.memory_space<hbm>>, %arg4: memref<512x256xf32, #tpu.memory_space<hbm>>, %arg5: memref<40xi32, #tpu.memory_space<vmem>>, %arg6: memref<131x256xf32, #tpu.memory_space<vmem>>, %arg7: memref<131x256xf32, #tpu.memory_space<vmem>>, %arg8: memref<16x256xf32, #tpu.memory_space<vmem>>, %arg9: memref<!tpu.dma_semaphore, #tpu.memory_space<semaphore_mem>>, %arg10: memref<!tpu.dma_semaphore, #tpu.memory_space<semaphore_mem>>) attributes {dimension_semantics = [#tpu.dimension_semantics<core_parallel>, #tpu.dimension_semantics<subcore_parallel>], iteration_bounds = array<i64: 2, 16>, scalar_prefetch = 0 : i64, scratch_operands = 6 : i64, tpu.core_type = #tpu.core_type<sc_vector_subcore>, window_params = [{transform_indices = #map}, {transform_indices = #map1}, {transform_indices = #map2}]} {
    %mul3A = arith.constant 2 : i32
    %mul3A_0 = arith.muli %arg1, %mul3A : i32
    %add3A = arith.addi %mul3A_0, %arg0 : i32
    %mul3A_1 = arith.constant 16 : i32
    %mul3A_2 = arith.muli %add3A, %mul3A_1 : i32
    %add3A_3 = arith.constant 512 : i32
    %add3A_4 = arith.addi %add3A_3, %mul3A_2 : i32
    %jit3A = arith.constant 8 : i32
    %div3A = arith.divsi %add3A_4, %jit3A : i32
    %sign3A = arith.constant 0 : i32
    %sign3A_5 = arith.cmpi sgt, %add3A_4, %sign3A : i32
    %sign3A_6 = arith.extui %sign3A_5 : i1 to i32
    %sign3A_7 = arith.constant 0 : i32
    %sign3A_8 = arith.cmpi slt, %add3A_4, %sign3A_7 : i32
    %sign3A_9 = arith.extui %sign3A_8 : i1 to i32
    %sign3A_10 = arith.subi %sign3A_6, %sign3A_9 : i32
    %sign3A_11 = arith.constant 0 : i32
    %sign3A_12 = arith.cmpi sgt, %jit3A, %sign3A_11 : i32
    %sign3A_13 = arith.extui %sign3A_12 : i1 to i32
    %sign3A_14 = arith.constant 0 : i32
    %sign3A_15 = arith.cmpi slt, %jit3A, %sign3A_14 : i32
    %sign3A_16 = arith.extui %sign3A_15 : i1 to i32
    %sign3A_17 = arith.subi %sign3A_13, %sign3A_16 : i32
    %ne3A = arith.cmpi ne, %sign3A_10, %sign3A_17 : i32
    %rem3A = arith.remsi %add3A_4, %jit3A : i32
    %ne3A_18 = arith.constant 0 : i32
    %ne3A_19 = arith.cmpi ne, %rem3A, %ne3A_18 : i32
    %and3A = arith.andi %ne3A, %ne3A_19 : i1
    %sub3A = arith.constant 1 : i32
    %sub3A_20 = arith.subi %div3A, %sub3A : i32
    %select_n3A = arith.select %and3A, %sub3A_20, %div3A : i32
    %mul3A_21 = arith.constant 8 : i32
    %mul3A_22 = arith.muli %select_n3A, %mul3A_21 : i32
    %sub3A_23 = arith.subi %add3A_4, %mul3A_22 : i32
    "tpu.region"() ({
      %run_scoped3A = tpu.sem_alloc : memref<!tpu.dma_semaphore, #tpu.memory_space<semaphore_mem>>
      %dma_start3A = arith.constant 0 : i32
      %dma_start3A_70 = tpu.memref_slice %arg5[%dma_start3A] : memref<40xi32, #tpu.memory_space<vmem>> -> memref<24xi32, #tpu.memory_space<vmem>>
      %dma_start3A_71 = tpu.memref_slice %arg3[%mul3A_22] : memref<1024xi32, #tpu.memory_space<hbm>> -> memref<24xi32, #tpu.memory_space<hbm>>
      %dma_start3A_72 = arith.constant 0 : i32
      %dma_start3A_73 = tpu.memref_slice %arg5[%dma_start3A_72] : memref<40xi32, #tpu.memory_space<vmem>> -> memref<24xi32, #tpu.memory_space<vmem>>
      %dma_start3A_74 = tpu.memref_slice %arg3[%mul3A_22] : memref<1024xi32, #tpu.memory_space<hbm>> -> memref<24xi32, #tpu.memory_space<hbm>>
      tpu.enqueue_dma source(%dma_start3A_74 : memref<24xi32, #tpu.memory_space<hbm>>) target(%dma_start3A_73 : memref<24xi32, #tpu.memory_space<vmem>>) target_semaphore(%run_scoped3A : memref<!tpu.dma_semaphore, #tpu.memory_space<semaphore_mem>>)
      %dma_wait3A = arith.constant 0 : i32
      %dma_wait3A_75 = tpu.memref_slice %arg5[%dma_wait3A] : memref<40xi32, #tpu.memory_space<vmem>> -> memref<24xi32, #tpu.memory_space<vmem>>
      %dma_wait3A_76 = tpu.memref_slice %arg3[%mul3A_22] : memref<1024xi32, #tpu.memory_space<hbm>> -> memref<24xi32, #tpu.memory_space<hbm>>
      %dma_wait3A_77 = arith.constant 0 : i32
      %dma_wait3A_78 = tpu.memref_slice %arg5[%dma_wait3A_77] : memref<40xi32, #tpu.memory_space<vmem>> -> memref<24xi32, #tpu.memory_space<vmem>>
      %dma_wait3A_79 = tpu.memref_slice %arg3[%mul3A_22] : memref<1024xi32, #tpu.memory_space<hbm>> -> memref<24xi32, #tpu.memory_space<hbm>>
      tpu.wait_dma2 semaphore(%run_scoped3A : memref<!tpu.dma_semaphore, #tpu.memory_space<semaphore_mem>>) src(%dma_wait3A_79 : memref<24xi32, #tpu.memory_space<hbm>>) dst(%dma_wait3A_78 : memref<24xi32, #tpu.memory_space<vmem>>)
      tpu.yield
    }) : () -> ()
    %add3A_24 = arith.constant 0 : i32
    %add3A_25 = arith.addi %add3A_24, %sub3A_23 : i32
    %get3A = arith.index_cast %add3A_25 : i32 to index
    %get3A_26 = tpu.vector_load %arg5[%get3A] {strides = array<i32>} : memref<40xi32, #tpu.memory_space<vmem>>, vector<16xi32>,
    %get3A_27 = vector.shape_cast %get3A_26 : vector<16xi32> to vector<16xi32>
    %slice3A = vector.extract_strided_slice %get3A_27 {offsets = [0], sizes = [1], strides = [1]} : vector<16xi32> to vector<1xi32>
    %squeeze3A = vector.extract %slice3A[0] : i32 from vector<1xi32>
    %add3A_28 = arith.constant 15 : i32
    %add3A_29 = arith.addi %squeeze3A, %add3A_28 : i32
    %jit3A_30 = arith.constant 16 : i32
    %div3A_31 = arith.divsi %add3A_29, %jit3A_30 : i32
    %sign3A_32 = arith.constant 0 : i32
    %sign3A_33 = arith.cmpi sgt, %add3A_29, %sign3A_32 : i32
    %sign3A_34 = arith.extui %sign3A_33 : i1 to i32
    %sign3A_35 = arith.constant 0 : i32
    %sign3A_36 = arith.cmpi slt, %add3A_29, %sign3A_35 : i32
    %sign3A_37 = arith.extui %sign3A_36 : i1 to i32
    %sign3A_38 = arith.subi %sign3A_34, %sign3A_37 : i32
    %sign3A_39 = arith.constant 0 : i32
    %sign3A_40 = arith.cmpi sgt, %jit3A_30, %sign3A_39 : i32
    %sign3A_41 = arith.extui %sign3A_40 : i1 to i32
    %sign3A_42 = arith.constant 0 : i32
    %sign3A_43 = arith.cmpi slt, %jit3A_30, %sign3A_42 : i32
    %sign3A_44 = arith.extui %sign3A_43 : i1 to i32
    %sign3A_45 = arith.subi %sign3A_41, %sign3A_44 : i32
    %ne3A_46 = arith.cmpi ne, %sign3A_38, %sign3A_45 : i32
    %rem3A_47 = arith.remsi %add3A_29, %jit3A_30 : i32
    %ne3A_48 = arith.constant 0 : i32
    %ne3A_49 = arith.cmpi ne, %rem3A_47, %ne3A_48 : i32
    %and3A_50 = arith.andi %ne3A_46, %ne3A_49 : i1
    %sub3A_51 = arith.constant 1 : i32
    %sub3A_52 = arith.subi %div3A_31, %sub3A_51 : i32
    %select_n3A_53 = arith.select %and3A_50, %sub3A_52, %div3A_31 : i32
    %while3A = arith.constant 0 : i32
    %while3A_54 = arith.constant 0 : i32
    %while3A_55 = arith.subi %select_n3A_53, %while3A_54 : i32
    %while3A_56 = arith.addi %while3A_54, %while3A_55 : i32
    %while3A_57 = arith.constant 1 : i32
    %while3A_58 = arith.divsi %while3A_55, %while3A_57 : i32
    %while3A_59 = arith.muli %while3A_58, %while3A_57 : i32
    %while3A_60 = arith.addi %while3A_54, %while3A_59 : i32
    %while3A_61 = arith.constant 1 : i32
    scf.for %while3A_70 = %while3A_54 to %while3A_60 step %while3A_61  : i32 {
      %add3A_71 = arith.constant 0 : i32
      %add3A_72 = arith.addi %add3A_4, %add3A_71 : i32
      %mul3A_73 = arith.constant 16 : i32
      %mul3A_74 = arith.muli %while3A_70, %mul3A_73 : i32
      %mul3A_75 = arith.constant 16 : i32
      %mul3A_76 = arith.muli %while3A_70, %mul3A_75 : i32
      %dma_start3A = arith.constant 0 : i32
      %dma_start3A_77 = tpu.memref_slice %arg6[%mul3A_76, %dma_start3A] : memref<131x256xf32, #tpu.memory_space<vmem>> -> memref<16x256xf32, #tpu.memory_space<vmem>>
      %dma_start3A_78 = arith.constant 0 : i32
      %dma_start3A_79 = tpu.memref_slice %arg2[%add3A_72, %mul3A_74, %dma_start3A_78] : memref<1024x128x256xf32, #tpu.memory_space<hbm>> -> memref<1x16x256xf32, #tpu.memory_space<hbm>>
      %dma_start3A_80 = tpu.memref_squeeze %dma_start3A_79 : memref<1x16x256xf32, #tpu.memory_space<hbm>> -> memref<16x256xf32, #tpu.memory_space<hbm>>
      %dma_start3A_81 = arith.constant 0 : i32
      %dma_start3A_82 = tpu.memref_slice %arg6[%mul3A_76, %dma_start3A_81] : memref<131x256xf32, #tpu.memory_space<vmem>> -> memref<16x256xf32, #tpu.memory_space<vmem>>
      %dma_start3A_83 = arith.constant 0 : i32
      %dma_start3A_84 = tpu.memref_slice %arg2[%add3A_72, %mul3A_74, %dma_start3A_83] : memref<1024x128x256xf32, #tpu.memory_space<hbm>> -> memref<1x16x256xf32, #tpu.memory_space<hbm>>
      %dma_start3A_85 = tpu.memref_squeeze %dma_start3A_84 : memref<1x16x256xf32, #tpu.memory_space<hbm>> -> memref<16x256xf32, #tpu.memory_space<hbm>>
      tpu.enqueue_dma source(%dma_start3A_85 : memref<16x256xf32, #tpu.memory_space<hbm>>) target(%dma_start3A_82 : memref<16x256xf32, #tpu.memory_space<vmem>>) target_semaphore(%arg9 : memref<!tpu.dma_semaphore, #tpu.memory_space<semaphore_mem>>)
    }
    %while3A_62 = arith.constant 1 : i32
    scf.for %while3A_70 = %while3A_60 to %while3A_56 step %while3A_62  : i32 {
      %add3A_71 = arith.constant 0 : i32
      %add3A_72 = arith.addi %add3A_4, %add3A_71 : i32
      %mul3A_73 = arith.constant 16 : i32
      %mul3A_74 = arith.muli %while3A_70, %mul3A_73 : i32
      %mul3A_75 = arith.constant 16 : i32
      %mul3A_76 = arith.muli %while3A_70, %mul3A_75 : i32
      %dma_start3A = arith.constant 0 : i32
      %dma_start3A_77 = tpu.memref_slice %arg6[%mul3A_76, %dma_start3A] : memref<131x256xf32, #tpu.memory_space<vmem>> -> memref<16x256xf32, #tpu.memory_space<vmem>>
      %dma_start3A_78 = arith.constant 0 : i32
      %dma_start3A_79 = tpu.memref_slice %arg2[%add3A_72, %mul3A_74, %dma_start3A_78] : memref<1024x128x256xf32, #tpu.memory_space<hbm>> -> memref<1x16x256xf32, #tpu.memory_space<hbm>>
      %dma_start3A_80 = tpu.memref_squeeze %dma_start3A_79 : memref<1x16x256xf32, #tpu.memory_space<hbm>> -> memref<16x256xf32, #tpu.memory_space<hbm>>
      %dma_start3A_81 = arith.constant 0 : i32
      %dma_start3A_82 = tpu.memref_slice %arg6[%mul3A_76, %dma_start3A_81] : memref<131x256xf32, #tpu.memory_space<vmem>> -> memref<16x256xf32, #tpu.memory_space<vmem>>
      %dma_start3A_83 = arith.constant 0 : i32
      %dma_start3A_84 = tpu.memref_slice %arg2[%add3A_72, %mul3A_74, %dma_start3A_83] : memref<1024x128x256xf32, #tpu.memory_space<hbm>> -> memref<1x16x256xf32, #tpu.memory_space<hbm>>
      %dma_start3A_85 = tpu.memref_squeeze %dma_start3A_84 : memref<1x16x256xf32, #tpu.memory_space<hbm>> -> memref<16x256xf32, #tpu.memory_space<hbm>>
      tpu.enqueue_dma source(%dma_start3A_85 : memref<16x256xf32, #tpu.memory_space<hbm>>) target(%dma_start3A_82 : memref<16x256xf32, #tpu.memory_space<vmem>>) target_semaphore(%arg9 : memref<!tpu.dma_semaphore, #tpu.memory_space<semaphore_mem>>)
    }
    %scan3A = arith.constant 0 : i32
    %scan3A_63 = arith.constant 0 : i32
    %scan3A_64 = arith.constant 8 : i32
    %scan3A_65 = arith.addi %scan3A_63, %scan3A_64 : i32
    %scan3A_66 = arith.constant 1 : i32
    scf.for %scan3A_70 = %scan3A_63 to %scan3A_65 step %scan3A_66  : i32 {
      %mul3A_71 = arith.constant 2 : i32
      %mul3A_72 = arith.muli %mul3A_71, %scan3A_70 : i32
      %add3A_73 = arith.constant 1 : i32
      %add3A_74 = arith.addi %mul3A_72, %add3A_73 : i32
      %add3A_75 = arith.addi %add3A_74, %sub3A_23 : i32
      %get3A_76 = arith.index_cast %add3A_75 : i32 to index
      %get3A_77 = tpu.vector_load %arg5[%get3A_76] {strides = array<i32>} : memref<40xi32, #tpu.memory_space<vmem>>, vector<16xi32>,
      %get3A_78 = vector.shape_cast %get3A_77 : vector<16xi32> to vector<16xi32>
      %slice3A_79 = vector.extract_strided_slice %get3A_78 {offsets = [0], sizes = [1], strides = [1]} : vector<16xi32> to vector<1xi32>
      %squeeze3A_80 = vector.extract %slice3A_79[0] : i32 from vector<1xi32>
      %add3A_81 = arith.constant 15 : i32
      %add3A_82 = arith.addi %squeeze3A_80, %add3A_81 : i32
      %jit3A_83 = arith.constant 16 : i32
      %div3A_84 = arith.divsi %add3A_82, %jit3A_83 : i32
      %sign3A_85 = arith.constant 0 : i32
      %sign3A_86 = arith.cmpi sgt, %add3A_82, %sign3A_85 : i32
      %sign3A_87 = arith.extui %sign3A_86 : i1 to i32
      %sign3A_88 = arith.constant 0 : i32
      %sign3A_89 = arith.cmpi slt, %add3A_82, %sign3A_88 : i32
      %sign3A_90 = arith.extui %sign3A_89 : i1 to i32
      %sign3A_91 = arith.subi %sign3A_87, %sign3A_90 : i32
      %sign3A_92 = arith.constant 0 : i32
      %sign3A_93 = arith.cmpi sgt, %jit3A_83, %sign3A_92 : i32
      %sign3A_94 = arith.extui %sign3A_93 : i1 to i32
      %sign3A_95 = arith.constant 0 : i32
      %sign3A_96 = arith.cmpi slt, %jit3A_83, %sign3A_95 : i32
      %sign3A_97 = arith.extui %sign3A_96 : i1 to i32
      %sign3A_98 = arith.subi %sign3A_94, %sign3A_97 : i32
      %ne3A_99 = arith.cmpi ne, %sign3A_91, %sign3A_98 : i32
      %rem3A_100 = arith.remsi %add3A_82, %jit3A_83 : i32
      %ne3A_101 = arith.constant 0 : i32
      %ne3A_102 = arith.cmpi ne, %rem3A_100, %ne3A_101 : i32
      %and3A_103 = arith.andi %ne3A_99, %ne3A_102 : i1
      %sub3A_104 = arith.constant 1 : i32
      %sub3A_105 = arith.subi %div3A_84, %sub3A_104 : i32
      %select_n3A_106 = arith.select %and3A_103, %sub3A_105, %div3A_84 : i32
      %while3A_107 = arith.constant 0 : i32
      %while3A_108 = arith.constant 0 : i32
      %while3A_109 = arith.subi %select_n3A_106, %while3A_108 : i32
      %while3A_110 = arith.addi %while3A_108, %while3A_109 : i32
      %while3A_111 = arith.constant 1 : i32
      %while3A_112 = arith.divsi %while3A_109, %while3A_111 : i32
      %while3A_113 = arith.muli %while3A_112, %while3A_111 : i32
      %while3A_114 = arith.addi %while3A_108, %while3A_113 : i32
      %while3A_115 = arith.constant 1 : i32
      scf.for %while3A_3927 = %while3A_108 to %while3A_114 step %while3A_115  : i32 {
        %add3A_3928 = arith.addi %add3A_4, %add3A_74 : i32
        %mul3A_3929 = arith.constant 16 : i32
        %mul3A_3930 = arith.muli %while3A_3927, %mul3A_3929 : i32
        %mul3A_3931 = arith.constant 16 : i32
        %mul3A_3932 = arith.muli %while3A_3927, %mul3A_3931 : i32
        %dma_start3A = arith.constant 0 : i32
        %dma_start3A_3933 = tpu.memref_slice %arg7[%mul3A_3932, %dma_start3A] : memref<131x256xf32, #tpu.memory_space<vmem>> -> memref<16x256xf32, #tpu.memory_space<vmem>>
        %dma_start3A_3934 = arith.constant 0 : i32
        %dma_start3A_3935 = tpu.memref_slice %arg2[%add3A_3928, %mul3A_3930, %dma_start3A_3934] : memref<1024x128x256xf32, #tpu.memory_space<hbm>> -> memref<1x16x256xf32, #tpu.memory_space<hbm>>
        %dma_start3A_3936 = tpu.memref_squeeze %dma_start3A_3935 : memref<1x16x256xf32, #tpu.memory_space<hbm>> -> memref<16x256xf32, #tpu.memory_space<hbm>>
        %dma_start3A_3937 = arith.constant 0 : i32
        %dma_start3A_3938 = tpu.memref_slice %arg7[%mul3A_3932, %dma_start3A_3937] : memref<131x256xf32, #tpu.memory_space<vmem>> -> memref<16x256xf32, #tpu.memory_space<vmem>>
        %dma_start3A_3939 = arith.constant 0 : i32
        %dma_start3A_3940 = tpu.memref_slice %arg2[%add3A_3928, %mul3A_3930, %dma_start3A_3939] : memref<1024x128x256xf32, #tpu.memory_space<hbm>> -> memref<1x16x256xf32, #tpu.memory_space<hbm>>
        %dma_start3A_3941 = tpu.memref_squeeze %dma_start3A_3940 : memref<1x16x256xf32, #tpu.memory_space<hbm>> -> memref<16x256xf32, #tpu.memory_space<hbm>>
        tpu.enqueue_dma source(%dma_start3A_3941 : memref<16x256xf32, #tpu.memory_space<hbm>>) target(%dma_start3A_3938 : memref<16x256xf32, #tpu.memory_space<vmem>>) target_semaphore(%arg10 : memref<!tpu.dma_semaphore, #tpu.memory_space<semaphore_mem>>)
      }
      %while3A_116 = arith.constant 1 : i32
      scf.for %while3A_3927 = %while3A_114 to %while3A_110 step %while3A_116  : i32 {
        %add3A_3928 = arith.addi %add3A_4, %add3A_74 : i32
        %mul3A_3929 = arith.constant 16 : i32
        %mul3A_3930 = arith.muli %while3A_3927, %mul3A_3929 : i32
        %mul3A_3931 = arith.constant 16 : i32
        %mul3A_3932 = arith.muli %while3A_3927, %mul3A_3931 : i32
        %dma_start3A = arith.constant 0 : i32
        %dma_start3A_3933 = tpu.memref_slice %arg7[%mul3A_3932, %dma_start3A] : memref<131x256xf32, #tpu.memory_space<vmem>> -> memref<16x256xf32, #tpu.memory_space<vmem>>
        %dma_start3A_3934 = arith.constant 0 : i32
        %dma_start3A_3935 = tpu.memref_slice %arg2[%add3A_3928, %mul3A_3930, %dma_start3A_3934] : memref<1024x128x256xf32, #tpu.memory_space<hbm>> -> memref<1x16x256xf32, #tpu.memory_space<hbm>>
        %dma_start3A_3936 = tpu.memref_squeeze %dma_start3A_3935 : memref<1x16x256xf32, #tpu.memory_space<hbm>> -> memref<16x256xf32, #tpu.memory_space<hbm>>
        %dma_start3A_3937 = arith.constant 0 : i32
        %dma_start3A_3938 = tpu.memref_slice %arg7[%mul3A_3932, %dma_start3A_3937] : memref<131x256xf32, #tpu.memory_space<vmem>> -> memref<16x256xf32, #tpu.memory_space<vmem>>
        %dma_start3A_3939 = arith.constant 0 : i32
        %dma_start3A_3940 = tpu.memref_slice %arg2[%add3A_3928, %mul3A_3930, %dma_start3A_3939] : memref<1024x128x256xf32, #tpu.memory_space<hbm>> -> memref<1x16x256xf32, #tpu.memory_space<hbm>>
        %dma_start3A_3941 = tpu.memref_squeeze %dma_start3A_3940 : memref<1x16x256xf32, #tpu.memory_space<hbm>> -> memref<16x256xf32, #tpu.memory_space<hbm>>
        tpu.enqueue_dma source(%dma_start3A_3941 : memref<16x256xf32, #tpu.memory_space<hbm>>) target(%dma_start3A_3938 : memref<16x256xf32, #tpu.memory_space<vmem>>) target_semaphore(%arg10 : memref<!tpu.dma_semaphore, #tpu.memory_space<semaphore_mem>>)
      }
      %add3A_117 = arith.addi %mul3A_72, %sub3A_23 : i32
      %get3A_118 = arith.index_cast %add3A_117 : i32 to index
      %get3A_119 = tpu.vector_load %arg5[%get3A_118] {strides = array<i32>} : memref<40xi32, #tpu.memory_space<vmem>>, vector<16xi32>,
      %get3A_120 = vector.shape_cast %get3A_119 : vector<16xi32> to vector<16xi32>
      %slice3A_121 = vector.extract_strided_slice %get3A_120 {offsets = [0], sizes = [1], strides = [1]} : vector<16xi32> to vector<1xi32>
      %squeeze3A_122 = vector.extract %slice3A_121[0] : i32 from vector<1xi32>
      %add3A_123 = arith.constant 15 : i32
      %add3A_124 = arith.addi %squeeze3A_122, %add3A_123 : i32
      %jit3A_125 = arith.constant 16 : i32
      %div3A_126 = arith.divsi %add3A_124, %jit3A_125 : i32
      %sign3A_127 = arith.constant 0 : i32
      %sign3A_128 = arith.cmpi sgt, %add3A_124, %sign3A_127 : i32
      %sign3A_129 = arith.extui %sign3A_128 : i1 to i32
      %sign3A_130 = arith.constant 0 : i32
      %sign3A_131 = arith.cmpi slt, %add3A_124, %sign3A_130 : i32
      %sign3A_132 = arith.extui %sign3A_131 : i1 to i32
      %sign3A_133 = arith.subi %sign3A_129, %sign3A_132 : i32
      %sign3A_134 = arith.constant 0 : i32
      %sign3A_135 = arith.cmpi sgt, %jit3A_125, %sign3A_134 : i32
      %sign3A_136 = arith.extui %sign3A_135 : i1 to i32
      %sign3A_137 = arith.constant 0 : i32
      %sign3A_138 = arith.cmpi slt, %jit3A_125, %sign3A_137 : i32
      %sign3A_139 = arith.extui %sign3A_138 : i1 to i32
      %sign3A_140 = arith.subi %sign3A_136, %sign3A_139 : i32
      %ne3A_141 = arith.cmpi ne, %sign3A_133, %sign3A_140 : i32
      %rem3A_142 = arith.remsi %add3A_124, %jit3A_125 : i32
      %ne3A_143 = arith.constant 0 : i32
      %ne3A_144 = arith.cmpi ne, %rem3A_142, %ne3A_143 : i32
      %and3A_145 = arith.andi %ne3A_141, %ne3A_144 : i1
      %sub3A_146 = arith.constant 1 : i32
      %sub3A_147 = arith.subi %div3A_126, %sub3A_146 : i32
      %select_n3A_148 = arith.select %and3A_145, %sub3A_147, %div3A_126 : i32
      %while3A_149 = arith.constant 0 : i32
      %while3A_150 = arith.constant 0 : i32
      %while3A_151 = arith.subi %select_n3A_148, %while3A_150 : i32
      %while3A_152 = arith.addi %while3A_150, %while3A_151 : i32
      %while3A_153 = arith.constant 1 : i32
      %while3A_154 = arith.divsi %while3A_151, %while3A_153 : i32
      %while3A_155 = arith.muli %while3A_154, %while3A_153 : i32
      %while3A_156 = arith.addi %while3A_150, %while3A_155 : i32
      %while3A_157 = arith.constant 1 : i32
      scf.for %while3A_3927 = %while3A_150 to %while3A_156 step %while3A_157  : i32 {
        %add3A_3928 = arith.addi %add3A_4, %mul3A_72 : i32
        %dma_wait3A = arith.constant 0 : i32
        %dma_wait3A_3929 = arith.constant 0 : i32
        %dma_wait3A_3930 = tpu.memref_slice %arg6[%dma_wait3A, %dma_wait3A_3929] : memref<131x256xf32, #tpu.memory_space<vmem>> -> memref<16x256xf32, #tpu.memory_space<vmem>>
        %dma_wait3A_3931 = arith.constant 0 : i32
        %dma_wait3A_3932 = arith.constant 0 : i32
        %dma_wait3A_3933 = tpu.memref_slice %arg2[%add3A_3928, %dma_wait3A_3931, %dma_wait3A_3932] : memref<1024x128x256xf32, #tpu.memory_space<hbm>> -> memref<1x16x256xf32, #tpu.memory_space<hbm>>
        %dma_wait3A_3934 = tpu.memref_squeeze %dma_wait3A_3933 : memref<1x16x256xf32, #tpu.memory_space<hbm>> -> memref<16x256xf32, #tpu.memory_space<hbm>>
        %dma_wait3A_3935 = arith.constant 0 : i32
        %dma_wait3A_3936 = arith.constant 0 : i32
        %dma_wait3A_3937 = tpu.memref_slice %arg6[%dma_wait3A_3935, %dma_wait3A_3936] : memref<131x256xf32, #tpu.memory_space<vmem>> -> memref<16x256xf32, #tpu.memory_space<vmem>>
        %dma_wait3A_3938 = arith.constant 0 : i32
        %dma_wait3A_3939 = arith.constant 0 : i32
        %dma_wait3A_3940 = tpu.memref_slice %arg2[%add3A_3928, %dma_wait3A_3938, %dma_wait3A_3939] : memref<1024x128x256xf32, #tpu.memory_space<hbm>> -> memref<1x16x256xf32, #tpu.memory_space<hbm>>
        %dma_wait3A_3941 = tpu.memref_squeeze %dma_wait3A_3940 : memref<1x16x256xf32, #tpu.memory_space<hbm>> -> memref<16x256xf32, #tpu.memory_space<hbm>>
        tpu.wait_dma2 semaphore(%arg9 : memref<!tpu.dma_semaphore, #tpu.memory_space<semaphore_mem>>) src(%dma_wait3A_3941 : memref<16x256xf32, #tpu.memory_space<hbm>>) dst(%dma_wait3A_3937 : memref<16x256xf32, #tpu.memory_space<vmem>>)
      }
      %while3A_158 = arith.constant 1 : i32
      scf.for %while3A_3927 = %while3A_156 to %while3A_152 step %while3A_158  : i32 {
        %add3A_3928 = arith.addi %add3A_4, %mul3A_72 : i32
        %dma_wait3A = arith.constant 0 : i32
        %dma_wait3A_3929 = arith.constant 0 : i32
        %dma_wait3A_3930 = tpu.memref_slice %arg6[%dma_wait3A, %dma_wait3A_3929] : memref<131x256xf32, #tpu.memory_space<vmem>> -> memref<16x256xf32, #tpu.memory_space<vmem>>
        %dma_wait3A_3931 = arith.constant 0 : i32
        %dma_wait3A_3932 = arith.constant 0 : i32
        %dma_wait3A_3933 = tpu.memref_slice %arg2[%add3A_3928, %dma_wait3A_3931, %dma_wait3A_3932] : memref<1024x128x256xf32, #tpu.memory_space<hbm>> -> memref<1x16x256xf32, #tpu.memory_space<hbm>>
        %dma_wait3A_3934 = tpu.memref_squeeze %dma_wait3A_3933 : memref<1x16x256xf32, #tpu.memory_space<hbm>> -> memref<16x256xf32, #tpu.memory_space<hbm>>
        %dma_wait3A_3935 = arith.constant 0 : i32
        %dma_wait3A_3936 = arith.constant 0 : i32
        %dma_wait3A_3937 = tpu.memref_slice %arg6[%dma_wait3A_3935, %dma_wait3A_3936] : memref<131x256xf32, #tpu.memory_space<vmem>> -> memref<16x256xf32, #tpu.memory_space<vmem>>
        %dma_wait3A_3938 = arith.constant 0 : i32
        %dma_wait3A_3939 = arith.constant 0 : i32
        %dma_wait3A_3940 = tpu.memref_slice %arg2[%add3A_3928, %dma_wait3A_3938, %dma_wait3A_3939] : memref<1024x128x256xf32, #tpu.memory_space<hbm>> -> memref<1x16x256xf32, #tpu.memory_space<hbm>>
        %dma_wait3A_3941 = tpu.memref_squeeze %dma_wait3A_3940 : memref<1x16x256xf32, #tpu.memory_space<hbm>> -> memref<16x256xf32, #tpu.memory_space<hbm>>
        tpu.wait_dma2 semaphore(%arg9 : memref<!tpu.dma_semaphore, #tpu.memory_space<semaphore_mem>>) src(%dma_wait3A_3941 : memref<16x256xf32, #tpu.memory_space<hbm>>) dst(%dma_wait3A_3937 : memref<16x256xf32, #tpu.memory_space<vmem>>)
      }
      %broadcast_in_dim3A = arith.constant 0.000000e+00 : f32
      %broadcast_in_dim3A_159 = vector.broadcast %broadcast_in_dim3A : f32 to vector<16xf32>
      %broadcast_in_dim3A_160 = arith.constant 0.000000e+00 : f32
      %broadcast_in_dim3A_161 = vector.broadcast %broadcast_in_dim3A_160 : f32 to vector<16xf32>
      %broadcast_in_dim3A_162 = arith.constant 0.000000e+00 : f32
      %broadcast_in_dim3A_163 = vector.broadcast %broadcast_in_dim3A_162 : f32 to vector<16xf32>
      %broadcast_in_dim3A_164 = arith.constant 0.000000e+00 : f32
      %broadcast_in_dim3A_165 = vector.broadcast %broadcast_in_dim3A_164 : f32 to vector<16xf32>
      %broadcast_in_dim3A_166 = arith.constant 0.000000e+00 : f32
      %broadcast_in_dim3A_167 = vector.broadcast %broadcast_in_dim3A_166 : f32 to vector<16xf32>
      %broadcast_in_dim3A_168 = arith.constant 0.000000e+00 : f32
      %broadcast_in_dim3A_169 = vector.broadcast %broadcast_in_dim3A_168 : f32 to vector<16xf32>
      %broadcast_in_dim3A_170 = arith.constant 0.000000e+00 : f32
      %broadcast_in_dim3A_171 = vector.broadcast %broadcast_in_dim3A_170 : f32 to vector<16xf32>
      %broadcast_in_dim3A_172 = arith.constant 0.000000e+00 : f32
      %broadcast_in_dim3A_173 = vector.broadcast %broadcast_in_dim3A_172 : f32 to vector<16xf32>
      %broadcast_in_dim3A_174 = arith.constant 0.000000e+00 : f32
      %broadcast_in_dim3A_175 = vector.broadcast %broadcast_in_dim3A_174 : f32 to vector<16xf32>
      %broadcast_in_dim3A_176 = arith.constant 0.000000e+00 : f32
      %broadcast_in_dim3A_177 = vector.broadcast %broadcast_in_dim3A_176 : f32 to vector<16xf32>
      %broadcast_in_dim3A_178 = arith.constant 0.000000e+00 : f32
      %broadcast_in_dim3A_179 = vector.broadcast %broadcast_in_dim3A_178 : f32 to vector<16xf32>
      %broadcast_in_dim3A_180 = arith.constant 0.000000e+00 : f32
      %broadcast_in_dim3A_181 = vector.broadcast %broadcast_in_dim3A_180 : f32 to vector<16xf32>
      %broadcast_in_dim3A_182 = arith.constant 0.000000e+00 : f32
      %broadcast_in_dim3A_183 = vector.broadcast %broadcast_in_dim3A_182 : f32 to vector<16xf32>
      %broadcast_in_dim3A_184 = arith.constant 0.000000e+00 : f32
      %broadcast_in_dim3A_185 = vector.broadcast %broadcast_in_dim3A_184 : f32 to vector<16xf32>
      %broadcast_in_dim3A_186 = arith.constant 0.000000e+00 : f32
      %broadcast_in_dim3A_187 = vector.broadcast %broadcast_in_dim3A_186 : f32 to vector<16xf32>
      %broadcast_in_dim3A_188 = arith.constant 0.000000e+00 : f32
      %broadcast_in_dim3A_189 = vector.broadcast %broadcast_in_dim3A_188 : f32 to vector<16xf32>
      %jit3A_190 = arith.constant 4 : i32
      %div3A_191 = arith.divsi %squeeze3A_122, %jit3A_190 : i32
      %sign3A_192 = arith.constant 0 : i32
      %sign3A_193 = arith.cmpi sgt, %squeeze3A_122, %sign3A_192 : i32
      %sign3A_194 = arith.extui %sign3A_193 : i1 to i32
      %sign3A_195 = arith.constant 0 : i32
      %sign3A_196 = arith.cmpi slt, %squeeze3A_122, %sign3A_195 : i32
      %sign3A_197 = arith.extui %sign3A_196 : i1 to i32
      %sign3A_198 = arith.subi %sign3A_194, %sign3A_197 : i32
      %sign3A_199 = arith.constant 0 : i32
      %sign3A_200 = arith.cmpi sgt, %jit3A_190, %sign3A_199 : i32
      %sign3A_201 = arith.extui %sign3A_200 : i1 to i32
      %sign3A_202 = arith.constant 0 : i32
      %sign3A_203 = arith.cmpi slt, %jit3A_190, %sign3A_202 : i32
      %sign3A_204 = arith.extui %sign3A_203 : i1 to i32
      %sign3A_205 = arith.subi %sign3A_201, %sign3A_204 : i32
      %ne3A_206 = arith.cmpi ne, %sign3A_198, %sign3A_205 : i32
      %rem3A_207 = arith.remsi %squeeze3A_122, %jit3A_190 : i32
      %ne3A_208 = arith.constant 0 : i32
      %ne3A_209 = arith.cmpi ne, %rem3A_207, %ne3A_208 : i32
      %and3A_210 = arith.andi %ne3A_206, %ne3A_209 : i1
      %sub3A_211 = arith.constant 1 : i32
      %sub3A_212 = arith.subi %div3A_191, %sub3A_211 : i32
      %select_n3A_213 = arith.select %and3A_210, %sub3A_212, %div3A_191 : i32
      %while3A_214 = arith.constant 0 : i32
      %while3A_215 = arith.subi %select_n3A_213, %while3A_214 : i32
      %while3A_216 = arith.addi %while3A_214, %while3A_215 : i32
      %while3A_217 = arith.constant 1 : i32
      %while3A_218 = arith.divsi %while3A_215, %while3A_217 : i32
      %while3A_219 = arith.muli %while3A_218, %while3A_217 : i32
      %while3A_220 = arith.addi %while3A_214, %while3A_219 : i32
      %while3A_221 = arith.constant 1 : i32
      %while3A_222:16 = scf.for %while3A_3927 = %while3A_214 to %while3A_220 step %while3A_221 iter_args(%while3A_3928 = %broadcast_in_dim3A_159, %while3A_3929 = %broadcast_in_dim3A_161, %while3A_3930 = %broadcast_in_dim3A_163, %while3A_3931 = %broadcast_in_dim3A_165, %while3A_3932 = %broadcast_in_dim3A_167, %while3A_3933 = %broadcast_in_dim3A_169, %while3A_3934 = %broadcast_in_dim3A_171, %while3A_3935 = %broadcast_in_dim3A_173, %while3A_3936 = %broadcast_in_dim3A_175, %while3A_3937 = %broadcast_in_dim3A_177, %while3A_3938 = %broadcast_in_dim3A_179, %while3A_3939 = %broadcast_in_dim3A_181, %while3A_3940 = %broadcast_in_dim3A_183, %while3A_3941 = %broadcast_in_dim3A_185, %while3A_3942 = %broadcast_in_dim3A_187, %while3A_3943 = %broadcast_in_dim3A_189) -> (vector<16xf32>, vector<16xf32>, vector<16xf32>, vector<16xf32>, vector<16xf32>, vector<16xf32>, vector<16xf32>, vector<16xf32>, vector<16xf32>, vector<16xf32>, vector<16xf32>, vector<16xf32>, vector<16xf32>, vector<16xf32>, vector<16xf32>, vector<16xf32>)  : i32 {
        %mul3A_3944 = arith.constant 4 : i32
        %mul3A_3945 = arith.muli %mul3A_3944, %while3A_3927 : i32
        %get3A_3946 = arith.index_cast %mul3A_3945 : i32 to index
        %get3A_3947 = arith.constant 0 : index
        %get3A_3948 = tpu.vector_load %arg6[%get3A_3946, %get3A_3947] {strides = array<i32>} : memref<131x256xf32, #tpu.memory_space<vmem>>, vector<1x16xf32>,
        %get3A_3949 = vector.shape_cast %get3A_3948 : vector<1x16xf32> to vector<16xf32>
        %add3A_3950 = arith.constant 1 : i32
        %add3A_3951 = arith.addi %mul3A_3945, %add3A_3950 : i32
        %get3A_3952 = arith.index_cast %add3A_3951 : i32 to index
        %get3A_3953 = arith.constant 0 : index
        %get3A_3954 = tpu.vector_load %arg6[%get3A_3952, %get3A_3953] {strides = array<i32>} : memref<131x256xf32, #tpu.memory_space<vmem>>, vector<1x16xf32>,
        %get3A_3955 = vector.shape_cast %get3A_3954 : vector<1x16xf32> to vector<16xf32>
        %add3A_3956 = arith.addf %get3A_3949, %get3A_3955 : vector<16xf32>
        %add3A_3957 = arith.constant 2 : i32
        %add3A_3958 = arith.addi %mul3A_3945, %add3A_3957 : i32
        %get3A_3959 = arith.index_cast %add3A_3958 : i32 to index
        %get3A_3960 = arith.constant 0 : index
        %get3A_3961 = tpu.vector_load %arg6[%get3A_3959, %get3A_3960] {strides = array<i32>} : memref<131x256xf32, #tpu.memory_space<vmem>>, vector<1x16xf32>,
        %get3A_3962 = vector.shape_cast %get3A_3961 : vector<1x16xf32> to vector<16xf32>
        %add3A_3963 = arith.constant 3 : i32
        %add3A_3964 = arith.addi %mul3A_3945, %add3A_3963 : i32
        %get3A_3965 = arith.index_cast %add3A_3964 : i32 to index
        %get3A_3966 = arith.constant 0 : index
        %get3A_3967 = tpu.vector_load %arg6[%get3A_3965, %get3A_3966] {strides = array<i32>} : memref<131x256xf32, #tpu.memory_space<vmem>>, vector<1x16xf32>,
        %get3A_3968 = vector.shape_cast %get3A_3967 : vector<1x16xf32> to vector<16xf32>
        %add3A_3969 = arith.addf %get3A_3962, %get3A_3968 : vector<16xf32>
        %add3A_3970 = arith.addf %add3A_3956, %add3A_3969 : vector<16xf32>
        %add3A_3971 = arith.addf %while3A_3928, %add3A_3970 : vector<16xf32>
        %get3A_3972 = arith.index_cast %mul3A_3945 : i32 to index
        %get3A_3973 = arith.constant 16 : index
        %get3A_3974 = tpu.vector_load %arg6[%get3A_3972, %get3A_3973] {strides = array<i32>} : memref<131x256xf32, #tpu.memory_space<vmem>>, vector<1x16xf32>,
        %get3A_3975 = vector.shape_cast %get3A_3974 : vector<1x16xf32> to vector<16xf32>
        %add3A_3976 = arith.constant 1 : i32
        %add3A_3977 = arith.addi %mul3A_3945, %add3A_3976 : i32
        %get3A_3978 = arith.index_cast %add3A_3977 : i32 to index
        %get3A_3979 = arith.constant 16 : index
        %get3A_3980 = tpu.vector_load %arg6[%get3A_3978, %get3A_3979] {strides = array<i32>} : memref<131x256xf32, #tpu.memory_space<vmem>>, vector<1x16xf32>,
        %get3A_3981 = vector.shape_cast %get3A_3980 : vector<1x16xf32> to vector<16xf32>
        %add3A_3982 = arith.addf %get3A_3975, %get3A_3981 : vector<16xf32>
        %add3A_3983 = arith.constant 2 : i32
        %add3A_3984 = arith.addi %mul3A_3945, %add3A_3983 : i32
        %get3A_3985 = arith.index_cast %add3A_3984 : i32 to index
        %get3A_3986 = arith.constant 16 : index
        %get3A_3987 = tpu.vector_load %arg6[%get3A_3985, %get3A_3986] {strides = array<i32>} : memref<131x256xf32, #tpu.memory_space<vmem>>, vector<1x16xf32>,
        %get3A_3988 = vector.shape_cast %get3A_3987 : vector<1x16xf32> to vector<16xf32>
        %add3A_3989 = arith.constant 3 : i32
        %add3A_3990 = arith.addi %mul3A_3945, %add3A_3989 : i32
        %get3A_3991 = arith.index_cast %add3A_3990 : i32 to index
        %get3A_3992 = arith.constant 16 : index
        %get3A_3993 = tpu.vector_load %arg6[%get3A_3991, %get3A_3992] {strides = array<i32>} : memref<131x256xf32, #tpu.memory_space<vmem>>, vector<1x16xf32>,
        %get3A_3994 = vector.shape_cast %get3A_3993 : vector<1x16xf32> to vector<16xf32>
        %add3A_3995 = arith.addf %get3A_3988, %get3A_3994 : vector<16xf32>
        %add3A_3996 = arith.addf %add3A_3982, %add3A_3995 : vector<16xf32>
        %add3A_3997 = arith.addf %while3A_3929, %add3A_3996 : vector<16xf32>
        %get3A_3998 = arith.index_cast %mul3A_3945 : i32 to index
        %get3A_3999 = arith.constant 32 : index
        %get3A_4000 = tpu.vector_load %arg6[%get3A_3998, %get3A_3999] {strides = array<i32>} : memref<131x256xf32, #tpu.memory_space<vmem>>, vector<1x16xf32>,
        %get3A_4001 = vector.shape_cast %get3A_4000 : vector<1x16xf32> to vector<16xf32>
        %add3A_4002 = arith.constant 1 : i32
        %add3A_4003 = arith.addi %mul3A_3945, %add3A_4002 : i32
        %get3A_4004 = arith.index_cast %add3A_4003 : i32 to index
        %get3A_4005 = arith.constant 32 : index
        %get3A_4006 = tpu.vector_load %arg6[%get3A_4004, %get3A_4005] {strides = array<i32>} : memref<131x256xf32, #tpu.memory_space<vmem>>, vector<1x16xf32>,
        %get3A_4007 = vector.shape_cast %get3A_4006 : vector<1x16xf32> to vector<16xf32>
        %add3A_4008 = arith.addf %get3A_4001, %get3A_4007 : vector<16xf32>
        %add3A_4009 = arith.constant 2 : i32
        %add3A_4010 = arith.addi %mul3A_3945, %add3A_4009 : i32
        %get3A_4011 = arith.index_cast %add3A_4010 : i32 to index
        %get3A_4012 = arith.constant 32 : index
        %get3A_4013 = tpu.vector_load %arg6[%get3A_4011, %get3A_4012] {strides = array<i32>} : memref<131x256xf32, #tpu.memory_space<vmem>>, vector<1x16xf32>,
        %get3A_4014 = vector.shape_cast %get3A_4013 : vector<1x16xf32> to vector<16xf32>
        %add3A_4015 = arith.constant 3 : i32
        %add3A_4016 = arith.addi %mul3A_3945, %add3A_4015 : i32
        %get3A_4017 = arith.index_cast %add3A_4016 : i32 to index
        %get3A_4018 = arith.constant 32 : index
        %get3A_4019 = tpu.vector_load %arg6[%get3A_4017, %get3A_4018] {strides = array<i32>} : memref<131x256xf32, #tpu.memory_space<vmem>>, vector<1x16xf32>,
        %get3A_4020 = vector.shape_cast %get3A_4019 : vector<1x16xf32> to vector<16xf32>
        %add3A_4021 = arith.addf %get3A_4014, %get3A_4020 : vector<16xf32>
        %add3A_4022 = arith.addf %add3A_4008, %add3A_4021 : vector<16xf32>
        %add3A_4023 = arith.addf %while3A_3930, %add3A_4022 : vector<16xf32>
        %get3A_4024 = arith.index_cast %mul3A_3945 : i32 to index
        %get3A_4025 = arith.constant 48 : index
        %get3A_4026 = tpu.vector_load %arg6[%get3A_4024, %get3A_4025] {strides = array<i32>} : memref<131x256xf32, #tpu.memory_space<vmem>>, vector<1x16xf32>,
        %get3A_4027 = vector.shape_cast %get3A_4026 : vector<1x16xf32> to vector<16xf32>
        %add3A_4028 = arith.constant 1 : i32
        %add3A_4029 = arith.addi %mul3A_3945, %add3A_4028 : i32
        %get3A_4030 = arith.index_cast %add3A_4029 : i32 to index
        %get3A_4031 = arith.constant 48 : index
        %get3A_4032 = tpu.vector_load %arg6[%get3A_4030, %get3A_4031] {strides = array<i32>} : memref<131x256xf32, #tpu.memory_space<vmem>>, vector<1x16xf32>,
        %get3A_4033 = vector.shape_cast %get3A_4032 : vector<1x16xf32> to vector<16xf32>
        %add3A_4034 = arith.addf %get3A_4027, %get3A_4033 : vector<16xf32>
        %add3A_4035 = arith.constant 2 : i32
        %add3A_4036 = arith.addi %mul3A_3945, %add3A_4035 : i32
        %get3A_4037 = arith.index_cast %add3A_4036 : i32 to index
        %get3A_4038 = arith.constant 48 : index
        %get3A_4039 = tpu.vector_load %arg6[%get3A_4037, %get3A_4038] {strides = array<i32>} : memref<131x256xf32, #tpu.memory_space<vmem>>, vector<1x16xf32>,
        %get3A_4040 = vector.shape_cast %get3A_4039 : vector<1x16xf32> to vector<16xf32>
        %add3A_4041 = arith.constant 3 : i32
        %add3A_4042 = arith.addi %mul3A_3945, %add3A_4041 : i32
        %get3A_4043 = arith.index_cast %add3A_4042 : i32 to index
        %get3A_4044 = arith.constant 48 : index
        %get3A_4045 = tpu.vector_load %arg6[%get3A_4043, %get3A_4044] {strides = array<i32>} : memref<131x256xf32, #tpu.memory_space<vmem>>, vector<1x16xf32>,
        %get3A_4046 = vector.shape_cast %get3A_4045 : vector<1x16xf32> to vector<16xf32>
        %add3A_4047 = arith.addf %get3A_4040, %get3A_4046 : vector<16xf32>
        %add3A_4048 = arith.addf %add3A_4034, %add3A_4047 : vector<16xf32>
        %add3A_4049 = arith.addf %while3A_3931, %add3A_4048 : vector<16xf32>
        %get3A_4050 = arith.index_cast %mul3A_3945 : i32 to index
        %get3A_4051 = arith.constant 64 : index
        %get3A_4052 = tpu.vector_load %arg6[%get3A_4050, %get3A_4051] {strides = array<i32>} : memref<131x256xf32, #tpu.memory_space<vmem>>, vector<1x16xf32>,
        %get3A_4053 = vector.shape_cast %get3A_4052 : vector<1x16xf32> to vector<16xf32>
        %add3A_4054 = arith.constant 1 : i32
        %add3A_4055 = arith.addi %mul3A_3945, %add3A_4054 : i32
        %get3A_4056 = arith.index_cast %add3A_4055 : i32 to index
        %get3A_4057 = arith.constant 64 : index
        %get3A_4058 = tpu.vector_load %arg6[%get3A_4056, %get3A_4057] {strides = array<i32>} : memref<131x256xf32, #tpu.memory_space<vmem>>, vector<1x16xf32>,
        %get3A_4059 = vector.shape_cast %get3A_4058 : vector<1x16xf32> to vector<16xf32>
        %add3A_4060 = arith.addf %get3A_4053, %get3A_4059 : vector<16xf32>
        %add3A_4061 = arith.constant 2 : i32
        %add3A_4062 = arith.addi %mul3A_3945, %add3A_4061 : i32
        %get3A_4063 = arith.index_cast %add3A_4062 : i32 to index
        %get3A_4064 = arith.constant 64 : index
        %get3A_4065 = tpu.vector_load %arg6[%get3A_4063, %get3A_4064] {strides = array<i32>} : memref<131x256xf32, #tpu.memory_space<vmem>>, vector<1x16xf32>,
        %get3A_4066 = vector.shape_cast %get3A_4065 : vector<1x16xf32> to vector<16xf32>
        %add3A_4067 = arith.constant 3 : i32
        %add3A_4068 = arith.addi %mul3A_3945, %add3A_4067 : i32
        %get3A_4069 = arith.index_cast %add3A_4068 : i32 to index
        %get3A_4070 = arith.constant 64 : index
        %get3A_4071 = tpu.vector_load %arg6[%get3A_4069, %get3A_4070] {strides = array<i32>} : memref<131x256xf32, #tpu.memory_space<vmem>>, vector<1x16xf32>,
        %get3A_4072 = vector.shape_cast %get3A_4071 : vector<1x16xf32> to vector<16xf32>
        %add3A_4073 = arith.addf %get3A_4066, %get3A_4072 : vector<16xf32>
        %add3A_4074 = arith.addf %add3A_4060, %add3A_4073 : vector<16xf32>
        %add3A_4075 = arith.addf %while3A_3932, %add3A_4074 : vector<16xf32>
        %get3A_4076 = arith.index_cast %mul3A_3945 : i32 to index
        %get3A_4077 = arith.constant 80 : index
        %get3A_4078 = tpu.vector_load %arg6[%get3A_4076, %get3A_4077] {strides = array<i32>} : memref<131x256xf32, #tpu.memory_space<vmem>>, vector<1x16xf32>,
        %get3A_4079 = vector.shape_cast %get3A_4078 : vector<1x16xf32> to vector<16xf32>
        %add3A_4080 = arith.constant 1 : i32
        %add3A_4081 = arith.addi %mul3A_3945, %add3A_4080 : i32
        %get3A_4082 = arith.index_cast %add3A_4081 : i32 to index
        %get3A_4083 = arith.constant 80 : index
        %get3A_4084 = tpu.vector_load %arg6[%get3A_4082, %get3A_4083] {strides = array<i32>} : memref<131x256xf32, #tpu.memory_space<vmem>>, vector<1x16xf32>,
        %get3A_4085 = vector.shape_cast %get3A_4084 : vector<1x16xf32> to vector<16xf32>
        %add3A_4086 = arith.addf %get3A_4079, %get3A_4085 : vector<16xf32>
        %add3A_4087 = arith.constant 2 : i32
        %add3A_4088 = arith.addi %mul3A_3945, %add3A_4087 : i32
        %get3A_4089 = arith.index_cast %add3A_4088 : i32 to index
        %get3A_4090 = arith.constant 80 : index
        %get3A_4091 = tpu.vector_load %arg6[%get3A_4089, %get3A_4090] {strides = array<i32>} : memref<131x256xf32, #tpu.memory_space<vmem>>, vector<1x16xf32>,
        %get3A_4092 = vector.shape_cast %get3A_4091 : vector<1x16xf32> to vector<16xf32>
        %add3A_4093 = arith.constant 3 : i32
        %add3A_4094 = arith.addi %mul3A_3945, %add3A_4093 : i32
        %get3A_4095 = arith.index_cast %add3A_4094 : i32 to index
        %get3A_4096 = arith.constant 80 : index
        %get3A_4097 = tpu.vector_load %arg6[%get3A_4095, %get3A_4096] {strides = array<i32>} : memref<131x256xf32, #tpu.memory_space<vmem>>, vector<1x16xf32>,
        %get3A_4098 = vector.shape_cast %get3A_4097 : vector<1x16xf32> to vector<16xf32>
        %add3A_4099 = arith.addf %get3A_4092, %get3A_4098 : vector<16xf32>
        %add3A_4100 = arith.addf %add3A_4086, %add3A_4099 : vector<16xf32>
        %add3A_4101 = arith.addf %while3A_3933, %add3A_4100 : vector<16xf32>
        %get3A_4102 = arith.index_cast %mul3A_3945 : i32 to index
        %get3A_4103 = arith.constant 96 : index
        %get3A_4104 = tpu.vector_load %arg6[%get3A_4102, %get3A_4103] {strides = array<i32>} : memref<131x256xf32, #tpu.memory_space<vmem>>, vector<1x16xf32>,
        %get3A_4105 = vector.shape_cast %get3A_4104 : vector<1x16xf32> to vector<16xf32>
        %add3A_4106 = arith.constant 1 : i32
        %add3A_4107 = arith.addi %mul3A_3945, %add3A_4106 : i32
        %get3A_4108 = arith.index_cast %add3A_4107 : i32 to index
        %get3A_4109 = arith.constant 96 : index
        %get3A_4110 = tpu.vector_load %arg6[%get3A_4108, %get3A_4109] {strides = array<i32>} : memref<131x256xf32, #tpu.memory_space<vmem>>, vector<1x16xf32>,
        %get3A_4111 = vector.shape_cast %get3A_4110 : vector<1x16xf32> to vector<16xf32>
        %add3A_4112 = arith.addf %get3A_4105, %get3A_4111 : vector<16xf32>
        %add3A_4113 = arith.constant 2 : i32
        %add3A_4114 = arith.addi %mul3A_3945, %add3A_4113 : i32
        %get3A_4115 = arith.index_cast %add3A_4114 : i32 to index
        %get3A_4116 = arith.constant 96 : index
        %get3A_4117 = tpu.vector_load %arg6[%get3A_4115, %get3A_4116] {strides = array<i32>} : memref<131x256xf32, #tpu.memory_space<vmem>>, vector<1x16xf32>,
        %get3A_4118 = vector.shape_cast %get3A_4117 : vector<1x16xf32> to vector<16xf32>
        %add3A_4119 = arith.constant 3 : i32
        %add3A_4120 = arith.addi %mul3A_3945, %add3A_4119 : i32
        %get3A_4121 = arith.index_cast %add3A_4120 : i32 to index
        %get3A_4122 = arith.constant 96 : index
        %get3A_4123 = tpu.vector_load %arg6[%get3A_4121, %get3A_4122] {strides = array<i32>} : memref<131x256xf32, #tpu.memory_space<vmem>>, vector<1x16xf32>,
        %get3A_4124 = vector.shape_cast %get3A_4123 : vector<1x16xf32> to vector<16xf32>
        %add3A_4125 = arith.addf %get3A_4118, %get3A_4124 : vector<16xf32>
        %add3A_4126 = arith.addf %add3A_4112, %add3A_4125 : vector<16xf32>
        %add3A_4127 = arith.addf %while3A_3934, %add3A_4126 : vector<16xf32>
        %get3A_4128 = arith.index_cast %mul3A_3945 : i32 to index
        %get3A_4129 = arith.constant 112 : index
        %get3A_4130 = tpu.vector_load %arg6[%get3A_4128, %get3A_4129] {strides = array<i32>} : memref<131x256xf32, #tpu.memory_space<vmem>>, vector<1x16xf32>,
        %get3A_4131 = vector.shape_cast %get3A_4130 : vector<1x16xf32> to vector<16xf32>
        %add3A_4132 = arith.constant 1 : i32
        %add3A_4133 = arith.addi %mul3A_3945, %add3A_4132 : i32
        %get3A_4134 = arith.index_cast %add3A_4133 : i32 to index
        %get3A_4135 = arith.constant 112 : index
        %get3A_4136 = tpu.vector_load %arg6[%get3A_4134, %get3A_4135] {strides = array<i32>} : memref<131x256xf32, #tpu.memory_space<vmem>>, vector<1x16xf32>,
        %get3A_4137 = vector.shape_cast %get3A_4136 : vector<1x16xf32> to vector<16xf32>
        %add3A_4138 = arith.addf %get3A_4131, %get3A_4137 : vector<16xf32>
        %add3A_4139 = arith.constant 2 : i32
        %add3A_4140 = arith.addi %mul3A_3945, %add3A_4139 : i32
        %get3A_4141 = arith.index_cast %add3A_4140 : i32 to index
        %get3A_4142 = arith.constant 112 : index
        %get3A_4143 = tpu.vector_load %arg6[%get3A_4141, %get3A_4142] {strides = array<i32>} : memref<131x256xf32, #tpu.memory_space<vmem>>, vector<1x16xf32>,
        %get3A_4144 = vector.shape_cast %get3A_4143 : vector<1x16xf32> to vector<16xf32>
        %add3A_4145 = arith.constant 3 : i32
        %add3A_4146 = arith.addi %mul3A_3945, %add3A_4145 : i32
        %get3A_4147 = arith.index_cast %add3A_4146 : i32 to index
        %get3A_4148 = arith.constant 112 : index
        %get3A_4149 = tpu.vector_load %arg6[%get3A_4147, %get3A_4148] {strides = array<i32>} : memref<131x256xf32, #tpu.memory_space<vmem>>, vector<1x16xf32>,
        %get3A_4150 = vector.shape_cast %get3A_4149 : vector<1x16xf32> to vector<16xf32>
        %add3A_4151 = arith.addf %get3A_4144, %get3A_4150 : vector<16xf32>
        %add3A_4152 = arith.addf %add3A_4138, %add3A_4151 : vector<16xf32>
        %add3A_4153 = arith.addf %while3A_3935, %add3A_4152 : vector<16xf32>
        %get3A_4154 = arith.index_cast %mul3A_3945 : i32 to index
        %get3A_4155 = arith.constant 128 : index
        %get3A_4156 = tpu.vector_load %arg6[%get3A_4154, %get3A_4155] {strides = array<i32>} : memref<131x256xf32, #tpu.memory_space<vmem>>, vector<1x16xf32>,
        %get3A_4157 = vector.shape_cast %get3A_4156 : vector<1x16xf32> to vector<16xf32>
        %add3A_4158 = arith.constant 1 : i32
        %add3A_4159 = arith.addi %mul3A_3945, %add3A_4158 : i32
        %get3A_4160 = arith.index_cast %add3A_4159 : i32 to index
        %get3A_4161 = arith.constant 128 : index
        %get3A_4162 = tpu.vector_load %arg6[%get3A_4160, %get3A_4161] {strides = array<i32>} : memref<131x256xf32, #tpu.memory_space<vmem>>, vector<1x16xf32>,
        %get3A_4163 = vector.shape_cast %get3A_4162 : vector<1x16xf32> to vector<16xf32>
        %add3A_4164 = arith.addf %get3A_4157, %get3A_4163 : vector<16xf32>
        %add3A_4165 = arith.constant 2 : i32
        %add3A_4166 = arith.addi %mul3A_3945, %add3A_4165 : i32
        %get3A_4167 = arith.index_cast %add3A_4166 : i32 to index
        %get3A_4168 = arith.constant 128 : index
        %get3A_4169 = tpu.vector_load %arg6[%get3A_4167, %get3A_4168] {strides = array<i32>} : memref<131x256xf32, #tpu.memory_space<vmem>>, vector<1x16xf32>,
        %get3A_4170 = vector.shape_cast %get3A_4169 : vector<1x16xf32> to vector<16xf32>
        %add3A_4171 = arith.constant 3 : i32
        %add3A_4172 = arith.addi %mul3A_3945, %add3A_4171 : i32
        %get3A_4173 = arith.index_cast %add3A_4172 : i32 to index
        %get3A_4174 = arith.constant 128 : index
        %get3A_4175 = tpu.vector_load %arg6[%get3A_4173, %get3A_4174] {strides = array<i32>} : memref<131x256xf32, #tpu.memory_space<vmem>>, vector<1x16xf32>,
        %get3A_4176 = vector.shape_cast %get3A_4175 : vector<1x16xf32> to vector<16xf32>
        %add3A_4177 = arith.addf %get3A_4170, %get3A_4176 : vector<16xf32>
        %add3A_4178 = arith.addf %add3A_4164, %add3A_4177 : vector<16xf32>
        %add3A_4179 = arith.addf %while3A_3936, %add3A_4178 : vector<16xf32>
        %get3A_4180 = arith.index_cast %mul3A_3945 : i32 to index
        %get3A_4181 = arith.constant 144 : index
        %get3A_4182 = tpu.vector_load %arg6[%get3A_4180, %get3A_4181] {strides = array<i32>} : memref<131x256xf32, #tpu.memory_space<vmem>>, vector<1x16xf32>,
        %get3A_4183 = vector.shape_cast %get3A_4182 : vector<1x16xf32> to vector<16xf32>
        %add3A_4184 = arith.constant 1 : i32
        %add3A_4185 = arith.addi %mul3A_3945, %add3A_4184 : i32
        %get3A_4186 = arith.index_cast %add3A_4185 : i32 to index
        %get3A_4187 = arith.constant 144 : index
        %get3A_4188 = tpu.vector_load %arg6[%get3A_4186, %get3A_4187] {strides = array<i32>} : memref<131x256xf32, #tpu.memory_space<vmem>>, vector<1x16xf32>,
        %get3A_4189 = vector.shape_cast %get3A_4188 : vector<1x16xf32> to vector<16xf32>
        %add3A_4190 = arith.addf %get3A_4183, %get3A_4189 : vector<16xf32>
        %add3A_4191 = arith.constant 2 : i32
        %add3A_4192 = arith.addi %mul3A_3945, %add3A_4191 : i32
        %get3A_4193 = arith.index_cast %add3A_4192 : i32 to index
        %get3A_4194 = arith.constant 144 : index
        %get3A_4195 = tpu.vector_load %arg6[%get3A_4193, %get3A_4194] {strides = array<i32>} : memref<131x256xf32, #tpu.memory_space<vmem>>, vector<1x16xf32>,
        %get3A_4196 = vector.shape_cast %get3A_4195 : vector<1x16xf32> to vector<16xf32>
        %add3A_4197 = arith.constant 3 : i32
        %add3A_4198 = arith.addi %mul3A_3945, %add3A_4197 : i32
        %get3A_4199 = arith.index_cast %add3A_4198 : i32 to index
        %get3A_4200 = arith.constant 144 : index
        %get3A_4201 = tpu.vector_load %arg6[%get3A_4199, %get3A_4200] {strides = array<i32>} : memref<131x256xf32, #tpu.memory_space<vmem>>, vector<1x16xf32>,
        %get3A_4202 = vector.shape_cast %get3A_4201 : vector<1x16xf32> to vector<16xf32>
        %add3A_4203 = arith.addf %get3A_4196, %get3A_4202 : vector<16xf32>
        %add3A_4204 = arith.addf %add3A_4190, %add3A_4203 : vector<16xf32>
        %add3A_4205 = arith.addf %while3A_3937, %add3A_4204 : vector<16xf32>
        %get3A_4206 = arith.index_cast %mul3A_3945 : i32 to index
        %get3A_4207 = arith.constant 160 : index
        %get3A_4208 = tpu.vector_load %arg6[%get3A_4206, %get3A_4207] {strides = array<i32>} : memref<131x256xf32, #tpu.memory_space<vmem>>, vector<1x16xf32>,
        %get3A_4209 = vector.shape_cast %get3A_4208 : vector<1x16xf32> to vector<16xf32>
        %add3A_4210 = arith.constant 1 : i32
        %add3A_4211 = arith.addi %mul3A_3945, %add3A_4210 : i32
        %get3A_4212 = arith.index_cast %add3A_4211 : i32 to index
        %get3A_4213 = arith.constant 160 : index
        %get3A_4214 = tpu.vector_load %arg6[%get3A_4212, %get3A_4213] {strides = array<i32>} : memref<131x256xf32, #tpu.memory_space<vmem>>, vector<1x16xf32>,
        %get3A_4215 = vector.shape_cast %get3A_4214 : vector<1x16xf32> to vector<16xf32>
        %add3A_4216 = arith.addf %get3A_4209, %get3A_4215 : vector<16xf32>
        %add3A_4217 = arith.constant 2 : i32
        %add3A_4218 = arith.addi %mul3A_3945, %add3A_4217 : i32
        %get3A_4219 = arith.index_cast %add3A_4218 : i32 to index
        %get3A_4220 = arith.constant 160 : index
        %get3A_4221 = tpu.vector_load %arg6[%get3A_4219, %get3A_4220] {strides = array<i32>} : memref<131x256xf32, #tpu.memory_space<vmem>>, vector<1x16xf32>,
        %get3A_4222 = vector.shape_cast %get3A_4221 : vector<1x16xf32> to vector<16xf32>
        %add3A_4223 = arith.constant 3 : i32
        %add3A_4224 = arith.addi %mul3A_3945, %add3A_4223 : i32
        %get3A_4225 = arith.index_cast %add3A_4224 : i32 to index
        %get3A_4226 = arith.constant 160 : index
        %get3A_4227 = tpu.vector_load %arg6[%get3A_4225, %get3A_4226] {strides = array<i32>} : memref<131x256xf32, #tpu.memory_space<vmem>>, vector<1x16xf32>,
        %get3A_4228 = vector.shape_cast %get3A_4227 : vector<1x16xf32> to vector<16xf32>
        %add3A_4229 = arith.addf %get3A_4222, %get3A_4228 : vector<16xf32>
        %add3A_4230 = arith.addf %add3A_4216, %add3A_4229 : vector<16xf32>
        %add3A_4231 = arith.addf %while3A_3938, %add3A_4230 : vector<16xf32>
        %get3A_4232 = arith.index_cast %mul3A_3945 : i32 to index
        %get3A_4233 = arith.constant 176 : index
        %get3A_4234 = tpu.vector_load %arg6[%get3A_4232, %get3A_4233] {strides = array<i32>} : memref<131x256xf32, #tpu.memory_space<vmem>>, vector<1x16xf32>,
        %get3A_4235 = vector.shape_cast %get3A_4234 : vector<1x16xf32> to vector<16xf32>
        %add3A_4236 = arith.constant 1 : i32
        %add3A_4237 = arith.addi %mul3A_3945, %add3A_4236 : i32
        %get3A_4238 = arith.index_cast %add3A_4237 : i32 to index
        %get3A_4239 = arith.constant 176 : index
        %get3A_4240 = tpu.vector_load %arg6[%get3A_4238, %get3A_4239] {strides = array<i32>} : memref<131x256xf32, #tpu.memory_space<vmem>>, vector<1x16xf32>,
        %get3A_4241 = vector.shape_cast %get3A_4240 : vector<1x16xf32> to vector<16xf32>
        %add3A_4242 = arith.addf %get3A_4235, %get3A_4241 : vector<16xf32>
        %add3A_4243 = arith.constant 2 : i32
        %add3A_4244 = arith.addi %mul3A_3945, %add3A_4243 : i32
        %get3A_4245 = arith.index_cast %add3A_4244 : i32 to index
        %get3A_4246 = arith.constant 176 : index
        %get3A_4247 = tpu.vector_load %arg6[%get3A_4245, %get3A_4246] {strides = array<i32>} : memref<131x256xf32, #tpu.memory_space<vmem>>, vector<1x16xf32>,
        %get3A_4248 = vector.shape_cast %get3A_4247 : vector<1x16xf32> to vector<16xf32>
        %add3A_4249 = arith.constant 3 : i32
        %add3A_4250 = arith.addi %mul3A_3945, %add3A_4249 : i32
        %get3A_4251 = arith.index_cast %add3A_4250 : i32 to index
        %get3A_4252 = arith.constant 176 : index
        %get3A_4253 = tpu.vector_load %arg6[%get3A_4251, %get3A_4252] {strides = array<i32>} : memref<131x256xf32, #tpu.memory_space<vmem>>, vector<1x16xf32>,
        %get3A_4254 = vector.shape_cast %get3A_4253 : vector<1x16xf32> to vector<16xf32>
        %add3A_4255 = arith.addf %get3A_4248, %get3A_4254 : vector<16xf32>
        %add3A_4256 = arith.addf %add3A_4242, %add3A_4255 : vector<16xf32>
        %add3A_4257 = arith.addf %while3A_3939, %add3A_4256 : vector<16xf32>
        %get3A_4258 = arith.index_cast %mul3A_3945 : i32 to index
        %get3A_4259 = arith.constant 192 : index
        %get3A_4260 = tpu.vector_load %arg6[%get3A_4258, %get3A_4259] {strides = array<i32>} : memref<131x256xf32, #tpu.memory_space<vmem>>, vector<1x16xf32>,
        %get3A_4261 = vector.shape_cast %get3A_4260 : vector<1x16xf32> to vector<16xf32>
        %add3A_4262 = arith.constant 1 : i32
        %add3A_4263 = arith.addi %mul3A_3945, %add3A_4262 : i32
        %get3A_4264 = arith.index_cast %add3A_4263 : i32 to index
        %get3A_4265 = arith.constant 192 : index
        %get3A_4266 = tpu.vector_load %arg6[%get3A_4264, %get3A_4265] {strides = array<i32>} : memref<131x256xf32, #tpu.memory_space<vmem>>, vector<1x16xf32>,
        %get3A_4267 = vector.shape_cast %get3A_4266 : vector<1x16xf32> to vector<16xf32>
        %add3A_4268 = arith.addf %get3A_4261, %get3A_4267 : vector<16xf32>
        %add3A_4269 = arith.constant 2 : i32
        %add3A_4270 = arith.addi %mul3A_3945, %add3A_4269 : i32
        %get3A_4271 = arith.index_cast %add3A_4270 : i32 to index
        %get3A_4272 = arith.constant 192 : index
        %get3A_4273 = tpu.vector_load %arg6[%get3A_4271, %get3A_4272] {strides = array<i32>} : memref<131x256xf32, #tpu.memory_space<vmem>>, vector<1x16xf32>,
        %get3A_4274 = vector.shape_cast %get3A_4273 : vector<1x16xf32> to vector<16xf32>
        %add3A_4275 = arith.constant 3 : i32
        %add3A_4276 = arith.addi %mul3A_3945, %add3A_4275 : i32
        %get3A_4277 = arith.index_cast %add3A_4276 : i32 to index
        %get3A_4278 = arith.constant 192 : index
        %get3A_4279 = tpu.vector_load %arg6[%get3A_4277, %get3A_4278] {strides = array<i32>} : memref<131x256xf32, #tpu.memory_space<vmem>>, vector<1x16xf32>,
        %get3A_4280 = vector.shape_cast %get3A_4279 : vector<1x16xf32> to vector<16xf32>
        %add3A_4281 = arith.addf %get3A_4274, %get3A_4280 : vector<16xf32>
        %add3A_4282 = arith.addf %add3A_4268, %add3A_4281 : vector<16xf32>
        %add3A_4283 = arith.addf %while3A_3940, %add3A_4282 : vector<16xf32>
        %get3A_4284 = arith.index_cast %mul3A_3945 : i32 to index
        %get3A_4285 = arith.constant 208 : index
        %get3A_4286 = tpu.vector_load %arg6[%get3A_4284, %get3A_4285] {strides = array<i32>} : memref<131x256xf32, #tpu.memory_space<vmem>>, vector<1x16xf32>,
        %get3A_4287 = vector.shape_cast %get3A_4286 : vector<1x16xf32> to vector<16xf32>
        %add3A_4288 = arith.constant 1 : i32
        %add3A_4289 = arith.addi %mul3A_3945, %add3A_4288 : i32
        %get3A_4290 = arith.index_cast %add3A_4289 : i32 to index
        %get3A_4291 = arith.constant 208 : index
        %get3A_4292 = tpu.vector_load %arg6[%get3A_4290, %get3A_4291] {strides = array<i32>} : memref<131x256xf32, #tpu.memory_space<vmem>>, vector<1x16xf32>,
        %get3A_4293 = vector.shape_cast %get3A_4292 : vector<1x16xf32> to vector<16xf32>
        %add3A_4294 = arith.addf %get3A_4287, %get3A_4293 : vector<16xf32>
        %add3A_4295 = arith.constant 2 : i32
        %add3A_4296 = arith.addi %mul3A_3945, %add3A_4295 : i32
        %get3A_4297 = arith.index_cast %add3A_4296 : i32 to index
        %get3A_4298 = arith.constant 208 : index
        %get3A_4299 = tpu.vector_load %arg6[%get3A_4297, %get3A_4298] {strides = array<i32>} : memref<131x256xf32, #tpu.memory_space<vmem>>, vector<1x16xf32>,
        %get3A_4300 = vector.shape_cast %get3A_4299 : vector<1x16xf32> to vector<16xf32>
        %add3A_4301 = arith.constant 3 : i32
        %add3A_4302 = arith.addi %mul3A_3945, %add3A_4301 : i32
        %get3A_4303 = arith.index_cast %add3A_4302 : i32 to index
        %get3A_4304 = arith.constant 208 : index
        %get3A_4305 = tpu.vector_load %arg6[%get3A_4303, %get3A_4304] {strides = array<i32>} : memref<131x256xf32, #tpu.memory_space<vmem>>, vector<1x16xf32>,
        %get3A_4306 = vector.shape_cast %get3A_4305 : vector<1x16xf32> to vector<16xf32>
        %add3A_4307 = arith.addf %get3A_4300, %get3A_4306 : vector<16xf32>
        %add3A_4308 = arith.addf %add3A_4294, %add3A_4307 : vector<16xf32>
        %add3A_4309 = arith.addf %while3A_3941, %add3A_4308 : vector<16xf32>
        %get3A_4310 = arith.index_cast %mul3A_3945 : i32 to index
        %get3A_4311 = arith.constant 224 : index
        %get3A_4312 = tpu.vector_load %arg6[%get3A_4310, %get3A_4311] {strides = array<i32>} : memref<131x256xf32, #tpu.memory_space<vmem>>, vector<1x16xf32>,
        %get3A_4313 = vector.shape_cast %get3A_4312 : vector<1x16xf32> to vector<16xf32>
        %add3A_4314 = arith.constant 1 : i32
        %add3A_4315 = arith.addi %mul3A_3945, %add3A_4314 : i32
        %get3A_4316 = arith.index_cast %add3A_4315 : i32 to index
        %get3A_4317 = arith.constant 224 : index
        %get3A_4318 = tpu.vector_load %arg6[%get3A_4316, %get3A_4317] {strides = array<i32>} : memref<131x256xf32, #tpu.memory_space<vmem>>, vector<1x16xf32>,
        %get3A_4319 = vector.shape_cast %get3A_4318 : vector<1x16xf32> to vector<16xf32>
        %add3A_4320 = arith.addf %get3A_4313, %get3A_4319 : vector<16xf32>
        %add3A_4321 = arith.constant 2 : i32
        %add3A_4322 = arith.addi %mul3A_3945, %add3A_4321 : i32
        %get3A_4323 = arith.index_cast %add3A_4322 : i32 to index
        %get3A_4324 = arith.constant 224 : index
        %get3A_4325 = tpu.vector_load %arg6[%get3A_4323, %get3A_4324] {strides = array<i32>} : memref<131x256xf32, #tpu.memory_space<vmem>>, vector<1x16xf32>,
        %get3A_4326 = vector.shape_cast %get3A_4325 : vector<1x16xf32> to vector<16xf32>
        %add3A_4327 = arith.constant 3 : i32
        %add3A_4328 = arith.addi %mul3A_3945, %add3A_4327 : i32
        %get3A_4329 = arith.index_cast %add3A_4328 : i32 to index
        %get3A_4330 = arith.constant 224 : index
        %get3A_4331 = tpu.vector_load %arg6[%get3A_4329, %get3A_4330] {strides = array<i32>} : memref<131x256xf32, #tpu.memory_space<vmem>>, vector<1x16xf32>,
        %get3A_4332 = vector.shape_cast %get3A_4331 : vector<1x16xf32> to vector<16xf32>
        %add3A_4333 = arith.addf %get3A_4326, %get3A_4332 : vector<16xf32>
        %add3A_4334 = arith.addf %add3A_4320, %add3A_4333 : vector<16xf32>
        %add3A_4335 = arith.addf %while3A_3942, %add3A_4334 : vector<16xf32>
        %get3A_4336 = arith.index_cast %mul3A_3945 : i32 to index
        %get3A_4337 = arith.constant 240 : index
        %get3A_4338 = tpu.vector_load %arg6[%get3A_4336, %get3A_4337] {strides = array<i32>} : memref<131x256xf32, #tpu.memory_space<vmem>>, vector<1x16xf32>,
        %get3A_4339 = vector.shape_cast %get3A_4338 : vector<1x16xf32> to vector<16xf32>
        %add3A_4340 = arith.constant 1 : i32
        %add3A_4341 = arith.addi %mul3A_3945, %add3A_4340 : i32
        %get3A_4342 = arith.index_cast %add3A_4341 : i32 to index
        %get3A_4343 = arith.constant 240 : index
        %get3A_4344 = tpu.vector_load %arg6[%get3A_4342, %get3A_4343] {strides = array<i32>} : memref<131x256xf32, #tpu.memory_space<vmem>>, vector<1x16xf32>,
        %get3A_4345 = vector.shape_cast %get3A_4344 : vector<1x16xf32> to vector<16xf32>
        %add3A_4346 = arith.addf %get3A_4339, %get3A_4345 : vector<16xf32>
        %add3A_4347 = arith.constant 2 : i32
        %add3A_4348 = arith.addi %mul3A_3945, %add3A_4347 : i32
        %get3A_4349 = arith.index_cast %add3A_4348 : i32 to index
        %get3A_4350 = arith.constant 240 : index
        %get3A_4351 = tpu.vector_load %arg6[%get3A_4349, %get3A_4350] {strides = array<i32>} : memref<131x256xf32, #tpu.memory_space<vmem>>, vector<1x16xf32>,
        %get3A_4352 = vector.shape_cast %get3A_4351 : vector<1x16xf32> to vector<16xf32>
        %add3A_4353 = arith.constant 3 : i32
        %add3A_4354 = arith.addi %mul3A_3945, %add3A_4353 : i32
        %get3A_4355 = arith.index_cast %add3A_4354 : i32 to index
        %get3A_4356 = arith.constant 240 : index
        %get3A_4357 = tpu.vector_load %arg6[%get3A_4355, %get3A_4356] {strides = array<i32>} : memref<131x256xf32, #tpu.memory_space<vmem>>, vector<1x16xf32>,
        %get3A_4358 = vector.shape_cast %get3A_4357 : vector<1x16xf32> to vector<16xf32>
        %add3A_4359 = arith.addf %get3A_4352, %get3A_4358 : vector<16xf32>
        %add3A_4360 = arith.addf %add3A_4346, %add3A_4359 : vector<16xf32>
        %add3A_4361 = arith.addf %while3A_3943, %add3A_4360 : vector<16xf32>
        scf.yield %add3A_3971, %add3A_3997, %add3A_4023, %add3A_4049, %add3A_4075, %add3A_4101, %add3A_4127, %add3A_4153, %add3A_4179, %add3A_4205, %add3A_4231, %add3A_4257, %add3A_4283, %add3A_4309, %add3A_4335, %add3A_4361 : vector<16xf32>, vector<16xf32>, vector<16xf32>, vector<16xf32>, vector<16xf32>, vector<16xf32>, vector<16xf32>, vector<16xf32>, vector<16xf32>, vector<16xf32>, vector<16xf32>, vector<16xf32>, vector<16xf32>, vector<16xf32>, vector<16xf32>, vector<16xf32>
      }
      %while3A_223 = arith.constant 1 : i32
      %while3A_224:16 = scf.for %while3A_3927 = %while3A_220 to %while3A_216 step %while3A_223 iter_args(%while3A_3928 = %while3A_222#0, %while3A_3929 = %while3A_222#1, %while3A_3930 = %while3A_222#2, %while3A_3931 = %while3A_222#3, %while3A_3932 = %while3A_222#4, %while3A_3933 = %while3A_222#5, %while3A_3934 = %while3A_222#6, %while3A_3935 = %while3A_222#7, %while3A_3936 = %while3A_222#8, %while3A_3937 = %while3A_222#9, %while3A_3938 = %while3A_222#10, %while3A_3939 = %while3A_222#11, %while3A_3940 = %while3A_222#12, %while3A_3941 = %while3A_222#13, %while3A_3942 = %while3A_222#14, %while3A_3943 = %while3A_222#15) -> (vector<16xf32>, vector<16xf32>, vector<16xf32>, vector<16xf32>, vector<16xf32>, vector<16xf32>, vector<16xf32>, vector<16xf32>, vector<16xf32>, vector<16xf32>, vector<16xf32>, vector<16xf32>, vector<16xf32>, vector<16xf32>, vector<16xf32>, vector<16xf32>)  : i32 {
        %mul3A_3944 = arith.constant 4 : i32
        %mul3A_3945 = arith.muli %mul3A_3944, %while3A_3927 : i32
        %get3A_3946 = arith.index_cast %mul3A_3945 : i32 to index
        %get3A_3947 = arith.constant 0 : index
        %get3A_3948 = tpu.vector_load %arg6[%get3A_3946, %get3A_3947] {strides = array<i32>} : memref<131x256xf32, #tpu.memory_space<vmem>>, vector<1x16xf32>,
        %get3A_3949 = vector.shape_cast %get3A_3948 : vector<1x16xf32> to vector<16xf32>
        %add3A_3950 = arith.constant 1 : i32
        %add3A_3951 = arith.addi %mul3A_3945, %add3A_3950 : i32
        %get3A_3952 = arith.index_cast %add3A_3951 : i32 to index
        %get3A_3953 = arith.constant 0 : index
        %get3A_3954 = tpu.vector_load %arg6[%get3A_3952, %get3A_3953] {strides = array<i32>} : memref<131x256xf32, #tpu.memory_space<vmem>>, vector<1x16xf32>,
        %get3A_3955 = vector.shape_cast %get3A_3954 : vector<1x16xf32> to vector<16xf32>
        %add3A_3956 = arith.addf %get3A_3949, %get3A_3955 : vector<16xf32>
        %add3A_3957 = arith.constant 2 : i32
        %add3A_3958 = arith.addi %mul3A_3945, %add3A_3957 : i32
        %get3A_3959 = arith.index_cast %add3A_3958 : i32 to index
        %get3A_3960 = arith.constant 0 : index
        %get3A_3961 = tpu.vector_load %arg6[%get3A_3959, %get3A_3960] {strides = array<i32>} : memref<131x256xf32, #tpu.memory_space<vmem>>, vector<1x16xf32>,
        %get3A_3962 = vector.shape_cast %get3A_3961 : vector<1x16xf32> to vector<16xf32>
        %add3A_3963 = arith.constant 3 : i32
        %add3A_3964 = arith.addi %mul3A_3945, %add3A_3963 : i32
        %get3A_3965 = arith.index_cast %add3A_3964 : i32 to index
        %get3A_3966 = arith.constant 0 : index
        %get3A_3967 = tpu.vector_load %arg6[%get3A_3965, %get3A_3966] {strides = array<i32>} : memref<131x256xf32, #tpu.memory_space<vmem>>, vector<1x16xf32>,
        %get3A_3968 = vector.shape_cast %get3A_3967 : vector<1x16xf32> to vector<16xf32>
        %add3A_3969 = arith.addf %get3A_3962, %get3A_3968 : vector<16xf32>
        %add3A_3970 = arith.addf %add3A_3956, %add3A_3969 : vector<16xf32>
        %add3A_3971 = arith.addf %while3A_3928, %add3A_3970 : vector<16xf32>
        %get3A_3972 = arith.index_cast %mul3A_3945 : i32 to index
        %get3A_3973 = arith.constant 16 : index
        %get3A_3974 = tpu.vector_load %arg6[%get3A_3972, %get3A_3973] {strides = array<i32>} : memref<131x256xf32, #tpu.memory_space<vmem>>, vector<1x16xf32>,
        %get3A_3975 = vector.shape_cast %get3A_3974 : vector<1x16xf32> to vector<16xf32>
        %add3A_3976 = arith.constant 1 : i32
        %add3A_3977 = arith.addi %mul3A_3945, %add3A_3976 : i32
        %get3A_3978 = arith.index_cast %add3A_3977 : i32 to index
        %get3A_3979 = arith.constant 16 : index
        %get3A_3980 = tpu.vector_load %arg6[%get3A_3978, %get3A_3979] {strides = array<i32>} : memref<131x256xf32, #tpu.memory_space<vmem>>, vector<1x16xf32>,
        %get3A_3981 = vector.shape_cast %get3A_3980 : vector<1x16xf32> to vector<16xf32>
        %add3A_3982 = arith.addf %get3A_3975, %get3A_3981 : vector<16xf32>
        %add3A_3983 = arith.constant 2 : i32
        %add3A_3984 = arith.addi %mul3A_3945, %add3A_3983 : i32
        %get3A_3985 = arith.index_cast %add3A_3984 : i32 to index
        %get3A_3986 = arith.constant 16 : index
        %get3A_3987 = tpu.vector_load %arg6[%get3A_3985, %get3A_3986] {strides = array<i32>} : memref<131x256xf32, #tpu.memory_space<vmem>>, vector<1x16xf32>,
        %get3A_3988 = vector.shape_cast %get3A_3987 : vector<1x16xf32> to vector<16xf32>
        %add3A_3989 = arith.constant 3 : i32
        %add3A_3990 = arith.addi %mul3A_3945, %add3A_3989 : i32
        %get3A_3991 = arith.index_cast %add3A_3990 : i32 to index
        %get3A_3992 = arith.constant 16 : index
        %get3A_3993 = tpu.vector_load %arg6[%get3A_3991, %get3A_3992] {strides = array<i32>} : memref<131x256xf32, #tpu.memory_space<vmem>>, vector<1x16xf32>,
        %get3A_3994 = vector.shape_cast %get3A_3993 : vector<1x16xf32> to vector<16xf32>
        %add3A_3995 = arith.addf %get3A_3988, %get3A_3994 : vector<16xf32>
        %add3A_3996 = arith.addf %add3A_3982, %add3A_3995 : vector<16xf32>
        %add3A_3997 = arith.addf %while3A_3929, %add3A_3996 : vector<16xf32>
        %get3A_3998 = arith.index_cast %mul3A_3945 : i32 to index
        %get3A_3999 = arith.constant 32 : index
        %get3A_4000 = tpu.vector_load %arg6[%get3A_3998, %get3A_3999] {strides = array<i32>} : memref<131x256xf32, #tpu.memory_space<vmem>>, vector<1x16xf32>,
        %get3A_4001 = vector.shape_cast %get3A_4000 : vector<1x16xf32> to vector<16xf32>
        %add3A_4002 = arith.constant 1 : i32
        %add3A_4003 = arith.addi %mul3A_3945, %add3A_4002 : i32
        %get3A_4004 = arith.index_cast %add3A_4003 : i32 to index
        %get3A_4005 = arith.constant 32 : index
        %get3A_4006 = tpu.vector_load %arg6[%get3A_4004, %get3A_4005] {strides = array<i32>} : memref<131x256xf32, #tpu.memory_space<vmem>>, vector<1x16xf32>,
        %get3A_4007 = vector.shape_cast %get3A_4006 : vector<1x16xf32> to vector<16xf32>
        %add3A_4008 = arith.addf %get3A_4001, %get3A_4007 : vector<16xf32>
        %add3A_4009 = arith.constant 2 : i32
        %add3A_4010 = arith.addi %mul3A_3945, %add3A_4009 : i32
        %get3A_4011 = arith.index_cast %add3A_4010 : i32 to index
        %get3A_4012 = arith.constant 32 : index
        %get3A_4013 = tpu.vector_load %arg6[%get3A_4011, %get3A_4012] {strides = array<i32>} : memref<131x256xf32, #tpu.memory_space<vmem>>, vector<1x16xf32>,
        %get3A_4014 = vector.shape_cast %get3A_4013 : vector<1x16xf32> to vector<16xf32>
        %add3A_4015 = arith.constant 3 : i32
        %add3A_4016 = arith.addi %mul3A_3945, %add3A_4015 : i32
        %get3A_4017 = arith.index_cast %add3A_4016 : i32 to index
        %get3A_4018 = arith.constant 32 : index
        %get3A_4019 = tpu.vector_load %arg6[%get3A_4017, %get3A_4018] {strides = array<i32>} : memref<131x256xf32, #tpu.memory_space<vmem>>, vector<1x16xf32>,
        %get3A_4020 = vector.shape_cast %get3A_4019 : vector<1x16xf32> to vector<16xf32>
        %add3A_4021 = arith.addf %get3A_4014, %get3A_4020 : vector<16xf32>
        %add3A_4022 = arith.addf %add3A_4008, %add3A_4021 : vector<16xf32>
        %add3A_4023 = arith.addf %while3A_3930, %add3A_4022 : vector<16xf32>
        %get3A_4024 = arith.index_cast %mul3A_3945 : i32 to index
        %get3A_4025 = arith.constant 48 : index
        %get3A_4026 = tpu.vector_load %arg6[%get3A_4024, %get3A_4025] {strides = array<i32>} : memref<131x256xf32, #tpu.memory_space<vmem>>, vector<1x16xf32>,
        %get3A_4027 = vector.shape_cast %get3A_4026 : vector<1x16xf32> to vector<16xf32>
        %add3A_4028 = arith.constant 1 : i32
        %add3A_4029 = arith.addi %mul3A_3945, %add3A_4028 : i32
        %get3A_4030 = arith.index_cast %add3A_4029 : i32 to index
        %get3A_4031 = arith.constant 48 : index
        %get3A_4032 = tpu.vector_load %arg6[%get3A_4030, %get3A_4031] {strides = array<i32>} : memref<131x256xf32, #tpu.memory_space<vmem>>, vector<1x16xf32>,
        %get3A_4033 = vector.shape_cast %get3A_4032 : vector<1x16xf32> to vector<16xf32>
        %add3A_4034 = arith.addf %get3A_4027, %get3A_4033 : vector<16xf32>
        %add3A_4035 = arith.constant 2 : i32
        %add3A_4036 = arith.addi %mul3A_3945, %add3A_4035 : i32
        %get3A_4037 = arith.index_cast %add3A_4036 : i32 to index
        %get3A_4038 = arith.constant 48 : index
        %get3A_4039 = tpu.vector_load %arg6[%get3A_4037, %get3A_4038] {strides = array<i32>} : memref<131x256xf32, #tpu.memory_space<vmem>>, vector<1x16xf32>,
        %get3A_4040 = vector.shape_cast %get3A_4039 : vector<1x16xf32> to vector<16xf32>
        %add3A_4041 = arith.constant 3 : i32
        %add3A_4042 = arith.addi %mul3A_3945, %add3A_4041 : i32
        %get3A_4043 = arith.index_cast %add3A_4042 : i32 to index
        %get3A_4044 = arith.constant 48 : index
        %get3A_4045 = tpu.vector_load %arg6[%get3A_4043, %get3A_4044] {strides = array<i32>} : memref<131x256xf32, #tpu.memory_space<vmem>>, vector<1x16xf32>,
        %get3A_4046 = vector.shape_cast %get3A_4045 : vector<1x16xf32> to vector<16xf32>
        %add3A_4047 = arith.addf %get3A_4040, %get3A_4046 : vector<16xf32>
        %add3A_4048 = arith.addf %add3A_4034, %add3A_4047 : vector<16xf32>
        %add3A_4049 = arith.addf %while3A_3931, %add3A_4048 : vector<16xf32>
        %get3A_4050 = arith.index_cast %mul3A_3945 : i32 to index
        %get3A_4051 = arith.constant 64 : index
        %get3A_4052 = tpu.vector_load %arg6[%get3A_4050, %get3A_4051] {strides = array<i32>} : memref<131x256xf32, #tpu.memory_space<vmem>>, vector<1x16xf32>,
        %get3A_4053 = vector.shape_cast %get3A_4052 : vector<1x16xf32> to vector<16xf32>
        %add3A_4054 = arith.constant 1 : i32
        %add3A_4055 = arith.addi %mul3A_3945, %add3A_4054 : i32
        %get3A_4056 = arith.index_cast %add3A_4055 : i32 to index
        %get3A_4057 = arith.constant 64 : index
        %get3A_4058 = tpu.vector_load %arg6[%get3A_4056, %get3A_4057] {strides = array<i32>} : memref<131x256xf32, #tpu.memory_space<vmem>>, vector<1x16xf32>,
        %get3A_4059 = vector.shape_cast %get3A_4058 : vector<1x16xf32> to vector<16xf32>
        %add3A_4060 = arith.addf %get3A_4053, %get3A_4059 : vector<16xf32>
        %add3A_4061 = arith.constant 2 : i32
        %add3A_4062 = arith.addi %mul3A_3945, %add3A_4061 : i32
        %get3A_4063 = arith.index_cast %add3A_4062 : i32 to index
        %get3A_4064 = arith.constant 64 : index
        %get3A_4065 = tpu.vector_load %arg6[%get3A_4063, %get3A_4064] {strides = array<i32>} : memref<131x256xf32, #tpu.memory_space<vmem>>, vector<1x16xf32>,
        %get3A_4066 = vector.shape_cast %get3A_4065 : vector<1x16xf32> to vector<16xf32>
        %add3A_4067 = arith.constant 3 : i32
        %add3A_4068 = arith.addi %mul3A_3945, %add3A_4067 : i32
        %get3A_4069 = arith.index_cast %add3A_4068 : i32 to index
        %get3A_4070 = arith.constant 64 : index
        %get3A_4071 = tpu.vector_load %arg6[%get3A_4069, %get3A_4070] {strides = array<i32>} : memref<131x256xf32, #tpu.memory_space<vmem>>, vector<1x16xf32>,
        %get3A_4072 = vector.shape_cast %get3A_4071 : vector<1x16xf32> to vector<16xf32>
        %add3A_4073 = arith.addf %get3A_4066, %get3A_4072 : vector<16xf32>
        %add3A_4074 = arith.addf %add3A_4060, %add3A_4073 : vector<16xf32>
        %add3A_4075 = arith.addf %while3A_3932, %add3A_4074 : vector<16xf32>
        %get3A_4076 = arith.index_cast %mul3A_3945 : i32 to index
        %get3A_4077 = arith.constant 80 : index
        %get3A_4078 = tpu.vector_load %arg6[%get3A_4076, %get3A_4077] {strides = array<i32>} : memref<131x256xf32, #tpu.memory_space<vmem>>, vector<1x16xf32>,
        %get3A_4079 = vector.shape_cast %get3A_4078 : vector<1x16xf32> to vector<16xf32>
        %add3A_4080 = arith.constant 1 : i32
        %add3A_4081 = arith.addi %mul3A_3945, %add3A_4080 : i32
        %get3A_4082 = arith.index_cast %add3A_4081 : i32 to index
        %get3A_4083 = arith.constant 80 : index
        %get3A_4084 = tpu.vector_load %arg6[%get3A_4082, %get3A_4083] {strides = array<i32>} : memref<131x256xf32, #tpu.memory_space<vmem>>, vector<1x16xf32>,
        %get3A_4085 = vector.shape_cast %get3A_4084 : vector<1x16xf32> to vector<16xf32>
        %add3A_4086 = arith.addf %get3A_4079, %get3A_4085 : vector<16xf32>
        %add3A_4087 = arith.constant 2 : i32
        %add3A_4088 = arith.addi %mul3A_3945, %add3A_4087 : i32
        %get3A_4089 = arith.index_cast %add3A_4088 : i32 to index
        %get3A_4090 = arith.constant 80 : index
        %get3A_4091 = tpu.vector_load %arg6[%get3A_4089, %get3A_4090] {strides = array<i32>} : memref<131x256xf32, #tpu.memory_space<vmem>>, vector<1x16xf32>,
        %get3A_4092 = vector.shape_cast %get3A_4091 : vector<1x16xf32> to vector<16xf32>
        %add3A_4093 = arith.constant 3 : i32
        %add3A_4094 = arith.addi %mul3A_3945, %add3A_4093 : i32
        %get3A_4095 = arith.index_cast %add3A_4094 : i32 to index
        %get3A_4096 = arith.constant 80 : index
        %get3A_4097 = tpu.vector_load %arg6[%get3A_4095, %get3A_4096] {strides = array<i32>} : memref<131x256xf32, #tpu.memory_space<vmem>>, vector<1x16xf32>,
        %get3A_4098 = vector.shape_cast %get3A_4097 : vector<1x16xf32> to vector<16xf32>
        %add3A_4099 = arith.addf %get3A_4092, %get3A_4098 : vector<16xf32>
        %add3A_4100 = arith.addf %add3A_4086, %add3A_4099 : vector<16xf32>
        %add3A_4101 = arith.addf %while3A_3933, %add3A_4100 : vector<16xf32>
        %get3A_4102 = arith.index_cast %mul3A_3945 : i32 to index
        %get3A_4103 = arith.constant 96 : index
        %get3A_4104 = tpu.vector_load %arg6[%get3A_4102, %get3A_4103] {strides = array<i32>} : memref<131x256xf32, #tpu.memory_space<vmem>>, vector<1x16xf32>,
        %get3A_4105 = vector.shape_cast %get3A_4104 : vector<1x16xf32> to vector<16xf32>
        %add3A_4106 = arith.constant 1 : i32
        %add3A_4107 = arith.addi %mul3A_3945, %add3A_4106 : i32
        %get3A_4108 = arith.index_cast %add3A_4107 : i32 to index
        %get3A_4109 = arith.constant 96 : index
        %get3A_4110 = tpu.vector_load %arg6[%get3A_4108, %get3A_4109] {strides = array<i32>} : memref<131x256xf32, #tpu.memory_space<vmem>>, vector<1x16xf32>,
        %get3A_4111 = vector.shape_cast %get3A_4110 : vector<1x16xf32> to vector<16xf32>
        %add3A_4112 = arith.addf %get3A_4105, %get3A_4111 : vector<16xf32>
        %add3A_4113 = arith.constant 2 : i32
        %add3A_4114 = arith.addi %mul3A_3945, %add3A_4113 : i32
        %get3A_4115 = arith.index_cast %add3A_4114 : i32 to index
        %get3A_4116 = arith.constant 96 : index
        %get3A_4117 = tpu.vector_load %arg6[%get3A_4115, %get3A_4116] {strides = array<i32>} : memref<131x256xf32, #tpu.memory_space<vmem>>, vector<1x16xf32>,
        %get3A_4118 = vector.shape_cast %get3A_4117 : vector<1x16xf32> to vector<16xf32>
        %add3A_4119 = arith.constant 3 : i32
        %add3A_4120 = arith.addi %mul3A_3945, %add3A_4119 : i32
        %get3A_4121 = arith.index_cast %add3A_4120 : i32 to index
        %get3A_4122 = arith.constant 96 : index
        %get3A_4123 = tpu.vector_load %arg6[%get3A_4121, %get3A_4122] {strides = array<i32>} : memref<131x256xf32, #tpu.memory_space<vmem>>, vector<1x16xf32>,
        %get3A_4124 = vector.shape_cast %get3A_4123 : vector<1x16xf32> to vector<16xf32>
        %add3A_4125 = arith.addf %get3A_4118, %get3A_4124 : vector<16xf32>
        %add3A_4126 = arith.addf %add3A_4112, %add3A_4125 : vector<16xf32>
        %add3A_4127 = arith.addf %while3A_3934, %add3A_4126 : vector<16xf32>
        %get3A_4128 = arith.index_cast %mul3A_3945 : i32 to index
        %get3A_4129 = arith.constant 112 : index
        %get3A_4130 = tpu.vector_load %arg6[%get3A_4128, %get3A_4129] {strides = array<i32>} : memref<131x256xf32, #tpu.memory_space<vmem>>, vector<1x16xf32>,
        %get3A_4131 = vector.shape_cast %get3A_4130 : vector<1x16xf32> to vector<16xf32>
        %add3A_4132 = arith.constant 1 : i32
        %add3A_4133 = arith.addi %mul3A_3945, %add3A_4132 : i32
        %get3A_4134 = arith.index_cast %add3A_4133 : i32 to index
        %get3A_4135 = arith.constant 112 : index
        %get3A_4136 = tpu.vector_load %arg6[%get3A_4134, %get3A_4135] {strides = array<i32>} : memref<131x256xf32, #tpu.memory_space<vmem>>, vector<1x16xf32>,
        %get3A_4137 = vector.shape_cast %get3A_4136 : vector<1x16xf32> to vector<16xf32>
        %add3A_4138 = arith.addf %get3A_4131, %get3A_4137 : vector<16xf32>
        %add3A_4139 = arith.constant 2 : i32
        %add3A_4140 = arith.addi %mul3A_3945, %add3A_4139 : i32
        %get3A_4141 = arith.index_cast %add3A_4140 : i32 to index
        %get3A_4142 = arith.constant 112 : index
        %get3A_4143 = tpu.vector_load %arg6[%get3A_4141, %get3A_4142] {strides = array<i32>} : memref<131x256xf32, #tpu.memory_space<vmem>>, vector<1x16xf32>,
        %get3A_4144 = vector.shape_cast %get3A_4143 : vector<1x16xf32> to vector<16xf32>
        %add3A_4145 = arith.constant 3 : i32
        %add3A_4146 = arith.addi %mul3A_3945, %add3A_4145 : i32
        %get3A_4147 = arith.index_cast %add3A_4146 : i32 to index
        %get3A_4148 = arith.constant 112 : index
        %get3A_4149 = tpu.vector_load %arg6[%get3A_4147, %get3A_4148] {strides = array<i32>} : memref<131x256xf32, #tpu.memory_space<vmem>>, vector<1x16xf32>,
        %get3A_4150 = vector.shape_cast %get3A_4149 : vector<1x16xf32> to vector<16xf32>
        %add3A_4151 = arith.addf %get3A_4144, %get3A_4150 : vector<16xf32>
        %add3A_4152 = arith.addf %add3A_4138, %add3A_4151 : vector<16xf32>
        %add3A_4153 = arith.addf %while3A_3935, %add3A_4152 : vector<16xf32>
        %get3A_4154 = arith.index_cast %mul3A_3945 : i32 to index
        %get3A_4155 = arith.constant 128 : index
        %get3A_4156 = tpu.vector_load %arg6[%get3A_4154, %get3A_4155] {strides = array<i32>} : memref<131x256xf32, #tpu.memory_space<vmem>>, vector<1x16xf32>,
        %get3A_4157 = vector.shape_cast %get3A_4156 : vector<1x16xf32> to vector<16xf32>
        %add3A_4158 = arith.constant 1 : i32
        %add3A_4159 = arith.addi %mul3A_3945, %add3A_4158 : i32
        %get3A_4160 = arith.index_cast %add3A_4159 : i32 to index
        %get3A_4161 = arith.constant 128 : index
        %get3A_4162 = tpu.vector_load %arg6[%get3A_4160, %get3A_4161] {strides = array<i32>} : memref<131x256xf32, #tpu.memory_space<vmem>>, vector<1x16xf32>,
        %get3A_4163 = vector.shape_cast %get3A_4162 : vector<1x16xf32> to vector<16xf32>
        %add3A_4164 = arith.addf %get3A_4157, %get3A_4163 : vector<16xf32>
        %add3A_4165 = arith.constant 2 : i32
        %add3A_4166 = arith.addi %mul3A_3945, %add3A_4165 : i32
        %get3A_4167 = arith.index_cast %add3A_4166 : i32 to index
        %get3A_4168 = arith.constant 128 : index
        %get3A_4169 = tpu.vector_load %arg6[%get3A_4167, %get3A_4168] {strides = array<i32>} : memref<131x256xf32, #tpu.memory_space<vmem>>, vector<1x16xf32>,
        %get3A_4170 = vector.shape_cast %get3A_4169 : vector<1x16xf32> to vector<16xf32>
        %add3A_4171 = arith.constant 3 : i32
        %add3A_4172 = arith.addi %mul3A_3945, %add3A_4171 : i32
        %get3A_4173 = arith.index_cast %add3A_4172 : i32 to index
        %get3A_4174 = arith.constant 128 : index
        %get3A_4175 = tpu.vector_load %arg6[%get3A_4173, %get3A_4174] {strides = array<i32>} : memref<131x256xf32, #tpu.memory_space<vmem>>, vector<1x16xf32>,
        %get3A_4176 = vector.shape_cast %get3A_4175 : vector<1x16xf32> to vector<16xf32>
        %add3A_4177 = arith.addf %get3A_4170, %get3A_4176 : vector<16xf32>
        %add3A_4178 = arith.addf %add3A_4164, %add3A_4177 : vector<16xf32>
        %add3A_4179 = arith.addf %while3A_3936, %add3A_4178 : vector<16xf32>
        %get3A_4180 = arith.index_cast %mul3A_3945 : i32 to index
        %get3A_4181 = arith.constant 144 : index
        %get3A_4182 = tpu.vector_load %arg6[%get3A_4180, %get3A_4181] {strides = array<i32>} : memref<131x256xf32, #tpu.memory_space<vmem>>, vector<1x16xf32>,
        %get3A_4183 = vector.shape_cast %get3A_4182 : vector<1x16xf32> to vector<16xf32>
        %add3A_4184 = arith.constant 1 : i32
        %add3A_4185 = arith.addi %mul3A_3945, %add3A_4184 : i32
        %get3A_4186 = arith.index_cast %add3A_4185 : i32 to index
        %get3A_4187 = arith.constant 144 : index
        %get3A_4188 = tpu.vector_load %arg6[%get3A_4186, %get3A_4187] {strides = array<i32>} : memref<131x256xf32, #tpu.memory_space<vmem>>, vector<1x16xf32>,
        %get3A_4189 = vector.shape_cast %get3A_4188 : vector<1x16xf32> to vector<16xf32>
        %add3A_4190 = arith.addf %get3A_4183, %get3A_4189 : vector<16xf32>
        %add3A_4191 = arith.constant 2 : i32
        %add3A_4192 = arith.addi %mul3A_3945, %add3A_4191 : i32
        %get3A_4193 = arith.index_cast %add3A_4192 : i32 to index
        %get3A_4194 = arith.constant 144 : index
        %get3A_4195 = tpu.vector_load %arg6[%get3A_4193, %get3A_4194] {strides = array<i32>} : memref<131x256xf32, #tpu.memory_space<vmem>>, vector<1x16xf32>,
        %get3A_4196 = vector.shape_cast %get3A_4195 : vector<1x16xf32> to vector<16xf32>
        %add3A_4197 = arith.constant 3 : i32
        %add3A_4198 = arith.addi %mul3A_3945, %add3A_4197 : i32
        %get3A_4199 = arith.index_cast %add3A_4198 : i32 to index
        %get3A_4200 = arith.constant 144 : index
        %get3A_4201 = tpu.vector_load %arg6[%get3A_4199, %get3A_4200] {strides = array<i32>} : memref<131x256xf32, #tpu.memory_space<vmem>>, vector<1x16xf32>,
        %get3A_4202 = vector.shape_cast %get3A_4201 : vector<1x16xf32> to vector<16xf32>
        %add3A_4203 = arith.addf %get3A_4196, %get3A_4202 : vector<16xf32>
        %add3A_4204 = arith.addf %add3A_4190, %add3A_4203 : vector<16xf32>
        %add3A_4205 = arith.addf %while3A_3937, %add3A_4204 : vector<16xf32>
        %get3A_4206 = arith.index_cast %mul3A_3945 : i32 to index
        %get3A_4207 = arith.constant 160 : index
        %get3A_4208 = tpu.vector_load %arg6[%get3A_4206, %get3A_4207] {strides = array<i32>} : memref<131x256xf32, #tpu.memory_space<vmem>>, vector<1x16xf32>,
        %get3A_4209 = vector.shape_cast %get3A_4208 : vector<1x16xf32> to vector<16xf32>
        %add3A_4210 = arith.constant 1 : i32
        %add3A_4211 = arith.addi %mul3A_3945, %add3A_4210 : i32
        %get3A_4212 = arith.index_cast %add3A_4211 : i32 to index
        %get3A_4213 = arith.constant 160 : index
        %get3A_4214 = tpu.vector_load %arg6[%get3A_4212, %get3A_4213] {strides = array<i32>} : memref<131x256xf32, #tpu.memory_space<vmem>>, vector<1x16xf32>,
        %get3A_4215 = vector.shape_cast %get3A_4214 : vector<1x16xf32> to vector<16xf32>
        %add3A_4216 = arith.addf %get3A_4209, %get3A_4215 : vector<16xf32>
        %add3A_4217 = arith.constant 2 : i32
        %add3A_4218 = arith.addi %mul3A_3945, %add3A_4217 : i32
        %get3A_4219 = arith.index_cast %add3A_4218 : i32 to index
        %get3A_4220 = arith.constant 160 : index
        %get3A_4221 = tpu.vector_load %arg6[%get3A_4219, %get3A_4220] {strides = array<i32>} : memref<131x256xf32, #tpu.memory_space<vmem>>, vector<1x16xf32>,
        %get3A_4222 = vector.shape_cast %get3A_4221 : vector<1x16xf32> to vector<16xf32>
        %add3A_4223 = arith.constant 3 : i32
        %add3A_4224 = arith.addi %mul3A_3945, %add3A_4223 : i32
        %get3A_4225 = arith.index_cast %add3A_4224 : i32 to index
        %get3A_4226 = arith.constant 160 : index
        %get3A_4227 = tpu.vector_load %arg6[%get3A_4225, %get3A_4226] {strides = array<i32>} : memref<131x256xf32, #tpu.memory_space<vmem>>, vector<1x16xf32>,
        %get3A_4228 = vector.shape_cast %get3A_4227 : vector<1x16xf32> to vector<16xf32>
        %add3A_4229 = arith.addf %get3A_4222, %get3A_4228 : vector<16xf32>
        %add3A_4230 = arith.addf %add3A_4216, %add3A_4229 : vector<16xf32>
        %add3A_4231 = arith.addf %while3A_3938, %add3A_4230 : vector<16xf32>
        %get3A_4232 = arith.index_cast %mul3A_3945 : i32 to index
        %get3A_4233 = arith.constant 176 : index
        %get3A_4234 = tpu.vector_load %arg6[%get3A_4232, %get3A_4233] {strides = array<i32>} : memref<131x256xf32, #tpu.memory_space<vmem>>, vector<1x16xf32>,
        %get3A_4235 = vector.shape_cast %get3A_4234 : vector<1x16xf32> to vector<16xf32>
        %add3A_4236 = arith.constant 1 : i32
        %add3A_4237 = arith.addi %mul3A_3945, %add3A_4236 : i32
        %get3A_4238 = arith.index_cast %add3A_4237 : i32 to index
        %get3A_4239 = arith.constant 176 : index
        %get3A_4240 = tpu.vector_load %arg6[%get3A_4238, %get3A_4239] {strides = array<i32>} : memref<131x256xf32, #tpu.memory_space<vmem>>, vector<1x16xf32>,
        %get3A_4241 = vector.shape_cast %get3A_4240 : vector<1x16xf32> to vector<16xf32>
        %add3A_4242 = arith.addf %get3A_4235, %get3A_4241 : vector<16xf32>
        %add3A_4243 = arith.constant 2 : i32
        %add3A_4244 = arith.addi %mul3A_3945, %add3A_4243 : i32
        %get3A_4245 = arith.index_cast %add3A_4244 : i32 to index
        %get3A_4246 = arith.constant 176 : index
        %get3A_4247 = tpu.vector_load %arg6[%get3A_4245, %get3A_4246] {strides = array<i32>} : memref<131x256xf32, #tpu.memory_space<vmem>>, vector<1x16xf32>,
        %get3A_4248 = vector.shape_cast %get3A_4247 : vector<1x16xf32> to vector<16xf32>
        %add3A_4249 = arith.constant 3 : i32
        %add3A_4250 = arith.addi %mul3A_3945, %add3A_4249 : i32
        %get3A_4251 = arith.index_cast %add3A_4250 : i32 to index
        %get3A_4252 = arith.constant 176 : index
        %get3A_4253 = tpu.vector_load %arg6[%get3A_4251, %get3A_4252] {strides = array<i32>} : memref<131x256xf32, #tpu.memory_space<vmem>>, vector<1x16xf32>,
        %get3A_4254 = vector.shape_cast %get3A_4253 : vector<1x16xf32> to vector<16xf32>
        %add3A_4255 = arith.addf %get3A_4248, %get3A_4254 : vector<16xf32>
        %add3A_4256 = arith.addf %add3A_4242, %add3A_4255 : vector<16xf32>
        %add3A_4257 = arith.addf %while3A_3939, %add3A_4256 : vector<16xf32>
        %get3A_4258 = arith.index_cast %mul3A_3945 : i32 to index
        %get3A_4259 = arith.constant 192 : index
        %get3A_4260 = tpu.vector_load %arg6[%get3A_4258, %get3A_4259] {strides = array<i32>} : memref<131x256xf32, #tpu.memory_space<vmem>>, vector<1x16xf32>,
        %get3A_4261 = vector.shape_cast %get3A_4260 : vector<1x16xf32> to vector<16xf32>
        %add3A_4262 = arith.constant 1 : i32
        %add3A_4263 = arith.addi %mul3A_3945, %add3A_4262 : i32
        %get3A_4264 = arith.index_cast %add3A_4263 : i32 to index
        %get3A_4265 = arith.constant 192 : index
        %get3A_4266 = tpu.vector_load %arg6[%get3A_4264, %get3A_4265] {strides = array<i32>} : memref<131x256xf32, #tpu.memory_space<vmem>>, vector<1x16xf32>,
        %get3A_4267 = vector.shape_cast %get3A_4266 : vector<1x16xf32> to vector<16xf32>
        %add3A_4268 = arith.addf %get3A_4261, %get3A_4267 : vector<16xf32>
        %add3A_4269 = arith.constant 2 : i32
        %add3A_4270 = arith.addi %mul3A_3945, %add3A_4269 : i32
        %get3A_4271 = arith.index_cast %add3A_4270 : i32 to index
        %get3A_4272 = arith.constant 192 : index
        %get3A_4273 = tpu.vector_load %arg6[%get3A_4271, %get3A_4272] {strides = array<i32>} : memref<131x256xf32, #tpu.memory_space<vmem>>, vector<1x16xf32>,
        %get3A_4274 = vector.shape_cast %get3A_4273 : vector<1x16xf32> to vector<16xf32>
        %add3A_4275 = arith.constant 3 : i32
        %add3A_4276 = arith.addi %mul3A_3945, %add3A_4275 : i32
        %get3A_4277 = arith.index_cast %add3A_4276 : i32 to index
        %get3A_4278 = arith.constant 192 : index
        %get3A_4279 = tpu.vector_load %arg6[%get3A_4277, %get3A_4278] {strides = array<i32>} : memref<131x256xf32, #tpu.memory_space<vmem>>, vector<1x16xf32>,
        %get3A_4280 = vector.shape_cast %get3A_4279 : vector<1x16xf32> to vector<16xf32>
        %add3A_4281 = arith.addf %get3A_4274, %get3A_4280 : vector<16xf32>
        %add3A_4282 = arith.addf %add3A_4268, %add3A_4281 : vector<16xf32>
        %add3A_4283 = arith.addf %while3A_3940, %add3A_4282 : vector<16xf32>
        %get3A_4284 = arith.index_cast %mul3A_3945 : i32 to index
        %get3A_4285 = arith.constant 208 : index
        %get3A_4286 = tpu.vector_load %arg6[%get3A_4284, %get3A_4285] {strides = array<i32>} : memref<131x256xf32, #tpu.memory_space<vmem>>, vector<1x16xf32>,
        %get3A_4287 = vector.shape_cast %get3A_4286 : vector<1x16xf32> to vector<16xf32>
        %add3A_4288 = arith.constant 1 : i32
        %add3A_4289 = arith.addi %mul3A_3945, %add3A_4288 : i32
        %get3A_4290 = arith.index_cast %add3A_4289 : i32 to index
        %get3A_4291 = arith.constant 208 : index
        %get3A_4292 = tpu.vector_load %arg6[%get3A_4290, %get3A_4291] {strides = array<i32>} : memref<131x256xf32, #tpu.memory_space<vmem>>, vector<1x16xf32>,
        %get3A_4293 = vector.shape_cast %get3A_4292 : vector<1x16xf32> to vector<16xf32>
        %add3A_4294 = arith.addf %get3A_4287, %get3A_4293 : vector<16xf32>
        %add3A_4295 = arith.constant 2 : i32
        %add3A_4296 = arith.addi %mul3A_3945, %add3A_4295 : i32
        %get3A_4297 = arith.index_cast %add3A_4296 : i32 to index
        %get3A_4298 = arith.constant 208 : index
        %get3A_4299 = tpu.vector_load %arg6[%get3A_4297, %get3A_4298] {strides = array<i32>} : memref<131x256xf32, #tpu.memory_space<vmem>>, vector<1x16xf32>,
        %get3A_4300 = vector.shape_cast %get3A_4299 : vector<1x16xf32> to vector<16xf32>
        %add3A_4301 = arith.constant 3 : i32
        %add3A_4302 = arith.addi %mul3A_3945, %add3A_4301 : i32
        %get3A_4303 = arith.index_cast %add3A_4302 : i32 to index
        %get3A_4304 = arith.constant 208 : index
        %get3A_4305 = tpu.vector_load %arg6[%get3A_4303, %get3A_4304] {strides = array<i32>} : memref<131x256xf32, #tpu.memory_space<vmem>>, vector<1x16xf32>,
        %get3A_4306 = vector.shape_cast %get3A_4305 : vector<1x16xf32> to vector<16xf32>
        %add3A_4307 = arith.addf %get3A_4300, %get3A_4306 : vector<16xf32>
        %add3A_4308 = arith.addf %add3A_4294, %add3A_4307 : vector<16xf32>
        %add3A_4309 = arith.addf %while3A_3941, %add3A_4308 : vector<16xf32>
        %get3A_4310 = arith.index_cast %mul3A_3945 : i32 to index
        %get3A_4311 = arith.constant 224 : index
        %get3A_4312 = tpu.vector_load %arg6[%get3A_4310, %get3A_4311] {strides = array<i32>} : memref<131x256xf32, #tpu.memory_space<vmem>>, vector<1x16xf32>,
        %get3A_4313 = vector.shape_cast %get3A_4312 : vector<1x16xf32> to vector<16xf32>
        %add3A_4314 = arith.constant 1 : i32
        %add3A_4315 = arith.addi %mul3A_3945, %add3A_4314 : i32
        %get3A_4316 = arith.index_cast %add3A_4315 : i32 to index
        %get3A_4317 = arith.constant 224 : index
        %get3A_4318 = tpu.vector_load %arg6[%get3A_4316, %get3A_4317] {strides = array<i32>} : memref<131x256xf32, #tpu.memory_space<vmem>>, vector<1x16xf32>,
        %get3A_4319 = vector.shape_cast %get3A_4318 : vector<1x16xf32> to vector<16xf32>
        %add3A_4320 = arith.addf %get3A_4313, %get3A_4319 : vector<16xf32>
        %add3A_4321 = arith.constant 2 : i32
        %add3A_4322 = arith.addi %mul3A_3945, %add3A_4321 : i32
        %get3A_4323 = arith.index_cast %add3A_4322 : i32 to index
        %get3A_4324 = arith.constant 224 : index
        %get3A_4325 = tpu.vector_load %arg6[%get3A_4323, %get3A_4324] {strides = array<i32>} : memref<131x256xf32, #tpu.memory_space<vmem>>, vector<1x16xf32>,
        %get3A_4326 = vector.shape_cast %get3A_4325 : vector<1x16xf32> to vector<16xf32>
        %add3A_4327 = arith.constant 3 : i32
        %add3A_4328 = arith.addi %mul3A_3945, %add3A_4327 : i32
        %get3A_4329 = arith.index_cast %add3A_4328 : i32 to index
        %get3A_4330 = arith.constant 224 : index
        %get3A_4331 = tpu.vector_load %arg6[%get3A_4329, %get3A_4330] {strides = array<i32>} : memref<131x256xf32, #tpu.memory_space<vmem>>, vector<1x16xf32>,
        %get3A_4332 = vector.shape_cast %get3A_4331 : vector<1x16xf32> to vector<16xf32>
        %add3A_4333 = arith.addf %get3A_4326, %get3A_4332 : vector<16xf32>
        %add3A_4334 = arith.addf %add3A_4320, %add3A_4333 : vector<16xf32>
        %add3A_4335 = arith.addf %while3A_3942, %add3A_4334 : vector<16xf32>
        %get3A_4336 = arith.index_cast %mul3A_3945 : i32 to index
        %get3A_4337 = arith.constant 240 : index
        %get3A_4338 = tpu.vector_load %arg6[%get3A_4336, %get3A_4337] {strides = array<i32>} : memref<131x256xf32, #tpu.memory_space<vmem>>, vector<1x16xf32>,
        %get3A_4339 = vector.shape_cast %get3A_4338 : vector<1x16xf32> to vector<16xf32>
        %add3A_4340 = arith.constant 1 : i32
        %add3A_4341 = arith.addi %mul3A_3945, %add3A_4340 : i32
        %get3A_4342 = arith.index_cast %add3A_4341 : i32 to index
        %get3A_4343 = arith.constant 240 : index
        %get3A_4344 = tpu.vector_load %arg6[%get3A_4342, %get3A_4343] {strides = array<i32>} : memref<131x256xf32, #tpu.memory_space<vmem>>, vector<1x16xf32>,
        %get3A_4345 = vector.shape_cast %get3A_4344 : vector<1x16xf32> to vector<16xf32>
        %add3A_4346 = arith.addf %get3A_4339, %get3A_4345 : vector<16xf32>
        %add3A_4347 = arith.constant 2 : i32
        %add3A_4348 = arith.addi %mul3A_3945, %add3A_4347 : i32
        %get3A_4349 = arith.index_cast %add3A_4348 : i32 to index
        %get3A_4350 = arith.constant 240 : index
        %get3A_4351 = tpu.vector_load %arg6[%get3A_4349, %get3A_4350] {strides = array<i32>} : memref<131x256xf32, #tpu.memory_space<vmem>>, vector<1x16xf32>,
        %get3A_4352 = vector.shape_cast %get3A_4351 : vector<1x16xf32> to vector<16xf32>
        %add3A_4353 = arith.constant 3 : i32
        %add3A_4354 = arith.addi %mul3A_3945, %add3A_4353 : i32
        %get3A_4355 = arith.index_cast %add3A_4354 : i32 to index
        %get3A_4356 = arith.constant 240 : index
        %get3A_4357 = tpu.vector_load %arg6[%get3A_4355, %get3A_4356] {strides = array<i32>} : memref<131x256xf32, #tpu.memory_space<vmem>>, vector<1x16xf32>,
        %get3A_4358 = vector.shape_cast %get3A_4357 : vector<1x16xf32> to vector<16xf32>
        %add3A_4359 = arith.addf %get3A_4352, %get3A_4358 : vector<16xf32>
        %add3A_4360 = arith.addf %add3A_4346, %add3A_4359 : vector<16xf32>
        %add3A_4361 = arith.addf %while3A_3943, %add3A_4360 : vector<16xf32>
        scf.yield %add3A_3971, %add3A_3997, %add3A_4023, %add3A_4049, %add3A_4075, %add3A_4101, %add3A_4127, %add3A_4153, %add3A_4179, %add3A_4205, %add3A_4231, %add3A_4257, %add3A_4283, %add3A_4309, %add3A_4335, %add3A_4361 : vector<16xf32>, vector<16xf32>, vector<16xf32>, vector<16xf32>, vector<16xf32>, vector<16xf32>, vector<16xf32>, vector<16xf32>, vector<16xf32>, vector<16xf32>, vector<16xf32>, vector<16xf32>, vector<16xf32>, vector<16xf32>, vector<16xf32>, vector<16xf32>
      }
      %jit3A_225 = arith.constant 4 : i32
      %div3A_226 = arith.divsi %squeeze3A_122, %jit3A_225 : i32
      %sign3A_227 = arith.constant 0 : i32
      %sign3A_228 = arith.cmpi sgt, %squeeze3A_122, %sign3A_227 : i32
      %sign3A_229 = arith.extui %sign3A_228 : i1 to i32
      %sign3A_230 = arith.constant 0 : i32
      %sign3A_231 = arith.cmpi slt, %squeeze3A_122, %sign3A_230 : i32
      %sign3A_232 = arith.extui %sign3A_231 : i1 to i32
      %sign3A_233 = arith.subi %sign3A_229, %sign3A_232 : i32
      %sign3A_234 = arith.constant 0 : i32
      %sign3A_235 = arith.cmpi sgt, %jit3A_225, %sign3A_234 : i32
      %sign3A_236 = arith.extui %sign3A_235 : i1 to i32
      %sign3A_237 = arith.constant 0 : i32
      %sign3A_238 = arith.cmpi slt, %jit3A_225, %sign3A_237 : i32
      %sign3A_239 = arith.extui %sign3A_238 : i1 to i32
      %sign3A_240 = arith.subi %sign3A_236, %sign3A_239 : i32
      %ne3A_241 = arith.cmpi ne, %sign3A_233, %sign3A_240 : i32
      %rem3A_242 = arith.remsi %squeeze3A_122, %jit3A_225 : i32
      %ne3A_243 = arith.constant 0 : i32
      %ne3A_244 = arith.cmpi ne, %rem3A_242, %ne3A_243 : i32
      %and3A_245 = arith.andi %ne3A_241, %ne3A_244 : i1
      %sub3A_246 = arith.constant 1 : i32
      %sub3A_247 = arith.subi %div3A_226, %sub3A_246 : i32
      %select_n3A_248 = arith.select %and3A_245, %sub3A_247, %div3A_226 : i32
      %mul3A_249 = arith.constant 4 : i32
      %mul3A_250 = arith.muli %select_n3A_248, %mul3A_249 : i32
      %sub3A_251 = arith.subi %squeeze3A_122, %mul3A_250 : i32
      %broadcast_in_dim3A_252 = arith.constant 0.000000e+00 : f32
      %broadcast_in_dim3A_253 = vector.broadcast %broadcast_in_dim3A_252 : f32 to vector<16xf32>
      %gt3A = arith.constant 0 : i32
      %gt3A_254 = arith.cmpi sgt, %sub3A_251, %gt3A : i32
      %jit3A_255 = arith.constant 4 : i32
      %div3A_256 = arith.divsi %squeeze3A_122, %jit3A_255 : i32
      %sign3A_257 = arith.constant 0 : i32
      %sign3A_258 = arith.cmpi sgt, %squeeze3A_122, %sign3A_257 : i32
      %sign3A_259 = arith.extui %sign3A_258 : i1 to i32
      %sign3A_260 = arith.constant 0 : i32
      %sign3A_261 = arith.cmpi slt, %squeeze3A_122, %sign3A_260 : i32
      %sign3A_262 = arith.extui %sign3A_261 : i1 to i32
      %sign3A_263 = arith.subi %sign3A_259, %sign3A_262 : i32
      %sign3A_264 = arith.constant 0 : i32
      %sign3A_265 = arith.cmpi sgt, %jit3A_255, %sign3A_264 : i32
      %sign3A_266 = arith.extui %sign3A_265 : i1 to i32
      %sign3A_267 = arith.constant 0 : i32
      %sign3A_268 = arith.cmpi slt, %jit3A_255, %sign3A_267 : i32
      %sign3A_269 = arith.extui %sign3A_268 : i1 to i32
      %sign3A_270 = arith.subi %sign3A_266, %sign3A_269 : i32
      %ne3A_271 = arith.cmpi ne, %sign3A_263, %sign3A_270 : i32
      %rem3A_272 = arith.remsi %squeeze3A_122, %jit3A_255 : i32
      %ne3A_273 = arith.constant 0 : i32
      %ne3A_274 = arith.cmpi ne, %rem3A_272, %ne3A_273 : i32
      %and3A_275 = arith.andi %ne3A_271, %ne3A_274 : i1
      %sub3A_276 = arith.constant 1 : i32
      %sub3A_277 = arith.subi %div3A_256, %sub3A_276 : i32
      %select_n3A_278 = arith.select %and3A_275, %sub3A_277, %div3A_256 : i32
      %mul3A_279 = arith.constant 4 : i32
      %mul3A_280 = arith.muli %select_n3A_278, %mul3A_279 : i32
      %add3A_281 = arith.constant 0 : i32
      %add3A_282 = arith.addi %mul3A_280, %add3A_281 : i32
      %get3A_283 = arith.index_cast %add3A_282 : i32 to index
      %get3A_284 = arith.constant 0 : index
      %get3A_285 = tpu.vector_load %arg6[%get3A_283, %get3A_284] {strides = array<i32>} : memref<131x256xf32, #tpu.memory_space<vmem>>, vector<1x16xf32>,
      %get3A_286 = vector.shape_cast %get3A_285 : vector<1x16xf32> to vector<16xf32>
      %select_n3A_287 = arith.select %gt3A_254, %get3A_286, %broadcast_in_dim3A_253 : vector<16xf32>
      %add3A_288 = arith.addf %while3A_224#0, %select_n3A_287 : vector<16xf32>
      %jit3A_289 = arith.constant 4 : i32
      %div3A_290 = arith.divsi %squeeze3A_122, %jit3A_289 : i32
      %sign3A_291 = arith.constant 0 : i32
      %sign3A_292 = arith.cmpi sgt, %squeeze3A_122, %sign3A_291 : i32
      %sign3A_293 = arith.extui %sign3A_292 : i1 to i32
      %sign3A_294 = arith.constant 0 : i32
      %sign3A_295 = arith.cmpi slt, %squeeze3A_122, %sign3A_294 : i32
      %sign3A_296 = arith.extui %sign3A_295 : i1 to i32
      %sign3A_297 = arith.subi %sign3A_293, %sign3A_296 : i32
      %sign3A_298 = arith.constant 0 : i32
      %sign3A_299 = arith.cmpi sgt, %jit3A_289, %sign3A_298 : i32
      %sign3A_300 = arith.extui %sign3A_299 : i1 to i32
      %sign3A_301 = arith.constant 0 : i32
      %sign3A_302 = arith.cmpi slt, %jit3A_289, %sign3A_301 : i32
      %sign3A_303 = arith.extui %sign3A_302 : i1 to i32
      %sign3A_304 = arith.subi %sign3A_300, %sign3A_303 : i32
      %ne3A_305 = arith.cmpi ne, %sign3A_297, %sign3A_304 : i32
      %rem3A_306 = arith.remsi %squeeze3A_122, %jit3A_289 : i32
      %ne3A_307 = arith.constant 0 : i32
      %ne3A_308 = arith.cmpi ne, %rem3A_306, %ne3A_307 : i32
      %and3A_309 = arith.andi %ne3A_305, %ne3A_308 : i1
      %sub3A_310 = arith.constant 1 : i32
      %sub3A_311 = arith.subi %div3A_290, %sub3A_310 : i32
      %select_n3A_312 = arith.select %and3A_309, %sub3A_311, %div3A_290 : i32
      %mul3A_313 = arith.constant 4 : i32
      %mul3A_314 = arith.muli %select_n3A_312, %mul3A_313 : i32
      %add3A_315 = arith.constant 0 : i32
      %add3A_316 = arith.addi %mul3A_314, %add3A_315 : i32
      %get3A_317 = arith.index_cast %add3A_316 : i32 to index
      %get3A_318 = arith.constant 16 : index
      %get3A_319 = tpu.vector_load %arg6[%get3A_317, %get3A_318] {strides = array<i32>} : memref<131x256xf32, #tpu.memory_space<vmem>>, vector<1x16xf32>,
      %get3A_320 = vector.shape_cast %get3A_319 : vector<1x16xf32> to vector<16xf32>
      %select_n3A_321 = arith.select %gt3A_254, %get3A_320, %broadcast_in_dim3A_253 : vector<16xf32>
      %add3A_322 = arith.addf %while3A_224#1, %select_n3A_321 : vector<16xf32>
      %jit3A_323 = arith.constant 4 : i32
      %div3A_324 = arith.divsi %squeeze3A_122, %jit3A_323 : i32
      %sign3A_325 = arith.constant 0 : i32
      %sign3A_326 = arith.cmpi sgt, %squeeze3A_122, %sign3A_325 : i32
      %sign3A_327 = arith.extui %sign3A_326 : i1 to i32
      %sign3A_328 = arith.constant 0 : i32
      %sign3A_329 = arith.cmpi slt, %squeeze3A_122, %sign3A_328 : i32
      %sign3A_330 = arith.extui %sign3A_329 : i1 to i32
      %sign3A_331 = arith.subi %sign3A_327, %sign3A_330 : i32
      %sign3A_332 = arith.constant 0 : i32
      %sign3A_333 = arith.cmpi sgt, %jit3A_323, %sign3A_332 : i32
      %sign3A_334 = arith.extui %sign3A_333 : i1 to i32
      %sign3A_335 = arith.constant 0 : i32
      %sign3A_336 = arith.cmpi slt, %jit3A_323, %sign3A_335 : i32
      %sign3A_337 = arith.extui %sign3A_336 : i1 to i32
      %sign3A_338 = arith.subi %sign3A_334, %sign3A_337 : i32
      %ne3A_339 = arith.cmpi ne, %sign3A_331, %sign3A_338 : i32
      %rem3A_340 = arith.remsi %squeeze3A_122, %jit3A_323 : i32
      %ne3A_341 = arith.constant 0 : i32
      %ne3A_342 = arith.cmpi ne, %rem3A_340, %ne3A_341 : i32
      %and3A_343 = arith.andi %ne3A_339, %ne3A_342 : i1
      %sub3A_344 = arith.constant 1 : i32
      %sub3A_345 = arith.subi %div3A_324, %sub3A_344 : i32
      %select_n3A_346 = arith.select %and3A_343, %sub3A_345, %div3A_324 : i32
      %mul3A_347 = arith.constant 4 : i32
      %mul3A_348 = arith.muli %select_n3A_346, %mul3A_347 : i32
      %add3A_349 = arith.constant 0 : i32
      %add3A_350 = arith.addi %mul3A_348, %add3A_349 : i32
      %get3A_351 = arith.index_cast %add3A_350 : i32 to index
      %get3A_352 = arith.constant 32 : index
      %get3A_353 = tpu.vector_load %arg6[%get3A_351, %get3A_352] {strides = array<i32>} : memref<131x256xf32, #tpu.memory_space<vmem>>, vector<1x16xf32>,
      %get3A_354 = vector.shape_cast %get3A_353 : vector<1x16xf32> to vector<16xf32>
      %select_n3A_355 = arith.select %gt3A_254, %get3A_354, %broadcast_in_dim3A_253 : vector<16xf32>
      %add3A_356 = arith.addf %while3A_224#2, %select_n3A_355 : vector<16xf32>
      %jit3A_357 = arith.constant 4 : i32
      %div3A_358 = arith.divsi %squeeze3A_122, %jit3A_357 : i32
      %sign3A_359 = arith.constant 0 : i32
      %sign3A_360 = arith.cmpi sgt, %squeeze3A_122, %sign3A_359 : i32
      %sign3A_361 = arith.extui %sign3A_360 : i1 to i32
      %sign3A_362 = arith.constant 0 : i32
      %sign3A_363 = arith.cmpi slt, %squeeze3A_122, %sign3A_362 : i32
      %sign3A_364 = arith.extui %sign3A_363 : i1 to i32
      %sign3A_365 = arith.subi %sign3A_361, %sign3A_364 : i32
      %sign3A_366 = arith.constant 0 : i32
      %sign3A_367 = arith.cmpi sgt, %jit3A_357, %sign3A_366 : i32
      %sign3A_368 = arith.extui %sign3A_367 : i1 to i32
      %sign3A_369 = arith.constant 0 : i32
      %sign3A_370 = arith.cmpi slt, %jit3A_357, %sign3A_369 : i32
      %sign3A_371 = arith.extui %sign3A_370 : i1 to i32
      %sign3A_372 = arith.subi %sign3A_368, %sign3A_371 : i32
      %ne3A_373 = arith.cmpi ne, %sign3A_365, %sign3A_372 : i32
      %rem3A_374 = arith.remsi %squeeze3A_122, %jit3A_357 : i32
      %ne3A_375 = arith.constant 0 : i32
      %ne3A_376 = arith.cmpi ne, %rem3A_374, %ne3A_375 : i32
      %and3A_377 = arith.andi %ne3A_373, %ne3A_376 : i1
      %sub3A_378 = arith.constant 1 : i32
      %sub3A_379 = arith.subi %div3A_358, %sub3A_378 : i32
      %select_n3A_380 = arith.select %and3A_377, %sub3A_379, %div3A_358 : i32
      %mul3A_381 = arith.constant 4 : i32
      %mul3A_382 = arith.muli %select_n3A_380, %mul3A_381 : i32
      %add3A_383 = arith.constant 0 : i32
      %add3A_384 = arith.addi %mul3A_382, %add3A_383 : i32
      %get3A_385 = arith.index_cast %add3A_384 : i32 to index
      %get3A_386 = arith.constant 48 : index
      %get3A_387 = tpu.vector_load %arg6[%get3A_385, %get3A_386] {strides = array<i32>} : memref<131x256xf32, #tpu.memory_space<vmem>>, vector<1x16xf32>,
      %get3A_388 = vector.shape_cast %get3A_387 : vector<1x16xf32> to vector<16xf32>
      %select_n3A_389 = arith.select %gt3A_254, %get3A_388, %broadcast_in_dim3A_253 : vector<16xf32>
      %add3A_390 = arith.addf %while3A_224#3, %select_n3A_389 : vector<16xf32>
      %jit3A_391 = arith.constant 4 : i32
      %div3A_392 = arith.divsi %squeeze3A_122, %jit3A_391 : i32
      %sign3A_393 = arith.constant 0 : i32
      %sign3A_394 = arith.cmpi sgt, %squeeze3A_122, %sign3A_393 : i32
      %sign3A_395 = arith.extui %sign3A_394 : i1 to i32
      %sign3A_396 = arith.constant 0 : i32
      %sign3A_397 = arith.cmpi slt, %squeeze3A_122, %sign3A_396 : i32
      %sign3A_398 = arith.extui %sign3A_397 : i1 to i32
      %sign3A_399 = arith.subi %sign3A_395, %sign3A_398 : i32
      %sign3A_400 = arith.constant 0 : i32
      %sign3A_401 = arith.cmpi sgt, %jit3A_391, %sign3A_400 : i32
      %sign3A_402 = arith.extui %sign3A_401 : i1 to i32
      %sign3A_403 = arith.constant 0 : i32
      %sign3A_404 = arith.cmpi slt, %jit3A_391, %sign3A_403 : i32
      %sign3A_405 = arith.extui %sign3A_404 : i1 to i32
      %sign3A_406 = arith.subi %sign3A_402, %sign3A_405 : i32
      %ne3A_407 = arith.cmpi ne, %sign3A_399, %sign3A_406 : i32
      %rem3A_408 = arith.remsi %squeeze3A_122, %jit3A_391 : i32
      %ne3A_409 = arith.constant 0 : i32
      %ne3A_410 = arith.cmpi ne, %rem3A_408, %ne3A_409 : i32
      %and3A_411 = arith.andi %ne3A_407, %ne3A_410 : i1
      %sub3A_412 = arith.constant 1 : i32
      %sub3A_413 = arith.subi %div3A_392, %sub3A_412 : i32
      %select_n3A_414 = arith.select %and3A_411, %sub3A_413, %div3A_392 : i32
      %mul3A_415 = arith.constant 4 : i32
      %mul3A_416 = arith.muli %select_n3A_414, %mul3A_415 : i32
      %add3A_417 = arith.constant 0 : i32
      %add3A_418 = arith.addi %mul3A_416, %add3A_417 : i32
      %get3A_419 = arith.index_cast %add3A_418 : i32 to index
      %get3A_420 = arith.constant 64 : index
      %get3A_421 = tpu.vector_load %arg6[%get3A_419, %get3A_420] {strides = array<i32>} : memref<131x256xf32, #tpu.memory_space<vmem>>, vector<1x16xf32>,
      %get3A_422 = vector.shape_cast %get3A_421 : vector<1x16xf32> to vector<16xf32>
      %select_n3A_423 = arith.select %gt3A_254, %get3A_422, %broadcast_in_dim3A_253 : vector<16xf32>
      %add3A_424 = arith.addf %while3A_224#4, %select_n3A_423 : vector<16xf32>
      %jit3A_425 = arith.constant 4 : i32
      %div3A_426 = arith.divsi %squeeze3A_122, %jit3A_425 : i32
      %sign3A_427 = arith.constant 0 : i32
      %sign3A_428 = arith.cmpi sgt, %squeeze3A_122, %sign3A_427 : i32
      %sign3A_429 = arith.extui %sign3A_428 : i1 to i32
      %sign3A_430 = arith.constant 0 : i32
      %sign3A_431 = arith.cmpi slt, %squeeze3A_122, %sign3A_430 : i32
      %sign3A_432 = arith.extui %sign3A_431 : i1 to i32
      %sign3A_433 = arith.subi %sign3A_429, %sign3A_432 : i32
      %sign3A_434 = arith.constant 0 : i32
      %sign3A_435 = arith.cmpi sgt, %jit3A_425, %sign3A_434 : i32
      %sign3A_436 = arith.extui %sign3A_435 : i1 to i32
      %sign3A_437 = arith.constant 0 : i32
      %sign3A_438 = arith.cmpi slt, %jit3A_425, %sign3A_437 : i32
      %sign3A_439 = arith.extui %sign3A_438 : i1 to i32
      %sign3A_440 = arith.subi %sign3A_436, %sign3A_439 : i32
      %ne3A_441 = arith.cmpi ne, %sign3A_433, %sign3A_440 : i32
      %rem3A_442 = arith.remsi %squeeze3A_122, %jit3A_425 : i32
      %ne3A_443 = arith.constant 0 : i32
      %ne3A_444 = arith.cmpi ne, %rem3A_442, %ne3A_443 : i32
      %and3A_445 = arith.andi %ne3A_441, %ne3A_444 : i1
      %sub3A_446 = arith.constant 1 : i32
      %sub3A_447 = arith.subi %div3A_426, %sub3A_446 : i32
      %select_n3A_448 = arith.select %and3A_445, %sub3A_447, %div3A_426 : i32
      %mul3A_449 = arith.constant 4 : i32
      %mul3A_450 = arith.muli %select_n3A_448, %mul3A_449 : i32
      %add3A_451 = arith.constant 0 : i32
      %add3A_452 = arith.addi %mul3A_450, %add3A_451 : i32
      %get3A_453 = arith.index_cast %add3A_452 : i32 to index
      %get3A_454 = arith.constant 80 : index
      %get3A_455 = tpu.vector_load %arg6[%get3A_453, %get3A_454] {strides = array<i32>} : memref<131x256xf32, #tpu.memory_space<vmem>>, vector<1x16xf32>,
      %get3A_456 = vector.shape_cast %get3A_455 : vector<1x16xf32> to vector<16xf32>
      %select_n3A_457 = arith.select %gt3A_254, %get3A_456, %broadcast_in_dim3A_253 : vector<16xf32>
      %add3A_458 = arith.addf %while3A_224#5, %select_n3A_457 : vector<16xf32>
      %jit3A_459 = arith.constant 4 : i32
      %div3A_460 = arith.divsi %squeeze3A_122, %jit3A_459 : i32
      %sign3A_461 = arith.constant 0 : i32
      %sign3A_462 = arith.cmpi sgt, %squeeze3A_122, %sign3A_461 : i32
      %sign3A_463 = arith.extui %sign3A_462 : i1 to i32
      %sign3A_464 = arith.constant 0 : i32
      %sign3A_465 = arith.cmpi slt, %squeeze3A_122, %sign3A_464 : i32
      %sign3A_466 = arith.extui %sign3A_465 : i1 to i32
      %sign3A_467 = arith.subi %sign3A_463, %sign3A_466 : i32
      %sign3A_468 = arith.constant 0 : i32
      %sign3A_469 = arith.cmpi sgt, %jit3A_459, %sign3A_468 : i32
      %sign3A_470 = arith.extui %sign3A_469 : i1 to i32
      %sign3A_471 = arith.constant 0 : i32
      %sign3A_472 = arith.cmpi slt, %jit3A_459, %sign3A_471 : i32
      %sign3A_473 = arith.extui %sign3A_472 : i1 to i32
      %sign3A_474 = arith.subi %sign3A_470, %sign3A_473 : i32
      %ne3A_475 = arith.cmpi ne, %sign3A_467, %sign3A_474 : i32
      %rem3A_476 = arith.remsi %squeeze3A_122, %jit3A_459 : i32
      %ne3A_477 = arith.constant 0 : i32
      %ne3A_478 = arith.cmpi ne, %rem3A_476, %ne3A_477 : i32
      %and3A_479 = arith.andi %ne3A_475, %ne3A_478 : i1
      %sub3A_480 = arith.constant 1 : i32
      %sub3A_481 = arith.subi %div3A_460, %sub3A_480 : i32
      %select_n3A_482 = arith.select %and3A_479, %sub3A_481, %div3A_460 : i32
      %mul3A_483 = arith.constant 4 : i32
      %mul3A_484 = arith.muli %select_n3A_482, %mul3A_483 : i32
      %add3A_485 = arith.constant 0 : i32
      %add3A_486 = arith.addi %mul3A_484, %add3A_485 : i32
      %get3A_487 = arith.index_cast %add3A_486 : i32 to index
      %get3A_488 = arith.constant 96 : index
      %get3A_489 = tpu.vector_load %arg6[%get3A_487, %get3A_488] {strides = array<i32>} : memref<131x256xf32, #tpu.memory_space<vmem>>, vector<1x16xf32>,
      %get3A_490 = vector.shape_cast %get3A_489 : vector<1x16xf32> to vector<16xf32>
      %select_n3A_491 = arith.select %gt3A_254, %get3A_490, %broadcast_in_dim3A_253 : vector<16xf32>
      %add3A_492 = arith.addf %while3A_224#6, %select_n3A_491 : vector<16xf32>
      %jit3A_493 = arith.constant 4 : i32
      %div3A_494 = arith.divsi %squeeze3A_122, %jit3A_493 : i32
      %sign3A_495 = arith.constant 0 : i32
      %sign3A_496 = arith.cmpi sgt, %squeeze3A_122, %sign3A_495 : i32
      %sign3A_497 = arith.extui %sign3A_496 : i1 to i32
      %sign3A_498 = arith.constant 0 : i32
      %sign3A_499 = arith.cmpi slt, %squeeze3A_122, %sign3A_498 : i32
      %sign3A_500 = arith.extui %sign3A_499 : i1 to i32
      %sign3A_501 = arith.subi %sign3A_497, %sign3A_500 : i32
      %sign3A_502 = arith.constant 0 : i32
      %sign3A_503 = arith.cmpi sgt, %jit3A_493, %sign3A_502 : i32
      %sign3A_504 = arith.extui %sign3A_503 : i1 to i32
      %sign3A_505 = arith.constant 0 : i32
      %sign3A_506 = arith.cmpi slt, %jit3A_493, %sign3A_505 : i32
      %sign3A_507 = arith.extui %sign3A_506 : i1 to i32
      %sign3A_508 = arith.subi %sign3A_504, %sign3A_507 : i32
      %ne3A_509 = arith.cmpi ne, %sign3A_501, %sign3A_508 : i32
      %rem3A_510 = arith.remsi %squeeze3A_122, %jit3A_493 : i32
      %ne3A_511 = arith.constant 0 : i32
      %ne3A_512 = arith.cmpi ne, %rem3A_510, %ne3A_511 : i32
      %and3A_513 = arith.andi %ne3A_509, %ne3A_512 : i1
      %sub3A_514 = arith.constant 1 : i32
      %sub3A_515 = arith.subi %div3A_494, %sub3A_514 : i32
      %select_n3A_516 = arith.select %and3A_513, %sub3A_515, %div3A_494 : i32
      %mul3A_517 = arith.constant 4 : i32
      %mul3A_518 = arith.muli %select_n3A_516, %mul3A_517 : i32
      %add3A_519 = arith.constant 0 : i32
      %add3A_520 = arith.addi %mul3A_518, %add3A_519 : i32
      %get3A_521 = arith.index_cast %add3A_520 : i32 to index
      %get3A_522 = arith.constant 112 : index
      %get3A_523 = tpu.vector_load %arg6[%get3A_521, %get3A_522] {strides = array<i32>} : memref<131x256xf32, #tpu.memory_space<vmem>>, vector<1x16xf32>,
      %get3A_524 = vector.shape_cast %get3A_523 : vector<1x16xf32> to vector<16xf32>
      %select_n3A_525 = arith.select %gt3A_254, %get3A_524, %broadcast_in_dim3A_253 : vector<16xf32>
      %add3A_526 = arith.addf %while3A_224#7, %select_n3A_525 : vector<16xf32>
      %jit3A_527 = arith.constant 4 : i32
      %div3A_528 = arith.divsi %squeeze3A_122, %jit3A_527 : i32
      %sign3A_529 = arith.constant 0 : i32
      %sign3A_530 = arith.cmpi sgt, %squeeze3A_122, %sign3A_529 : i32
      %sign3A_531 = arith.extui %sign3A_530 : i1 to i32
      %sign3A_532 = arith.constant 0 : i32
      %sign3A_533 = arith.cmpi slt, %squeeze3A_122, %sign3A_532 : i32
      %sign3A_534 = arith.extui %sign3A_533 : i1 to i32
      %sign3A_535 = arith.subi %sign3A_531, %sign3A_534 : i32
      %sign3A_536 = arith.constant 0 : i32
      %sign3A_537 = arith.cmpi sgt, %jit3A_527, %sign3A_536 : i32
      %sign3A_538 = arith.extui %sign3A_537 : i1 to i32
      %sign3A_539 = arith.constant 0 : i32
      %sign3A_540 = arith.cmpi slt, %jit3A_527, %sign3A_539 : i32
      %sign3A_541 = arith.extui %sign3A_540 : i1 to i32
      %sign3A_542 = arith.subi %sign3A_538, %sign3A_541 : i32
      %ne3A_543 = arith.cmpi ne, %sign3A_535, %sign3A_542 : i32
      %rem3A_544 = arith.remsi %squeeze3A_122, %jit3A_527 : i32
      %ne3A_545 = arith.constant 0 : i32
      %ne3A_546 = arith.cmpi ne, %rem3A_544, %ne3A_545 : i32
      %and3A_547 = arith.andi %ne3A_543, %ne3A_546 : i1
      %sub3A_548 = arith.constant 1 : i32
      %sub3A_549 = arith.subi %div3A_528, %sub3A_548 : i32
      %select_n3A_550 = arith.select %and3A_547, %sub3A_549, %div3A_528 : i32
      %mul3A_551 = arith.constant 4 : i32
      %mul3A_552 = arith.muli %select_n3A_550, %mul3A_551 : i32
      %add3A_553 = arith.constant 0 : i32
      %add3A_554 = arith.addi %mul3A_552, %add3A_553 : i32
      %get3A_555 = arith.index_cast %add3A_554 : i32 to index
      %get3A_556 = arith.constant 128 : index
      %get3A_557 = tpu.vector_load %arg6[%get3A_555, %get3A_556] {strides = array<i32>} : memref<131x256xf32, #tpu.memory_space<vmem>>, vector<1x16xf32>,
      %get3A_558 = vector.shape_cast %get3A_557 : vector<1x16xf32> to vector<16xf32>
      %select_n3A_559 = arith.select %gt3A_254, %get3A_558, %broadcast_in_dim3A_253 : vector<16xf32>
      %add3A_560 = arith.addf %while3A_224#8, %select_n3A_559 : vector<16xf32>
      %jit3A_561 = arith.constant 4 : i32
      %div3A_562 = arith.divsi %squeeze3A_122, %jit3A_561 : i32
      %sign3A_563 = arith.constant 0 : i32
      %sign3A_564 = arith.cmpi sgt, %squeeze3A_122, %sign3A_563 : i32
      %sign3A_565 = arith.extui %sign3A_564 : i1 to i32
      %sign3A_566 = arith.constant 0 : i32
      %sign3A_567 = arith.cmpi slt, %squeeze3A_122, %sign3A_566 : i32
      %sign3A_568 = arith.extui %sign3A_567 : i1 to i32
      %sign3A_569 = arith.subi %sign3A_565, %sign3A_568 : i32
      %sign3A_570 = arith.constant 0 : i32
      %sign3A_571 = arith.cmpi sgt, %jit3A_561, %sign3A_570 : i32
      %sign3A_572 = arith.extui %sign3A_571 : i1 to i32
      %sign3A_573 = arith.constant 0 : i32
      %sign3A_574 = arith.cmpi slt, %jit3A_561, %sign3A_573 : i32
      %sign3A_575 = arith.extui %sign3A_574 : i1 to i32
      %sign3A_576 = arith.subi %sign3A_572, %sign3A_575 : i32
      %ne3A_577 = arith.cmpi ne, %sign3A_569, %sign3A_576 : i32
      %rem3A_578 = arith.remsi %squeeze3A_122, %jit3A_561 : i32
      %ne3A_579 = arith.constant 0 : i32
      %ne3A_580 = arith.cmpi ne, %rem3A_578, %ne3A_579 : i32
      %and3A_581 = arith.andi %ne3A_577, %ne3A_580 : i1
      %sub3A_582 = arith.constant 1 : i32
      %sub3A_583 = arith.subi %div3A_562, %sub3A_582 : i32
      %select_n3A_584 = arith.select %and3A_581, %sub3A_583, %div3A_562 : i32
      %mul3A_585 = arith.constant 4 : i32
      %mul3A_586 = arith.muli %select_n3A_584, %mul3A_585 : i32
      %add3A_587 = arith.constant 0 : i32
      %add3A_588 = arith.addi %mul3A_586, %add3A_587 : i32
      %get3A_589 = arith.index_cast %add3A_588 : i32 to index
      %get3A_590 = arith.constant 144 : index
      %get3A_591 = tpu.vector_load %arg6[%get3A_589, %get3A_590] {strides = array<i32>} : memref<131x256xf32, #tpu.memory_space<vmem>>, vector<1x16xf32>,
      %get3A_592 = vector.shape_cast %get3A_591 : vector<1x16xf32> to vector<16xf32>
      %select_n3A_593 = arith.select %gt3A_254, %get3A_592, %broadcast_in_dim3A_253 : vector<16xf32>
      %add3A_594 = arith.addf %while3A_224#9, %select_n3A_593 : vector<16xf32>
      %jit3A_595 = arith.constant 4 : i32
      %div3A_596 = arith.divsi %squeeze3A_122, %jit3A_595 : i32
      %sign3A_597 = arith.constant 0 : i32
      %sign3A_598 = arith.cmpi sgt, %squeeze3A_122, %sign3A_597 : i32
      %sign3A_599 = arith.extui %sign3A_598 : i1 to i32
      %sign3A_600 = arith.constant 0 : i32
      %sign3A_601 = arith.cmpi slt, %squeeze3A_122, %sign3A_600 : i32
      %sign3A_602 = arith.extui %sign3A_601 : i1 to i32
      %sign3A_603 = arith.subi %sign3A_599, %sign3A_602 : i32
      %sign3A_604 = arith.constant 0 : i32
      %sign3A_605 = arith.cmpi sgt, %jit3A_595, %sign3A_604 : i32
      %sign3A_606 = arith.extui %sign3A_605 : i1 to i32
      %sign3A_607 = arith.constant 0 : i32
      %sign3A_608 = arith.cmpi slt, %jit3A_595, %sign3A_607 : i32
      %sign3A_609 = arith.extui %sign3A_608 : i1 to i32
      %sign3A_610 = arith.subi %sign3A_606, %sign3A_609 : i32
      %ne3A_611 = arith.cmpi ne, %sign3A_603, %sign3A_610 : i32
      %rem3A_612 = arith.remsi %squeeze3A_122, %jit3A_595 : i32
      %ne3A_613 = arith.constant 0 : i32
      %ne3A_614 = arith.cmpi ne, %rem3A_612, %ne3A_613 : i32
      %and3A_615 = arith.andi %ne3A_611, %ne3A_614 : i1
      %sub3A_616 = arith.constant 1 : i32
      %sub3A_617 = arith.subi %div3A_596, %sub3A_616 : i32
      %select_n3A_618 = arith.select %and3A_615, %sub3A_617, %div3A_596 : i32
      %mul3A_619 = arith.constant 4 : i32
      %mul3A_620 = arith.muli %select_n3A_618, %mul3A_619 : i32
      %add3A_621 = arith.constant 0 : i32
      %add3A_622 = arith.addi %mul3A_620, %add3A_621 : i32
      %get3A_623 = arith.index_cast %add3A_622 : i32 to index
      %get3A_624 = arith.constant 160 : index
      %get3A_625 = tpu.vector_load %arg6[%get3A_623, %get3A_624] {strides = array<i32>} : memref<131x256xf32, #tpu.memory_space<vmem>>, vector<1x16xf32>,
      %get3A_626 = vector.shape_cast %get3A_625 : vector<1x16xf32> to vector<16xf32>
      %select_n3A_627 = arith.select %gt3A_254, %get3A_626, %broadcast_in_dim3A_253 : vector<16xf32>
      %add3A_628 = arith.addf %while3A_224#10, %select_n3A_627 : vector<16xf32>
      %jit3A_629 = arith.constant 4 : i32
      %div3A_630 = arith.divsi %squeeze3A_122, %jit3A_629 : i32
      %sign3A_631 = arith.constant 0 : i32
      %sign3A_632 = arith.cmpi sgt, %squeeze3A_122, %sign3A_631 : i32
      %sign3A_633 = arith.extui %sign3A_632 : i1 to i32
      %sign3A_634 = arith.constant 0 : i32
      %sign3A_635 = arith.cmpi slt, %squeeze3A_122, %sign3A_634 : i32
      %sign3A_636 = arith.extui %sign3A_635 : i1 to i32
      %sign3A_637 = arith.subi %sign3A_633, %sign3A_636 : i32
      %sign3A_638 = arith.constant 0 : i32
      %sign3A_639 = arith.cmpi sgt, %jit3A_629, %sign3A_638 : i32
      %sign3A_640 = arith.extui %sign3A_639 : i1 to i32
      %sign3A_641 = arith.constant 0 : i32
      %sign3A_642 = arith.cmpi slt, %jit3A_629, %sign3A_641 : i32
      %sign3A_643 = arith.extui %sign3A_642 : i1 to i32
      %sign3A_644 = arith.subi %sign3A_640, %sign3A_643 : i32
      %ne3A_645 = arith.cmpi ne, %sign3A_637, %sign3A_644 : i32
      %rem3A_646 = arith.remsi %squeeze3A_122, %jit3A_629 : i32
      %ne3A_647 = arith.constant 0 : i32
      %ne3A_648 = arith.cmpi ne, %rem3A_646, %ne3A_647 : i32
      %and3A_649 = arith.andi %ne3A_645, %ne3A_648 : i1
      %sub3A_650 = arith.constant 1 : i32
      %sub3A_651 = arith.subi %div3A_630, %sub3A_650 : i32
      %select_n3A_652 = arith.select %and3A_649, %sub3A_651, %div3A_630 : i32
      %mul3A_653 = arith.constant 4 : i32
      %mul3A_654 = arith.muli %select_n3A_652, %mul3A_653 : i32
      %add3A_655 = arith.constant 0 : i32
      %add3A_656 = arith.addi %mul3A_654, %add3A_655 : i32
      %get3A_657 = arith.index_cast %add3A_656 : i32 to index
      %get3A_658 = arith.constant 176 : index
      %get3A_659 = tpu.vector_load %arg6[%get3A_657, %get3A_658] {strides = array<i32>} : memref<131x256xf32, #tpu.memory_space<vmem>>, vector<1x16xf32>,
      %get3A_660 = vector.shape_cast %get3A_659 : vector<1x16xf32> to vector<16xf32>
      %select_n3A_661 = arith.select %gt3A_254, %get3A_660, %broadcast_in_dim3A_253 : vector<16xf32>
      %add3A_662 = arith.addf %while3A_224#11, %select_n3A_661 : vector<16xf32>
      %jit3A_663 = arith.constant 4 : i32
      %div3A_664 = arith.divsi %squeeze3A_122, %jit3A_663 : i32
      %sign3A_665 = arith.constant 0 : i32
      %sign3A_666 = arith.cmpi sgt, %squeeze3A_122, %sign3A_665 : i32
      %sign3A_667 = arith.extui %sign3A_666 : i1 to i32
      %sign3A_668 = arith.constant 0 : i32
      %sign3A_669 = arith.cmpi slt, %squeeze3A_122, %sign3A_668 : i32
      %sign3A_670 = arith.extui %sign3A_669 : i1 to i32
      %sign3A_671 = arith.subi %sign3A_667, %sign3A_670 : i32
      %sign3A_672 = arith.constant 0 : i32
      %sign3A_673 = arith.cmpi sgt, %jit3A_663, %sign3A_672 : i32
      %sign3A_674 = arith.extui %sign3A_673 : i1 to i32
      %sign3A_675 = arith.constant 0 : i32
      %sign3A_676 = arith.cmpi slt, %jit3A_663, %sign3A_675 : i32
      %sign3A_677 = arith.extui %sign3A_676 : i1 to i32
      %sign3A_678 = arith.subi %sign3A_674, %sign3A_677 : i32
      %ne3A_679 = arith.cmpi ne, %sign3A_671, %sign3A_678 : i32
      %rem3A_680 = arith.remsi %squeeze3A_122, %jit3A_663 : i32
      %ne3A_681 = arith.constant 0 : i32
      %ne3A_682 = arith.cmpi ne, %rem3A_680, %ne3A_681 : i32
      %and3A_683 = arith.andi %ne3A_679, %ne3A_682 : i1
      %sub3A_684 = arith.constant 1 : i32
      %sub3A_685 = arith.subi %div3A_664, %sub3A_684 : i32
      %select_n3A_686 = arith.select %and3A_683, %sub3A_685, %div3A_664 : i32
      %mul3A_687 = arith.constant 4 : i32
      %mul3A_688 = arith.muli %select_n3A_686, %mul3A_687 : i32
      %add3A_689 = arith.constant 0 : i32
      %add3A_690 = arith.addi %mul3A_688, %add3A_689 : i32
      %get3A_691 = arith.index_cast %add3A_690 : i32 to index
      %get3A_692 = arith.constant 192 : index
      %get3A_693 = tpu.vector_load %arg6[%get3A_691, %get3A_692] {strides = array<i32>} : memref<131x256xf32, #tpu.memory_space<vmem>>, vector<1x16xf32>,
      %get3A_694 = vector.shape_cast %get3A_693 : vector<1x16xf32> to vector<16xf32>
      %select_n3A_695 = arith.select %gt3A_254, %get3A_694, %broadcast_in_dim3A_253 : vector<16xf32>
      %add3A_696 = arith.addf %while3A_224#12, %select_n3A_695 : vector<16xf32>
      %jit3A_697 = arith.constant 4 : i32
      %div3A_698 = arith.divsi %squeeze3A_122, %jit3A_697 : i32
      %sign3A_699 = arith.constant 0 : i32
      %sign3A_700 = arith.cmpi sgt, %squeeze3A_122, %sign3A_699 : i32
      %sign3A_701 = arith.extui %sign3A_700 : i1 to i32
      %sign3A_702 = arith.constant 0 : i32
      %sign3A_703 = arith.cmpi slt, %squeeze3A_122, %sign3A_702 : i32
      %sign3A_704 = arith.extui %sign3A_703 : i1 to i32
      %sign3A_705 = arith.subi %sign3A_701, %sign3A_704 : i32
      %sign3A_706 = arith.constant 0 : i32
      %sign3A_707 = arith.cmpi sgt, %jit3A_697, %sign3A_706 : i32
      %sign3A_708 = arith.extui %sign3A_707 : i1 to i32
      %sign3A_709 = arith.constant 0 : i32
      %sign3A_710 = arith.cmpi slt, %jit3A_697, %sign3A_709 : i32
      %sign3A_711 = arith.extui %sign3A_710 : i1 to i32
      %sign3A_712 = arith.subi %sign3A_708, %sign3A_711 : i32
      %ne3A_713 = arith.cmpi ne, %sign3A_705, %sign3A_712 : i32
      %rem3A_714 = arith.remsi %squeeze3A_122, %jit3A_697 : i32
      %ne3A_715 = arith.constant 0 : i32
      %ne3A_716 = arith.cmpi ne, %rem3A_714, %ne3A_715 : i32
      %and3A_717 = arith.andi %ne3A_713, %ne3A_716 : i1
      %sub3A_718 = arith.constant 1 : i32
      %sub3A_719 = arith.subi %div3A_698, %sub3A_718 : i32
      %select_n3A_720 = arith.select %and3A_717, %sub3A_719, %div3A_698 : i32
      %mul3A_721 = arith.constant 4 : i32
      %mul3A_722 = arith.muli %select_n3A_720, %mul3A_721 : i32
      %add3A_723 = arith.constant 0 : i32
      %add3A_724 = arith.addi %mul3A_722, %add3A_723 : i32
      %get3A_725 = arith.index_cast %add3A_724 : i32 to index
      %get3A_726 = arith.constant 208 : index
      %get3A_727 = tpu.vector_load %arg6[%get3A_725, %get3A_726] {strides = array<i32>} : memref<131x256xf32, #tpu.memory_space<vmem>>, vector<1x16xf32>,
      %get3A_728 = vector.shape_cast %get3A_727 : vector<1x16xf32> to vector<16xf32>
      %select_n3A_729 = arith.select %gt3A_254, %get3A_728, %broadcast_in_dim3A_253 : vector<16xf32>
      %add3A_730 = arith.addf %while3A_224#13, %select_n3A_729 : vector<16xf32>
      %jit3A_731 = arith.constant 4 : i32
      %div3A_732 = arith.divsi %squeeze3A_122, %jit3A_731 : i32
      %sign3A_733 = arith.constant 0 : i32
      %sign3A_734 = arith.cmpi sgt, %squeeze3A_122, %sign3A_733 : i32
      %sign3A_735 = arith.extui %sign3A_734 : i1 to i32
      %sign3A_736 = arith.constant 0 : i32
      %sign3A_737 = arith.cmpi slt, %squeeze3A_122, %sign3A_736 : i32
      %sign3A_738 = arith.extui %sign3A_737 : i1 to i32
      %sign3A_739 = arith.subi %sign3A_735, %sign3A_738 : i32
      %sign3A_740 = arith.constant 0 : i32
      %sign3A_741 = arith.cmpi sgt, %jit3A_731, %sign3A_740 : i32
      %sign3A_742 = arith.extui %sign3A_741 : i1 to i32
      %sign3A_743 = arith.constant 0 : i32
      %sign3A_744 = arith.cmpi slt, %jit3A_731, %sign3A_743 : i32
      %sign3A_745 = arith.extui %sign3A_744 : i1 to i32
      %sign3A_746 = arith.subi %sign3A_742, %sign3A_745 : i32
      %ne3A_747 = arith.cmpi ne, %sign3A_739, %sign3A_746 : i32
      %rem3A_748 = arith.remsi %squeeze3A_122, %jit3A_731 : i32
      %ne3A_749 = arith.constant 0 : i32
      %ne3A_750 = arith.cmpi ne, %rem3A_748, %ne3A_749 : i32
      %and3A_751 = arith.andi %ne3A_747, %ne3A_750 : i1
      %sub3A_752 = arith.constant 1 : i32
      %sub3A_753 = arith.subi %div3A_732, %sub3A_752 : i32
      %select_n3A_754 = arith.select %and3A_751, %sub3A_753, %div3A_732 : i32
      %mul3A_755 = arith.constant 4 : i32
      %mul3A_756 = arith.muli %select_n3A_754, %mul3A_755 : i32
      %add3A_757 = arith.constant 0 : i32
      %add3A_758 = arith.addi %mul3A_756, %add3A_757 : i32
      %get3A_759 = arith.index_cast %add3A_758 : i32 to index
      %get3A_760 = arith.constant 224 : index
      %get3A_761 = tpu.vector_load %arg6[%get3A_759, %get3A_760] {strides = array<i32>} : memref<131x256xf32, #tpu.memory_space<vmem>>, vector<1x16xf32>,
      %get3A_762 = vector.shape_cast %get3A_761 : vector<1x16xf32> to vector<16xf32>
      %select_n3A_763 = arith.select %gt3A_254, %get3A_762, %broadcast_in_dim3A_253 : vector<16xf32>
      %add3A_764 = arith.addf %while3A_224#14, %select_n3A_763 : vector<16xf32>
      %jit3A_765 = arith.constant 4 : i32
      %div3A_766 = arith.divsi %squeeze3A_122, %jit3A_765 : i32
      %sign3A_767 = arith.constant 0 : i32
      %sign3A_768 = arith.cmpi sgt, %squeeze3A_122, %sign3A_767 : i32
      %sign3A_769 = arith.extui %sign3A_768 : i1 to i32
      %sign3A_770 = arith.constant 0 : i32
      %sign3A_771 = arith.cmpi slt, %squeeze3A_122, %sign3A_770 : i32
      %sign3A_772 = arith.extui %sign3A_771 : i1 to i32
      %sign3A_773 = arith.subi %sign3A_769, %sign3A_772 : i32
      %sign3A_774 = arith.constant 0 : i32
      %sign3A_775 = arith.cmpi sgt, %jit3A_765, %sign3A_774 : i32
      %sign3A_776 = arith.extui %sign3A_775 : i1 to i32
      %sign3A_777 = arith.constant 0 : i32
      %sign3A_778 = arith.cmpi slt, %jit3A_765, %sign3A_777 : i32
      %sign3A_779 = arith.extui %sign3A_778 : i1 to i32
      %sign3A_780 = arith.subi %sign3A_776, %sign3A_779 : i32
      %ne3A_781 = arith.cmpi ne, %sign3A_773, %sign3A_780 : i32
      %rem3A_782 = arith.remsi %squeeze3A_122, %jit3A_765 : i32
      %ne3A_783 = arith.constant 0 : i32
      %ne3A_784 = arith.cmpi ne, %rem3A_782, %ne3A_783 : i32
      %and3A_785 = arith.andi %ne3A_781, %ne3A_784 : i1
      %sub3A_786 = arith.constant 1 : i32
      %sub3A_787 = arith.subi %div3A_766, %sub3A_786 : i32
      %select_n3A_788 = arith.select %and3A_785, %sub3A_787, %div3A_766 : i32
      %mul3A_789 = arith.constant 4 : i32
      %mul3A_790 = arith.muli %select_n3A_788, %mul3A_789 : i32
      %add3A_791 = arith.constant 0 : i32
      %add3A_792 = arith.addi %mul3A_790, %add3A_791 : i32
      %get3A_793 = arith.index_cast %add3A_792 : i32 to index
      %get3A_794 = arith.constant 240 : index
      %get3A_795 = tpu.vector_load %arg6[%get3A_793, %get3A_794] {strides = array<i32>} : memref<131x256xf32, #tpu.memory_space<vmem>>, vector<1x16xf32>,
      %get3A_796 = vector.shape_cast %get3A_795 : vector<1x16xf32> to vector<16xf32>
      %select_n3A_797 = arith.select %gt3A_254, %get3A_796, %broadcast_in_dim3A_253 : vector<16xf32>
      %add3A_798 = arith.addf %while3A_224#15, %select_n3A_797 : vector<16xf32>
      %gt3A_799 = arith.constant 1 : i32
      %gt3A_800 = arith.cmpi sgt, %sub3A_251, %gt3A_799 : i32
      %jit3A_801 = arith.constant 4 : i32
      %div3A_802 = arith.divsi %squeeze3A_122, %jit3A_801 : i32
      %sign3A_803 = arith.constant 0 : i32
      %sign3A_804 = arith.cmpi sgt, %squeeze3A_122, %sign3A_803 : i32
      %sign3A_805 = arith.extui %sign3A_804 : i1 to i32
      %sign3A_806 = arith.constant 0 : i32
      %sign3A_807 = arith.cmpi slt, %squeeze3A_122, %sign3A_806 : i32
      %sign3A_808 = arith.extui %sign3A_807 : i1 to i32
      %sign3A_809 = arith.subi %sign3A_805, %sign3A_808 : i32
      %sign3A_810 = arith.constant 0 : i32
      %sign3A_811 = arith.cmpi sgt, %jit3A_801, %sign3A_810 : i32
      %sign3A_812 = arith.extui %sign3A_811 : i1 to i32
      %sign3A_813 = arith.constant 0 : i32
      %sign3A_814 = arith.cmpi slt, %jit3A_801, %sign3A_813 : i32
      %sign3A_815 = arith.extui %sign3A_814 : i1 to i32
      %sign3A_816 = arith.subi %sign3A_812, %sign3A_815 : i32
      %ne3A_817 = arith.cmpi ne, %sign3A_809, %sign3A_816 : i32
      %rem3A_818 = arith.remsi %squeeze3A_122, %jit3A_801 : i32
      %ne3A_819 = arith.constant 0 : i32
      %ne3A_820 = arith.cmpi ne, %rem3A_818, %ne3A_819 : i32
      %and3A_821 = arith.andi %ne3A_817, %ne3A_820 : i1
      %sub3A_822 = arith.constant 1 : i32
      %sub3A_823 = arith.subi %div3A_802, %sub3A_822 : i32
      %select_n3A_824 = arith.select %and3A_821, %sub3A_823, %div3A_802 : i32
      %mul3A_825 = arith.constant 4 : i32
      %mul3A_826 = arith.muli %select_n3A_824, %mul3A_825 : i32
      %add3A_827 = arith.constant 1 : i32
      %add3A_828 = arith.addi %mul3A_826, %add3A_827 : i32
      %get3A_829 = arith.index_cast %add3A_828 : i32 to index
      %get3A_830 = arith.constant 0 : index
      %get3A_831 = tpu.vector_load %arg6[%get3A_829, %get3A_830] {strides = array<i32>} : memref<131x256xf32, #tpu.memory_space<vmem>>, vector<1x16xf32>,
      %get3A_832 = vector.shape_cast %get3A_831 : vector<1x16xf32> to vector<16xf32>
      %select_n3A_833 = arith.select %gt3A_800, %get3A_832, %broadcast_in_dim3A_253 : vector<16xf32>
      %add3A_834 = arith.addf %add3A_288, %select_n3A_833 : vector<16xf32>
      %jit3A_835 = arith.constant 4 : i32
      %div3A_836 = arith.divsi %squeeze3A_122, %jit3A_835 : i32
      %sign3A_837 = arith.constant 0 : i32
      %sign3A_838 = arith.cmpi sgt, %squeeze3A_122, %sign3A_837 : i32
      %sign3A_839 = arith.extui %sign3A_838 : i1 to i32
      %sign3A_840 = arith.constant 0 : i32
      %sign3A_841 = arith.cmpi slt, %squeeze3A_122, %sign3A_840 : i32
      %sign3A_842 = arith.extui %sign3A_841 : i1 to i32
      %sign3A_843 = arith.subi %sign3A_839, %sign3A_842 : i32
      %sign3A_844 = arith.constant 0 : i32
      %sign3A_845 = arith.cmpi sgt, %jit3A_835, %sign3A_844 : i32
      %sign3A_846 = arith.extui %sign3A_845 : i1 to i32
      %sign3A_847 = arith.constant 0 : i32
      %sign3A_848 = arith.cmpi slt, %jit3A_835, %sign3A_847 : i32
      %sign3A_849 = arith.extui %sign3A_848 : i1 to i32
      %sign3A_850 = arith.subi %sign3A_846, %sign3A_849 : i32
      %ne3A_851 = arith.cmpi ne, %sign3A_843, %sign3A_850 : i32
      %rem3A_852 = arith.remsi %squeeze3A_122, %jit3A_835 : i32
      %ne3A_853 = arith.constant 0 : i32
      %ne3A_854 = arith.cmpi ne, %rem3A_852, %ne3A_853 : i32
      %and3A_855 = arith.andi %ne3A_851, %ne3A_854 : i1
      %sub3A_856 = arith.constant 1 : i32
      %sub3A_857 = arith.subi %div3A_836, %sub3A_856 : i32
      %select_n3A_858 = arith.select %and3A_855, %sub3A_857, %div3A_836 : i32
      %mul3A_859 = arith.constant 4 : i32
      %mul3A_860 = arith.muli %select_n3A_858, %mul3A_859 : i32
      %add3A_861 = arith.constant 1 : i32
      %add3A_862 = arith.addi %mul3A_860, %add3A_861 : i32
      %get3A_863 = arith.index_cast %add3A_862 : i32 to index
      %get3A_864 = arith.constant 16 : index
      %get3A_865 = tpu.vector_load %arg6[%get3A_863, %get3A_864] {strides = array<i32>} : memref<131x256xf32, #tpu.memory_space<vmem>>, vector<1x16xf32>,
      %get3A_866 = vector.shape_cast %get3A_865 : vector<1x16xf32> to vector<16xf32>
      %select_n3A_867 = arith.select %gt3A_800, %get3A_866, %broadcast_in_dim3A_253 : vector<16xf32>
      %add3A_868 = arith.addf %add3A_322, %select_n3A_867 : vector<16xf32>
      %jit3A_869 = arith.constant 4 : i32
      %div3A_870 = arith.divsi %squeeze3A_122, %jit3A_869 : i32
      %sign3A_871 = arith.constant 0 : i32
      %sign3A_872 = arith.cmpi sgt, %squeeze3A_122, %sign3A_871 : i32
      %sign3A_873 = arith.extui %sign3A_872 : i1 to i32
      %sign3A_874 = arith.constant 0 : i32
      %sign3A_875 = arith.cmpi slt, %squeeze3A_122, %sign3A_874 : i32
      %sign3A_876 = arith.extui %sign3A_875 : i1 to i32
      %sign3A_877 = arith.subi %sign3A_873, %sign3A_876 : i32
      %sign3A_878 = arith.constant 0 : i32
      %sign3A_879 = arith.cmpi sgt, %jit3A_869, %sign3A_878 : i32
      %sign3A_880 = arith.extui %sign3A_879 : i1 to i32
      %sign3A_881 = arith.constant 0 : i32
      %sign3A_882 = arith.cmpi slt, %jit3A_869, %sign3A_881 : i32
      %sign3A_883 = arith.extui %sign3A_882 : i1 to i32
      %sign3A_884 = arith.subi %sign3A_880, %sign3A_883 : i32
      %ne3A_885 = arith.cmpi ne, %sign3A_877, %sign3A_884 : i32
      %rem3A_886 = arith.remsi %squeeze3A_122, %jit3A_869 : i32
      %ne3A_887 = arith.constant 0 : i32
      %ne3A_888 = arith.cmpi ne, %rem3A_886, %ne3A_887 : i32
      %and3A_889 = arith.andi %ne3A_885, %ne3A_888 : i1
      %sub3A_890 = arith.constant 1 : i32
      %sub3A_891 = arith.subi %div3A_870, %sub3A_890 : i32
      %select_n3A_892 = arith.select %and3A_889, %sub3A_891, %div3A_870 : i32
      %mul3A_893 = arith.constant 4 : i32
      %mul3A_894 = arith.muli %select_n3A_892, %mul3A_893 : i32
      %add3A_895 = arith.constant 1 : i32
      %add3A_896 = arith.addi %mul3A_894, %add3A_895 : i32
      %get3A_897 = arith.index_cast %add3A_896 : i32 to index
      %get3A_898 = arith.constant 32 : index
      %get3A_899 = tpu.vector_load %arg6[%get3A_897, %get3A_898] {strides = array<i32>} : memref<131x256xf32, #tpu.memory_space<vmem>>, vector<1x16xf32>,
      %get3A_900 = vector.shape_cast %get3A_899 : vector<1x16xf32> to vector<16xf32>
      %select_n3A_901 = arith.select %gt3A_800, %get3A_900, %broadcast_in_dim3A_253 : vector<16xf32>
      %add3A_902 = arith.addf %add3A_356, %select_n3A_901 : vector<16xf32>
      %jit3A_903 = arith.constant 4 : i32
      %div3A_904 = arith.divsi %squeeze3A_122, %jit3A_903 : i32
      %sign3A_905 = arith.constant 0 : i32
      %sign3A_906 = arith.cmpi sgt, %squeeze3A_122, %sign3A_905 : i32
      %sign3A_907 = arith.extui %sign3A_906 : i1 to i32
      %sign3A_908 = arith.constant 0 : i32
      %sign3A_909 = arith.cmpi slt, %squeeze3A_122, %sign3A_908 : i32
      %sign3A_910 = arith.extui %sign3A_909 : i1 to i32
      %sign3A_911 = arith.subi %sign3A_907, %sign3A_910 : i32
      %sign3A_912 = arith.constant 0 : i32
      %sign3A_913 = arith.cmpi sgt, %jit3A_903, %sign3A_912 : i32
      %sign3A_914 = arith.extui %sign3A_913 : i1 to i32
      %sign3A_915 = arith.constant 0 : i32
      %sign3A_916 = arith.cmpi slt, %jit3A_903, %sign3A_915 : i32
      %sign3A_917 = arith.extui %sign3A_916 : i1 to i32
      %sign3A_918 = arith.subi %sign3A_914, %sign3A_917 : i32
      %ne3A_919 = arith.cmpi ne, %sign3A_911, %sign3A_918 : i32
      %rem3A_920 = arith.remsi %squeeze3A_122, %jit3A_903 : i32
      %ne3A_921 = arith.constant 0 : i32
      %ne3A_922 = arith.cmpi ne, %rem3A_920, %ne3A_921 : i32
      %and3A_923 = arith.andi %ne3A_919, %ne3A_922 : i1
      %sub3A_924 = arith.constant 1 : i32
      %sub3A_925 = arith.subi %div3A_904, %sub3A_924 : i32
      %select_n3A_926 = arith.select %and3A_923, %sub3A_925, %div3A_904 : i32
      %mul3A_927 = arith.constant 4 : i32
      %mul3A_928 = arith.muli %select_n3A_926, %mul3A_927 : i32
      %add3A_929 = arith.constant 1 : i32
      %add3A_930 = arith.addi %mul3A_928, %add3A_929 : i32
      %get3A_931 = arith.index_cast %add3A_930 : i32 to index
      %get3A_932 = arith.constant 48 : index
      %get3A_933 = tpu.vector_load %arg6[%get3A_931, %get3A_932] {strides = array<i32>} : memref<131x256xf32, #tpu.memory_space<vmem>>, vector<1x16xf32>,
      %get3A_934 = vector.shape_cast %get3A_933 : vector<1x16xf32> to vector<16xf32>
      %select_n3A_935 = arith.select %gt3A_800, %get3A_934, %broadcast_in_dim3A_253 : vector<16xf32>
      %add3A_936 = arith.addf %add3A_390, %select_n3A_935 : vector<16xf32>
      %jit3A_937 = arith.constant 4 : i32
      %div3A_938 = arith.divsi %squeeze3A_122, %jit3A_937 : i32
      %sign3A_939 = arith.constant 0 : i32
      %sign3A_940 = arith.cmpi sgt, %squeeze3A_122, %sign3A_939 : i32
      %sign3A_941 = arith.extui %sign3A_940 : i1 to i32
      %sign3A_942 = arith.constant 0 : i32
      %sign3A_943 = arith.cmpi slt, %squeeze3A_122, %sign3A_942 : i32
      %sign3A_944 = arith.extui %sign3A_943 : i1 to i32
      %sign3A_945 = arith.subi %sign3A_941, %sign3A_944 : i32
      %sign3A_946 = arith.constant 0 : i32
      %sign3A_947 = arith.cmpi sgt, %jit3A_937, %sign3A_946 : i32
      %sign3A_948 = arith.extui %sign3A_947 : i1 to i32
      %sign3A_949 = arith.constant 0 : i32
      %sign3A_950 = arith.cmpi slt, %jit3A_937, %sign3A_949 : i32
      %sign3A_951 = arith.extui %sign3A_950 : i1 to i32
      %sign3A_952 = arith.subi %sign3A_948, %sign3A_951 : i32
      %ne3A_953 = arith.cmpi ne, %sign3A_945, %sign3A_952 : i32
      %rem3A_954 = arith.remsi %squeeze3A_122, %jit3A_937 : i32
      %ne3A_955 = arith.constant 0 : i32
      %ne3A_956 = arith.cmpi ne, %rem3A_954, %ne3A_955 : i32
      %and3A_957 = arith.andi %ne3A_953, %ne3A_956 : i1
      %sub3A_958 = arith.constant 1 : i32
      %sub3A_959 = arith.subi %div3A_938, %sub3A_958 : i32
      %select_n3A_960 = arith.select %and3A_957, %sub3A_959, %div3A_938 : i32
      %mul3A_961 = arith.constant 4 : i32
      %mul3A_962 = arith.muli %select_n3A_960, %mul3A_961 : i32
      %add3A_963 = arith.constant 1 : i32
      %add3A_964 = arith.addi %mul3A_962, %add3A_963 : i32
      %get3A_965 = arith.index_cast %add3A_964 : i32 to index
      %get3A_966 = arith.constant 64 : index
      %get3A_967 = tpu.vector_load %arg6[%get3A_965, %get3A_966] {strides = array<i32>} : memref<131x256xf32, #tpu.memory_space<vmem>>, vector<1x16xf32>,
      %get3A_968 = vector.shape_cast %get3A_967 : vector<1x16xf32> to vector<16xf32>
      %select_n3A_969 = arith.select %gt3A_800, %get3A_968, %broadcast_in_dim3A_253 : vector<16xf32>
      %add3A_970 = arith.addf %add3A_424, %select_n3A_969 : vector<16xf32>
      %jit3A_971 = arith.constant 4 : i32
      %div3A_972 = arith.divsi %squeeze3A_122, %jit3A_971 : i32
      %sign3A_973 = arith.constant 0 : i32
      %sign3A_974 = arith.cmpi sgt, %squeeze3A_122, %sign3A_973 : i32
      %sign3A_975 = arith.extui %sign3A_974 : i1 to i32
      %sign3A_976 = arith.constant 0 : i32
      %sign3A_977 = arith.cmpi slt, %squeeze3A_122, %sign3A_976 : i32
      %sign3A_978 = arith.extui %sign3A_977 : i1 to i32
      %sign3A_979 = arith.subi %sign3A_975, %sign3A_978 : i32
      %sign3A_980 = arith.constant 0 : i32
      %sign3A_981 = arith.cmpi sgt, %jit3A_971, %sign3A_980 : i32
      %sign3A_982 = arith.extui %sign3A_981 : i1 to i32
      %sign3A_983 = arith.constant 0 : i32
      %sign3A_984 = arith.cmpi slt, %jit3A_971, %sign3A_983 : i32
      %sign3A_985 = arith.extui %sign3A_984 : i1 to i32
      %sign3A_986 = arith.subi %sign3A_982, %sign3A_985 : i32
      %ne3A_987 = arith.cmpi ne, %sign3A_979, %sign3A_986 : i32
      %rem3A_988 = arith.remsi %squeeze3A_122, %jit3A_971 : i32
      %ne3A_989 = arith.constant 0 : i32
      %ne3A_990 = arith.cmpi ne, %rem3A_988, %ne3A_989 : i32
      %and3A_991 = arith.andi %ne3A_987, %ne3A_990 : i1
      %sub3A_992 = arith.constant 1 : i32
      %sub3A_993 = arith.subi %div3A_972, %sub3A_992 : i32
      %select_n3A_994 = arith.select %and3A_991, %sub3A_993, %div3A_972 : i32
      %mul3A_995 = arith.constant 4 : i32
      %mul3A_996 = arith.muli %select_n3A_994, %mul3A_995 : i32
      %add3A_997 = arith.constant 1 : i32
      %add3A_998 = arith.addi %mul3A_996, %add3A_997 : i32
      %get3A_999 = arith.index_cast %add3A_998 : i32 to index
      %get3A_1000 = arith.constant 80 : index
      %get3A_1001 = tpu.vector_load %arg6[%get3A_999, %get3A_1000] {strides = array<i32>} : memref<131x256xf32, #tpu.memory_space<vmem>>, vector<1x16xf32>,
      %get3A_1002 = vector.shape_cast %get3A_1001 : vector<1x16xf32> to vector<16xf32>
      %select_n3A_1003 = arith.select %gt3A_800, %get3A_1002, %broadcast_in_dim3A_253 : vector<16xf32>
      %add3A_1004 = arith.addf %add3A_458, %select_n3A_1003 : vector<16xf32>
      %jit3A_1005 = arith.constant 4 : i32
      %div3A_1006 = arith.divsi %squeeze3A_122, %jit3A_1005 : i32
      %sign3A_1007 = arith.constant 0 : i32
      %sign3A_1008 = arith.cmpi sgt, %squeeze3A_122, %sign3A_1007 : i32
      %sign3A_1009 = arith.extui %sign3A_1008 : i1 to i32
      %sign3A_1010 = arith.constant 0 : i32
      %sign3A_1011 = arith.cmpi slt, %squeeze3A_122, %sign3A_1010 : i32
      %sign3A_1012 = arith.extui %sign3A_1011 : i1 to i32
      %sign3A_1013 = arith.subi %sign3A_1009, %sign3A_1012 : i32
      %sign3A_1014 = arith.constant 0 : i32
      %sign3A_1015 = arith.cmpi sgt, %jit3A_1005, %sign3A_1014 : i32
      %sign3A_1016 = arith.extui %sign3A_1015 : i1 to i32
      %sign3A_1017 = arith.constant 0 : i32
      %sign3A_1018 = arith.cmpi slt, %jit3A_1005, %sign3A_1017 : i32
      %sign3A_1019 = arith.extui %sign3A_1018 : i1 to i32
      %sign3A_1020 = arith.subi %sign3A_1016, %sign3A_1019 : i32
      %ne3A_1021 = arith.cmpi ne, %sign3A_1013, %sign3A_1020 : i32
      %rem3A_1022 = arith.remsi %squeeze3A_122, %jit3A_1005 : i32
      %ne3A_1023 = arith.constant 0 : i32
      %ne3A_1024 = arith.cmpi ne, %rem3A_1022, %ne3A_1023 : i32
      %and3A_1025 = arith.andi %ne3A_1021, %ne3A_1024 : i1
      %sub3A_1026 = arith.constant 1 : i32
      %sub3A_1027 = arith.subi %div3A_1006, %sub3A_1026 : i32
      %select_n3A_1028 = arith.select %and3A_1025, %sub3A_1027, %div3A_1006 : i32
      %mul3A_1029 = arith.constant 4 : i32
      %mul3A_1030 = arith.muli %select_n3A_1028, %mul3A_1029 : i32
      %add3A_1031 = arith.constant 1 : i32
      %add3A_1032 = arith.addi %mul3A_1030, %add3A_1031 : i32
      %get3A_1033 = arith.index_cast %add3A_1032 : i32 to index
      %get3A_1034 = arith.constant 96 : index
      %get3A_1035 = tpu.vector_load %arg6[%get3A_1033, %get3A_1034] {strides = array<i32>} : memref<131x256xf32, #tpu.memory_space<vmem>>, vector<1x16xf32>,
      %get3A_1036 = vector.shape_cast %get3A_1035 : vector<1x16xf32> to vector<16xf32>
      %select_n3A_1037 = arith.select %gt3A_800, %get3A_1036, %broadcast_in_dim3A_253 : vector<16xf32>
      %add3A_1038 = arith.addf %add3A_492, %select_n3A_1037 : vector<16xf32>
      %jit3A_1039 = arith.constant 4 : i32
      %div3A_1040 = arith.divsi %squeeze3A_122, %jit3A_1039 : i32
      %sign3A_1041 = arith.constant 0 : i32
      %sign3A_1042 = arith.cmpi sgt, %squeeze3A_122, %sign3A_1041 : i32
      %sign3A_1043 = arith.extui %sign3A_1042 : i1 to i32
      %sign3A_1044 = arith.constant 0 : i32
      %sign3A_1045 = arith.cmpi slt, %squeeze3A_122, %sign3A_1044 : i32
      %sign3A_1046 = arith.extui %sign3A_1045 : i1 to i32
      %sign3A_1047 = arith.subi %sign3A_1043, %sign3A_1046 : i32
      %sign3A_1048 = arith.constant 0 : i32
      %sign3A_1049 = arith.cmpi sgt, %jit3A_1039, %sign3A_1048 : i32
      %sign3A_1050 = arith.extui %sign3A_1049 : i1 to i32
      %sign3A_1051 = arith.constant 0 : i32
      %sign3A_1052 = arith.cmpi slt, %jit3A_1039, %sign3A_1051 : i32
      %sign3A_1053 = arith.extui %sign3A_1052 : i1 to i32
      %sign3A_1054 = arith.subi %sign3A_1050, %sign3A_1053 : i32
      %ne3A_1055 = arith.cmpi ne, %sign3A_1047, %sign3A_1054 : i32
      %rem3A_1056 = arith.remsi %squeeze3A_122, %jit3A_1039 : i32
      %ne3A_1057 = arith.constant 0 : i32
      %ne3A_1058 = arith.cmpi ne, %rem3A_1056, %ne3A_1057 : i32
      %and3A_1059 = arith.andi %ne3A_1055, %ne3A_1058 : i1
      %sub3A_1060 = arith.constant 1 : i32
      %sub3A_1061 = arith.subi %div3A_1040, %sub3A_1060 : i32
      %select_n3A_1062 = arith.select %and3A_1059, %sub3A_1061, %div3A_1040 : i32
      %mul3A_1063 = arith.constant 4 : i32
      %mul3A_1064 = arith.muli %select_n3A_1062, %mul3A_1063 : i32
      %add3A_1065 = arith.constant 1 : i32
      %add3A_1066 = arith.addi %mul3A_1064, %add3A_1065 : i32
      %get3A_1067 = arith.index_cast %add3A_1066 : i32 to index
      %get3A_1068 = arith.constant 112 : index
      %get3A_1069 = tpu.vector_load %arg6[%get3A_1067, %get3A_1068] {strides = array<i32>} : memref<131x256xf32, #tpu.memory_space<vmem>>, vector<1x16xf32>,
      %get3A_1070 = vector.shape_cast %get3A_1069 : vector<1x16xf32> to vector<16xf32>
      %select_n3A_1071 = arith.select %gt3A_800, %get3A_1070, %broadcast_in_dim3A_253 : vector<16xf32>
      %add3A_1072 = arith.addf %add3A_526, %select_n3A_1071 : vector<16xf32>
      %jit3A_1073 = arith.constant 4 : i32
      %div3A_1074 = arith.divsi %squeeze3A_122, %jit3A_1073 : i32
      %sign3A_1075 = arith.constant 0 : i32
      %sign3A_1076 = arith.cmpi sgt, %squeeze3A_122, %sign3A_1075 : i32
      %sign3A_1077 = arith.extui %sign3A_1076 : i1 to i32
      %sign3A_1078 = arith.constant 0 : i32
      %sign3A_1079 = arith.cmpi slt, %squeeze3A_122, %sign3A_1078 : i32
      %sign3A_1080 = arith.extui %sign3A_1079 : i1 to i32
      %sign3A_1081 = arith.subi %sign3A_1077, %sign3A_1080 : i32
      %sign3A_1082 = arith.constant 0 : i32
      %sign3A_1083 = arith.cmpi sgt, %jit3A_1073, %sign3A_1082 : i32
      %sign3A_1084 = arith.extui %sign3A_1083 : i1 to i32
      %sign3A_1085 = arith.constant 0 : i32
      %sign3A_1086 = arith.cmpi slt, %jit3A_1073, %sign3A_1085 : i32
      %sign3A_1087 = arith.extui %sign3A_1086 : i1 to i32
      %sign3A_1088 = arith.subi %sign3A_1084, %sign3A_1087 : i32
      %ne3A_1089 = arith.cmpi ne, %sign3A_1081, %sign3A_1088 : i32
      %rem3A_1090 = arith.remsi %squeeze3A_122, %jit3A_1073 : i32
      %ne3A_1091 = arith.constant 0 : i32
      %ne3A_1092 = arith.cmpi ne, %rem3A_1090, %ne3A_1091 : i32
      %and3A_1093 = arith.andi %ne3A_1089, %ne3A_1092 : i1
      %sub3A_1094 = arith.constant 1 : i32
      %sub3A_1095 = arith.subi %div3A_1074, %sub3A_1094 : i32
      %select_n3A_1096 = arith.select %and3A_1093, %sub3A_1095, %div3A_1074 : i32
      %mul3A_1097 = arith.constant 4 : i32
      %mul3A_1098 = arith.muli %select_n3A_1096, %mul3A_1097 : i32
      %add3A_1099 = arith.constant 1 : i32
      %add3A_1100 = arith.addi %mul3A_1098, %add3A_1099 : i32
      %get3A_1101 = arith.index_cast %add3A_1100 : i32 to index
      %get3A_1102 = arith.constant 128 : index
      %get3A_1103 = tpu.vector_load %arg6[%get3A_1101, %get3A_1102] {strides = array<i32>} : memref<131x256xf32, #tpu.memory_space<vmem>>, vector<1x16xf32>,
      %get3A_1104 = vector.shape_cast %get3A_1103 : vector<1x16xf32> to vector<16xf32>
      %select_n3A_1105 = arith.select %gt3A_800, %get3A_1104, %broadcast_in_dim3A_253 : vector<16xf32>
      %add3A_1106 = arith.addf %add3A_560, %select_n3A_1105 : vector<16xf32>
      %jit3A_1107 = arith.constant 4 : i32
      %div3A_1108 = arith.divsi %squeeze3A_122, %jit3A_1107 : i32
      %sign3A_1109 = arith.constant 0 : i32
      %sign3A_1110 = arith.cmpi sgt, %squeeze3A_122, %sign3A_1109 : i32
      %sign3A_1111 = arith.extui %sign3A_1110 : i1 to i32
      %sign3A_1112 = arith.constant 0 : i32
      %sign3A_1113 = arith.cmpi slt, %squeeze3A_122, %sign3A_1112 : i32
      %sign3A_1114 = arith.extui %sign3A_1113 : i1 to i32
      %sign3A_1115 = arith.subi %sign3A_1111, %sign3A_1114 : i32
      %sign3A_1116 = arith.constant 0 : i32
      %sign3A_1117 = arith.cmpi sgt, %jit3A_1107, %sign3A_1116 : i32
      %sign3A_1118 = arith.extui %sign3A_1117 : i1 to i32
      %sign3A_1119 = arith.constant 0 : i32
      %sign3A_1120 = arith.cmpi slt, %jit3A_1107, %sign3A_1119 : i32
      %sign3A_1121 = arith.extui %sign3A_1120 : i1 to i32
      %sign3A_1122 = arith.subi %sign3A_1118, %sign3A_1121 : i32
      %ne3A_1123 = arith.cmpi ne, %sign3A_1115, %sign3A_1122 : i32
      %rem3A_1124 = arith.remsi %squeeze3A_122, %jit3A_1107 : i32
      %ne3A_1125 = arith.constant 0 : i32
      %ne3A_1126 = arith.cmpi ne, %rem3A_1124, %ne3A_1125 : i32
      %and3A_1127 = arith.andi %ne3A_1123, %ne3A_1126 : i1
      %sub3A_1128 = arith.constant 1 : i32
      %sub3A_1129 = arith.subi %div3A_1108, %sub3A_1128 : i32
      %select_n3A_1130 = arith.select %and3A_1127, %sub3A_1129, %div3A_1108 : i32
      %mul3A_1131 = arith.constant 4 : i32
      %mul3A_1132 = arith.muli %select_n3A_1130, %mul3A_1131 : i32
      %add3A_1133 = arith.constant 1 : i32
      %add3A_1134 = arith.addi %mul3A_1132, %add3A_1133 : i32
      %get3A_1135 = arith.index_cast %add3A_1134 : i32 to index
      %get3A_1136 = arith.constant 144 : index
      %get3A_1137 = tpu.vector_load %arg6[%get3A_1135, %get3A_1136] {strides = array<i32>} : memref<131x256xf32, #tpu.memory_space<vmem>>, vector<1x16xf32>,
      %get3A_1138 = vector.shape_cast %get3A_1137 : vector<1x16xf32> to vector<16xf32>
      %select_n3A_1139 = arith.select %gt3A_800, %get3A_1138, %broadcast_in_dim3A_253 : vector<16xf32>
      %add3A_1140 = arith.addf %add3A_594, %select_n3A_1139 : vector<16xf32>
      %jit3A_1141 = arith.constant 4 : i32
      %div3A_1142 = arith.divsi %squeeze3A_122, %jit3A_1141 : i32
      %sign3A_1143 = arith.constant 0 : i32
      %sign3A_1144 = arith.cmpi sgt, %squeeze3A_122, %sign3A_1143 : i32
      %sign3A_1145 = arith.extui %sign3A_1144 : i1 to i32
      %sign3A_1146 = arith.constant 0 : i32
      %sign3A_1147 = arith.cmpi slt, %squeeze3A_122, %sign3A_1146 : i32
      %sign3A_1148 = arith.extui %sign3A_1147 : i1 to i32
      %sign3A_1149 = arith.subi %sign3A_1145, %sign3A_1148 : i32
      %sign3A_1150 = arith.constant 0 : i32
      %sign3A_1151 = arith.cmpi sgt, %jit3A_1141, %sign3A_1150 : i32
      %sign3A_1152 = arith.extui %sign3A_1151 : i1 to i32
      %sign3A_1153 = arith.constant 0 : i32
      %sign3A_1154 = arith.cmpi slt, %jit3A_1141, %sign3A_1153 : i32
      %sign3A_1155 = arith.extui %sign3A_1154 : i1 to i32
      %sign3A_1156 = arith.subi %sign3A_1152, %sign3A_1155 : i32
      %ne3A_1157 = arith.cmpi ne, %sign3A_1149, %sign3A_1156 : i32
      %rem3A_1158 = arith.remsi %squeeze3A_122, %jit3A_1141 : i32
      %ne3A_1159 = arith.constant 0 : i32
      %ne3A_1160 = arith.cmpi ne, %rem3A_1158, %ne3A_1159 : i32
      %and3A_1161 = arith.andi %ne3A_1157, %ne3A_1160 : i1
      %sub3A_1162 = arith.constant 1 : i32
      %sub3A_1163 = arith.subi %div3A_1142, %sub3A_1162 : i32
      %select_n3A_1164 = arith.select %and3A_1161, %sub3A_1163, %div3A_1142 : i32
      %mul3A_1165 = arith.constant 4 : i32
      %mul3A_1166 = arith.muli %select_n3A_1164, %mul3A_1165 : i32
      %add3A_1167 = arith.constant 1 : i32
      %add3A_1168 = arith.addi %mul3A_1166, %add3A_1167 : i32
      %get3A_1169 = arith.index_cast %add3A_1168 : i32 to index
      %get3A_1170 = arith.constant 160 : index
      %get3A_1171 = tpu.vector_load %arg6[%get3A_1169, %get3A_1170] {strides = array<i32>} : memref<131x256xf32, #tpu.memory_space<vmem>>, vector<1x16xf32>,
      %get3A_1172 = vector.shape_cast %get3A_1171 : vector<1x16xf32> to vector<16xf32>
      %select_n3A_1173 = arith.select %gt3A_800, %get3A_1172, %broadcast_in_dim3A_253 : vector<16xf32>
      %add3A_1174 = arith.addf %add3A_628, %select_n3A_1173 : vector<16xf32>
      %jit3A_1175 = arith.constant 4 : i32
      %div3A_1176 = arith.divsi %squeeze3A_122, %jit3A_1175 : i32
      %sign3A_1177 = arith.constant 0 : i32
      %sign3A_1178 = arith.cmpi sgt, %squeeze3A_122, %sign3A_1177 : i32
      %sign3A_1179 = arith.extui %sign3A_1178 : i1 to i32
      %sign3A_1180 = arith.constant 0 : i32
      %sign3A_1181 = arith.cmpi slt, %squeeze3A_122, %sign3A_1180 : i32
      %sign3A_1182 = arith.extui %sign3A_1181 : i1 to i32
      %sign3A_1183 = arith.subi %sign3A_1179, %sign3A_1182 : i32
      %sign3A_1184 = arith.constant 0 : i32
      %sign3A_1185 = arith.cmpi sgt, %jit3A_1175, %sign3A_1184 : i32
      %sign3A_1186 = arith.extui %sign3A_1185 : i1 to i32
      %sign3A_1187 = arith.constant 0 : i32
      %sign3A_1188 = arith.cmpi slt, %jit3A_1175, %sign3A_1187 : i32
      %sign3A_1189 = arith.extui %sign3A_1188 : i1 to i32
      %sign3A_1190 = arith.subi %sign3A_1186, %sign3A_1189 : i32
      %ne3A_1191 = arith.cmpi ne, %sign3A_1183, %sign3A_1190 : i32
      %rem3A_1192 = arith.remsi %squeeze3A_122, %jit3A_1175 : i32
      %ne3A_1193 = arith.constant 0 : i32
      %ne3A_1194 = arith.cmpi ne, %rem3A_1192, %ne3A_1193 : i32
      %and3A_1195 = arith.andi %ne3A_1191, %ne3A_1194 : i1
      %sub3A_1196 = arith.constant 1 : i32
      %sub3A_1197 = arith.subi %div3A_1176, %sub3A_1196 : i32
      %select_n3A_1198 = arith.select %and3A_1195, %sub3A_1197, %div3A_1176 : i32
      %mul3A_1199 = arith.constant 4 : i32
      %mul3A_1200 = arith.muli %select_n3A_1198, %mul3A_1199 : i32
      %add3A_1201 = arith.constant 1 : i32
      %add3A_1202 = arith.addi %mul3A_1200, %add3A_1201 : i32
      %get3A_1203 = arith.index_cast %add3A_1202 : i32 to index
      %get3A_1204 = arith.constant 176 : index
      %get3A_1205 = tpu.vector_load %arg6[%get3A_1203, %get3A_1204] {strides = array<i32>} : memref<131x256xf32, #tpu.memory_space<vmem>>, vector<1x16xf32>,
      %get3A_1206 = vector.shape_cast %get3A_1205 : vector<1x16xf32> to vector<16xf32>
      %select_n3A_1207 = arith.select %gt3A_800, %get3A_1206, %broadcast_in_dim3A_253 : vector<16xf32>
      %add3A_1208 = arith.addf %add3A_662, %select_n3A_1207 : vector<16xf32>
      %jit3A_1209 = arith.constant 4 : i32
      %div3A_1210 = arith.divsi %squeeze3A_122, %jit3A_1209 : i32
      %sign3A_1211 = arith.constant 0 : i32
      %sign3A_1212 = arith.cmpi sgt, %squeeze3A_122, %sign3A_1211 : i32
      %sign3A_1213 = arith.extui %sign3A_1212 : i1 to i32
      %sign3A_1214 = arith.constant 0 : i32
      %sign3A_1215 = arith.cmpi slt, %squeeze3A_122, %sign3A_1214 : i32
      %sign3A_1216 = arith.extui %sign3A_1215 : i1 to i32
      %sign3A_1217 = arith.subi %sign3A_1213, %sign3A_1216 : i32
      %sign3A_1218 = arith.constant 0 : i32
      %sign3A_1219 = arith.cmpi sgt, %jit3A_1209, %sign3A_1218 : i32
      %sign3A_1220 = arith.extui %sign3A_1219 : i1 to i32
      %sign3A_1221 = arith.constant 0 : i32
      %sign3A_1222 = arith.cmpi slt, %jit3A_1209, %sign3A_1221 : i32
      %sign3A_1223 = arith.extui %sign3A_1222 : i1 to i32
      %sign3A_1224 = arith.subi %sign3A_1220, %sign3A_1223 : i32
      %ne3A_1225 = arith.cmpi ne, %sign3A_1217, %sign3A_1224 : i32
      %rem3A_1226 = arith.remsi %squeeze3A_122, %jit3A_1209 : i32
      %ne3A_1227 = arith.constant 0 : i32
      %ne3A_1228 = arith.cmpi ne, %rem3A_1226, %ne3A_1227 : i32
      %and3A_1229 = arith.andi %ne3A_1225, %ne3A_1228 : i1
      %sub3A_1230 = arith.constant 1 : i32
      %sub3A_1231 = arith.subi %div3A_1210, %sub3A_1230 : i32
      %select_n3A_1232 = arith.select %and3A_1229, %sub3A_1231, %div3A_1210 : i32
      %mul3A_1233 = arith.constant 4 : i32
      %mul3A_1234 = arith.muli %select_n3A_1232, %mul3A_1233 : i32
      %add3A_1235 = arith.constant 1 : i32
      %add3A_1236 = arith.addi %mul3A_1234, %add3A_1235 : i32
      %get3A_1237 = arith.index_cast %add3A_1236 : i32 to index
      %get3A_1238 = arith.constant 192 : index
      %get3A_1239 = tpu.vector_load %arg6[%get3A_1237, %get3A_1238] {strides = array<i32>} : memref<131x256xf32, #tpu.memory_space<vmem>>, vector<1x16xf32>,
      %get3A_1240 = vector.shape_cast %get3A_1239 : vector<1x16xf32> to vector<16xf32>
      %select_n3A_1241 = arith.select %gt3A_800, %get3A_1240, %broadcast_in_dim3A_253 : vector<16xf32>
      %add3A_1242 = arith.addf %add3A_696, %select_n3A_1241 : vector<16xf32>
      %jit3A_1243 = arith.constant 4 : i32
      %div3A_1244 = arith.divsi %squeeze3A_122, %jit3A_1243 : i32
      %sign3A_1245 = arith.constant 0 : i32
      %sign3A_1246 = arith.cmpi sgt, %squeeze3A_122, %sign3A_1245 : i32
      %sign3A_1247 = arith.extui %sign3A_1246 : i1 to i32
      %sign3A_1248 = arith.constant 0 : i32
      %sign3A_1249 = arith.cmpi slt, %squeeze3A_122, %sign3A_1248 : i32
      %sign3A_1250 = arith.extui %sign3A_1249 : i1 to i32
      %sign3A_1251 = arith.subi %sign3A_1247, %sign3A_1250 : i32
      %sign3A_1252 = arith.constant 0 : i32
      %sign3A_1253 = arith.cmpi sgt, %jit3A_1243, %sign3A_1252 : i32
      %sign3A_1254 = arith.extui %sign3A_1253 : i1 to i32
      %sign3A_1255 = arith.constant 0 : i32
      %sign3A_1256 = arith.cmpi slt, %jit3A_1243, %sign3A_1255 : i32
      %sign3A_1257 = arith.extui %sign3A_1256 : i1 to i32
      %sign3A_1258 = arith.subi %sign3A_1254, %sign3A_1257 : i32
      %ne3A_1259 = arith.cmpi ne, %sign3A_1251, %sign3A_1258 : i32
      %rem3A_1260 = arith.remsi %squeeze3A_122, %jit3A_1243 : i32
      %ne3A_1261 = arith.constant 0 : i32
      %ne3A_1262 = arith.cmpi ne, %rem3A_1260, %ne3A_1261 : i32
      %and3A_1263 = arith.andi %ne3A_1259, %ne3A_1262 : i1
      %sub3A_1264 = arith.constant 1 : i32
      %sub3A_1265 = arith.subi %div3A_1244, %sub3A_1264 : i32
      %select_n3A_1266 = arith.select %and3A_1263, %sub3A_1265, %div3A_1244 : i32
      %mul3A_1267 = arith.constant 4 : i32
      %mul3A_1268 = arith.muli %select_n3A_1266, %mul3A_1267 : i32
      %add3A_1269 = arith.constant 1 : i32
      %add3A_1270 = arith.addi %mul3A_1268, %add3A_1269 : i32
      %get3A_1271 = arith.index_cast %add3A_1270 : i32 to index
      %get3A_1272 = arith.constant 208 : index
      %get3A_1273 = tpu.vector_load %arg6[%get3A_1271, %get3A_1272] {strides = array<i32>} : memref<131x256xf32, #tpu.memory_space<vmem>>, vector<1x16xf32>,
      %get3A_1274 = vector.shape_cast %get3A_1273 : vector<1x16xf32> to vector<16xf32>
      %select_n3A_1275 = arith.select %gt3A_800, %get3A_1274, %broadcast_in_dim3A_253 : vector<16xf32>
      %add3A_1276 = arith.addf %add3A_730, %select_n3A_1275 : vector<16xf32>
      %jit3A_1277 = arith.constant 4 : i32
      %div3A_1278 = arith.divsi %squeeze3A_122, %jit3A_1277 : i32
      %sign3A_1279 = arith.constant 0 : i32
      %sign3A_1280 = arith.cmpi sgt, %squeeze3A_122, %sign3A_1279 : i32
      %sign3A_1281 = arith.extui %sign3A_1280 : i1 to i32
      %sign3A_1282 = arith.constant 0 : i32
      %sign3A_1283 = arith.cmpi slt, %squeeze3A_122, %sign3A_1282 : i32
      %sign3A_1284 = arith.extui %sign3A_1283 : i1 to i32
      %sign3A_1285 = arith.subi %sign3A_1281, %sign3A_1284 : i32
      %sign3A_1286 = arith.constant 0 : i32
      %sign3A_1287 = arith.cmpi sgt, %jit3A_1277, %sign3A_1286 : i32
      %sign3A_1288 = arith.extui %sign3A_1287 : i1 to i32
      %sign3A_1289 = arith.constant 0 : i32
      %sign3A_1290 = arith.cmpi slt, %jit3A_1277, %sign3A_1289 : i32
      %sign3A_1291 = arith.extui %sign3A_1290 : i1 to i32
      %sign3A_1292 = arith.subi %sign3A_1288, %sign3A_1291 : i32
      %ne3A_1293 = arith.cmpi ne, %sign3A_1285, %sign3A_1292 : i32
      %rem3A_1294 = arith.remsi %squeeze3A_122, %jit3A_1277 : i32
      %ne3A_1295 = arith.constant 0 : i32
      %ne3A_1296 = arith.cmpi ne, %rem3A_1294, %ne3A_1295 : i32
      %and3A_1297 = arith.andi %ne3A_1293, %ne3A_1296 : i1
      %sub3A_1298 = arith.constant 1 : i32
      %sub3A_1299 = arith.subi %div3A_1278, %sub3A_1298 : i32
      %select_n3A_1300 = arith.select %and3A_1297, %sub3A_1299, %div3A_1278 : i32
      %mul3A_1301 = arith.constant 4 : i32
      %mul3A_1302 = arith.muli %select_n3A_1300, %mul3A_1301 : i32
      %add3A_1303 = arith.constant 1 : i32
      %add3A_1304 = arith.addi %mul3A_1302, %add3A_1303 : i32
      %get3A_1305 = arith.index_cast %add3A_1304 : i32 to index
      %get3A_1306 = arith.constant 224 : index
      %get3A_1307 = tpu.vector_load %arg6[%get3A_1305, %get3A_1306] {strides = array<i32>} : memref<131x256xf32, #tpu.memory_space<vmem>>, vector<1x16xf32>,
      %get3A_1308 = vector.shape_cast %get3A_1307 : vector<1x16xf32> to vector<16xf32>
      %select_n3A_1309 = arith.select %gt3A_800, %get3A_1308, %broadcast_in_dim3A_253 : vector<16xf32>
      %add3A_1310 = arith.addf %add3A_764, %select_n3A_1309 : vector<16xf32>
      %jit3A_1311 = arith.constant 4 : i32
      %div3A_1312 = arith.divsi %squeeze3A_122, %jit3A_1311 : i32
      %sign3A_1313 = arith.constant 0 : i32
      %sign3A_1314 = arith.cmpi sgt, %squeeze3A_122, %sign3A_1313 : i32
      %sign3A_1315 = arith.extui %sign3A_1314 : i1 to i32
      %sign3A_1316 = arith.constant 0 : i32
      %sign3A_1317 = arith.cmpi slt, %squeeze3A_122, %sign3A_1316 : i32
      %sign3A_1318 = arith.extui %sign3A_1317 : i1 to i32
      %sign3A_1319 = arith.subi %sign3A_1315, %sign3A_1318 : i32
      %sign3A_1320 = arith.constant 0 : i32
      %sign3A_1321 = arith.cmpi sgt, %jit3A_1311, %sign3A_1320 : i32
      %sign3A_1322 = arith.extui %sign3A_1321 : i1 to i32
      %sign3A_1323 = arith.constant 0 : i32
      %sign3A_1324 = arith.cmpi slt, %jit3A_1311, %sign3A_1323 : i32
      %sign3A_1325 = arith.extui %sign3A_1324 : i1 to i32
      %sign3A_1326 = arith.subi %sign3A_1322, %sign3A_1325 : i32
      %ne3A_1327 = arith.cmpi ne, %sign3A_1319, %sign3A_1326 : i32
      %rem3A_1328 = arith.remsi %squeeze3A_122, %jit3A_1311 : i32
      %ne3A_1329 = arith.constant 0 : i32
      %ne3A_1330 = arith.cmpi ne, %rem3A_1328, %ne3A_1329 : i32
      %and3A_1331 = arith.andi %ne3A_1327, %ne3A_1330 : i1
      %sub3A_1332 = arith.constant 1 : i32
      %sub3A_1333 = arith.subi %div3A_1312, %sub3A_1332 : i32
      %select_n3A_1334 = arith.select %and3A_1331, %sub3A_1333, %div3A_1312 : i32
      %mul3A_1335 = arith.constant 4 : i32
      %mul3A_1336 = arith.muli %select_n3A_1334, %mul3A_1335 : i32
      %add3A_1337 = arith.constant 1 : i32
      %add3A_1338 = arith.addi %mul3A_1336, %add3A_1337 : i32
      %get3A_1339 = arith.index_cast %add3A_1338 : i32 to index
      %get3A_1340 = arith.constant 240 : index
      %get3A_1341 = tpu.vector_load %arg6[%get3A_1339, %get3A_1340] {strides = array<i32>} : memref<131x256xf32, #tpu.memory_space<vmem>>, vector<1x16xf32>,
      %get3A_1342 = vector.shape_cast %get3A_1341 : vector<1x16xf32> to vector<16xf32>
      %select_n3A_1343 = arith.select %gt3A_800, %get3A_1342, %broadcast_in_dim3A_253 : vector<16xf32>
      %add3A_1344 = arith.addf %add3A_798, %select_n3A_1343 : vector<16xf32>
      %gt3A_1345 = arith.constant 2 : i32
      %gt3A_1346 = arith.cmpi sgt, %sub3A_251, %gt3A_1345 : i32
      %jit3A_1347 = arith.constant 4 : i32
      %div3A_1348 = arith.divsi %squeeze3A_122, %jit3A_1347 : i32
      %sign3A_1349 = arith.constant 0 : i32
      %sign3A_1350 = arith.cmpi sgt, %squeeze3A_122, %sign3A_1349 : i32
      %sign3A_1351 = arith.extui %sign3A_1350 : i1 to i32
      %sign3A_1352 = arith.constant 0 : i32
      %sign3A_1353 = arith.cmpi slt, %squeeze3A_122, %sign3A_1352 : i32
      %sign3A_1354 = arith.extui %sign3A_1353 : i1 to i32
      %sign3A_1355 = arith.subi %sign3A_1351, %sign3A_1354 : i32
      %sign3A_1356 = arith.constant 0 : i32
      %sign3A_1357 = arith.cmpi sgt, %jit3A_1347, %sign3A_1356 : i32
      %sign3A_1358 = arith.extui %sign3A_1357 : i1 to i32
      %sign3A_1359 = arith.constant 0 : i32
      %sign3A_1360 = arith.cmpi slt, %jit3A_1347, %sign3A_1359 : i32
      %sign3A_1361 = arith.extui %sign3A_1360 : i1 to i32
      %sign3A_1362 = arith.subi %sign3A_1358, %sign3A_1361 : i32
      %ne3A_1363 = arith.cmpi ne, %sign3A_1355, %sign3A_1362 : i32
      %rem3A_1364 = arith.remsi %squeeze3A_122, %jit3A_1347 : i32
      %ne3A_1365 = arith.constant 0 : i32
      %ne3A_1366 = arith.cmpi ne, %rem3A_1364, %ne3A_1365 : i32
      %and3A_1367 = arith.andi %ne3A_1363, %ne3A_1366 : i1
      %sub3A_1368 = arith.constant 1 : i32
      %sub3A_1369 = arith.subi %div3A_1348, %sub3A_1368 : i32
      %select_n3A_1370 = arith.select %and3A_1367, %sub3A_1369, %div3A_1348 : i32
      %mul3A_1371 = arith.constant 4 : i32
      %mul3A_1372 = arith.muli %select_n3A_1370, %mul3A_1371 : i32
      %add3A_1373 = arith.constant 2 : i32
      %add3A_1374 = arith.addi %mul3A_1372, %add3A_1373 : i32
      %get3A_1375 = arith.index_cast %add3A_1374 : i32 to index
      %get3A_1376 = arith.constant 0 : index
      %get3A_1377 = tpu.vector_load %arg6[%get3A_1375, %get3A_1376] {strides = array<i32>} : memref<131x256xf32, #tpu.memory_space<vmem>>, vector<1x16xf32>,
      %get3A_1378 = vector.shape_cast %get3A_1377 : vector<1x16xf32> to vector<16xf32>
      %select_n3A_1379 = arith.select %gt3A_1346, %get3A_1378, %broadcast_in_dim3A_253 : vector<16xf32>
      %add3A_1380 = arith.addf %add3A_834, %select_n3A_1379 : vector<16xf32>
      %jit3A_1381 = arith.constant 4 : i32
      %div3A_1382 = arith.divsi %squeeze3A_122, %jit3A_1381 : i32
      %sign3A_1383 = arith.constant 0 : i32
      %sign3A_1384 = arith.cmpi sgt, %squeeze3A_122, %sign3A_1383 : i32
      %sign3A_1385 = arith.extui %sign3A_1384 : i1 to i32
      %sign3A_1386 = arith.constant 0 : i32
      %sign3A_1387 = arith.cmpi slt, %squeeze3A_122, %sign3A_1386 : i32
      %sign3A_1388 = arith.extui %sign3A_1387 : i1 to i32
      %sign3A_1389 = arith.subi %sign3A_1385, %sign3A_1388 : i32
      %sign3A_1390 = arith.constant 0 : i32
      %sign3A_1391 = arith.cmpi sgt, %jit3A_1381, %sign3A_1390 : i32
      %sign3A_1392 = arith.extui %sign3A_1391 : i1 to i32
      %sign3A_1393 = arith.constant 0 : i32
      %sign3A_1394 = arith.cmpi slt, %jit3A_1381, %sign3A_1393 : i32
      %sign3A_1395 = arith.extui %sign3A_1394 : i1 to i32
      %sign3A_1396 = arith.subi %sign3A_1392, %sign3A_1395 : i32
      %ne3A_1397 = arith.cmpi ne, %sign3A_1389, %sign3A_1396 : i32
      %rem3A_1398 = arith.remsi %squeeze3A_122, %jit3A_1381 : i32
      %ne3A_1399 = arith.constant 0 : i32
      %ne3A_1400 = arith.cmpi ne, %rem3A_1398, %ne3A_1399 : i32
      %and3A_1401 = arith.andi %ne3A_1397, %ne3A_1400 : i1
      %sub3A_1402 = arith.constant 1 : i32
      %sub3A_1403 = arith.subi %div3A_1382, %sub3A_1402 : i32
      %select_n3A_1404 = arith.select %and3A_1401, %sub3A_1403, %div3A_1382 : i32
      %mul3A_1405 = arith.constant 4 : i32
      %mul3A_1406 = arith.muli %select_n3A_1404, %mul3A_1405 : i32
      %add3A_1407 = arith.constant 2 : i32
      %add3A_1408 = arith.addi %mul3A_1406, %add3A_1407 : i32
      %get3A_1409 = arith.index_cast %add3A_1408 : i32 to index
      %get3A_1410 = arith.constant 16 : index
      %get3A_1411 = tpu.vector_load %arg6[%get3A_1409, %get3A_1410] {strides = array<i32>} : memref<131x256xf32, #tpu.memory_space<vmem>>, vector<1x16xf32>,
      %get3A_1412 = vector.shape_cast %get3A_1411 : vector<1x16xf32> to vector<16xf32>
      %select_n3A_1413 = arith.select %gt3A_1346, %get3A_1412, %broadcast_in_dim3A_253 : vector<16xf32>
      %add3A_1414 = arith.addf %add3A_868, %select_n3A_1413 : vector<16xf32>
      %jit3A_1415 = arith.constant 4 : i32
      %div3A_1416 = arith.divsi %squeeze3A_122, %jit3A_1415 : i32
      %sign3A_1417 = arith.constant 0 : i32
      %sign3A_1418 = arith.cmpi sgt, %squeeze3A_122, %sign3A_1417 : i32
      %sign3A_1419 = arith.extui %sign3A_1418 : i1 to i32
      %sign3A_1420 = arith.constant 0 : i32
      %sign3A_1421 = arith.cmpi slt, %squeeze3A_122, %sign3A_1420 : i32
      %sign3A_1422 = arith.extui %sign3A_1421 : i1 to i32
      %sign3A_1423 = arith.subi %sign3A_1419, %sign3A_1422 : i32
      %sign3A_1424 = arith.constant 0 : i32
      %sign3A_1425 = arith.cmpi sgt, %jit3A_1415, %sign3A_1424 : i32
      %sign3A_1426 = arith.extui %sign3A_1425 : i1 to i32
      %sign3A_1427 = arith.constant 0 : i32
      %sign3A_1428 = arith.cmpi slt, %jit3A_1415, %sign3A_1427 : i32
      %sign3A_1429 = arith.extui %sign3A_1428 : i1 to i32
      %sign3A_1430 = arith.subi %sign3A_1426, %sign3A_1429 : i32
      %ne3A_1431 = arith.cmpi ne, %sign3A_1423, %sign3A_1430 : i32
      %rem3A_1432 = arith.remsi %squeeze3A_122, %jit3A_1415 : i32
      %ne3A_1433 = arith.constant 0 : i32
      %ne3A_1434 = arith.cmpi ne, %rem3A_1432, %ne3A_1433 : i32
      %and3A_1435 = arith.andi %ne3A_1431, %ne3A_1434 : i1
      %sub3A_1436 = arith.constant 1 : i32
      %sub3A_1437 = arith.subi %div3A_1416, %sub3A_1436 : i32
      %select_n3A_1438 = arith.select %and3A_1435, %sub3A_1437, %div3A_1416 : i32
      %mul3A_1439 = arith.constant 4 : i32
      %mul3A_1440 = arith.muli %select_n3A_1438, %mul3A_1439 : i32
      %add3A_1441 = arith.constant 2 : i32
      %add3A_1442 = arith.addi %mul3A_1440, %add3A_1441 : i32
      %get3A_1443 = arith.index_cast %add3A_1442 : i32 to index
      %get3A_1444 = arith.constant 32 : index
      %get3A_1445 = tpu.vector_load %arg6[%get3A_1443, %get3A_1444] {strides = array<i32>} : memref<131x256xf32, #tpu.memory_space<vmem>>, vector<1x16xf32>,
      %get3A_1446 = vector.shape_cast %get3A_1445 : vector<1x16xf32> to vector<16xf32>
      %select_n3A_1447 = arith.select %gt3A_1346, %get3A_1446, %broadcast_in_dim3A_253 : vector<16xf32>
      %add3A_1448 = arith.addf %add3A_902, %select_n3A_1447 : vector<16xf32>
      %jit3A_1449 = arith.constant 4 : i32
      %div3A_1450 = arith.divsi %squeeze3A_122, %jit3A_1449 : i32
      %sign3A_1451 = arith.constant 0 : i32
      %sign3A_1452 = arith.cmpi sgt, %squeeze3A_122, %sign3A_1451 : i32
      %sign3A_1453 = arith.extui %sign3A_1452 : i1 to i32
      %sign3A_1454 = arith.constant 0 : i32
      %sign3A_1455 = arith.cmpi slt, %squeeze3A_122, %sign3A_1454 : i32
      %sign3A_1456 = arith.extui %sign3A_1455 : i1 to i32
      %sign3A_1457 = arith.subi %sign3A_1453, %sign3A_1456 : i32
      %sign3A_1458 = arith.constant 0 : i32
      %sign3A_1459 = arith.cmpi sgt, %jit3A_1449, %sign3A_1458 : i32
      %sign3A_1460 = arith.extui %sign3A_1459 : i1 to i32
      %sign3A_1461 = arith.constant 0 : i32
      %sign3A_1462 = arith.cmpi slt, %jit3A_1449, %sign3A_1461 : i32
      %sign3A_1463 = arith.extui %sign3A_1462 : i1 to i32
      %sign3A_1464 = arith.subi %sign3A_1460, %sign3A_1463 : i32
      %ne3A_1465 = arith.cmpi ne, %sign3A_1457, %sign3A_1464 : i32
      %rem3A_1466 = arith.remsi %squeeze3A_122, %jit3A_1449 : i32
      %ne3A_1467 = arith.constant 0 : i32
      %ne3A_1468 = arith.cmpi ne, %rem3A_1466, %ne3A_1467 : i32
      %and3A_1469 = arith.andi %ne3A_1465, %ne3A_1468 : i1
      %sub3A_1470 = arith.constant 1 : i32
      %sub3A_1471 = arith.subi %div3A_1450, %sub3A_1470 : i32
      %select_n3A_1472 = arith.select %and3A_1469, %sub3A_1471, %div3A_1450 : i32
      %mul3A_1473 = arith.constant 4 : i32
      %mul3A_1474 = arith.muli %select_n3A_1472, %mul3A_1473 : i32
      %add3A_1475 = arith.constant 2 : i32
      %add3A_1476 = arith.addi %mul3A_1474, %add3A_1475 : i32
      %get3A_1477 = arith.index_cast %add3A_1476 : i32 to index
      %get3A_1478 = arith.constant 48 : index
      %get3A_1479 = tpu.vector_load %arg6[%get3A_1477, %get3A_1478] {strides = array<i32>} : memref<131x256xf32, #tpu.memory_space<vmem>>, vector<1x16xf32>,
      %get3A_1480 = vector.shape_cast %get3A_1479 : vector<1x16xf32> to vector<16xf32>
      %select_n3A_1481 = arith.select %gt3A_1346, %get3A_1480, %broadcast_in_dim3A_253 : vector<16xf32>
      %add3A_1482 = arith.addf %add3A_936, %select_n3A_1481 : vector<16xf32>
      %jit3A_1483 = arith.constant 4 : i32
      %div3A_1484 = arith.divsi %squeeze3A_122, %jit3A_1483 : i32
      %sign3A_1485 = arith.constant 0 : i32
      %sign3A_1486 = arith.cmpi sgt, %squeeze3A_122, %sign3A_1485 : i32
      %sign3A_1487 = arith.extui %sign3A_1486 : i1 to i32
      %sign3A_1488 = arith.constant 0 : i32
      %sign3A_1489 = arith.cmpi slt, %squeeze3A_122, %sign3A_1488 : i32
      %sign3A_1490 = arith.extui %sign3A_1489 : i1 to i32
      %sign3A_1491 = arith.subi %sign3A_1487, %sign3A_1490 : i32
      %sign3A_1492 = arith.constant 0 : i32
      %sign3A_1493 = arith.cmpi sgt, %jit3A_1483, %sign3A_1492 : i32
      %sign3A_1494 = arith.extui %sign3A_1493 : i1 to i32
      %sign3A_1495 = arith.constant 0 : i32
      %sign3A_1496 = arith.cmpi slt, %jit3A_1483, %sign3A_1495 : i32
      %sign3A_1497 = arith.extui %sign3A_1496 : i1 to i32
      %sign3A_1498 = arith.subi %sign3A_1494, %sign3A_1497 : i32
      %ne3A_1499 = arith.cmpi ne, %sign3A_1491, %sign3A_1498 : i32
      %rem3A_1500 = arith.remsi %squeeze3A_122, %jit3A_1483 : i32
      %ne3A_1501 = arith.constant 0 : i32
      %ne3A_1502 = arith.cmpi ne, %rem3A_1500, %ne3A_1501 : i32
      %and3A_1503 = arith.andi %ne3A_1499, %ne3A_1502 : i1
      %sub3A_1504 = arith.constant 1 : i32
      %sub3A_1505 = arith.subi %div3A_1484, %sub3A_1504 : i32
      %select_n3A_1506 = arith.select %and3A_1503, %sub3A_1505, %div3A_1484 : i32
      %mul3A_1507 = arith.constant 4 : i32
      %mul3A_1508 = arith.muli %select_n3A_1506, %mul3A_1507 : i32
      %add3A_1509 = arith.constant 2 : i32
      %add3A_1510 = arith.addi %mul3A_1508, %add3A_1509 : i32
      %get3A_1511 = arith.index_cast %add3A_1510 : i32 to index
      %get3A_1512 = arith.constant 64 : index
      %get3A_1513 = tpu.vector_load %arg6[%get3A_1511, %get3A_1512] {strides = array<i32>} : memref<131x256xf32, #tpu.memory_space<vmem>>, vector<1x16xf32>,
      %get3A_1514 = vector.shape_cast %get3A_1513 : vector<1x16xf32> to vector<16xf32>
      %select_n3A_1515 = arith.select %gt3A_1346, %get3A_1514, %broadcast_in_dim3A_253 : vector<16xf32>
      %add3A_1516 = arith.addf %add3A_970, %select_n3A_1515 : vector<16xf32>
      %jit3A_1517 = arith.constant 4 : i32
      %div3A_1518 = arith.divsi %squeeze3A_122, %jit3A_1517 : i32
      %sign3A_1519 = arith.constant 0 : i32
      %sign3A_1520 = arith.cmpi sgt, %squeeze3A_122, %sign3A_1519 : i32
      %sign3A_1521 = arith.extui %sign3A_1520 : i1 to i32
      %sign3A_1522 = arith.constant 0 : i32
      %sign3A_1523 = arith.cmpi slt, %squeeze3A_122, %sign3A_1522 : i32
      %sign3A_1524 = arith.extui %sign3A_1523 : i1 to i32
      %sign3A_1525 = arith.subi %sign3A_1521, %sign3A_1524 : i32
      %sign3A_1526 = arith.constant 0 : i32
      %sign3A_1527 = arith.cmpi sgt, %jit3A_1517, %sign3A_1526 : i32
      %sign3A_1528 = arith.extui %sign3A_1527 : i1 to i32
      %sign3A_1529 = arith.constant 0 : i32
      %sign3A_1530 = arith.cmpi slt, %jit3A_1517, %sign3A_1529 : i32
      %sign3A_1531 = arith.extui %sign3A_1530 : i1 to i32
      %sign3A_1532 = arith.subi %sign3A_1528, %sign3A_1531 : i32
      %ne3A_1533 = arith.cmpi ne, %sign3A_1525, %sign3A_1532 : i32
      %rem3A_1534 = arith.remsi %squeeze3A_122, %jit3A_1517 : i32
      %ne3A_1535 = arith.constant 0 : i32
      %ne3A_1536 = arith.cmpi ne, %rem3A_1534, %ne3A_1535 : i32
      %and3A_1537 = arith.andi %ne3A_1533, %ne3A_1536 : i1
      %sub3A_1538 = arith.constant 1 : i32
      %sub3A_1539 = arith.subi %div3A_1518, %sub3A_1538 : i32
      %select_n3A_1540 = arith.select %and3A_1537, %sub3A_1539, %div3A_1518 : i32
      %mul3A_1541 = arith.constant 4 : i32
      %mul3A_1542 = arith.muli %select_n3A_1540, %mul3A_1541 : i32
      %add3A_1543 = arith.constant 2 : i32
      %add3A_1544 = arith.addi %mul3A_1542, %add3A_1543 : i32
      %get3A_1545 = arith.index_cast %add3A_1544 : i32 to index
      %get3A_1546 = arith.constant 80 : index
      %get3A_1547 = tpu.vector_load %arg6[%get3A_1545, %get3A_1546] {strides = array<i32>} : memref<131x256xf32, #tpu.memory_space<vmem>>, vector<1x16xf32>,
      %get3A_1548 = vector.shape_cast %get3A_1547 : vector<1x16xf32> to vector<16xf32>
      %select_n3A_1549 = arith.select %gt3A_1346, %get3A_1548, %broadcast_in_dim3A_253 : vector<16xf32>
      %add3A_1550 = arith.addf %add3A_1004, %select_n3A_1549 : vector<16xf32>
      %jit3A_1551 = arith.constant 4 : i32
      %div3A_1552 = arith.divsi %squeeze3A_122, %jit3A_1551 : i32
      %sign3A_1553 = arith.constant 0 : i32
      %sign3A_1554 = arith.cmpi sgt, %squeeze3A_122, %sign3A_1553 : i32
      %sign3A_1555 = arith.extui %sign3A_1554 : i1 to i32
      %sign3A_1556 = arith.constant 0 : i32
      %sign3A_1557 = arith.cmpi slt, %squeeze3A_122, %sign3A_1556 : i32
      %sign3A_1558 = arith.extui %sign3A_1557 : i1 to i32
      %sign3A_1559 = arith.subi %sign3A_1555, %sign3A_1558 : i32
      %sign3A_1560 = arith.constant 0 : i32
      %sign3A_1561 = arith.cmpi sgt, %jit3A_1551, %sign3A_1560 : i32
      %sign3A_1562 = arith.extui %sign3A_1561 : i1 to i32
      %sign3A_1563 = arith.constant 0 : i32
      %sign3A_1564 = arith.cmpi slt, %jit3A_1551, %sign3A_1563 : i32
      %sign3A_1565 = arith.extui %sign3A_1564 : i1 to i32
      %sign3A_1566 = arith.subi %sign3A_1562, %sign3A_1565 : i32
      %ne3A_1567 = arith.cmpi ne, %sign3A_1559, %sign3A_1566 : i32
      %rem3A_1568 = arith.remsi %squeeze3A_122, %jit3A_1551 : i32
      %ne3A_1569 = arith.constant 0 : i32
      %ne3A_1570 = arith.cmpi ne, %rem3A_1568, %ne3A_1569 : i32
      %and3A_1571 = arith.andi %ne3A_1567, %ne3A_1570 : i1
      %sub3A_1572 = arith.constant 1 : i32
      %sub3A_1573 = arith.subi %div3A_1552, %sub3A_1572 : i32
      %select_n3A_1574 = arith.select %and3A_1571, %sub3A_1573, %div3A_1552 : i32
      %mul3A_1575 = arith.constant 4 : i32
      %mul3A_1576 = arith.muli %select_n3A_1574, %mul3A_1575 : i32
      %add3A_1577 = arith.constant 2 : i32
      %add3A_1578 = arith.addi %mul3A_1576, %add3A_1577 : i32
      %get3A_1579 = arith.index_cast %add3A_1578 : i32 to index
      %get3A_1580 = arith.constant 96 : index
      %get3A_1581 = tpu.vector_load %arg6[%get3A_1579, %get3A_1580] {strides = array<i32>} : memref<131x256xf32, #tpu.memory_space<vmem>>, vector<1x16xf32>,
      %get3A_1582 = vector.shape_cast %get3A_1581 : vector<1x16xf32> to vector<16xf32>
      %select_n3A_1583 = arith.select %gt3A_1346, %get3A_1582, %broadcast_in_dim3A_253 : vector<16xf32>
      %add3A_1584 = arith.addf %add3A_1038, %select_n3A_1583 : vector<16xf32>
      %jit3A_1585 = arith.constant 4 : i32
      %div3A_1586 = arith.divsi %squeeze3A_122, %jit3A_1585 : i32
      %sign3A_1587 = arith.constant 0 : i32
      %sign3A_1588 = arith.cmpi sgt, %squeeze3A_122, %sign3A_1587 : i32
      %sign3A_1589 = arith.extui %sign3A_1588 : i1 to i32
      %sign3A_1590 = arith.constant 0 : i32
      %sign3A_1591 = arith.cmpi slt, %squeeze3A_122, %sign3A_1590 : i32
      %sign3A_1592 = arith.extui %sign3A_1591 : i1 to i32
      %sign3A_1593 = arith.subi %sign3A_1589, %sign3A_1592 : i32
      %sign3A_1594 = arith.constant 0 : i32
      %sign3A_1595 = arith.cmpi sgt, %jit3A_1585, %sign3A_1594 : i32
      %sign3A_1596 = arith.extui %sign3A_1595 : i1 to i32
      %sign3A_1597 = arith.constant 0 : i32
      %sign3A_1598 = arith.cmpi slt, %jit3A_1585, %sign3A_1597 : i32
      %sign3A_1599 = arith.extui %sign3A_1598 : i1 to i32
      %sign3A_1600 = arith.subi %sign3A_1596, %sign3A_1599 : i32
      %ne3A_1601 = arith.cmpi ne, %sign3A_1593, %sign3A_1600 : i32
      %rem3A_1602 = arith.remsi %squeeze3A_122, %jit3A_1585 : i32
      %ne3A_1603 = arith.constant 0 : i32
      %ne3A_1604 = arith.cmpi ne, %rem3A_1602, %ne3A_1603 : i32
      %and3A_1605 = arith.andi %ne3A_1601, %ne3A_1604 : i1
      %sub3A_1606 = arith.constant 1 : i32
      %sub3A_1607 = arith.subi %div3A_1586, %sub3A_1606 : i32
      %select_n3A_1608 = arith.select %and3A_1605, %sub3A_1607, %div3A_1586 : i32
      %mul3A_1609 = arith.constant 4 : i32
      %mul3A_1610 = arith.muli %select_n3A_1608, %mul3A_1609 : i32
      %add3A_1611 = arith.constant 2 : i32
      %add3A_1612 = arith.addi %mul3A_1610, %add3A_1611 : i32
      %get3A_1613 = arith.index_cast %add3A_1612 : i32 to index
      %get3A_1614 = arith.constant 112 : index
      %get3A_1615 = tpu.vector_load %arg6[%get3A_1613, %get3A_1614] {strides = array<i32>} : memref<131x256xf32, #tpu.memory_space<vmem>>, vector<1x16xf32>,
      %get3A_1616 = vector.shape_cast %get3A_1615 : vector<1x16xf32> to vector<16xf32>
      %select_n3A_1617 = arith.select %gt3A_1346, %get3A_1616, %broadcast_in_dim3A_253 : vector<16xf32>
      %add3A_1618 = arith.addf %add3A_1072, %select_n3A_1617 : vector<16xf32>
      %jit3A_1619 = arith.constant 4 : i32
      %div3A_1620 = arith.divsi %squeeze3A_122, %jit3A_1619 : i32
      %sign3A_1621 = arith.constant 0 : i32
      %sign3A_1622 = arith.cmpi sgt, %squeeze3A_122, %sign3A_1621 : i32
      %sign3A_1623 = arith.extui %sign3A_1622 : i1 to i32
      %sign3A_1624 = arith.constant 0 : i32
      %sign3A_1625 = arith.cmpi slt, %squeeze3A_122, %sign3A_1624 : i32
      %sign3A_1626 = arith.extui %sign3A_1625 : i1 to i32
      %sign3A_1627 = arith.subi %sign3A_1623, %sign3A_1626 : i32
      %sign3A_1628 = arith.constant 0 : i32
      %sign3A_1629 = arith.cmpi sgt, %jit3A_1619, %sign3A_1628 : i32
      %sign3A_1630 = arith.extui %sign3A_1629 : i1 to i32
      %sign3A_1631 = arith.constant 0 : i32
      %sign3A_1632 = arith.cmpi slt, %jit3A_1619, %sign3A_1631 : i32
      %sign3A_1633 = arith.extui %sign3A_1632 : i1 to i32
      %sign3A_1634 = arith.subi %sign3A_1630, %sign3A_1633 : i32
      %ne3A_1635 = arith.cmpi ne, %sign3A_1627, %sign3A_1634 : i32
      %rem3A_1636 = arith.remsi %squeeze3A_122, %jit3A_1619 : i32
      %ne3A_1637 = arith.constant 0 : i32
      %ne3A_1638 = arith.cmpi ne, %rem3A_1636, %ne3A_1637 : i32
      %and3A_1639 = arith.andi %ne3A_1635, %ne3A_1638 : i1
      %sub3A_1640 = arith.constant 1 : i32
      %sub3A_1641 = arith.subi %div3A_1620, %sub3A_1640 : i32
      %select_n3A_1642 = arith.select %and3A_1639, %sub3A_1641, %div3A_1620 : i32
      %mul3A_1643 = arith.constant 4 : i32
      %mul3A_1644 = arith.muli %select_n3A_1642, %mul3A_1643 : i32
      %add3A_1645 = arith.constant 2 : i32
      %add3A_1646 = arith.addi %mul3A_1644, %add3A_1645 : i32
      %get3A_1647 = arith.index_cast %add3A_1646 : i32 to index
      %get3A_1648 = arith.constant 128 : index
      %get3A_1649 = tpu.vector_load %arg6[%get3A_1647, %get3A_1648] {strides = array<i32>} : memref<131x256xf32, #tpu.memory_space<vmem>>, vector<1x16xf32>,
      %get3A_1650 = vector.shape_cast %get3A_1649 : vector<1x16xf32> to vector<16xf32>
      %select_n3A_1651 = arith.select %gt3A_1346, %get3A_1650, %broadcast_in_dim3A_253 : vector<16xf32>
      %add3A_1652 = arith.addf %add3A_1106, %select_n3A_1651 : vector<16xf32>
      %jit3A_1653 = arith.constant 4 : i32
      %div3A_1654 = arith.divsi %squeeze3A_122, %jit3A_1653 : i32
      %sign3A_1655 = arith.constant 0 : i32
      %sign3A_1656 = arith.cmpi sgt, %squeeze3A_122, %sign3A_1655 : i32
      %sign3A_1657 = arith.extui %sign3A_1656 : i1 to i32
      %sign3A_1658 = arith.constant 0 : i32
      %sign3A_1659 = arith.cmpi slt, %squeeze3A_122, %sign3A_1658 : i32
      %sign3A_1660 = arith.extui %sign3A_1659 : i1 to i32
      %sign3A_1661 = arith.subi %sign3A_1657, %sign3A_1660 : i32
      %sign3A_1662 = arith.constant 0 : i32
      %sign3A_1663 = arith.cmpi sgt, %jit3A_1653, %sign3A_1662 : i32
      %sign3A_1664 = arith.extui %sign3A_1663 : i1 to i32
      %sign3A_1665 = arith.constant 0 : i32
      %sign3A_1666 = arith.cmpi slt, %jit3A_1653, %sign3A_1665 : i32
      %sign3A_1667 = arith.extui %sign3A_1666 : i1 to i32
      %sign3A_1668 = arith.subi %sign3A_1664, %sign3A_1667 : i32
      %ne3A_1669 = arith.cmpi ne, %sign3A_1661, %sign3A_1668 : i32
      %rem3A_1670 = arith.remsi %squeeze3A_122, %jit3A_1653 : i32
      %ne3A_1671 = arith.constant 0 : i32
      %ne3A_1672 = arith.cmpi ne, %rem3A_1670, %ne3A_1671 : i32
      %and3A_1673 = arith.andi %ne3A_1669, %ne3A_1672 : i1
      %sub3A_1674 = arith.constant 1 : i32
      %sub3A_1675 = arith.subi %div3A_1654, %sub3A_1674 : i32
      %select_n3A_1676 = arith.select %and3A_1673, %sub3A_1675, %div3A_1654 : i32
      %mul3A_1677 = arith.constant 4 : i32
      %mul3A_1678 = arith.muli %select_n3A_1676, %mul3A_1677 : i32
      %add3A_1679 = arith.constant 2 : i32
      %add3A_1680 = arith.addi %mul3A_1678, %add3A_1679 : i32
      %get3A_1681 = arith.index_cast %add3A_1680 : i32 to index
      %get3A_1682 = arith.constant 144 : index
      %get3A_1683 = tpu.vector_load %arg6[%get3A_1681, %get3A_1682] {strides = array<i32>} : memref<131x256xf32, #tpu.memory_space<vmem>>, vector<1x16xf32>,
      %get3A_1684 = vector.shape_cast %get3A_1683 : vector<1x16xf32> to vector<16xf32>
      %select_n3A_1685 = arith.select %gt3A_1346, %get3A_1684, %broadcast_in_dim3A_253 : vector<16xf32>
      %add3A_1686 = arith.addf %add3A_1140, %select_n3A_1685 : vector<16xf32>
      %jit3A_1687 = arith.constant 4 : i32
      %div3A_1688 = arith.divsi %squeeze3A_122, %jit3A_1687 : i32
      %sign3A_1689 = arith.constant 0 : i32
      %sign3A_1690 = arith.cmpi sgt, %squeeze3A_122, %sign3A_1689 : i32
      %sign3A_1691 = arith.extui %sign3A_1690 : i1 to i32
      %sign3A_1692 = arith.constant 0 : i32
      %sign3A_1693 = arith.cmpi slt, %squeeze3A_122, %sign3A_1692 : i32
      %sign3A_1694 = arith.extui %sign3A_1693 : i1 to i32
      %sign3A_1695 = arith.subi %sign3A_1691, %sign3A_1694 : i32
      %sign3A_1696 = arith.constant 0 : i32
      %sign3A_1697 = arith.cmpi sgt, %jit3A_1687, %sign3A_1696 : i32
      %sign3A_1698 = arith.extui %sign3A_1697 : i1 to i32
      %sign3A_1699 = arith.constant 0 : i32
      %sign3A_1700 = arith.cmpi slt, %jit3A_1687, %sign3A_1699 : i32
      %sign3A_1701 = arith.extui %sign3A_1700 : i1 to i32
      %sign3A_1702 = arith.subi %sign3A_1698, %sign3A_1701 : i32
      %ne3A_1703 = arith.cmpi ne, %sign3A_1695, %sign3A_1702 : i32
      %rem3A_1704 = arith.remsi %squeeze3A_122, %jit3A_1687 : i32
      %ne3A_1705 = arith.constant 0 : i32
      %ne3A_1706 = arith.cmpi ne, %rem3A_1704, %ne3A_1705 : i32
      %and3A_1707 = arith.andi %ne3A_1703, %ne3A_1706 : i1
      %sub3A_1708 = arith.constant 1 : i32
      %sub3A_1709 = arith.subi %div3A_1688, %sub3A_1708 : i32
      %select_n3A_1710 = arith.select %and3A_1707, %sub3A_1709, %div3A_1688 : i32
      %mul3A_1711 = arith.constant 4 : i32
      %mul3A_1712 = arith.muli %select_n3A_1710, %mul3A_1711 : i32
      %add3A_1713 = arith.constant 2 : i32
      %add3A_1714 = arith.addi %mul3A_1712, %add3A_1713 : i32
      %get3A_1715 = arith.index_cast %add3A_1714 : i32 to index
      %get3A_1716 = arith.constant 160 : index
      %get3A_1717 = tpu.vector_load %arg6[%get3A_1715, %get3A_1716] {strides = array<i32>} : memref<131x256xf32, #tpu.memory_space<vmem>>, vector<1x16xf32>,
      %get3A_1718 = vector.shape_cast %get3A_1717 : vector<1x16xf32> to vector<16xf32>
      %select_n3A_1719 = arith.select %gt3A_1346, %get3A_1718, %broadcast_in_dim3A_253 : vector<16xf32>
      %add3A_1720 = arith.addf %add3A_1174, %select_n3A_1719 : vector<16xf32>
      %jit3A_1721 = arith.constant 4 : i32
      %div3A_1722 = arith.divsi %squeeze3A_122, %jit3A_1721 : i32
      %sign3A_1723 = arith.constant 0 : i32
      %sign3A_1724 = arith.cmpi sgt, %squeeze3A_122, %sign3A_1723 : i32
      %sign3A_1725 = arith.extui %sign3A_1724 : i1 to i32
      %sign3A_1726 = arith.constant 0 : i32
      %sign3A_1727 = arith.cmpi slt, %squeeze3A_122, %sign3A_1726 : i32
      %sign3A_1728 = arith.extui %sign3A_1727 : i1 to i32
      %sign3A_1729 = arith.subi %sign3A_1725, %sign3A_1728 : i32
      %sign3A_1730 = arith.constant 0 : i32
      %sign3A_1731 = arith.cmpi sgt, %jit3A_1721, %sign3A_1730 : i32
      %sign3A_1732 = arith.extui %sign3A_1731 : i1 to i32
      %sign3A_1733 = arith.constant 0 : i32
      %sign3A_1734 = arith.cmpi slt, %jit3A_1721, %sign3A_1733 : i32
      %sign3A_1735 = arith.extui %sign3A_1734 : i1 to i32
      %sign3A_1736 = arith.subi %sign3A_1732, %sign3A_1735 : i32
      %ne3A_1737 = arith.cmpi ne, %sign3A_1729, %sign3A_1736 : i32
      %rem3A_1738 = arith.remsi %squeeze3A_122, %jit3A_1721 : i32
      %ne3A_1739 = arith.constant 0 : i32
      %ne3A_1740 = arith.cmpi ne, %rem3A_1738, %ne3A_1739 : i32
      %and3A_1741 = arith.andi %ne3A_1737, %ne3A_1740 : i1
      %sub3A_1742 = arith.constant 1 : i32
      %sub3A_1743 = arith.subi %div3A_1722, %sub3A_1742 : i32
      %select_n3A_1744 = arith.select %and3A_1741, %sub3A_1743, %div3A_1722 : i32
      %mul3A_1745 = arith.constant 4 : i32
      %mul3A_1746 = arith.muli %select_n3A_1744, %mul3A_1745 : i32
      %add3A_1747 = arith.constant 2 : i32
      %add3A_1748 = arith.addi %mul3A_1746, %add3A_1747 : i32
      %get3A_1749 = arith.index_cast %add3A_1748 : i32 to index
      %get3A_1750 = arith.constant 176 : index
      %get3A_1751 = tpu.vector_load %arg6[%get3A_1749, %get3A_1750] {strides = array<i32>} : memref<131x256xf32, #tpu.memory_space<vmem>>, vector<1x16xf32>,
      %get3A_1752 = vector.shape_cast %get3A_1751 : vector<1x16xf32> to vector<16xf32>
      %select_n3A_1753 = arith.select %gt3A_1346, %get3A_1752, %broadcast_in_dim3A_253 : vector<16xf32>
      %add3A_1754 = arith.addf %add3A_1208, %select_n3A_1753 : vector<16xf32>
      %jit3A_1755 = arith.constant 4 : i32
      %div3A_1756 = arith.divsi %squeeze3A_122, %jit3A_1755 : i32
      %sign3A_1757 = arith.constant 0 : i32
      %sign3A_1758 = arith.cmpi sgt, %squeeze3A_122, %sign3A_1757 : i32
      %sign3A_1759 = arith.extui %sign3A_1758 : i1 to i32
      %sign3A_1760 = arith.constant 0 : i32
      %sign3A_1761 = arith.cmpi slt, %squeeze3A_122, %sign3A_1760 : i32
      %sign3A_1762 = arith.extui %sign3A_1761 : i1 to i32
      %sign3A_1763 = arith.subi %sign3A_1759, %sign3A_1762 : i32
      %sign3A_1764 = arith.constant 0 : i32
      %sign3A_1765 = arith.cmpi sgt, %jit3A_1755, %sign3A_1764 : i32
      %sign3A_1766 = arith.extui %sign3A_1765 : i1 to i32
      %sign3A_1767 = arith.constant 0 : i32
      %sign3A_1768 = arith.cmpi slt, %jit3A_1755, %sign3A_1767 : i32
      %sign3A_1769 = arith.extui %sign3A_1768 : i1 to i32
      %sign3A_1770 = arith.subi %sign3A_1766, %sign3A_1769 : i32
      %ne3A_1771 = arith.cmpi ne, %sign3A_1763, %sign3A_1770 : i32
      %rem3A_1772 = arith.remsi %squeeze3A_122, %jit3A_1755 : i32
      %ne3A_1773 = arith.constant 0 : i32
      %ne3A_1774 = arith.cmpi ne, %rem3A_1772, %ne3A_1773 : i32
      %and3A_1775 = arith.andi %ne3A_1771, %ne3A_1774 : i1
      %sub3A_1776 = arith.constant 1 : i32
      %sub3A_1777 = arith.subi %div3A_1756, %sub3A_1776 : i32
      %select_n3A_1778 = arith.select %and3A_1775, %sub3A_1777, %div3A_1756 : i32
      %mul3A_1779 = arith.constant 4 : i32
      %mul3A_1780 = arith.muli %select_n3A_1778, %mul3A_1779 : i32
      %add3A_1781 = arith.constant 2 : i32
      %add3A_1782 = arith.addi %mul3A_1780, %add3A_1781 : i32
      %get3A_1783 = arith.index_cast %add3A_1782 : i32 to index
      %get3A_1784 = arith.constant 192 : index
      %get3A_1785 = tpu.vector_load %arg6[%get3A_1783, %get3A_1784] {strides = array<i32>} : memref<131x256xf32, #tpu.memory_space<vmem>>, vector<1x16xf32>,
      %get3A_1786 = vector.shape_cast %get3A_1785 : vector<1x16xf32> to vector<16xf32>
      %select_n3A_1787 = arith.select %gt3A_1346, %get3A_1786, %broadcast_in_dim3A_253 : vector<16xf32>
      %add3A_1788 = arith.addf %add3A_1242, %select_n3A_1787 : vector<16xf32>
      %jit3A_1789 = arith.constant 4 : i32
      %div3A_1790 = arith.divsi %squeeze3A_122, %jit3A_1789 : i32
      %sign3A_1791 = arith.constant 0 : i32
      %sign3A_1792 = arith.cmpi sgt, %squeeze3A_122, %sign3A_1791 : i32
      %sign3A_1793 = arith.extui %sign3A_1792 : i1 to i32
      %sign3A_1794 = arith.constant 0 : i32
      %sign3A_1795 = arith.cmpi slt, %squeeze3A_122, %sign3A_1794 : i32
      %sign3A_1796 = arith.extui %sign3A_1795 : i1 to i32
      %sign3A_1797 = arith.subi %sign3A_1793, %sign3A_1796 : i32
      %sign3A_1798 = arith.constant 0 : i32
      %sign3A_1799 = arith.cmpi sgt, %jit3A_1789, %sign3A_1798 : i32
      %sign3A_1800 = arith.extui %sign3A_1799 : i1 to i32
      %sign3A_1801 = arith.constant 0 : i32
      %sign3A_1802 = arith.cmpi slt, %jit3A_1789, %sign3A_1801 : i32
      %sign3A_1803 = arith.extui %sign3A_1802 : i1 to i32
      %sign3A_1804 = arith.subi %sign3A_1800, %sign3A_1803 : i32
      %ne3A_1805 = arith.cmpi ne, %sign3A_1797, %sign3A_1804 : i32
      %rem3A_1806 = arith.remsi %squeeze3A_122, %jit3A_1789 : i32
      %ne3A_1807 = arith.constant 0 : i32
      %ne3A_1808 = arith.cmpi ne, %rem3A_1806, %ne3A_1807 : i32
      %and3A_1809 = arith.andi %ne3A_1805, %ne3A_1808 : i1
      %sub3A_1810 = arith.constant 1 : i32
      %sub3A_1811 = arith.subi %div3A_1790, %sub3A_1810 : i32
      %select_n3A_1812 = arith.select %and3A_1809, %sub3A_1811, %div3A_1790 : i32
      %mul3A_1813 = arith.constant 4 : i32
      %mul3A_1814 = arith.muli %select_n3A_1812, %mul3A_1813 : i32
      %add3A_1815 = arith.constant 2 : i32
      %add3A_1816 = arith.addi %mul3A_1814, %add3A_1815 : i32
      %get3A_1817 = arith.index_cast %add3A_1816 : i32 to index
      %get3A_1818 = arith.constant 208 : index
      %get3A_1819 = tpu.vector_load %arg6[%get3A_1817, %get3A_1818] {strides = array<i32>} : memref<131x256xf32, #tpu.memory_space<vmem>>, vector<1x16xf32>,
      %get3A_1820 = vector.shape_cast %get3A_1819 : vector<1x16xf32> to vector<16xf32>
      %select_n3A_1821 = arith.select %gt3A_1346, %get3A_1820, %broadcast_in_dim3A_253 : vector<16xf32>
      %add3A_1822 = arith.addf %add3A_1276, %select_n3A_1821 : vector<16xf32>
      %jit3A_1823 = arith.constant 4 : i32
      %div3A_1824 = arith.divsi %squeeze3A_122, %jit3A_1823 : i32
      %sign3A_1825 = arith.constant 0 : i32
      %sign3A_1826 = arith.cmpi sgt, %squeeze3A_122, %sign3A_1825 : i32
      %sign3A_1827 = arith.extui %sign3A_1826 : i1 to i32
      %sign3A_1828 = arith.constant 0 : i32
      %sign3A_1829 = arith.cmpi slt, %squeeze3A_122, %sign3A_1828 : i32
      %sign3A_1830 = arith.extui %sign3A_1829 : i1 to i32
      %sign3A_1831 = arith.subi %sign3A_1827, %sign3A_1830 : i32
      %sign3A_1832 = arith.constant 0 : i32
      %sign3A_1833 = arith.cmpi sgt, %jit3A_1823, %sign3A_1832 : i32
      %sign3A_1834 = arith.extui %sign3A_1833 : i1 to i32
      %sign3A_1835 = arith.constant 0 : i32
      %sign3A_1836 = arith.cmpi slt, %jit3A_1823, %sign3A_1835 : i32
      %sign3A_1837 = arith.extui %sign3A_1836 : i1 to i32
      %sign3A_1838 = arith.subi %sign3A_1834, %sign3A_1837 : i32
      %ne3A_1839 = arith.cmpi ne, %sign3A_1831, %sign3A_1838 : i32
      %rem3A_1840 = arith.remsi %squeeze3A_122, %jit3A_1823 : i32
      %ne3A_1841 = arith.constant 0 : i32
      %ne3A_1842 = arith.cmpi ne, %rem3A_1840, %ne3A_1841 : i32
      %and3A_1843 = arith.andi %ne3A_1839, %ne3A_1842 : i1
      %sub3A_1844 = arith.constant 1 : i32
      %sub3A_1845 = arith.subi %div3A_1824, %sub3A_1844 : i32
      %select_n3A_1846 = arith.select %and3A_1843, %sub3A_1845, %div3A_1824 : i32
      %mul3A_1847 = arith.constant 4 : i32
      %mul3A_1848 = arith.muli %select_n3A_1846, %mul3A_1847 : i32
      %add3A_1849 = arith.constant 2 : i32
      %add3A_1850 = arith.addi %mul3A_1848, %add3A_1849 : i32
      %get3A_1851 = arith.index_cast %add3A_1850 : i32 to index
      %get3A_1852 = arith.constant 224 : index
      %get3A_1853 = tpu.vector_load %arg6[%get3A_1851, %get3A_1852] {strides = array<i32>} : memref<131x256xf32, #tpu.memory_space<vmem>>, vector<1x16xf32>,
      %get3A_1854 = vector.shape_cast %get3A_1853 : vector<1x16xf32> to vector<16xf32>
      %select_n3A_1855 = arith.select %gt3A_1346, %get3A_1854, %broadcast_in_dim3A_253 : vector<16xf32>
      %add3A_1856 = arith.addf %add3A_1310, %select_n3A_1855 : vector<16xf32>
      %jit3A_1857 = arith.constant 4 : i32
      %div3A_1858 = arith.divsi %squeeze3A_122, %jit3A_1857 : i32
      %sign3A_1859 = arith.constant 0 : i32
      %sign3A_1860 = arith.cmpi sgt, %squeeze3A_122, %sign3A_1859 : i32
      %sign3A_1861 = arith.extui %sign3A_1860 : i1 to i32
      %sign3A_1862 = arith.constant 0 : i32
      %sign3A_1863 = arith.cmpi slt, %squeeze3A_122, %sign3A_1862 : i32
      %sign3A_1864 = arith.extui %sign3A_1863 : i1 to i32
      %sign3A_1865 = arith.subi %sign3A_1861, %sign3A_1864 : i32
      %sign3A_1866 = arith.constant 0 : i32
      %sign3A_1867 = arith.cmpi sgt, %jit3A_1857, %sign3A_1866 : i32
      %sign3A_1868 = arith.extui %sign3A_1867 : i1 to i32
      %sign3A_1869 = arith.constant 0 : i32
      %sign3A_1870 = arith.cmpi slt, %jit3A_1857, %sign3A_1869 : i32
      %sign3A_1871 = arith.extui %sign3A_1870 : i1 to i32
      %sign3A_1872 = arith.subi %sign3A_1868, %sign3A_1871 : i32
      %ne3A_1873 = arith.cmpi ne, %sign3A_1865, %sign3A_1872 : i32
      %rem3A_1874 = arith.remsi %squeeze3A_122, %jit3A_1857 : i32
      %ne3A_1875 = arith.constant 0 : i32
      %ne3A_1876 = arith.cmpi ne, %rem3A_1874, %ne3A_1875 : i32
      %and3A_1877 = arith.andi %ne3A_1873, %ne3A_1876 : i1
      %sub3A_1878 = arith.constant 1 : i32
      %sub3A_1879 = arith.subi %div3A_1858, %sub3A_1878 : i32
      %select_n3A_1880 = arith.select %and3A_1877, %sub3A_1879, %div3A_1858 : i32
      %mul3A_1881 = arith.constant 4 : i32
      %mul3A_1882 = arith.muli %select_n3A_1880, %mul3A_1881 : i32
      %add3A_1883 = arith.constant 2 : i32
      %add3A_1884 = arith.addi %mul3A_1882, %add3A_1883 : i32
      %get3A_1885 = arith.index_cast %add3A_1884 : i32 to index
      %get3A_1886 = arith.constant 240 : index
      %get3A_1887 = tpu.vector_load %arg6[%get3A_1885, %get3A_1886] {strides = array<i32>} : memref<131x256xf32, #tpu.memory_space<vmem>>, vector<1x16xf32>,
      %get3A_1888 = vector.shape_cast %get3A_1887 : vector<1x16xf32> to vector<16xf32>
      %select_n3A_1889 = arith.select %gt3A_1346, %get3A_1888, %broadcast_in_dim3A_253 : vector<16xf32>
      %add3A_1890 = arith.addf %add3A_1344, %select_n3A_1889 : vector<16xf32>
      %max3A = arith.constant 0.000000e+00 : f32
      %max3A_1891 = vector.broadcast %max3A : f32 to vector<16xf32>
      %max3A_1892 = arith.maximumf %add3A_1380, %max3A_1891 : vector<16xf32>
      %swap3A = arith.index_cast %mul3A_72 : i32 to index
      %swap3A_1893 = arith.constant 0 : index
      %swap3A_1894 = tpu.vector_load %arg8[%swap3A, %swap3A_1893] {strides = array<i32>} : memref<16x256xf32, #tpu.memory_space<vmem>>, vector<1x16xf32>,
      %swap3A_1895 = vector.shape_cast %swap3A_1894 : vector<1x16xf32> to vector<16xf32>
      %swap3A_1896 = vector.shape_cast %max3A_1892 : vector<16xf32> to vector<1x16xf32>
      tpu.vector_store %arg8[%swap3A, %swap3A_1893], %swap3A_1896 {strides = array<i32>} : memref<16x256xf32, #tpu.memory_space<vmem>>, vector<1x16xf32>,
      %max3A_1897 = arith.constant 0.000000e+00 : f32
      %max3A_1898 = vector.broadcast %max3A_1897 : f32 to vector<16xf32>
      %max3A_1899 = arith.maximumf %add3A_1414, %max3A_1898 : vector<16xf32>
      %swap3A_1900 = arith.index_cast %mul3A_72 : i32 to index
      %swap3A_1901 = arith.constant 16 : index
      %swap3A_1902 = tpu.vector_load %arg8[%swap3A_1900, %swap3A_1901] {strides = array<i32>} : memref<16x256xf32, #tpu.memory_space<vmem>>, vector<1x16xf32>,
      %swap3A_1903 = vector.shape_cast %swap3A_1902 : vector<1x16xf32> to vector<16xf32>
      %swap3A_1904 = vector.shape_cast %max3A_1899 : vector<16xf32> to vector<1x16xf32>
      tpu.vector_store %arg8[%swap3A_1900, %swap3A_1901], %swap3A_1904 {strides = array<i32>} : memref<16x256xf32, #tpu.memory_space<vmem>>, vector<1x16xf32>,
      %max3A_1905 = arith.constant 0.000000e+00 : f32
      %max3A_1906 = vector.broadcast %max3A_1905 : f32 to vector<16xf32>
      %max3A_1907 = arith.maximumf %add3A_1448, %max3A_1906 : vector<16xf32>
      %swap3A_1908 = arith.index_cast %mul3A_72 : i32 to index
      %swap3A_1909 = arith.constant 32 : index
      %swap3A_1910 = tpu.vector_load %arg8[%swap3A_1908, %swap3A_1909] {strides = array<i32>} : memref<16x256xf32, #tpu.memory_space<vmem>>, vector<1x16xf32>,
      %swap3A_1911 = vector.shape_cast %swap3A_1910 : vector<1x16xf32> to vector<16xf32>
      %swap3A_1912 = vector.shape_cast %max3A_1907 : vector<16xf32> to vector<1x16xf32>
      tpu.vector_store %arg8[%swap3A_1908, %swap3A_1909], %swap3A_1912 {strides = array<i32>} : memref<16x256xf32, #tpu.memory_space<vmem>>, vector<1x16xf32>,
      %max3A_1913 = arith.constant 0.000000e+00 : f32
      %max3A_1914 = vector.broadcast %max3A_1913 : f32 to vector<16xf32>
      %max3A_1915 = arith.maximumf %add3A_1482, %max3A_1914 : vector<16xf32>
      %swap3A_1916 = arith.index_cast %mul3A_72 : i32 to index
      %swap3A_1917 = arith.constant 48 : index
      %swap3A_1918 = tpu.vector_load %arg8[%swap3A_1916, %swap3A_1917] {strides = array<i32>} : memref<16x256xf32, #tpu.memory_space<vmem>>, vector<1x16xf32>,
      %swap3A_1919 = vector.shape_cast %swap3A_1918 : vector<1x16xf32> to vector<16xf32>
      %swap3A_1920 = vector.shape_cast %max3A_1915 : vector<16xf32> to vector<1x16xf32>
      tpu.vector_store %arg8[%swap3A_1916, %swap3A_1917], %swap3A_1920 {strides = array<i32>} : memref<16x256xf32, #tpu.memory_space<vmem>>, vector<1x16xf32>,
      %max3A_1921 = arith.constant 0.000000e+00 : f32
      %max3A_1922 = vector.broadcast %max3A_1921 : f32 to vector<16xf32>
      %max3A_1923 = arith.maximumf %add3A_1516, %max3A_1922 : vector<16xf32>
      %swap3A_1924 = arith.index_cast %mul3A_72 : i32 to index
      %swap3A_1925 = arith.constant 64 : index
      %swap3A_1926 = tpu.vector_load %arg8[%swap3A_1924, %swap3A_1925] {strides = array<i32>} : memref<16x256xf32, #tpu.memory_space<vmem>>, vector<1x16xf32>,
      %swap3A_1927 = vector.shape_cast %swap3A_1926 : vector<1x16xf32> to vector<16xf32>
      %swap3A_1928 = vector.shape_cast %max3A_1923 : vector<16xf32> to vector<1x16xf32>
      tpu.vector_store %arg8[%swap3A_1924, %swap3A_1925], %swap3A_1928 {strides = array<i32>} : memref<16x256xf32, #tpu.memory_space<vmem>>, vector<1x16xf32>,
      %max3A_1929 = arith.constant 0.000000e+00 : f32
      %max3A_1930 = vector.broadcast %max3A_1929 : f32 to vector<16xf32>
      %max3A_1931 = arith.maximumf %add3A_1550, %max3A_1930 : vector<16xf32>
      %swap3A_1932 = arith.index_cast %mul3A_72 : i32 to index
      %swap3A_1933 = arith.constant 80 : index
      %swap3A_1934 = tpu.vector_load %arg8[%swap3A_1932, %swap3A_1933] {strides = array<i32>} : memref<16x256xf32, #tpu.memory_space<vmem>>, vector<1x16xf32>,
      %swap3A_1935 = vector.shape_cast %swap3A_1934 : vector<1x16xf32> to vector<16xf32>
      %swap3A_1936 = vector.shape_cast %max3A_1931 : vector<16xf32> to vector<1x16xf32>
      tpu.vector_store %arg8[%swap3A_1932, %swap3A_1933], %swap3A_1936 {strides = array<i32>} : memref<16x256xf32, #tpu.memory_space<vmem>>, vector<1x16xf32>,
      %max3A_1937 = arith.constant 0.000000e+00 : f32
      %max3A_1938 = vector.broadcast %max3A_1937 : f32 to vector<16xf32>
      %max3A_1939 = arith.maximumf %add3A_1584, %max3A_1938 : vector<16xf32>
      %swap3A_1940 = arith.index_cast %mul3A_72 : i32 to index
      %swap3A_1941 = arith.constant 96 : index
      %swap3A_1942 = tpu.vector_load %arg8[%swap3A_1940, %swap3A_1941] {strides = array<i32>} : memref<16x256xf32, #tpu.memory_space<vmem>>, vector<1x16xf32>,
      %swap3A_1943 = vector.shape_cast %swap3A_1942 : vector<1x16xf32> to vector<16xf32>
      %swap3A_1944 = vector.shape_cast %max3A_1939 : vector<16xf32> to vector<1x16xf32>
      tpu.vector_store %arg8[%swap3A_1940, %swap3A_1941], %swap3A_1944 {strides = array<i32>} : memref<16x256xf32, #tpu.memory_space<vmem>>, vector<1x16xf32>,
      %max3A_1945 = arith.constant 0.000000e+00 : f32
      %max3A_1946 = vector.broadcast %max3A_1945 : f32 to vector<16xf32>
      %max3A_1947 = arith.maximumf %add3A_1618, %max3A_1946 : vector<16xf32>
      %swap3A_1948 = arith.index_cast %mul3A_72 : i32 to index
      %swap3A_1949 = arith.constant 112 : index
      %swap3A_1950 = tpu.vector_load %arg8[%swap3A_1948, %swap3A_1949] {strides = array<i32>} : memref<16x256xf32, #tpu.memory_space<vmem>>, vector<1x16xf32>,
      %swap3A_1951 = vector.shape_cast %swap3A_1950 : vector<1x16xf32> to vector<16xf32>
      %swap3A_1952 = vector.shape_cast %max3A_1947 : vector<16xf32> to vector<1x16xf32>
      tpu.vector_store %arg8[%swap3A_1948, %swap3A_1949], %swap3A_1952 {strides = array<i32>} : memref<16x256xf32, #tpu.memory_space<vmem>>, vector<1x16xf32>,
      %max3A_1953 = arith.constant 0.000000e+00 : f32
      %max3A_1954 = vector.broadcast %max3A_1953 : f32 to vector<16xf32>
      %max3A_1955 = arith.maximumf %add3A_1652, %max3A_1954 : vector<16xf32>
      %swap3A_1956 = arith.index_cast %mul3A_72 : i32 to index
      %swap3A_1957 = arith.constant 128 : index
      %swap3A_1958 = tpu.vector_load %arg8[%swap3A_1956, %swap3A_1957] {strides = array<i32>} : memref<16x256xf32, #tpu.memory_space<vmem>>, vector<1x16xf32>,
      %swap3A_1959 = vector.shape_cast %swap3A_1958 : vector<1x16xf32> to vector<16xf32>
      %swap3A_1960 = vector.shape_cast %max3A_1955 : vector<16xf32> to vector<1x16xf32>
      tpu.vector_store %arg8[%swap3A_1956, %swap3A_1957], %swap3A_1960 {strides = array<i32>} : memref<16x256xf32, #tpu.memory_space<vmem>>, vector<1x16xf32>,
      %max3A_1961 = arith.constant 0.000000e+00 : f32
      %max3A_1962 = vector.broadcast %max3A_1961 : f32 to vector<16xf32>
      %max3A_1963 = arith.maximumf %add3A_1686, %max3A_1962 : vector<16xf32>
      %swap3A_1964 = arith.index_cast %mul3A_72 : i32 to index
      %swap3A_1965 = arith.constant 144 : index
      %swap3A_1966 = tpu.vector_load %arg8[%swap3A_1964, %swap3A_1965] {strides = array<i32>} : memref<16x256xf32, #tpu.memory_space<vmem>>, vector<1x16xf32>,
      %swap3A_1967 = vector.shape_cast %swap3A_1966 : vector<1x16xf32> to vector<16xf32>
      %swap3A_1968 = vector.shape_cast %max3A_1963 : vector<16xf32> to vector<1x16xf32>
      tpu.vector_store %arg8[%swap3A_1964, %swap3A_1965], %swap3A_1968 {strides = array<i32>} : memref<16x256xf32, #tpu.memory_space<vmem>>, vector<1x16xf32>,
      %max3A_1969 = arith.constant 0.000000e+00 : f32
      %max3A_1970 = vector.broadcast %max3A_1969 : f32 to vector<16xf32>
      %max3A_1971 = arith.maximumf %add3A_1720, %max3A_1970 : vector<16xf32>
      %swap3A_1972 = arith.index_cast %mul3A_72 : i32 to index
      %swap3A_1973 = arith.constant 160 : index
      %swap3A_1974 = tpu.vector_load %arg8[%swap3A_1972, %swap3A_1973] {strides = array<i32>} : memref<16x256xf32, #tpu.memory_space<vmem>>, vector<1x16xf32>,
      %swap3A_1975 = vector.shape_cast %swap3A_1974 : vector<1x16xf32> to vector<16xf32>
      %swap3A_1976 = vector.shape_cast %max3A_1971 : vector<16xf32> to vector<1x16xf32>
      tpu.vector_store %arg8[%swap3A_1972, %swap3A_1973], %swap3A_1976 {strides = array<i32>} : memref<16x256xf32, #tpu.memory_space<vmem>>, vector<1x16xf32>,
      %max3A_1977 = arith.constant 0.000000e+00 : f32
      %max3A_1978 = vector.broadcast %max3A_1977 : f32 to vector<16xf32>
      %max3A_1979 = arith.maximumf %add3A_1754, %max3A_1978 : vector<16xf32>
      %swap3A_1980 = arith.index_cast %mul3A_72 : i32 to index
      %swap3A_1981 = arith.constant 176 : index
      %swap3A_1982 = tpu.vector_load %arg8[%swap3A_1980, %swap3A_1981] {strides = array<i32>} : memref<16x256xf32, #tpu.memory_space<vmem>>, vector<1x16xf32>,
      %swap3A_1983 = vector.shape_cast %swap3A_1982 : vector<1x16xf32> to vector<16xf32>
      %swap3A_1984 = vector.shape_cast %max3A_1979 : vector<16xf32> to vector<1x16xf32>
      tpu.vector_store %arg8[%swap3A_1980, %swap3A_1981], %swap3A_1984 {strides = array<i32>} : memref<16x256xf32, #tpu.memory_space<vmem>>, vector<1x16xf32>,
      %max3A_1985 = arith.constant 0.000000e+00 : f32
      %max3A_1986 = vector.broadcast %max3A_1985 : f32 to vector<16xf32>
      %max3A_1987 = arith.maximumf %add3A_1788, %max3A_1986 : vector<16xf32>
      %swap3A_1988 = arith.index_cast %mul3A_72 : i32 to index
      %swap3A_1989 = arith.constant 192 : index
      %swap3A_1990 = tpu.vector_load %arg8[%swap3A_1988, %swap3A_1989] {strides = array<i32>} : memref<16x256xf32, #tpu.memory_space<vmem>>, vector<1x16xf32>,
      %swap3A_1991 = vector.shape_cast %swap3A_1990 : vector<1x16xf32> to vector<16xf32>
      %swap3A_1992 = vector.shape_cast %max3A_1987 : vector<16xf32> to vector<1x16xf32>
      tpu.vector_store %arg8[%swap3A_1988, %swap3A_1989], %swap3A_1992 {strides = array<i32>} : memref<16x256xf32, #tpu.memory_space<vmem>>, vector<1x16xf32>,
      %max3A_1993 = arith.constant 0.000000e+00 : f32
      %max3A_1994 = vector.broadcast %max3A_1993 : f32 to vector<16xf32>
      %max3A_1995 = arith.maximumf %add3A_1822, %max3A_1994 : vector<16xf32>
      %swap3A_1996 = arith.index_cast %mul3A_72 : i32 to index
      %swap3A_1997 = arith.constant 208 : index
      %swap3A_1998 = tpu.vector_load %arg8[%swap3A_1996, %swap3A_1997] {strides = array<i32>} : memref<16x256xf32, #tpu.memory_space<vmem>>, vector<1x16xf32>,
      %swap3A_1999 = vector.shape_cast %swap3A_1998 : vector<1x16xf32> to vector<16xf32>
      %swap3A_2000 = vector.shape_cast %max3A_1995 : vector<16xf32> to vector<1x16xf32>
      tpu.vector_store %arg8[%swap3A_1996, %swap3A_1997], %swap3A_2000 {strides = array<i32>} : memref<16x256xf32, #tpu.memory_space<vmem>>, vector<1x16xf32>,
      %max3A_2001 = arith.constant 0.000000e+00 : f32
      %max3A_2002 = vector.broadcast %max3A_2001 : f32 to vector<16xf32>
      %max3A_2003 = arith.maximumf %add3A_1856, %max3A_2002 : vector<16xf32>
      %swap3A_2004 = arith.index_cast %mul3A_72 : i32 to index
      %swap3A_2005 = arith.constant 224 : index
      %swap3A_2006 = tpu.vector_load %arg8[%swap3A_2004, %swap3A_2005] {strides = array<i32>} : memref<16x256xf32, #tpu.memory_space<vmem>>, vector<1x16xf32>,
      %swap3A_2007 = vector.shape_cast %swap3A_2006 : vector<1x16xf32> to vector<16xf32>
      %swap3A_2008 = vector.shape_cast %max3A_2003 : vector<16xf32> to vector<1x16xf32>
      tpu.vector_store %arg8[%swap3A_2004, %swap3A_2005], %swap3A_2008 {strides = array<i32>} : memref<16x256xf32, #tpu.memory_space<vmem>>, vector<1x16xf32>,
      %max3A_2009 = arith.constant 0.000000e+00 : f32
      %max3A_2010 = vector.broadcast %max3A_2009 : f32 to vector<16xf32>
      %max3A_2011 = arith.maximumf %add3A_1890, %max3A_2010 : vector<16xf32>
      %swap3A_2012 = arith.index_cast %mul3A_72 : i32 to index
      %swap3A_2013 = arith.constant 240 : index
      %swap3A_2014 = tpu.vector_load %arg8[%swap3A_2012, %swap3A_2013] {strides = array<i32>} : memref<16x256xf32, #tpu.memory_space<vmem>>, vector<1x16xf32>,
      %swap3A_2015 = vector.shape_cast %swap3A_2014 : vector<1x16xf32> to vector<16xf32>
      %swap3A_2016 = vector.shape_cast %max3A_2011 : vector<16xf32> to vector<1x16xf32>
      tpu.vector_store %arg8[%swap3A_2012, %swap3A_2013], %swap3A_2016 {strides = array<i32>} : memref<16x256xf32, #tpu.memory_space<vmem>>, vector<1x16xf32>,
      %add3A_2017 = arith.constant 2 : i32
      %add3A_2018 = arith.addi %mul3A_72, %add3A_2017 : i32
      %lt3A = arith.constant 16 : i32
      %lt3A_2019 = arith.cmpi slt, %add3A_2018, %lt3A : i32
      %convert_element_type3A = arith.extui %lt3A_2019 : i1 to i32
      %cond3A = arith.constant 0 : i32
      %cond3A_2020 = arith.cmpi ne, %convert_element_type3A, %cond3A : i32
      scf.if %cond3A_2020 {
        %add3A_3927 = arith.constant 2 : i32
        %add3A_3928 = arith.addi %mul3A_72, %add3A_3927 : i32
        %add3A_3929 = arith.addi %add3A_3928, %sub3A_23 : i32
        %get3A_3930 = arith.index_cast %add3A_3929 : i32 to index
        %get3A_3931 = tpu.vector_load %arg5[%get3A_3930] {strides = array<i32>} : memref<40xi32, #tpu.memory_space<vmem>>, vector<16xi32>,
        %get3A_3932 = vector.shape_cast %get3A_3931 : vector<16xi32> to vector<16xi32>
        %slice3A_3933 = vector.extract_strided_slice %get3A_3932 {offsets = [0], sizes = [1], strides = [1]} : vector<16xi32> to vector<1xi32>
        %squeeze3A_3934 = vector.extract %slice3A_3933[0] : i32 from vector<1xi32>
        %add3A_3935 = arith.constant 15 : i32
        %add3A_3936 = arith.addi %squeeze3A_3934, %add3A_3935 : i32
        %jit3A_3937 = arith.constant 16 : i32
        %div3A_3938 = arith.divsi %add3A_3936, %jit3A_3937 : i32
        %sign3A_3939 = arith.constant 0 : i32
        %sign3A_3940 = arith.cmpi sgt, %add3A_3936, %sign3A_3939 : i32
        %sign3A_3941 = arith.extui %sign3A_3940 : i1 to i32
        %sign3A_3942 = arith.constant 0 : i32
        %sign3A_3943 = arith.cmpi slt, %add3A_3936, %sign3A_3942 : i32
        %sign3A_3944 = arith.extui %sign3A_3943 : i1 to i32
        %sign3A_3945 = arith.subi %sign3A_3941, %sign3A_3944 : i32
        %sign3A_3946 = arith.constant 0 : i32
        %sign3A_3947 = arith.cmpi sgt, %jit3A_3937, %sign3A_3946 : i32
        %sign3A_3948 = arith.extui %sign3A_3947 : i1 to i32
        %sign3A_3949 = arith.constant 0 : i32
        %sign3A_3950 = arith.cmpi slt, %jit3A_3937, %sign3A_3949 : i32
        %sign3A_3951 = arith.extui %sign3A_3950 : i1 to i32
        %sign3A_3952 = arith.subi %sign3A_3948, %sign3A_3951 : i32
        %ne3A_3953 = arith.cmpi ne, %sign3A_3945, %sign3A_3952 : i32
        %rem3A_3954 = arith.remsi %add3A_3936, %jit3A_3937 : i32
        %ne3A_3955 = arith.constant 0 : i32
        %ne3A_3956 = arith.cmpi ne, %rem3A_3954, %ne3A_3955 : i32
        %and3A_3957 = arith.andi %ne3A_3953, %ne3A_3956 : i1
        %sub3A_3958 = arith.constant 1 : i32
        %sub3A_3959 = arith.subi %div3A_3938, %sub3A_3958 : i32
        %select_n3A_3960 = arith.select %and3A_3957, %sub3A_3959, %div3A_3938 : i32
        %while3A_3961 = arith.constant 0 : i32
        %while3A_3962 = arith.constant 0 : i32
        %while3A_3963 = arith.subi %select_n3A_3960, %while3A_3962 : i32
        %while3A_3964 = arith.addi %while3A_3962, %while3A_3963 : i32
        %while3A_3965 = arith.constant 1 : i32
        %while3A_3966 = arith.divsi %while3A_3963, %while3A_3965 : i32
        %while3A_3967 = arith.muli %while3A_3966, %while3A_3965 : i32
        %while3A_3968 = arith.addi %while3A_3962, %while3A_3967 : i32
        %while3A_3969 = arith.constant 1 : i32
        scf.for %while3A_3971 = %while3A_3962 to %while3A_3968 step %while3A_3969  : i32 {
          %add3A_3972 = arith.addi %add3A_4, %add3A_3928 : i32
          %mul3A_3973 = arith.constant 16 : i32
          %mul3A_3974 = arith.muli %while3A_3971, %mul3A_3973 : i32
          %mul3A_3975 = arith.constant 16 : i32
          %mul3A_3976 = arith.muli %while3A_3971, %mul3A_3975 : i32
          %dma_start3A = arith.constant 0 : i32
          %dma_start3A_3977 = tpu.memref_slice %arg6[%mul3A_3976, %dma_start3A] : memref<131x256xf32, #tpu.memory_space<vmem>> -> memref<16x256xf32, #tpu.memory_space<vmem>>
          %dma_start3A_3978 = arith.constant 0 : i32
          %dma_start3A_3979 = tpu.memref_slice %arg2[%add3A_3972, %mul3A_3974, %dma_start3A_3978] : memref<1024x128x256xf32, #tpu.memory_space<hbm>> -> memref<1x16x256xf32, #tpu.memory_space<hbm>>
          %dma_start3A_3980 = tpu.memref_squeeze %dma_start3A_3979 : memref<1x16x256xf32, #tpu.memory_space<hbm>> -> memref<16x256xf32, #tpu.memory_space<hbm>>
          %dma_start3A_3981 = arith.constant 0 : i32
          %dma_start3A_3982 = tpu.memref_slice %arg6[%mul3A_3976, %dma_start3A_3981] : memref<131x256xf32, #tpu.memory_space<vmem>> -> memref<16x256xf32, #tpu.memory_space<vmem>>
          %dma_start3A_3983 = arith.constant 0 : i32
          %dma_start3A_3984 = tpu.memref_slice %arg2[%add3A_3972, %mul3A_3974, %dma_start3A_3983] : memref<1024x128x256xf32, #tpu.memory_space<hbm>> -> memref<1x16x256xf32, #tpu.memory_space<hbm>>
          %dma_start3A_3985 = tpu.memref_squeeze %dma_start3A_3984 : memref<1x16x256xf32, #tpu.memory_space<hbm>> -> memref<16x256xf32, #tpu.memory_space<hbm>>
          tpu.enqueue_dma source(%dma_start3A_3985 : memref<16x256xf32, #tpu.memory_space<hbm>>) target(%dma_start3A_3982 : memref<16x256xf32, #tpu.memory_space<vmem>>) target_semaphore(%arg9 : memref<!tpu.dma_semaphore, #tpu.memory_space<semaphore_mem>>)
        }
        %while3A_3970 = arith.constant 1 : i32
        scf.for %while3A_3971 = %while3A_3968 to %while3A_3964 step %while3A_3970  : i32 {
          %add3A_3972 = arith.addi %add3A_4, %add3A_3928 : i32
          %mul3A_3973 = arith.constant 16 : i32
          %mul3A_3974 = arith.muli %while3A_3971, %mul3A_3973 : i32
          %mul3A_3975 = arith.constant 16 : i32
          %mul3A_3976 = arith.muli %while3A_3971, %mul3A_3975 : i32
          %dma_start3A = arith.constant 0 : i32
          %dma_start3A_3977 = tpu.memref_slice %arg6[%mul3A_3976, %dma_start3A] : memref<131x256xf32, #tpu.memory_space<vmem>> -> memref<16x256xf32, #tpu.memory_space<vmem>>
          %dma_start3A_3978 = arith.constant 0 : i32
          %dma_start3A_3979 = tpu.memref_slice %arg2[%add3A_3972, %mul3A_3974, %dma_start3A_3978] : memref<1024x128x256xf32, #tpu.memory_space<hbm>> -> memref<1x16x256xf32, #tpu.memory_space<hbm>>
          %dma_start3A_3980 = tpu.memref_squeeze %dma_start3A_3979 : memref<1x16x256xf32, #tpu.memory_space<hbm>> -> memref<16x256xf32, #tpu.memory_space<hbm>>
          %dma_start3A_3981 = arith.constant 0 : i32
          %dma_start3A_3982 = tpu.memref_slice %arg6[%mul3A_3976, %dma_start3A_3981] : memref<131x256xf32, #tpu.memory_space<vmem>> -> memref<16x256xf32, #tpu.memory_space<vmem>>
          %dma_start3A_3983 = arith.constant 0 : i32
          %dma_start3A_3984 = tpu.memref_slice %arg2[%add3A_3972, %mul3A_3974, %dma_start3A_3983] : memref<1024x128x256xf32, #tpu.memory_space<hbm>> -> memref<1x16x256xf32, #tpu.memory_space<hbm>>
          %dma_start3A_3985 = tpu.memref_squeeze %dma_start3A_3984 : memref<1x16x256xf32, #tpu.memory_space<hbm>> -> memref<16x256xf32, #tpu.memory_space<hbm>>
          tpu.enqueue_dma source(%dma_start3A_3985 : memref<16x256xf32, #tpu.memory_space<hbm>>) target(%dma_start3A_3982 : memref<16x256xf32, #tpu.memory_space<vmem>>) target_semaphore(%arg9 : memref<!tpu.dma_semaphore, #tpu.memory_space<semaphore_mem>>)
        }
      } else {
      }
      %add3A_2021 = arith.constant 1 : i32
      %add3A_2022 = arith.addi %mul3A_72, %add3A_2021 : i32
      %add3A_2023 = arith.addi %add3A_2022, %sub3A_23 : i32
      %get3A_2024 = arith.index_cast %add3A_2023 : i32 to index
      %get3A_2025 = tpu.vector_load %arg5[%get3A_2024] {strides = array<i32>} : memref<40xi32, #tpu.memory_space<vmem>>, vector<16xi32>,
      %get3A_2026 = vector.shape_cast %get3A_2025 : vector<16xi32> to vector<16xi32>
      %slice3A_2027 = vector.extract_strided_slice %get3A_2026 {offsets = [0], sizes = [1], strides = [1]} : vector<16xi32> to vector<1xi32>
      %squeeze3A_2028 = vector.extract %slice3A_2027[0] : i32 from vector<1xi32>
      %add3A_2029 = arith.constant 15 : i32
      %add3A_2030 = arith.addi %squeeze3A_2028, %add3A_2029 : i32
      %jit3A_2031 = arith.constant 16 : i32
      %div3A_2032 = arith.divsi %add3A_2030, %jit3A_2031 : i32
      %sign3A_2033 = arith.constant 0 : i32
      %sign3A_2034 = arith.cmpi sgt, %add3A_2030, %sign3A_2033 : i32
      %sign3A_2035 = arith.extui %sign3A_2034 : i1 to i32
      %sign3A_2036 = arith.constant 0 : i32
      %sign3A_2037 = arith.cmpi slt, %add3A_2030, %sign3A_2036 : i32
      %sign3A_2038 = arith.extui %sign3A_2037 : i1 to i32
      %sign3A_2039 = arith.subi %sign3A_2035, %sign3A_2038 : i32
      %sign3A_2040 = arith.constant 0 : i32
      %sign3A_2041 = arith.cmpi sgt, %jit3A_2031, %sign3A_2040 : i32
      %sign3A_2042 = arith.extui %sign3A_2041 : i1 to i32
      %sign3A_2043 = arith.constant 0 : i32
      %sign3A_2044 = arith.cmpi slt, %jit3A_2031, %sign3A_2043 : i32
      %sign3A_2045 = arith.extui %sign3A_2044 : i1 to i32
      %sign3A_2046 = arith.subi %sign3A_2042, %sign3A_2045 : i32
      %ne3A_2047 = arith.cmpi ne, %sign3A_2039, %sign3A_2046 : i32
      %rem3A_2048 = arith.remsi %add3A_2030, %jit3A_2031 : i32
      %ne3A_2049 = arith.constant 0 : i32
      %ne3A_2050 = arith.cmpi ne, %rem3A_2048, %ne3A_2049 : i32
      %and3A_2051 = arith.andi %ne3A_2047, %ne3A_2050 : i1
      %sub3A_2052 = arith.constant 1 : i32
      %sub3A_2053 = arith.subi %div3A_2032, %sub3A_2052 : i32
      %select_n3A_2054 = arith.select %and3A_2051, %sub3A_2053, %div3A_2032 : i32
      %while3A_2055 = arith.constant 0 : i32
      %while3A_2056 = arith.constant 0 : i32
      %while3A_2057 = arith.subi %select_n3A_2054, %while3A_2056 : i32
      %while3A_2058 = arith.addi %while3A_2056, %while3A_2057 : i32
      %while3A_2059 = arith.constant 1 : i32
      %while3A_2060 = arith.divsi %while3A_2057, %while3A_2059 : i32
      %while3A_2061 = arith.muli %while3A_2060, %while3A_2059 : i32
      %while3A_2062 = arith.addi %while3A_2056, %while3A_2061 : i32
      %while3A_2063 = arith.constant 1 : i32
      scf.for %while3A_3927 = %while3A_2056 to %while3A_2062 step %while3A_2063  : i32 {
        %add3A_3928 = arith.addi %add3A_4, %add3A_2022 : i32
        %dma_wait3A = arith.constant 0 : i32
        %dma_wait3A_3929 = arith.constant 0 : i32
        %dma_wait3A_3930 = tpu.memref_slice %arg7[%dma_wait3A, %dma_wait3A_3929] : memref<131x256xf32, #tpu.memory_space<vmem>> -> memref<16x256xf32, #tpu.memory_space<vmem>>
        %dma_wait3A_3931 = arith.constant 0 : i32
        %dma_wait3A_3932 = arith.constant 0 : i32
        %dma_wait3A_3933 = tpu.memref_slice %arg2[%add3A_3928, %dma_wait3A_3931, %dma_wait3A_3932] : memref<1024x128x256xf32, #tpu.memory_space<hbm>> -> memref<1x16x256xf32, #tpu.memory_space<hbm>>
        %dma_wait3A_3934 = tpu.memref_squeeze %dma_wait3A_3933 : memref<1x16x256xf32, #tpu.memory_space<hbm>> -> memref<16x256xf32, #tpu.memory_space<hbm>>
        %dma_wait3A_3935 = arith.constant 0 : i32
        %dma_wait3A_3936 = arith.constant 0 : i32
        %dma_wait3A_3937 = tpu.memref_slice %arg7[%dma_wait3A_3935, %dma_wait3A_3936] : memref<131x256xf32, #tpu.memory_space<vmem>> -> memref<16x256xf32, #tpu.memory_space<vmem>>
        %dma_wait3A_3938 = arith.constant 0 : i32
        %dma_wait3A_3939 = arith.constant 0 : i32
        %dma_wait3A_3940 = tpu.memref_slice %arg2[%add3A_3928, %dma_wait3A_3938, %dma_wait3A_3939] : memref<1024x128x256xf32, #tpu.memory_space<hbm>> -> memref<1x16x256xf32, #tpu.memory_space<hbm>>
        %dma_wait3A_3941 = tpu.memref_squeeze %dma_wait3A_3940 : memref<1x16x256xf32, #tpu.memory_space<hbm>> -> memref<16x256xf32, #tpu.memory_space<hbm>>
        tpu.wait_dma2 semaphore(%arg10 : memref<!tpu.dma_semaphore, #tpu.memory_space<semaphore_mem>>) src(%dma_wait3A_3941 : memref<16x256xf32, #tpu.memory_space<hbm>>) dst(%dma_wait3A_3937 : memref<16x256xf32, #tpu.memory_space<vmem>>)
      }
      %while3A_2064 = arith.constant 1 : i32
      scf.for %while3A_3927 = %while3A_2062 to %while3A_2058 step %while3A_2064  : i32 {
        %add3A_3928 = arith.addi %add3A_4, %add3A_2022 : i32
        %dma_wait3A = arith.constant 0 : i32
        %dma_wait3A_3929 = arith.constant 0 : i32
        %dma_wait3A_3930 = tpu.memref_slice %arg7[%dma_wait3A, %dma_wait3A_3929] : memref<131x256xf32, #tpu.memory_space<vmem>> -> memref<16x256xf32, #tpu.memory_space<vmem>>
        %dma_wait3A_3931 = arith.constant 0 : i32
        %dma_wait3A_3932 = arith.constant 0 : i32
        %dma_wait3A_3933 = tpu.memref_slice %arg2[%add3A_3928, %dma_wait3A_3931, %dma_wait3A_3932] : memref<1024x128x256xf32, #tpu.memory_space<hbm>> -> memref<1x16x256xf32, #tpu.memory_space<hbm>>
        %dma_wait3A_3934 = tpu.memref_squeeze %dma_wait3A_3933 : memref<1x16x256xf32, #tpu.memory_space<hbm>> -> memref<16x256xf32, #tpu.memory_space<hbm>>
        %dma_wait3A_3935 = arith.constant 0 : i32
        %dma_wait3A_3936 = arith.constant 0 : i32
        %dma_wait3A_3937 = tpu.memref_slice %arg7[%dma_wait3A_3935, %dma_wait3A_3936] : memref<131x256xf32, #tpu.memory_space<vmem>> -> memref<16x256xf32, #tpu.memory_space<vmem>>
        %dma_wait3A_3938 = arith.constant 0 : i32
        %dma_wait3A_3939 = arith.constant 0 : i32
        %dma_wait3A_3940 = tpu.memref_slice %arg2[%add3A_3928, %dma_wait3A_3938, %dma_wait3A_3939] : memref<1024x128x256xf32, #tpu.memory_space<hbm>> -> memref<1x16x256xf32, #tpu.memory_space<hbm>>
        %dma_wait3A_3941 = tpu.memref_squeeze %dma_wait3A_3940 : memref<1x16x256xf32, #tpu.memory_space<hbm>> -> memref<16x256xf32, #tpu.memory_space<hbm>>
        tpu.wait_dma2 semaphore(%arg10 : memref<!tpu.dma_semaphore, #tpu.memory_space<semaphore_mem>>) src(%dma_wait3A_3941 : memref<16x256xf32, #tpu.memory_space<hbm>>) dst(%dma_wait3A_3937 : memref<16x256xf32, #tpu.memory_space<vmem>>)
      }
      %broadcast_in_dim3A_2065 = arith.constant 0.000000e+00 : f32
      %broadcast_in_dim3A_2066 = vector.broadcast %broadcast_in_dim3A_2065 : f32 to vector<16xf32>
      %broadcast_in_dim3A_2067 = arith.constant 0.000000e+00 : f32
      %broadcast_in_dim3A_2068 = vector.broadcast %broadcast_in_dim3A_2067 : f32 to vector<16xf32>
      %broadcast_in_dim3A_2069 = arith.constant 0.000000e+00 : f32
      %broadcast_in_dim3A_2070 = vector.broadcast %broadcast_in_dim3A_2069 : f32 to vector<16xf32>
      %broadcast_in_dim3A_2071 = arith.constant 0.000000e+00 : f32
      %broadcast_in_dim3A_2072 = vector.broadcast %broadcast_in_dim3A_2071 : f32 to vector<16xf32>
      %broadcast_in_dim3A_2073 = arith.constant 0.000000e+00 : f32
      %broadcast_in_dim3A_2074 = vector.broadcast %broadcast_in_dim3A_2073 : f32 to vector<16xf32>
      %broadcast_in_dim3A_2075 = arith.constant 0.000000e+00 : f32
      %broadcast_in_dim3A_2076 = vector.broadcast %broadcast_in_dim3A_2075 : f32 to vector<16xf32>
      %broadcast_in_dim3A_2077 = arith.constant 0.000000e+00 : f32
      %broadcast_in_dim3A_2078 = vector.broadcast %broadcast_in_dim3A_2077 : f32 to vector<16xf32>
      %broadcast_in_dim3A_2079 = arith.constant 0.000000e+00 : f32
      %broadcast_in_dim3A_2080 = vector.broadcast %broadcast_in_dim3A_2079 : f32 to vector<16xf32>
      %broadcast_in_dim3A_2081 = arith.constant 0.000000e+00 : f32
      %broadcast_in_dim3A_2082 = vector.broadcast %broadcast_in_dim3A_2081 : f32 to vector<16xf32>
      %broadcast_in_dim3A_2083 = arith.constant 0.000000e+00 : f32
      %broadcast_in_dim3A_2084 = vector.broadcast %broadcast_in_dim3A_2083 : f32 to vector<16xf32>
      %broadcast_in_dim3A_2085 = arith.constant 0.000000e+00 : f32
      %broadcast_in_dim3A_2086 = vector.broadcast %broadcast_in_dim3A_2085 : f32 to vector<16xf32>
      %broadcast_in_dim3A_2087 = arith.constant 0.000000e+00 : f32
      %broadcast_in_dim3A_2088 = vector.broadcast %broadcast_in_dim3A_2087 : f32 to vector<16xf32>
      %broadcast_in_dim3A_2089 = arith.constant 0.000000e+00 : f32
      %broadcast_in_dim3A_2090 = vector.broadcast %broadcast_in_dim3A_2089 : f32 to vector<16xf32>
      %broadcast_in_dim3A_2091 = arith.constant 0.000000e+00 : f32
      %broadcast_in_dim3A_2092 = vector.broadcast %broadcast_in_dim3A_2091 : f32 to vector<16xf32>
      %broadcast_in_dim3A_2093 = arith.constant 0.000000e+00 : f32
      %broadcast_in_dim3A_2094 = vector.broadcast %broadcast_in_dim3A_2093 : f32 to vector<16xf32>
      %broadcast_in_dim3A_2095 = arith.constant 0.000000e+00 : f32
      %broadcast_in_dim3A_2096 = vector.broadcast %broadcast_in_dim3A_2095 : f32 to vector<16xf32>
      %jit3A_2097 = arith.constant 4 : i32
      %div3A_2098 = arith.divsi %squeeze3A_2028, %jit3A_2097 : i32
      %sign3A_2099 = arith.constant 0 : i32
      %sign3A_2100 = arith.cmpi sgt, %squeeze3A_2028, %sign3A_2099 : i32
      %sign3A_2101 = arith.extui %sign3A_2100 : i1 to i32
      %sign3A_2102 = arith.constant 0 : i32
      %sign3A_2103 = arith.cmpi slt, %squeeze3A_2028, %sign3A_2102 : i32
      %sign3A_2104 = arith.extui %sign3A_2103 : i1 to i32
      %sign3A_2105 = arith.subi %sign3A_2101, %sign3A_2104 : i32
      %sign3A_2106 = arith.constant 0 : i32
      %sign3A_2107 = arith.cmpi sgt, %jit3A_2097, %sign3A_2106 : i32
      %sign3A_2108 = arith.extui %sign3A_2107 : i1 to i32
      %sign3A_2109 = arith.constant 0 : i32
      %sign3A_2110 = arith.cmpi slt, %jit3A_2097, %sign3A_2109 : i32
      %sign3A_2111 = arith.extui %sign3A_2110 : i1 to i32
      %sign3A_2112 = arith.subi %sign3A_2108, %sign3A_2111 : i32
      %ne3A_2113 = arith.cmpi ne, %sign3A_2105, %sign3A_2112 : i32
      %rem3A_2114 = arith.remsi %squeeze3A_2028, %jit3A_2097 : i32
      %ne3A_2115 = arith.constant 0 : i32
      %ne3A_2116 = arith.cmpi ne, %rem3A_2114, %ne3A_2115 : i32
      %and3A_2117 = arith.andi %ne3A_2113, %ne3A_2116 : i1
      %sub3A_2118 = arith.constant 1 : i32
      %sub3A_2119 = arith.subi %div3A_2098, %sub3A_2118 : i32
      %select_n3A_2120 = arith.select %and3A_2117, %sub3A_2119, %div3A_2098 : i32
      %while3A_2121 = arith.constant 0 : i32
      %while3A_2122 = arith.subi %select_n3A_2120, %while3A_2121 : i32
      %while3A_2123 = arith.addi %while3A_2121, %while3A_2122 : i32
      %while3A_2124 = arith.constant 1 : i32
      %while3A_2125 = arith.divsi %while3A_2122, %while3A_2124 : i32
      %while3A_2126 = arith.muli %while3A_2125, %while3A_2124 : i32
      %while3A_2127 = arith.addi %while3A_2121, %while3A_2126 : i32
      %while3A_2128 = arith.constant 1 : i32
      %while3A_2129:16 = scf.for %while3A_3927 = %while3A_2121 to %while3A_2127 step %while3A_2128 iter_args(%while3A_3928 = %broadcast_in_dim3A_2066, %while3A_3929 = %broadcast_in_dim3A_2068, %while3A_3930 = %broadcast_in_dim3A_2070, %while3A_3931 = %broadcast_in_dim3A_2072, %while3A_3932 = %broadcast_in_dim3A_2074, %while3A_3933 = %broadcast_in_dim3A_2076, %while3A_3934 = %broadcast_in_dim3A_2078, %while3A_3935 = %broadcast_in_dim3A_2080, %while3A_3936 = %broadcast_in_dim3A_2082, %while3A_3937 = %broadcast_in_dim3A_2084, %while3A_3938 = %broadcast_in_dim3A_2086, %while3A_3939 = %broadcast_in_dim3A_2088, %while3A_3940 = %broadcast_in_dim3A_2090, %while3A_3941 = %broadcast_in_dim3A_2092, %while3A_3942 = %broadcast_in_dim3A_2094, %while3A_3943 = %broadcast_in_dim3A_2096) -> (vector<16xf32>, vector<16xf32>, vector<16xf32>, vector<16xf32>, vector<16xf32>, vector<16xf32>, vector<16xf32>, vector<16xf32>, vector<16xf32>, vector<16xf32>, vector<16xf32>, vector<16xf32>, vector<16xf32>, vector<16xf32>, vector<16xf32>, vector<16xf32>)  : i32 {
        %mul3A_3944 = arith.constant 4 : i32
        %mul3A_3945 = arith.muli %mul3A_3944, %while3A_3927 : i32
        %get3A_3946 = arith.index_cast %mul3A_3945 : i32 to index
        %get3A_3947 = arith.constant 0 : index
        %get3A_3948 = tpu.vector_load %arg7[%get3A_3946, %get3A_3947] {strides = array<i32>} : memref<131x256xf32, #tpu.memory_space<vmem>>, vector<1x16xf32>,
        %get3A_3949 = vector.shape_cast %get3A_3948 : vector<1x16xf32> to vector<16xf32>
        %add3A_3950 = arith.constant 1 : i32
        %add3A_3951 = arith.addi %mul3A_3945, %add3A_3950 : i32
        %get3A_3952 = arith.index_cast %add3A_3951 : i32 to index
        %get3A_3953 = arith.constant 0 : index
        %get3A_3954 = tpu.vector_load %arg7[%get3A_3952, %get3A_3953] {strides = array<i32>} : memref<131x256xf32, #tpu.memory_space<vmem>>, vector<1x16xf32>,
        %get3A_3955 = vector.shape_cast %get3A_3954 : vector<1x16xf32> to vector<16xf32>
        %add3A_3956 = arith.addf %get3A_3949, %get3A_3955 : vector<16xf32>
        %add3A_3957 = arith.constant 2 : i32
        %add3A_3958 = arith.addi %mul3A_3945, %add3A_3957 : i32
        %get3A_3959 = arith.index_cast %add3A_3958 : i32 to index
        %get3A_3960 = arith.constant 0 : index
        %get3A_3961 = tpu.vector_load %arg7[%get3A_3959, %get3A_3960] {strides = array<i32>} : memref<131x256xf32, #tpu.memory_space<vmem>>, vector<1x16xf32>,
        %get3A_3962 = vector.shape_cast %get3A_3961 : vector<1x16xf32> to vector<16xf32>
        %add3A_3963 = arith.constant 3 : i32
        %add3A_3964 = arith.addi %mul3A_3945, %add3A_3963 : i32
        %get3A_3965 = arith.index_cast %add3A_3964 : i32 to index
        %get3A_3966 = arith.constant 0 : index
        %get3A_3967 = tpu.vector_load %arg7[%get3A_3965, %get3A_3966] {strides = array<i32>} : memref<131x256xf32, #tpu.memory_space<vmem>>, vector<1x16xf32>,
        %get3A_3968 = vector.shape_cast %get3A_3967 : vector<1x16xf32> to vector<16xf32>
        %add3A_3969 = arith.addf %get3A_3962, %get3A_3968 : vector<16xf32>
        %add3A_3970 = arith.addf %add3A_3956, %add3A_3969 : vector<16xf32>
        %add3A_3971 = arith.addf %while3A_3928, %add3A_3970 : vector<16xf32>
        %get3A_3972 = arith.index_cast %mul3A_3945 : i32 to index
        %get3A_3973 = arith.constant 16 : index
        %get3A_3974 = tpu.vector_load %arg7[%get3A_3972, %get3A_3973] {strides = array<i32>} : memref<131x256xf32, #tpu.memory_space<vmem>>, vector<1x16xf32>,
        %get3A_3975 = vector.shape_cast %get3A_3974 : vector<1x16xf32> to vector<16xf32>
        %add3A_3976 = arith.constant 1 : i32
        %add3A_3977 = arith.addi %mul3A_3945, %add3A_3976 : i32
        %get3A_3978 = arith.index_cast %add3A_3977 : i32 to index
        %get3A_3979 = arith.constant 16 : index
        %get3A_3980 = tpu.vector_load %arg7[%get3A_3978, %get3A_3979] {strides = array<i32>} : memref<131x256xf32, #tpu.memory_space<vmem>>, vector<1x16xf32>,
        %get3A_3981 = vector.shape_cast %get3A_3980 : vector<1x16xf32> to vector<16xf32>
        %add3A_3982 = arith.addf %get3A_3975, %get3A_3981 : vector<16xf32>
        %add3A_3983 = arith.constant 2 : i32
        %add3A_3984 = arith.addi %mul3A_3945, %add3A_3983 : i32
        %get3A_3985 = arith.index_cast %add3A_3984 : i32 to index
        %get3A_3986 = arith.constant 16 : index
        %get3A_3987 = tpu.vector_load %arg7[%get3A_3985, %get3A_3986] {strides = array<i32>} : memref<131x256xf32, #tpu.memory_space<vmem>>, vector<1x16xf32>,
        %get3A_3988 = vector.shape_cast %get3A_3987 : vector<1x16xf32> to vector<16xf32>
        %add3A_3989 = arith.constant 3 : i32
        %add3A_3990 = arith.addi %mul3A_3945, %add3A_3989 : i32
        %get3A_3991 = arith.index_cast %add3A_3990 : i32 to index
        %get3A_3992 = arith.constant 16 : index
        %get3A_3993 = tpu.vector_load %arg7[%get3A_3991, %get3A_3992] {strides = array<i32>} : memref<131x256xf32, #tpu.memory_space<vmem>>, vector<1x16xf32>,
        %get3A_3994 = vector.shape_cast %get3A_3993 : vector<1x16xf32> to vector<16xf32>
        %add3A_3995 = arith.addf %get3A_3988, %get3A_3994 : vector<16xf32>
        %add3A_3996 = arith.addf %add3A_3982, %add3A_3995 : vector<16xf32>
        %add3A_3997 = arith.addf %while3A_3929, %add3A_3996 : vector<16xf32>
        %get3A_3998 = arith.index_cast %mul3A_3945 : i32 to index
        %get3A_3999 = arith.constant 32 : index
        %get3A_4000 = tpu.vector_load %arg7[%get3A_3998, %get3A_3999] {strides = array<i32>} : memref<131x256xf32, #tpu.memory_space<vmem>>, vector<1x16xf32>,
        %get3A_4001 = vector.shape_cast %get3A_4000 : vector<1x16xf32> to vector<16xf32>
        %add3A_4002 = arith.constant 1 : i32
        %add3A_4003 = arith.addi %mul3A_3945, %add3A_4002 : i32
        %get3A_4004 = arith.index_cast %add3A_4003 : i32 to index
        %get3A_4005 = arith.constant 32 : index
        %get3A_4006 = tpu.vector_load %arg7[%get3A_4004, %get3A_4005] {strides = array<i32>} : memref<131x256xf32, #tpu.memory_space<vmem>>, vector<1x16xf32>,
        %get3A_4007 = vector.shape_cast %get3A_4006 : vector<1x16xf32> to vector<16xf32>
        %add3A_4008 = arith.addf %get3A_4001, %get3A_4007 : vector<16xf32>
        %add3A_4009 = arith.constant 2 : i32
        %add3A_4010 = arith.addi %mul3A_3945, %add3A_4009 : i32
        %get3A_4011 = arith.index_cast %add3A_4010 : i32 to index
        %get3A_4012 = arith.constant 32 : index
        %get3A_4013 = tpu.vector_load %arg7[%get3A_4011, %get3A_4012] {strides = array<i32>} : memref<131x256xf32, #tpu.memory_space<vmem>>, vector<1x16xf32>,
        %get3A_4014 = vector.shape_cast %get3A_4013 : vector<1x16xf32> to vector<16xf32>
        %add3A_4015 = arith.constant 3 : i32
        %add3A_4016 = arith.addi %mul3A_3945, %add3A_4015 : i32
        %get3A_4017 = arith.index_cast %add3A_4016 : i32 to index
        %get3A_4018 = arith.constant 32 : index
        %get3A_4019 = tpu.vector_load %arg7[%get3A_4017, %get3A_4018] {strides = array<i32>} : memref<131x256xf32, #tpu.memory_space<vmem>>, vector<1x16xf32>,
        %get3A_4020 = vector.shape_cast %get3A_4019 : vector<1x16xf32> to vector<16xf32>
        %add3A_4021 = arith.addf %get3A_4014, %get3A_4020 : vector<16xf32>
        %add3A_4022 = arith.addf %add3A_4008, %add3A_4021 : vector<16xf32>
        %add3A_4023 = arith.addf %while3A_3930, %add3A_4022 : vector<16xf32>
        %get3A_4024 = arith.index_cast %mul3A_3945 : i32 to index
        %get3A_4025 = arith.constant 48 : index
        %get3A_4026 = tpu.vector_load %arg7[%get3A_4024, %get3A_4025] {strides = array<i32>} : memref<131x256xf32, #tpu.memory_space<vmem>>, vector<1x16xf32>,
        %get3A_4027 = vector.shape_cast %get3A_4026 : vector<1x16xf32> to vector<16xf32>
        %add3A_4028 = arith.constant 1 : i32
        %add3A_4029 = arith.addi %mul3A_3945, %add3A_4028 : i32
        %get3A_4030 = arith.index_cast %add3A_4029 : i32 to index
        %get3A_4031 = arith.constant 48 : index
        %get3A_4032 = tpu.vector_load %arg7[%get3A_4030, %get3A_4031] {strides = array<i32>} : memref<131x256xf32, #tpu.memory_space<vmem>>, vector<1x16xf32>,
        %get3A_4033 = vector.shape_cast %get3A_4032 : vector<1x16xf32> to vector<16xf32>
        %add3A_4034 = arith.addf %get3A_4027, %get3A_4033 : vector<16xf32>
        %add3A_4035 = arith.constant 2 : i32
        %add3A_4036 = arith.addi %mul3A_3945, %add3A_4035 : i32
        %get3A_4037 = arith.index_cast %add3A_4036 : i32 to index
        %get3A_4038 = arith.constant 48 : index
        %get3A_4039 = tpu.vector_load %arg7[%get3A_4037, %get3A_4038] {strides = array<i32>} : memref<131x256xf32, #tpu.memory_space<vmem>>, vector<1x16xf32>,
        %get3A_4040 = vector.shape_cast %get3A_4039 : vector<1x16xf32> to vector<16xf32>
        %add3A_4041 = arith.constant 3 : i32
        %add3A_4042 = arith.addi %mul3A_3945, %add3A_4041 : i32
        %get3A_4043 = arith.index_cast %add3A_4042 : i32 to index
        %get3A_4044 = arith.constant 48 : index
        %get3A_4045 = tpu.vector_load %arg7[%get3A_4043, %get3A_4044] {strides = array<i32>} : memref<131x256xf32, #tpu.memory_space<vmem>>, vector<1x16xf32>,
        %get3A_4046 = vector.shape_cast %get3A_4045 : vector<1x16xf32> to vector<16xf32>
        %add3A_4047 = arith.addf %get3A_4040, %get3A_4046 : vector<16xf32>
        %add3A_4048 = arith.addf %add3A_4034, %add3A_4047 : vector<16xf32>
        %add3A_4049 = arith.addf %while3A_3931, %add3A_4048 : vector<16xf32>
        %get3A_4050 = arith.index_cast %mul3A_3945 : i32 to index
        %get3A_4051 = arith.constant 64 : index
        %get3A_4052 = tpu.vector_load %arg7[%get3A_4050, %get3A_4051] {strides = array<i32>} : memref<131x256xf32, #tpu.memory_space<vmem>>, vector<1x16xf32>,
        %get3A_4053 = vector.shape_cast %get3A_4052 : vector<1x16xf32> to vector<16xf32>
        %add3A_4054 = arith.constant 1 : i32
        %add3A_4055 = arith.addi %mul3A_3945, %add3A_4054 : i32
        %get3A_4056 = arith.index_cast %add3A_4055 : i32 to index
        %get3A_4057 = arith.constant 64 : index
        %get3A_4058 = tpu.vector_load %arg7[%get3A_4056, %get3A_4057] {strides = array<i32>} : memref<131x256xf32, #tpu.memory_space<vmem>>, vector<1x16xf32>,
        %get3A_4059 = vector.shape_cast %get3A_4058 : vector<1x16xf32> to vector<16xf32>
        %add3A_4060 = arith.addf %get3A_4053, %get3A_4059 : vector<16xf32>
        %add3A_4061 = arith.constant 2 : i32
        %add3A_4062 = arith.addi %mul3A_3945, %add3A_4061 : i32
        %get3A_4063 = arith.index_cast %add3A_4062 : i32 to index
        %get3A_4064 = arith.constant 64 : index
        %get3A_4065 = tpu.vector_load %arg7[%get3A_4063, %get3A_4064] {strides = array<i32>} : memref<131x256xf32, #tpu.memory_space<vmem>>, vector<1x16xf32>,
        %get3A_4066 = vector.shape_cast %get3A_4065 : vector<1x16xf32> to vector<16xf32>
        %add3A_4067 = arith.constant 3 : i32
        %add3A_4068 = arith.addi %mul3A_3945, %add3A_4067 : i32
        %get3A_4069 = arith.index_cast %add3A_4068 : i32 to index
        %get3A_4070 = arith.constant 64 : index
        %get3A_4071 = tpu.vector_load %arg7[%get3A_4069, %get3A_4070] {strides = array<i32>} : memref<131x256xf32, #tpu.memory_space<vmem>>, vector<1x16xf32>,
        %get3A_4072 = vector.shape_cast %get3A_4071 : vector<1x16xf32> to vector<16xf32>
        %add3A_4073 = arith.addf %get3A_4066, %get3A_4072 : vector<16xf32>
        %add3A_4074 = arith.addf %add3A_4060, %add3A_4073 : vector<16xf32>
        %add3A_4075 = arith.addf %while3A_3932, %add3A_4074 : vector<16xf32>
        %get3A_4076 = arith.index_cast %mul3A_3945 : i32 to index
        %get3A_4077 = arith.constant 80 : index
        %get3A_4078 = tpu.vector_load %arg7[%get3A_4076, %get3A_4077] {strides = array<i32>} : memref<131x256xf32, #tpu.memory_space<vmem>>, vector<1x16xf32>,
        %get3A_4079 = vector.shape_cast %get3A_4078 : vector<1x16xf32> to vector<16xf32>
        %add3A_4080 = arith.constant 1 : i32
        %add3A_4081 = arith.addi %mul3A_3945, %add3A_4080 : i32
        %get3A_4082 = arith.index_cast %add3A_4081 : i32 to index
        %get3A_4083 = arith.constant 80 : index
        %get3A_4084 = tpu.vector_load %arg7[%get3A_4082, %get3A_4083] {strides = array<i32>} : memref<131x256xf32, #tpu.memory_space<vmem>>, vector<1x16xf32>,
        %get3A_4085 = vector.shape_cast %get3A_4084 : vector<1x16xf32> to vector<16xf32>
        %add3A_4086 = arith.addf %get3A_4079, %get3A_4085 : vector<16xf32>
        %add3A_4087 = arith.constant 2 : i32
        %add3A_4088 = arith.addi %mul3A_3945, %add3A_4087 : i32
        %get3A_4089 = arith.index_cast %add3A_4088 : i32 to index
        %get3A_4090 = arith.constant 80 : index
        %get3A_4091 = tpu.vector_load %arg7[%get3A_4089, %get3A_4090] {strides = array<i32>} : memref<131x256xf32, #tpu.memory_space<vmem>>, vector<1x16xf32>,
        %get3A_4092 = vector.shape_cast %get3A_4091 : vector<1x16xf32> to vector<16xf32>
        %add3A_4093 = arith.constant 3 : i32
        %add3A_4094 = arith.addi %mul3A_3945, %add3A_4093 : i32
        %get3A_4095 = arith.index_cast %add3A_4094 : i32 to index
        %get3A_4096 = arith.constant 80 : index
        %get3A_4097 = tpu.vector_load %arg7[%get3A_4095, %get3A_4096] {strides = array<i32>} : memref<131x256xf32, #tpu.memory_space<vmem>>, vector<1x16xf32>,
        %get3A_4098 = vector.shape_cast %get3A_4097 : vector<1x16xf32> to vector<16xf32>
        %add3A_4099 = arith.addf %get3A_4092, %get3A_4098 : vector<16xf32>
        %add3A_4100 = arith.addf %add3A_4086, %add3A_4099 : vector<16xf32>
        %add3A_4101 = arith.addf %while3A_3933, %add3A_4100 : vector<16xf32>
        %get3A_4102 = arith.index_cast %mul3A_3945 : i32 to index
        %get3A_4103 = arith.constant 96 : index
        %get3A_4104 = tpu.vector_load %arg7[%get3A_4102, %get3A_4103] {strides = array<i32>} : memref<131x256xf32, #tpu.memory_space<vmem>>, vector<1x16xf32>,
        %get3A_4105 = vector.shape_cast %get3A_4104 : vector<1x16xf32> to vector<16xf32>
        %add3A_4106 = arith.constant 1 : i32
        %add3A_4107 = arith.addi %mul3A_3945, %add3A_4106 : i32
        %get3A_4108 = arith.index_cast %add3A_4107 : i32 to index
        %get3A_4109 = arith.constant 96 : index
        %get3A_4110 = tpu.vector_load %arg7[%get3A_4108, %get3A_4109] {strides = array<i32>} : memref<131x256xf32, #tpu.memory_space<vmem>>, vector<1x16xf32>,
        %get3A_4111 = vector.shape_cast %get3A_4110 : vector<1x16xf32> to vector<16xf32>
        %add3A_4112 = arith.addf %get3A_4105, %get3A_4111 : vector<16xf32>
        %add3A_4113 = arith.constant 2 : i32
        %add3A_4114 = arith.addi %mul3A_3945, %add3A_4113 : i32
        %get3A_4115 = arith.index_cast %add3A_4114 : i32 to index
        %get3A_4116 = arith.constant 96 : index
        %get3A_4117 = tpu.vector_load %arg7[%get3A_4115, %get3A_4116] {strides = array<i32>} : memref<131x256xf32, #tpu.memory_space<vmem>>, vector<1x16xf32>,
        %get3A_4118 = vector.shape_cast %get3A_4117 : vector<1x16xf32> to vector<16xf32>
        %add3A_4119 = arith.constant 3 : i32
        %add3A_4120 = arith.addi %mul3A_3945, %add3A_4119 : i32
        %get3A_4121 = arith.index_cast %add3A_4120 : i32 to index
        %get3A_4122 = arith.constant 96 : index
        %get3A_4123 = tpu.vector_load %arg7[%get3A_4121, %get3A_4122] {strides = array<i32>} : memref<131x256xf32, #tpu.memory_space<vmem>>, vector<1x16xf32>,
        %get3A_4124 = vector.shape_cast %get3A_4123 : vector<1x16xf32> to vector<16xf32>
        %add3A_4125 = arith.addf %get3A_4118, %get3A_4124 : vector<16xf32>
        %add3A_4126 = arith.addf %add3A_4112, %add3A_4125 : vector<16xf32>
        %add3A_4127 = arith.addf %while3A_3934, %add3A_4126 : vector<16xf32>
        %get3A_4128 = arith.index_cast %mul3A_3945 : i32 to index
        %get3A_4129 = arith.constant 112 : index
        %get3A_4130 = tpu.vector_load %arg7[%get3A_4128, %get3A_4129] {strides = array<i32>} : memref<131x256xf32, #tpu.memory_space<vmem>>, vector<1x16xf32>,
        %get3A_4131 = vector.shape_cast %get3A_4130 : vector<1x16xf32> to vector<16xf32>
        %add3A_4132 = arith.constant 1 : i32
        %add3A_4133 = arith.addi %mul3A_3945, %add3A_4132 : i32
        %get3A_4134 = arith.index_cast %add3A_4133 : i32 to index
        %get3A_4135 = arith.constant 112 : index
        %get3A_4136 = tpu.vector_load %arg7[%get3A_4134, %get3A_4135] {strides = array<i32>} : memref<131x256xf32, #tpu.memory_space<vmem>>, vector<1x16xf32>,
        %get3A_4137 = vector.shape_cast %get3A_4136 : vector<1x16xf32> to vector<16xf32>
        %add3A_4138 = arith.addf %get3A_4131, %get3A_4137 : vector<16xf32>
        %add3A_4139 = arith.constant 2 : i32
        %add3A_4140 = arith.addi %mul3A_3945, %add3A_4139 : i32
        %get3A_4141 = arith.index_cast %add3A_4140 : i32 to index
        %get3A_4142 = arith.constant 112 : index
        %get3A_4143 = tpu.vector_load %arg7[%get3A_4141, %get3A_4142] {strides = array<i32>} : memref<131x256xf32, #tpu.memory_space<vmem>>, vector<1x16xf32>,
        %get3A_4144 = vector.shape_cast %get3A_4143 : vector<1x16xf32> to vector<16xf32>
        %add3A_4145 = arith.constant 3 : i32
        %add3A_4146 = arith.addi %mul3A_3945, %add3A_4145 : i32
        %get3A_4147 = arith.index_cast %add3A_4146 : i32 to index
        %get3A_4148 = arith.constant 112 : index
        %get3A_4149 = tpu.vector_load %arg7[%get3A_4147, %get3A_4148] {strides = array<i32>} : memref<131x256xf32, #tpu.memory_space<vmem>>, vector<1x16xf32>,
        %get3A_4150 = vector.shape_cast %get3A_4149 : vector<1x16xf32> to vector<16xf32>
        %add3A_4151 = arith.addf %get3A_4144, %get3A_4150 : vector<16xf32>
        %add3A_4152 = arith.addf %add3A_4138, %add3A_4151 : vector<16xf32>
        %add3A_4153 = arith.addf %while3A_3935, %add3A_4152 : vector<16xf32>
        %get3A_4154 = arith.index_cast %mul3A_3945 : i32 to index
        %get3A_4155 = arith.constant 128 : index
        %get3A_4156 = tpu.vector_load %arg7[%get3A_4154, %get3A_4155] {strides = array<i32>} : memref<131x256xf32, #tpu.memory_space<vmem>>, vector<1x16xf32>,
        %get3A_4157 = vector.shape_cast %get3A_4156 : vector<1x16xf32> to vector<16xf32>
        %add3A_4158 = arith.constant 1 : i32
        %add3A_4159 = arith.addi %mul3A_3945, %add3A_4158 : i32
        %get3A_4160 = arith.index_cast %add3A_4159 : i32 to index
        %get3A_4161 = arith.constant 128 : index
        %get3A_4162 = tpu.vector_load %arg7[%get3A_4160, %get3A_4161] {strides = array<i32>} : memref<131x256xf32, #tpu.memory_space<vmem>>, vector<1x16xf32>,
        %get3A_4163 = vector.shape_cast %get3A_4162 : vector<1x16xf32> to vector<16xf32>
        %add3A_4164 = arith.addf %get3A_4157, %get3A_4163 : vector<16xf32>
        %add3A_4165 = arith.constant 2 : i32
        %add3A_4166 = arith.addi %mul3A_3945, %add3A_4165 : i32
        %get3A_4167 = arith.index_cast %add3A_4166 : i32 to index
        %get3A_4168 = arith.constant 128 : index
        %get3A_4169 = tpu.vector_load %arg7[%get3A_4167, %get3A_4168] {strides = array<i32>} : memref<131x256xf32, #tpu.memory_space<vmem>>, vector<1x16xf32>,
        %get3A_4170 = vector.shape_cast %get3A_4169 : vector<1x16xf32> to vector<16xf32>
        %add3A_4171 = arith.constant 3 : i32
        %add3A_4172 = arith.addi %mul3A_3945, %add3A_4171 : i32
        %get3A_4173 = arith.index_cast %add3A_4172 : i32 to index
        %get3A_4174 = arith.constant 128 : index
        %get3A_4175 = tpu.vector_load %arg7[%get3A_4173, %get3A_4174] {strides = array<i32>} : memref<131x256xf32, #tpu.memory_space<vmem>>, vector<1x16xf32>,
        %get3A_4176 = vector.shape_cast %get3A_4175 : vector<1x16xf32> to vector<16xf32>
        %add3A_4177 = arith.addf %get3A_4170, %get3A_4176 : vector<16xf32>
        %add3A_4178 = arith.addf %add3A_4164, %add3A_4177 : vector<16xf32>
        %add3A_4179 = arith.addf %while3A_3936, %add3A_4178 : vector<16xf32>
        %get3A_4180 = arith.index_cast %mul3A_3945 : i32 to index
        %get3A_4181 = arith.constant 144 : index
        %get3A_4182 = tpu.vector_load %arg7[%get3A_4180, %get3A_4181] {strides = array<i32>} : memref<131x256xf32, #tpu.memory_space<vmem>>, vector<1x16xf32>,
        %get3A_4183 = vector.shape_cast %get3A_4182 : vector<1x16xf32> to vector<16xf32>
        %add3A_4184 = arith.constant 1 : i32
        %add3A_4185 = arith.addi %mul3A_3945, %add3A_4184 : i32
        %get3A_4186 = arith.index_cast %add3A_4185 : i32 to index
        %get3A_4187 = arith.constant 144 : index
        %get3A_4188 = tpu.vector_load %arg7[%get3A_4186, %get3A_4187] {strides = array<i32>} : memref<131x256xf32, #tpu.memory_space<vmem>>, vector<1x16xf32>,
        %get3A_4189 = vector.shape_cast %get3A_4188 : vector<1x16xf32> to vector<16xf32>
        %add3A_4190 = arith.addf %get3A_4183, %get3A_4189 : vector<16xf32>
        %add3A_4191 = arith.constant 2 : i32
        %add3A_4192 = arith.addi %mul3A_3945, %add3A_4191 : i32
        %get3A_4193 = arith.index_cast %add3A_4192 : i32 to index
        %get3A_4194 = arith.constant 144 : index
        %get3A_4195 = tpu.vector_load %arg7[%get3A_4193, %get3A_4194] {strides = array<i32>} : memref<131x256xf32, #tpu.memory_space<vmem>>, vector<1x16xf32>,
        %get3A_4196 = vector.shape_cast %get3A_4195 : vector<1x16xf32> to vector<16xf32>
        %add3A_4197 = arith.constant 3 : i32
        %add3A_4198 = arith.addi %mul3A_3945, %add3A_4197 : i32
        %get3A_4199 = arith.index_cast %add3A_4198 : i32 to index
        %get3A_4200 = arith.constant 144 : index
        %get3A_4201 = tpu.vector_load %arg7[%get3A_4199, %get3A_4200] {strides = array<i32>} : memref<131x256xf32, #tpu.memory_space<vmem>>, vector<1x16xf32>,
        %get3A_4202 = vector.shape_cast %get3A_4201 : vector<1x16xf32> to vector<16xf32>
        %add3A_4203 = arith.addf %get3A_4196, %get3A_4202 : vector<16xf32>
        %add3A_4204 = arith.addf %add3A_4190, %add3A_4203 : vector<16xf32>
        %add3A_4205 = arith.addf %while3A_3937, %add3A_4204 : vector<16xf32>
        %get3A_4206 = arith.index_cast %mul3A_3945 : i32 to index
        %get3A_4207 = arith.constant 160 : index
        %get3A_4208 = tpu.vector_load %arg7[%get3A_4206, %get3A_4207] {strides = array<i32>} : memref<131x256xf32, #tpu.memory_space<vmem>>, vector<1x16xf32>,
        %get3A_4209 = vector.shape_cast %get3A_4208 : vector<1x16xf32> to vector<16xf32>
        %add3A_4210 = arith.constant 1 : i32
        %add3A_4211 = arith.addi %mul3A_3945, %add3A_4210 : i32
        %get3A_4212 = arith.index_cast %add3A_4211 : i32 to index
        %get3A_4213 = arith.constant 160 : index
        %get3A_4214 = tpu.vector_load %arg7[%get3A_4212, %get3A_4213] {strides = array<i32>} : memref<131x256xf32, #tpu.memory_space<vmem>>, vector<1x16xf32>,
        %get3A_4215 = vector.shape_cast %get3A_4214 : vector<1x16xf32> to vector<16xf32>
        %add3A_4216 = arith.addf %get3A_4209, %get3A_4215 : vector<16xf32>
        %add3A_4217 = arith.constant 2 : i32
        %add3A_4218 = arith.addi %mul3A_3945, %add3A_4217 : i32
        %get3A_4219 = arith.index_cast %add3A_4218 : i32 to index
        %get3A_4220 = arith.constant 160 : index
        %get3A_4221 = tpu.vector_load %arg7[%get3A_4219, %get3A_4220] {strides = array<i32>} : memref<131x256xf32, #tpu.memory_space<vmem>>, vector<1x16xf32>,
        %get3A_4222 = vector.shape_cast %get3A_4221 : vector<1x16xf32> to vector<16xf32>
        %add3A_4223 = arith.constant 3 : i32
        %add3A_4224 = arith.addi %mul3A_3945, %add3A_4223 : i32
        %get3A_4225 = arith.index_cast %add3A_4224 : i32 to index
        %get3A_4226 = arith.constant 160 : index
        %get3A_4227 = tpu.vector_load %arg7[%get3A_4225, %get3A_4226] {strides = array<i32>} : memref<131x256xf32, #tpu.memory_space<vmem>>, vector<1x16xf32>,
        %get3A_4228 = vector.shape_cast %get3A_4227 : vector<1x16xf32> to vector<16xf32>
        %add3A_4229 = arith.addf %get3A_4222, %get3A_4228 : vector<16xf32>
        %add3A_4230 = arith.addf %add3A_4216, %add3A_4229 : vector<16xf32>
        %add3A_4231 = arith.addf %while3A_3938, %add3A_4230 : vector<16xf32>
        %get3A_4232 = arith.index_cast %mul3A_3945 : i32 to index
        %get3A_4233 = arith.constant 176 : index
        %get3A_4234 = tpu.vector_load %arg7[%get3A_4232, %get3A_4233] {strides = array<i32>} : memref<131x256xf32, #tpu.memory_space<vmem>>, vector<1x16xf32>,
        %get3A_4235 = vector.shape_cast %get3A_4234 : vector<1x16xf32> to vector<16xf32>
        %add3A_4236 = arith.constant 1 : i32
        %add3A_4237 = arith.addi %mul3A_3945, %add3A_4236 : i32
        %get3A_4238 = arith.index_cast %add3A_4237 : i32 to index
        %get3A_4239 = arith.constant 176 : index
        %get3A_4240 = tpu.vector_load %arg7[%get3A_4238, %get3A_4239] {strides = array<i32>} : memref<131x256xf32, #tpu.memory_space<vmem>>, vector<1x16xf32>,
        %get3A_4241 = vector.shape_cast %get3A_4240 : vector<1x16xf32> to vector<16xf32>
        %add3A_4242 = arith.addf %get3A_4235, %get3A_4241 : vector<16xf32>
        %add3A_4243 = arith.constant 2 : i32
        %add3A_4244 = arith.addi %mul3A_3945, %add3A_4243 : i32
        %get3A_4245 = arith.index_cast %add3A_4244 : i32 to index
        %get3A_4246 = arith.constant 176 : index
        %get3A_4247 = tpu.vector_load %arg7[%get3A_4245, %get3A_4246] {strides = array<i32>} : memref<131x256xf32, #tpu.memory_space<vmem>>, vector<1x16xf32>,
        %get3A_4248 = vector.shape_cast %get3A_4247 : vector<1x16xf32> to vector<16xf32>
        %add3A_4249 = arith.constant 3 : i32
        %add3A_4250 = arith.addi %mul3A_3945, %add3A_4249 : i32
        %get3A_4251 = arith.index_cast %add3A_4250 : i32 to index
        %get3A_4252 = arith.constant 176 : index
        %get3A_4253 = tpu.vector_load %arg7[%get3A_4251, %get3A_4252] {strides = array<i32>} : memref<131x256xf32, #tpu.memory_space<vmem>>, vector<1x16xf32>,
        %get3A_4254 = vector.shape_cast %get3A_4253 : vector<1x16xf32> to vector<16xf32>
        %add3A_4255 = arith.addf %get3A_4248, %get3A_4254 : vector<16xf32>
        %add3A_4256 = arith.addf %add3A_4242, %add3A_4255 : vector<16xf32>
        %add3A_4257 = arith.addf %while3A_3939, %add3A_4256 : vector<16xf32>
        %get3A_4258 = arith.index_cast %mul3A_3945 : i32 to index
        %get3A_4259 = arith.constant 192 : index
        %get3A_4260 = tpu.vector_load %arg7[%get3A_4258, %get3A_4259] {strides = array<i32>} : memref<131x256xf32, #tpu.memory_space<vmem>>, vector<1x16xf32>,
        %get3A_4261 = vector.shape_cast %get3A_4260 : vector<1x16xf32> to vector<16xf32>
        %add3A_4262 = arith.constant 1 : i32
        %add3A_4263 = arith.addi %mul3A_3945, %add3A_4262 : i32
        %get3A_4264 = arith.index_cast %add3A_4263 : i32 to index
        %get3A_4265 = arith.constant 192 : index
        %get3A_4266 = tpu.vector_load %arg7[%get3A_4264, %get3A_4265] {strides = array<i32>} : memref<131x256xf32, #tpu.memory_space<vmem>>, vector<1x16xf32>,
        %get3A_4267 = vector.shape_cast %get3A_4266 : vector<1x16xf32> to vector<16xf32>
        %add3A_4268 = arith.addf %get3A_4261, %get3A_4267 : vector<16xf32>
        %add3A_4269 = arith.constant 2 : i32
        %add3A_4270 = arith.addi %mul3A_3945, %add3A_4269 : i32
        %get3A_4271 = arith.index_cast %add3A_4270 : i32 to index
        %get3A_4272 = arith.constant 192 : index
        %get3A_4273 = tpu.vector_load %arg7[%get3A_4271, %get3A_4272] {strides = array<i32>} : memref<131x256xf32, #tpu.memory_space<vmem>>, vector<1x16xf32>,
        %get3A_4274 = vector.shape_cast %get3A_4273 : vector<1x16xf32> to vector<16xf32>
        %add3A_4275 = arith.constant 3 : i32
        %add3A_4276 = arith.addi %mul3A_3945, %add3A_4275 : i32
        %get3A_4277 = arith.index_cast %add3A_4276 : i32 to index
        %get3A_4278 = arith.constant 192 : index
        %get3A_4279 = tpu.vector_load %arg7[%get3A_4277, %get3A_4278] {strides = array<i32>} : memref<131x256xf32, #tpu.memory_space<vmem>>, vector<1x16xf32>,
        %get3A_4280 = vector.shape_cast %get3A_4279 : vector<1x16xf32> to vector<16xf32>
        %add3A_4281 = arith.addf %get3A_4274, %get3A_4280 : vector<16xf32>
        %add3A_4282 = arith.addf %add3A_4268, %add3A_4281 : vector<16xf32>
        %add3A_4283 = arith.addf %while3A_3940, %add3A_4282 : vector<16xf32>
        %get3A_4284 = arith.index_cast %mul3A_3945 : i32 to index
        %get3A_4285 = arith.constant 208 : index
        %get3A_4286 = tpu.vector_load %arg7[%get3A_4284, %get3A_4285] {strides = array<i32>} : memref<131x256xf32, #tpu.memory_space<vmem>>, vector<1x16xf32>,
        %get3A_4287 = vector.shape_cast %get3A_4286 : vector<1x16xf32> to vector<16xf32>
        %add3A_4288 = arith.constant 1 : i32
        %add3A_4289 = arith.addi %mul3A_3945, %add3A_4288 : i32
        %get3A_4290 = arith.index_cast %add3A_4289 : i32 to index
        %get3A_4291 = arith.constant 208 : index
        %get3A_4292 = tpu.vector_load %arg7[%get3A_4290, %get3A_4291] {strides = array<i32>} : memref<131x256xf32, #tpu.memory_space<vmem>>, vector<1x16xf32>,
        %get3A_4293 = vector.shape_cast %get3A_4292 : vector<1x16xf32> to vector<16xf32>
        %add3A_4294 = arith.addf %get3A_4287, %get3A_4293 : vector<16xf32>
        %add3A_4295 = arith.constant 2 : i32
        %add3A_4296 = arith.addi %mul3A_3945, %add3A_4295 : i32
        %get3A_4297 = arith.index_cast %add3A_4296 : i32 to index
        %get3A_4298 = arith.constant 208 : index
        %get3A_4299 = tpu.vector_load %arg7[%get3A_4297, %get3A_4298] {strides = array<i32>} : memref<131x256xf32, #tpu.memory_space<vmem>>, vector<1x16xf32>,
        %get3A_4300 = vector.shape_cast %get3A_4299 : vector<1x16xf32> to vector<16xf32>
        %add3A_4301 = arith.constant 3 : i32
        %add3A_4302 = arith.addi %mul3A_3945, %add3A_4301 : i32
        %get3A_4303 = arith.index_cast %add3A_4302 : i32 to index
        %get3A_4304 = arith.constant 208 : index
        %get3A_4305 = tpu.vector_load %arg7[%get3A_4303, %get3A_4304] {strides = array<i32>} : memref<131x256xf32, #tpu.memory_space<vmem>>, vector<1x16xf32>,
        %get3A_4306 = vector.shape_cast %get3A_4305 : vector<1x16xf32> to vector<16xf32>
        %add3A_4307 = arith.addf %get3A_4300, %get3A_4306 : vector<16xf32>
        %add3A_4308 = arith.addf %add3A_4294, %add3A_4307 : vector<16xf32>
        %add3A_4309 = arith.addf %while3A_3941, %add3A_4308 : vector<16xf32>
        %get3A_4310 = arith.index_cast %mul3A_3945 : i32 to index
        %get3A_4311 = arith.constant 224 : index
        %get3A_4312 = tpu.vector_load %arg7[%get3A_4310, %get3A_4311] {strides = array<i32>} : memref<131x256xf32, #tpu.memory_space<vmem>>, vector<1x16xf32>,
        %get3A_4313 = vector.shape_cast %get3A_4312 : vector<1x16xf32> to vector<16xf32>
        %add3A_4314 = arith.constant 1 : i32
        %add3A_4315 = arith.addi %mul3A_3945, %add3A_4314 : i32
        %get3A_4316 = arith.index_cast %add3A_4315 : i32 to index
        %get3A_4317 = arith.constant 224 : index
        %get3A_4318 = tpu.vector_load %arg7[%get3A_4316, %get3A_4317] {strides = array<i32>} : memref<131x256xf32, #tpu.memory_space<vmem>>, vector<1x16xf32>,
        %get3A_4319 = vector.shape_cast %get3A_4318 : vector<1x16xf32> to vector<16xf32>
        %add3A_4320 = arith.addf %get3A_4313, %get3A_4319 : vector<16xf32>
        %add3A_4321 = arith.constant 2 : i32
        %add3A_4322 = arith.addi %mul3A_3945, %add3A_4321 : i32
        %get3A_4323 = arith.index_cast %add3A_4322 : i32 to index
        %get3A_4324 = arith.constant 224 : index
        %get3A_4325 = tpu.vector_load %arg7[%get3A_4323, %get3A_4324] {strides = array<i32>} : memref<131x256xf32, #tpu.memory_space<vmem>>, vector<1x16xf32>,
        %get3A_4326 = vector.shape_cast %get3A_4325 : vector<1x16xf32> to vector<16xf32>
        %add3A_4327 = arith.constant 3 : i32
        %add3A_4328 = arith.addi %mul3A_3945, %add3A_4327 : i32
        %get3A_4329 = arith.index_cast %add3A_4328 : i32 to index
        %get3A_4330 = arith.constant 224 : index
        %get3A_4331 = tpu.vector_load %arg7[%get3A_4329, %get3A_4330] {strides = array<i32>} : memref<131x256xf32, #tpu.memory_space<vmem>>, vector<1x16xf32>,
        %get3A_4332 = vector.shape_cast %get3A_4331 : vector<1x16xf32> to vector<16xf32>
        %add3A_4333 = arith.addf %get3A_4326, %get3A_4332 : vector<16xf32>
        %add3A_4334 = arith.addf %add3A_4320, %add3A_4333 : vector<16xf32>
        %add3A_4335 = arith.addf %while3A_3942, %add3A_4334 : vector<16xf32>
        %get3A_4336 = arith.index_cast %mul3A_3945 : i32 to index
        %get3A_4337 = arith.constant 240 : index
        %get3A_4338 = tpu.vector_load %arg7[%get3A_4336, %get3A_4337] {strides = array<i32>} : memref<131x256xf32, #tpu.memory_space<vmem>>, vector<1x16xf32>,
        %get3A_4339 = vector.shape_cast %get3A_4338 : vector<1x16xf32> to vector<16xf32>
        %add3A_4340 = arith.constant 1 : i32
        %add3A_4341 = arith.addi %mul3A_3945, %add3A_4340 : i32
        %get3A_4342 = arith.index_cast %add3A_4341 : i32 to index
        %get3A_4343 = arith.constant 240 : index
        %get3A_4344 = tpu.vector_load %arg7[%get3A_4342, %get3A_4343] {strides = array<i32>} : memref<131x256xf32, #tpu.memory_space<vmem>>, vector<1x16xf32>,
        %get3A_4345 = vector.shape_cast %get3A_4344 : vector<1x16xf32> to vector<16xf32>
        %add3A_4346 = arith.addf %get3A_4339, %get3A_4345 : vector<16xf32>
        %add3A_4347 = arith.constant 2 : i32
        %add3A_4348 = arith.addi %mul3A_3945, %add3A_4347 : i32
        %get3A_4349 = arith.index_cast %add3A_4348 : i32 to index
        %get3A_4350 = arith.constant 240 : index
        %get3A_4351 = tpu.vector_load %arg7[%get3A_4349, %get3A_4350] {strides = array<i32>} : memref<131x256xf32, #tpu.memory_space<vmem>>, vector<1x16xf32>,
        %get3A_4352 = vector.shape_cast %get3A_4351 : vector<1x16xf32> to vector<16xf32>
        %add3A_4353 = arith.constant 3 : i32
        %add3A_4354 = arith.addi %mul3A_3945, %add3A_4353 : i32
        %get3A_4355 = arith.index_cast %add3A_4354 : i32 to index
        %get3A_4356 = arith.constant 240 : index
        %get3A_4357 = tpu.vector_load %arg7[%get3A_4355, %get3A_4356] {strides = array<i32>} : memref<131x256xf32, #tpu.memory_space<vmem>>, vector<1x16xf32>,
        %get3A_4358 = vector.shape_cast %get3A_4357 : vector<1x16xf32> to vector<16xf32>
        %add3A_4359 = arith.addf %get3A_4352, %get3A_4358 : vector<16xf32>
        %add3A_4360 = arith.addf %add3A_4346, %add3A_4359 : vector<16xf32>
        %add3A_4361 = arith.addf %while3A_3943, %add3A_4360 : vector<16xf32>
        scf.yield %add3A_3971, %add3A_3997, %add3A_4023, %add3A_4049, %add3A_4075, %add3A_4101, %add3A_4127, %add3A_4153, %add3A_4179, %add3A_4205, %add3A_4231, %add3A_4257, %add3A_4283, %add3A_4309, %add3A_4335, %add3A_4361 : vector<16xf32>, vector<16xf32>, vector<16xf32>, vector<16xf32>, vector<16xf32>, vector<16xf32>, vector<16xf32>, vector<16xf32>, vector<16xf32>, vector<16xf32>, vector<16xf32>, vector<16xf32>, vector<16xf32>, vector<16xf32>, vector<16xf32>, vector<16xf32>
      }
      %while3A_2130 = arith.constant 1 : i32
      %while3A_2131:16 = scf.for %while3A_3927 = %while3A_2127 to %while3A_2123 step %while3A_2130 iter_args(%while3A_3928 = %while3A_2129#0, %while3A_3929 = %while3A_2129#1, %while3A_3930 = %while3A_2129#2, %while3A_3931 = %while3A_2129#3, %while3A_3932 = %while3A_2129#4, %while3A_3933 = %while3A_2129#5, %while3A_3934 = %while3A_2129#6, %while3A_3935 = %while3A_2129#7, %while3A_3936 = %while3A_2129#8, %while3A_3937 = %while3A_2129#9, %while3A_3938 = %while3A_2129#10, %while3A_3939 = %while3A_2129#11, %while3A_3940 = %while3A_2129#12, %while3A_3941 = %while3A_2129#13, %while3A_3942 = %while3A_2129#14, %while3A_3943 = %while3A_2129#15) -> (vector<16xf32>, vector<16xf32>, vector<16xf32>, vector<16xf32>, vector<16xf32>, vector<16xf32>, vector<16xf32>, vector<16xf32>, vector<16xf32>, vector<16xf32>, vector<16xf32>, vector<16xf32>, vector<16xf32>, vector<16xf32>, vector<16xf32>, vector<16xf32>)  : i32 {
        %mul3A_3944 = arith.constant 4 : i32
        %mul3A_3945 = arith.muli %mul3A_3944, %while3A_3927 : i32
        %get3A_3946 = arith.index_cast %mul3A_3945 : i32 to index
        %get3A_3947 = arith.constant 0 : index
        %get3A_3948 = tpu.vector_load %arg7[%get3A_3946, %get3A_3947] {strides = array<i32>} : memref<131x256xf32, #tpu.memory_space<vmem>>, vector<1x16xf32>,
        %get3A_3949 = vector.shape_cast %get3A_3948 : vector<1x16xf32> to vector<16xf32>
        %add3A_3950 = arith.constant 1 : i32
        %add3A_3951 = arith.addi %mul3A_3945, %add3A_3950 : i32
        %get3A_3952 = arith.index_cast %add3A_3951 : i32 to index
        %get3A_3953 = arith.constant 0 : index
        %get3A_3954 = tpu.vector_load %arg7[%get3A_3952, %get3A_3953] {strides = array<i32>} : memref<131x256xf32, #tpu.memory_space<vmem>>, vector<1x16xf32>,
        %get3A_3955 = vector.shape_cast %get3A_3954 : vector<1x16xf32> to vector<16xf32>
        %add3A_3956 = arith.addf %get3A_3949, %get3A_3955 : vector<16xf32>
        %add3A_3957 = arith.constant 2 : i32
        %add3A_3958 = arith.addi %mul3A_3945, %add3A_3957 : i32
        %get3A_3959 = arith.index_cast %add3A_3958 : i32 to index
        %get3A_3960 = arith.constant 0 : index
        %get3A_3961 = tpu.vector_load %arg7[%get3A_3959, %get3A_3960] {strides = array<i32>} : memref<131x256xf32, #tpu.memory_space<vmem>>, vector<1x16xf32>,
        %get3A_3962 = vector.shape_cast %get3A_3961 : vector<1x16xf32> to vector<16xf32>
        %add3A_3963 = arith.constant 3 : i32
        %add3A_3964 = arith.addi %mul3A_3945, %add3A_3963 : i32
        %get3A_3965 = arith.index_cast %add3A_3964 : i32 to index
        %get3A_3966 = arith.constant 0 : index
        %get3A_3967 = tpu.vector_load %arg7[%get3A_3965, %get3A_3966] {strides = array<i32>} : memref<131x256xf32, #tpu.memory_space<vmem>>, vector<1x16xf32>,
        %get3A_3968 = vector.shape_cast %get3A_3967 : vector<1x16xf32> to vector<16xf32>
        %add3A_3969 = arith.addf %get3A_3962, %get3A_3968 : vector<16xf32>
        %add3A_3970 = arith.addf %add3A_3956, %add3A_3969 : vector<16xf32>
        %add3A_3971 = arith.addf %while3A_3928, %add3A_3970 : vector<16xf32>
        %get3A_3972 = arith.index_cast %mul3A_3945 : i32 to index
        %get3A_3973 = arith.constant 16 : index
        %get3A_3974 = tpu.vector_load %arg7[%get3A_3972, %get3A_3973] {strides = array<i32>} : memref<131x256xf32, #tpu.memory_space<vmem>>, vector<1x16xf32>,
        %get3A_3975 = vector.shape_cast %get3A_3974 : vector<1x16xf32> to vector<16xf32>
        %add3A_3976 = arith.constant 1 : i32
        %add3A_3977 = arith.addi %mul3A_3945, %add3A_3976 : i32
        %get3A_3978 = arith.index_cast %add3A_3977 : i32 to index
        %get3A_3979 = arith.constant 16 : index
        %get3A_3980 = tpu.vector_load %arg7[%get3A_3978, %get3A_3979] {strides = array<i32>} : memref<131x256xf32, #tpu.memory_space<vmem>>, vector<1x16xf32>,
        %get3A_3981 = vector.shape_cast %get3A_3980 : vector<1x16xf32> to vector<16xf32>
        %add3A_3982 = arith.addf %get3A_3975, %get3A_3981 : vector<16xf32>
        %add3A_3983 = arith.constant 2 : i32
        %add3A_3984 = arith.addi %mul3A_3945, %add3A_3983 : i32
        %get3A_3985 = arith.index_cast %add3A_3984 : i32 to index
        %get3A_3986 = arith.constant 16 : index
        %get3A_3987 = tpu.vector_load %arg7[%get3A_3985, %get3A_3986] {strides = array<i32>} : memref<131x256xf32, #tpu.memory_space<vmem>>, vector<1x16xf32>,
        %get3A_3988 = vector.shape_cast %get3A_3987 : vector<1x16xf32> to vector<16xf32>
        %add3A_3989 = arith.constant 3 : i32
        %add3A_3990 = arith.addi %mul3A_3945, %add3A_3989 : i32
        %get3A_3991 = arith.index_cast %add3A_3990 : i32 to index
        %get3A_3992 = arith.constant 16 : index
        %get3A_3993 = tpu.vector_load %arg7[%get3A_3991, %get3A_3992] {strides = array<i32>} : memref<131x256xf32, #tpu.memory_space<vmem>>, vector<1x16xf32>,
        %get3A_3994 = vector.shape_cast %get3A_3993 : vector<1x16xf32> to vector<16xf32>
        %add3A_3995 = arith.addf %get3A_3988, %get3A_3994 : vector<16xf32>
        %add3A_3996 = arith.addf %add3A_3982, %add3A_3995 : vector<16xf32>
        %add3A_3997 = arith.addf %while3A_3929, %add3A_3996 : vector<16xf32>
        %get3A_3998 = arith.index_cast %mul3A_3945 : i32 to index
        %get3A_3999 = arith.constant 32 : index
        %get3A_4000 = tpu.vector_load %arg7[%get3A_3998, %get3A_3999] {strides = array<i32>} : memref<131x256xf32, #tpu.memory_space<vmem>>, vector<1x16xf32>,
        %get3A_4001 = vector.shape_cast %get3A_4000 : vector<1x16xf32> to vector<16xf32>
        %add3A_4002 = arith.constant 1 : i32
        %add3A_4003 = arith.addi %mul3A_3945, %add3A_4002 : i32
        %get3A_4004 = arith.index_cast %add3A_4003 : i32 to index
        %get3A_4005 = arith.constant 32 : index
        %get3A_4006 = tpu.vector_load %arg7[%get3A_4004, %get3A_4005] {strides = array<i32>} : memref<131x256xf32, #tpu.memory_space<vmem>>, vector<1x16xf32>,
        %get3A_4007 = vector.shape_cast %get3A_4006 : vector<1x16xf32> to vector<16xf32>
        %add3A_4008 = arith.addf %get3A_4001, %get3A_4007 : vector<16xf32>
        %add3A_4009 = arith.constant 2 : i32
        %add3A_4010 = arith.addi %mul3A_3945, %add3A_4009 : i32
        %get3A_4011 = arith.index_cast %add3A_4010 : i32 to index
        %get3A_4012 = arith.constant 32 : index
        %get3A_4013 = tpu.vector_load %arg7[%get3A_4011, %get3A_4012] {strides = array<i32>} : memref<131x256xf32, #tpu.memory_space<vmem>>, vector<1x16xf32>,
        %get3A_4014 = vector.shape_cast %get3A_4013 : vector<1x16xf32> to vector<16xf32>
        %add3A_4015 = arith.constant 3 : i32
        %add3A_4016 = arith.addi %mul3A_3945, %add3A_4015 : i32
        %get3A_4017 = arith.index_cast %add3A_4016 : i32 to index
        %get3A_4018 = arith.constant 32 : index
        %get3A_4019 = tpu.vector_load %arg7[%get3A_4017, %get3A_4018] {strides = array<i32>} : memref<131x256xf32, #tpu.memory_space<vmem>>, vector<1x16xf32>,
        %get3A_4020 = vector.shape_cast %get3A_4019 : vector<1x16xf32> to vector<16xf32>
        %add3A_4021 = arith.addf %get3A_4014, %get3A_4020 : vector<16xf32>
        %add3A_4022 = arith.addf %add3A_4008, %add3A_4021 : vector<16xf32>
        %add3A_4023 = arith.addf %while3A_3930, %add3A_4022 : vector<16xf32>
        %get3A_4024 = arith.index_cast %mul3A_3945 : i32 to index
        %get3A_4025 = arith.constant 48 : index
        %get3A_4026 = tpu.vector_load %arg7[%get3A_4024, %get3A_4025] {strides = array<i32>} : memref<131x256xf32, #tpu.memory_space<vmem>>, vector<1x16xf32>,
        %get3A_4027 = vector.shape_cast %get3A_4026 : vector<1x16xf32> to vector<16xf32>
        %add3A_4028 = arith.constant 1 : i32
        %add3A_4029 = arith.addi %mul3A_3945, %add3A_4028 : i32
        %get3A_4030 = arith.index_cast %add3A_4029 : i32 to index
        %get3A_4031 = arith.constant 48 : index
        %get3A_4032 = tpu.vector_load %arg7[%get3A_4030, %get3A_4031] {strides = array<i32>} : memref<131x256xf32, #tpu.memory_space<vmem>>, vector<1x16xf32>,
        %get3A_4033 = vector.shape_cast %get3A_4032 : vector<1x16xf32> to vector<16xf32>
        %add3A_4034 = arith.addf %get3A_4027, %get3A_4033 : vector<16xf32>
        %add3A_4035 = arith.constant 2 : i32
        %add3A_4036 = arith.addi %mul3A_3945, %add3A_4035 : i32
        %get3A_4037 = arith.index_cast %add3A_4036 : i32 to index
        %get3A_4038 = arith.constant 48 : index
        %get3A_4039 = tpu.vector_load %arg7[%get3A_4037, %get3A_4038] {strides = array<i32>} : memref<131x256xf32, #tpu.memory_space<vmem>>, vector<1x16xf32>,
        %get3A_4040 = vector.shape_cast %get3A_4039 : vector<1x16xf32> to vector<16xf32>
        %add3A_4041 = arith.constant 3 : i32
        %add3A_4042 = arith.addi %mul3A_3945, %add3A_4041 : i32
        %get3A_4043 = arith.index_cast %add3A_4042 : i32 to index
        %get3A_4044 = arith.constant 48 : index
        %get3A_4045 = tpu.vector_load %arg7[%get3A_4043, %get3A_4044] {strides = array<i32>} : memref<131x256xf32, #tpu.memory_space<vmem>>, vector<1x16xf32>,
        %get3A_4046 = vector.shape_cast %get3A_4045 : vector<1x16xf32> to vector<16xf32>
        %add3A_4047 = arith.addf %get3A_4040, %get3A_4046 : vector<16xf32>
        %add3A_4048 = arith.addf %add3A_4034, %add3A_4047 : vector<16xf32>
        %add3A_4049 = arith.addf %while3A_3931, %add3A_4048 : vector<16xf32>
        %get3A_4050 = arith.index_cast %mul3A_3945 : i32 to index
        %get3A_4051 = arith.constant 64 : index
        %get3A_4052 = tpu.vector_load %arg7[%get3A_4050, %get3A_4051] {strides = array<i32>} : memref<131x256xf32, #tpu.memory_space<vmem>>, vector<1x16xf32>,
        %get3A_4053 = vector.shape_cast %get3A_4052 : vector<1x16xf32> to vector<16xf32>
        %add3A_4054 = arith.constant 1 : i32
        %add3A_4055 = arith.addi %mul3A_3945, %add3A_4054 : i32
        %get3A_4056 = arith.index_cast %add3A_4055 : i32 to index
        %get3A_4057 = arith.constant 64 : index
        %get3A_4058 = tpu.vector_load %arg7[%get3A_4056, %get3A_4057] {strides = array<i32>} : memref<131x256xf32, #tpu.memory_space<vmem>>, vector<1x16xf32>,
        %get3A_4059 = vector.shape_cast %get3A_4058 : vector<1x16xf32> to vector<16xf32>
        %add3A_4060 = arith.addf %get3A_4053, %get3A_4059 : vector<16xf32>
        %add3A_4061 = arith.constant 2 : i32
        %add3A_4062 = arith.addi %mul3A_3945, %add3A_4061 : i32
        %get3A_4063 = arith.index_cast %add3A_4062 : i32 to index
        %get3A_4064 = arith.constant 64 : index
        %get3A_4065 = tpu.vector_load %arg7[%get3A_4063, %get3A_4064] {strides = array<i32>} : memref<131x256xf32, #tpu.memory_space<vmem>>, vector<1x16xf32>,
        %get3A_4066 = vector.shape_cast %get3A_4065 : vector<1x16xf32> to vector<16xf32>
        %add3A_4067 = arith.constant 3 : i32
        %add3A_4068 = arith.addi %mul3A_3945, %add3A_4067 : i32
        %get3A_4069 = arith.index_cast %add3A_4068 : i32 to index
        %get3A_4070 = arith.constant 64 : index
        %get3A_4071 = tpu.vector_load %arg7[%get3A_4069, %get3A_4070] {strides = array<i32>} : memref<131x256xf32, #tpu.memory_space<vmem>>, vector<1x16xf32>,
        %get3A_4072 = vector.shape_cast %get3A_4071 : vector<1x16xf32> to vector<16xf32>
        %add3A_4073 = arith.addf %get3A_4066, %get3A_4072 : vector<16xf32>
        %add3A_4074 = arith.addf %add3A_4060, %add3A_4073 : vector<16xf32>
        %add3A_4075 = arith.addf %while3A_3932, %add3A_4074 : vector<16xf32>
        %get3A_4076 = arith.index_cast %mul3A_3945 : i32 to index
        %get3A_4077 = arith.constant 80 : index
        %get3A_4078 = tpu.vector_load %arg7[%get3A_4076, %get3A_4077] {strides = array<i32>} : memref<131x256xf32, #tpu.memory_space<vmem>>, vector<1x16xf32>,
        %get3A_4079 = vector.shape_cast %get3A_4078 : vector<1x16xf32> to vector<16xf32>
        %add3A_4080 = arith.constant 1 : i32
        %add3A_4081 = arith.addi %mul3A_3945, %add3A_4080 : i32
        %get3A_4082 = arith.index_cast %add3A_4081 : i32 to index
        %get3A_4083 = arith.constant 80 : index
        %get3A_4084 = tpu.vector_load %arg7[%get3A_4082, %get3A_4083] {strides = array<i32>} : memref<131x256xf32, #tpu.memory_space<vmem>>, vector<1x16xf32>,
        %get3A_4085 = vector.shape_cast %get3A_4084 : vector<1x16xf32> to vector<16xf32>
        %add3A_4086 = arith.addf %get3A_4079, %get3A_4085 : vector<16xf32>
        %add3A_4087 = arith.constant 2 : i32
        %add3A_4088 = arith.addi %mul3A_3945, %add3A_4087 : i32
        %get3A_4089 = arith.index_cast %add3A_4088 : i32 to index
        %get3A_4090 = arith.constant 80 : index
        %get3A_4091 = tpu.vector_load %arg7[%get3A_4089, %get3A_4090] {strides = array<i32>} : memref<131x256xf32, #tpu.memory_space<vmem>>, vector<1x16xf32>,
        %get3A_4092 = vector.shape_cast %get3A_4091 : vector<1x16xf32> to vector<16xf32>
        %add3A_4093 = arith.constant 3 : i32
        %add3A_4094 = arith.addi %mul3A_3945, %add3A_4093 : i32
        %get3A_4095 = arith.index_cast %add3A_4094 : i32 to index
        %get3A_4096 = arith.constant 80 : index
        %get3A_4097 = tpu.vector_load %arg7[%get3A_4095, %get3A_4096] {strides = array<i32>} : memref<131x256xf32, #tpu.memory_space<vmem>>, vector<1x16xf32>,
        %get3A_4098 = vector.shape_cast %get3A_4097 : vector<1x16xf32> to vector<16xf32>
        %add3A_4099 = arith.addf %get3A_4092, %get3A_4098 : vector<16xf32>
        %add3A_4100 = arith.addf %add3A_4086, %add3A_4099 : vector<16xf32>
        %add3A_4101 = arith.addf %while3A_3933, %add3A_4100 : vector<16xf32>
        %get3A_4102 = arith.index_cast %mul3A_3945 : i32 to index
        %get3A_4103 = arith.constant 96 : index
        %get3A_4104 = tpu.vector_load %arg7[%get3A_4102, %get3A_4103] {strides = array<i32>} : memref<131x256xf32, #tpu.memory_space<vmem>>, vector<1x16xf32>,
        %get3A_4105 = vector.shape_cast %get3A_4104 : vector<1x16xf32> to vector<16xf32>
        %add3A_4106 = arith.constant 1 : i32
        %add3A_4107 = arith.addi %mul3A_3945, %add3A_4106 : i32
        %get3A_4108 = arith.index_cast %add3A_4107 : i32 to index
        %get3A_4109 = arith.constant 96 : index
        %get3A_4110 = tpu.vector_load %arg7[%get3A_4108, %get3A_4109] {strides = array<i32>} : memref<131x256xf32, #tpu.memory_space<vmem>>, vector<1x16xf32>,
        %get3A_4111 = vector.shape_cast %get3A_4110 : vector<1x16xf32> to vector<16xf32>
        %add3A_4112 = arith.addf %get3A_4105, %get3A_4111 : vector<16xf32>
        %add3A_4113 = arith.constant 2 : i32
        %add3A_4114 = arith.addi %mul3A_3945, %add3A_4113 : i32
        %get3A_4115 = arith.index_cast %add3A_4114 : i32 to index
        %get3A_4116 = arith.constant 96 : index
        %get3A_4117 = tpu.vector_load %arg7[%get3A_4115, %get3A_4116] {strides = array<i32>} : memref<131x256xf32, #tpu.memory_space<vmem>>, vector<1x16xf32>,
        %get3A_4118 = vector.shape_cast %get3A_4117 : vector<1x16xf32> to vector<16xf32>
        %add3A_4119 = arith.constant 3 : i32
        %add3A_4120 = arith.addi %mul3A_3945, %add3A_4119 : i32
        %get3A_4121 = arith.index_cast %add3A_4120 : i32 to index
        %get3A_4122 = arith.constant 96 : index
        %get3A_4123 = tpu.vector_load %arg7[%get3A_4121, %get3A_4122] {strides = array<i32>} : memref<131x256xf32, #tpu.memory_space<vmem>>, vector<1x16xf32>,
        %get3A_4124 = vector.shape_cast %get3A_4123 : vector<1x16xf32> to vector<16xf32>
        %add3A_4125 = arith.addf %get3A_4118, %get3A_4124 : vector<16xf32>
        %add3A_4126 = arith.addf %add3A_4112, %add3A_4125 : vector<16xf32>
        %add3A_4127 = arith.addf %while3A_3934, %add3A_4126 : vector<16xf32>
        %get3A_4128 = arith.index_cast %mul3A_3945 : i32 to index
        %get3A_4129 = arith.constant 112 : index
        %get3A_4130 = tpu.vector_load %arg7[%get3A_4128, %get3A_4129] {strides = array<i32>} : memref<131x256xf32, #tpu.memory_space<vmem>>, vector<1x16xf32>,
        %get3A_4131 = vector.shape_cast %get3A_4130 : vector<1x16xf32> to vector<16xf32>
        %add3A_4132 = arith.constant 1 : i32
        %add3A_4133 = arith.addi %mul3A_3945, %add3A_4132 : i32
        %get3A_4134 = arith.index_cast %add3A_4133 : i32 to index
        %get3A_4135 = arith.constant 112 : index
        %get3A_4136 = tpu.vector_load %arg7[%get3A_4134, %get3A_4135] {strides = array<i32>} : memref<131x256xf32, #tpu.memory_space<vmem>>, vector<1x16xf32>,
        %get3A_4137 = vector.shape_cast %get3A_4136 : vector<1x16xf32> to vector<16xf32>
        %add3A_4138 = arith.addf %get3A_4131, %get3A_4137 : vector<16xf32>
        %add3A_4139 = arith.constant 2 : i32
        %add3A_4140 = arith.addi %mul3A_3945, %add3A_4139 : i32
        %get3A_4141 = arith.index_cast %add3A_4140 : i32 to index
        %get3A_4142 = arith.constant 112 : index
        %get3A_4143 = tpu.vector_load %arg7[%get3A_4141, %get3A_4142] {strides = array<i32>} : memref<131x256xf32, #tpu.memory_space<vmem>>, vector<1x16xf32>,
        %get3A_4144 = vector.shape_cast %get3A_4143 : vector<1x16xf32> to vector<16xf32>
        %add3A_4145 = arith.constant 3 : i32
        %add3A_4146 = arith.addi %mul3A_3945, %add3A_4145 : i32
        %get3A_4147 = arith.index_cast %add3A_4146 : i32 to index
        %get3A_4148 = arith.constant 112 : index
        %get3A_4149 = tpu.vector_load %arg7[%get3A_4147, %get3A_4148] {strides = array<i32>} : memref<131x256xf32, #tpu.memory_space<vmem>>, vector<1x16xf32>,
        %get3A_4150 = vector.shape_cast %get3A_4149 : vector<1x16xf32> to vector<16xf32>
        %add3A_4151 = arith.addf %get3A_4144, %get3A_4150 : vector<16xf32>
        %add3A_4152 = arith.addf %add3A_4138, %add3A_4151 : vector<16xf32>
        %add3A_4153 = arith.addf %while3A_3935, %add3A_4152 : vector<16xf32>
        %get3A_4154 = arith.index_cast %mul3A_3945 : i32 to index
        %get3A_4155 = arith.constant 128 : index
        %get3A_4156 = tpu.vector_load %arg7[%get3A_4154, %get3A_4155] {strides = array<i32>} : memref<131x256xf32, #tpu.memory_space<vmem>>, vector<1x16xf32>,
        %get3A_4157 = vector.shape_cast %get3A_4156 : vector<1x16xf32> to vector<16xf32>
        %add3A_4158 = arith.constant 1 : i32
        %add3A_4159 = arith.addi %mul3A_3945, %add3A_4158 : i32
        %get3A_4160 = arith.index_cast %add3A_4159 : i32 to index
        %get3A_4161 = arith.constant 128 : index
        %get3A_4162 = tpu.vector_load %arg7[%get3A_4160, %get3A_4161] {strides = array<i32>} : memref<131x256xf32, #tpu.memory_space<vmem>>, vector<1x16xf32>,
        %get3A_4163 = vector.shape_cast %get3A_4162 : vector<1x16xf32> to vector<16xf32>
        %add3A_4164 = arith.addf %get3A_4157, %get3A_4163 : vector<16xf32>
        %add3A_4165 = arith.constant 2 : i32
        %add3A_4166 = arith.addi %mul3A_3945, %add3A_4165 : i32
        %get3A_4167 = arith.index_cast %add3A_4166 : i32 to index
        %get3A_4168 = arith.constant 128 : index
        %get3A_4169 = tpu.vector_load %arg7[%get3A_4167, %get3A_4168] {strides = array<i32>} : memref<131x256xf32, #tpu.memory_space<vmem>>, vector<1x16xf32>,
        %get3A_4170 = vector.shape_cast %get3A_4169 : vector<1x16xf32> to vector<16xf32>
        %add3A_4171 = arith.constant 3 : i32
        %add3A_4172 = arith.addi %mul3A_3945, %add3A_4171 : i32
        %get3A_4173 = arith.index_cast %add3A_4172 : i32 to index
        %get3A_4174 = arith.constant 128 : index
        %get3A_4175 = tpu.vector_load %arg7[%get3A_4173, %get3A_4174] {strides = array<i32>} : memref<131x256xf32, #tpu.memory_space<vmem>>, vector<1x16xf32>,
        %get3A_4176 = vector.shape_cast %get3A_4175 : vector<1x16xf32> to vector<16xf32>
        %add3A_4177 = arith.addf %get3A_4170, %get3A_4176 : vector<16xf32>
        %add3A_4178 = arith.addf %add3A_4164, %add3A_4177 : vector<16xf32>
        %add3A_4179 = arith.addf %while3A_3936, %add3A_4178 : vector<16xf32>
        %get3A_4180 = arith.index_cast %mul3A_3945 : i32 to index
        %get3A_4181 = arith.constant 144 : index
        %get3A_4182 = tpu.vector_load %arg7[%get3A_4180, %get3A_4181] {strides = array<i32>} : memref<131x256xf32, #tpu.memory_space<vmem>>, vector<1x16xf32>,
        %get3A_4183 = vector.shape_cast %get3A_4182 : vector<1x16xf32> to vector<16xf32>
        %add3A_4184 = arith.constant 1 : i32
        %add3A_4185 = arith.addi %mul3A_3945, %add3A_4184 : i32
        %get3A_4186 = arith.index_cast %add3A_4185 : i32 to index
        %get3A_4187 = arith.constant 144 : index
        %get3A_4188 = tpu.vector_load %arg7[%get3A_4186, %get3A_4187] {strides = array<i32>} : memref<131x256xf32, #tpu.memory_space<vmem>>, vector<1x16xf32>,
        %get3A_4189 = vector.shape_cast %get3A_4188 : vector<1x16xf32> to vector<16xf32>
        %add3A_4190 = arith.addf %get3A_4183, %get3A_4189 : vector<16xf32>
        %add3A_4191 = arith.constant 2 : i32
        %add3A_4192 = arith.addi %mul3A_3945, %add3A_4191 : i32
        %get3A_4193 = arith.index_cast %add3A_4192 : i32 to index
        %get3A_4194 = arith.constant 144 : index
        %get3A_4195 = tpu.vector_load %arg7[%get3A_4193, %get3A_4194] {strides = array<i32>} : memref<131x256xf32, #tpu.memory_space<vmem>>, vector<1x16xf32>,
        %get3A_4196 = vector.shape_cast %get3A_4195 : vector<1x16xf32> to vector<16xf32>
        %add3A_4197 = arith.constant 3 : i32
        %add3A_4198 = arith.addi %mul3A_3945, %add3A_4197 : i32
        %get3A_4199 = arith.index_cast %add3A_4198 : i32 to index
        %get3A_4200 = arith.constant 144 : index
        %get3A_4201 = tpu.vector_load %arg7[%get3A_4199, %get3A_4200] {strides = array<i32>} : memref<131x256xf32, #tpu.memory_space<vmem>>, vector<1x16xf32>,
        %get3A_4202 = vector.shape_cast %get3A_4201 : vector<1x16xf32> to vector<16xf32>
        %add3A_4203 = arith.addf %get3A_4196, %get3A_4202 : vector<16xf32>
        %add3A_4204 = arith.addf %add3A_4190, %add3A_4203 : vector<16xf32>
        %add3A_4205 = arith.addf %while3A_3937, %add3A_4204 : vector<16xf32>
        %get3A_4206 = arith.index_cast %mul3A_3945 : i32 to index
        %get3A_4207 = arith.constant 160 : index
        %get3A_4208 = tpu.vector_load %arg7[%get3A_4206, %get3A_4207] {strides = array<i32>} : memref<131x256xf32, #tpu.memory_space<vmem>>, vector<1x16xf32>,
        %get3A_4209 = vector.shape_cast %get3A_4208 : vector<1x16xf32> to vector<16xf32>
        %add3A_4210 = arith.constant 1 : i32
        %add3A_4211 = arith.addi %mul3A_3945, %add3A_4210 : i32
        %get3A_4212 = arith.index_cast %add3A_4211 : i32 to index
        %get3A_4213 = arith.constant 160 : index
        %get3A_4214 = tpu.vector_load %arg7[%get3A_4212, %get3A_4213] {strides = array<i32>} : memref<131x256xf32, #tpu.memory_space<vmem>>, vector<1x16xf32>,
        %get3A_4215 = vector.shape_cast %get3A_4214 : vector<1x16xf32> to vector<16xf32>
        %add3A_4216 = arith.addf %get3A_4209, %get3A_4215 : vector<16xf32>
        %add3A_4217 = arith.constant 2 : i32
        %add3A_4218 = arith.addi %mul3A_3945, %add3A_4217 : i32
        %get3A_4219 = arith.index_cast %add3A_4218 : i32 to index
        %get3A_4220 = arith.constant 160 : index
        %get3A_4221 = tpu.vector_load %arg7[%get3A_4219, %get3A_4220] {strides = array<i32>} : memref<131x256xf32, #tpu.memory_space<vmem>>, vector<1x16xf32>,
        %get3A_4222 = vector.shape_cast %get3A_4221 : vector<1x16xf32> to vector<16xf32>
        %add3A_4223 = arith.constant 3 : i32
        %add3A_4224 = arith.addi %mul3A_3945, %add3A_4223 : i32
        %get3A_4225 = arith.index_cast %add3A_4224 : i32 to index
        %get3A_4226 = arith.constant 160 : index
        %get3A_4227 = tpu.vector_load %arg7[%get3A_4225, %get3A_4226] {strides = array<i32>} : memref<131x256xf32, #tpu.memory_space<vmem>>, vector<1x16xf32>,
        %get3A_4228 = vector.shape_cast %get3A_4227 : vector<1x16xf32> to vector<16xf32>
        %add3A_4229 = arith.addf %get3A_4222, %get3A_4228 : vector<16xf32>
        %add3A_4230 = arith.addf %add3A_4216, %add3A_4229 : vector<16xf32>
        %add3A_4231 = arith.addf %while3A_3938, %add3A_4230 : vector<16xf32>
        %get3A_4232 = arith.index_cast %mul3A_3945 : i32 to index
        %get3A_4233 = arith.constant 176 : index
        %get3A_4234 = tpu.vector_load %arg7[%get3A_4232, %get3A_4233] {strides = array<i32>} : memref<131x256xf32, #tpu.memory_space<vmem>>, vector<1x16xf32>,
        %get3A_4235 = vector.shape_cast %get3A_4234 : vector<1x16xf32> to vector<16xf32>
        %add3A_4236 = arith.constant 1 : i32
        %add3A_4237 = arith.addi %mul3A_3945, %add3A_4236 : i32
        %get3A_4238 = arith.index_cast %add3A_4237 : i32 to index
        %get3A_4239 = arith.constant 176 : index
        %get3A_4240 = tpu.vector_load %arg7[%get3A_4238, %get3A_4239] {strides = array<i32>} : memref<131x256xf32, #tpu.memory_space<vmem>>, vector<1x16xf32>,
        %get3A_4241 = vector.shape_cast %get3A_4240 : vector<1x16xf32> to vector<16xf32>
        %add3A_4242 = arith.addf %get3A_4235, %get3A_4241 : vector<16xf32>
        %add3A_4243 = arith.constant 2 : i32
        %add3A_4244 = arith.addi %mul3A_3945, %add3A_4243 : i32
        %get3A_4245 = arith.index_cast %add3A_4244 : i32 to index
        %get3A_4246 = arith.constant 176 : index
        %get3A_4247 = tpu.vector_load %arg7[%get3A_4245, %get3A_4246] {strides = array<i32>} : memref<131x256xf32, #tpu.memory_space<vmem>>, vector<1x16xf32>,
        %get3A_4248 = vector.shape_cast %get3A_4247 : vector<1x16xf32> to vector<16xf32>
        %add3A_4249 = arith.constant 3 : i32
        %add3A_4250 = arith.addi %mul3A_3945, %add3A_4249 : i32
        %get3A_4251 = arith.index_cast %add3A_4250 : i32 to index
        %get3A_4252 = arith.constant 176 : index
        %get3A_4253 = tpu.vector_load %arg7[%get3A_4251, %get3A_4252] {strides = array<i32>} : memref<131x256xf32, #tpu.memory_space<vmem>>, vector<1x16xf32>,
        %get3A_4254 = vector.shape_cast %get3A_4253 : vector<1x16xf32> to vector<16xf32>
        %add3A_4255 = arith.addf %get3A_4248, %get3A_4254 : vector<16xf32>
        %add3A_4256 = arith.addf %add3A_4242, %add3A_4255 : vector<16xf32>
        %add3A_4257 = arith.addf %while3A_3939, %add3A_4256 : vector<16xf32>
        %get3A_4258 = arith.index_cast %mul3A_3945 : i32 to index
        %get3A_4259 = arith.constant 192 : index
        %get3A_4260 = tpu.vector_load %arg7[%get3A_4258, %get3A_4259] {strides = array<i32>} : memref<131x256xf32, #tpu.memory_space<vmem>>, vector<1x16xf32>,
        %get3A_4261 = vector.shape_cast %get3A_4260 : vector<1x16xf32> to vector<16xf32>
        %add3A_4262 = arith.constant 1 : i32
        %add3A_4263 = arith.addi %mul3A_3945, %add3A_4262 : i32
        %get3A_4264 = arith.index_cast %add3A_4263 : i32 to index
        %get3A_4265 = arith.constant 192 : index
        %get3A_4266 = tpu.vector_load %arg7[%get3A_4264, %get3A_4265] {strides = array<i32>} : memref<131x256xf32, #tpu.memory_space<vmem>>, vector<1x16xf32>,
        %get3A_4267 = vector.shape_cast %get3A_4266 : vector<1x16xf32> to vector<16xf32>
        %add3A_4268 = arith.addf %get3A_4261, %get3A_4267 : vector<16xf32>
        %add3A_4269 = arith.constant 2 : i32
        %add3A_4270 = arith.addi %mul3A_3945, %add3A_4269 : i32
        %get3A_4271 = arith.index_cast %add3A_4270 : i32 to index
        %get3A_4272 = arith.constant 192 : index
        %get3A_4273 = tpu.vector_load %arg7[%get3A_4271, %get3A_4272] {strides = array<i32>} : memref<131x256xf32, #tpu.memory_space<vmem>>, vector<1x16xf32>,
        %get3A_4274 = vector.shape_cast %get3A_4273 : vector<1x16xf32> to vector<16xf32>
        %add3A_4275 = arith.constant 3 : i32
        %add3A_4276 = arith.addi %mul3A_3945, %add3A_4275 : i32
        %get3A_4277 = arith.index_cast %add3A_4276 : i32 to index
        %get3A_4278 = arith.constant 192 : index
        %get3A_4279 = tpu.vector_load %arg7[%get3A_4277, %get3A_4278] {strides = array<i32>} : memref<131x256xf32, #tpu.memory_space<vmem>>, vector<1x16xf32>,
        %get3A_4280 = vector.shape_cast %get3A_4279 : vector<1x16xf32> to vector<16xf32>
        %add3A_4281 = arith.addf %get3A_4274, %get3A_4280 : vector<16xf32>
        %add3A_4282 = arith.addf %add3A_4268, %add3A_4281 : vector<16xf32>
        %add3A_4283 = arith.addf %while3A_3940, %add3A_4282 : vector<16xf32>
        %get3A_4284 = arith.index_cast %mul3A_3945 : i32 to index
        %get3A_4285 = arith.constant 208 : index
        %get3A_4286 = tpu.vector_load %arg7[%get3A_4284, %get3A_4285] {strides = array<i32>} : memref<131x256xf32, #tpu.memory_space<vmem>>, vector<1x16xf32>,
        %get3A_4287 = vector.shape_cast %get3A_4286 : vector<1x16xf32> to vector<16xf32>
        %add3A_4288 = arith.constant 1 : i32
        %add3A_4289 = arith.addi %mul3A_3945, %add3A_4288 : i32
        %get3A_4290 = arith.index_cast %add3A_4289 : i32 to index
        %get3A_4291 = arith.constant 208 : index
        %get3A_4292 = tpu.vector_load %arg7[%get3A_4290, %get3A_4291] {strides = array<i32>} : memref<131x256xf32, #tpu.memory_space<vmem>>, vector<1x16xf32>,
        %get3A_4293 = vector.shape_cast %get3A_4292 : vector<1x16xf32> to vector<16xf32>
        %add3A_4294 = arith.addf %get3A_4287, %get3A_4293 : vector<16xf32>
        %add3A_4295 = arith.constant 2 : i32
        %add3A_4296 = arith.addi %mul3A_3945, %add3A_4295 : i32
        %get3A_4297 = arith.index_cast %add3A_4296 : i32 to index
        %get3A_4298 = arith.constant 208 : index
        %get3A_4299 = tpu.vector_load %arg7[%get3A_4297, %get3A_4298] {strides = array<i32>} : memref<131x256xf32, #tpu.memory_space<vmem>>, vector<1x16xf32>,
        %get3A_4300 = vector.shape_cast %get3A_4299 : vector<1x16xf32> to vector<16xf32>
        %add3A_4301 = arith.constant 3 : i32
        %add3A_4302 = arith.addi %mul3A_3945, %add3A_4301 : i32
        %get3A_4303 = arith.index_cast %add3A_4302 : i32 to index
        %get3A_4304 = arith.constant 208 : index
        %get3A_4305 = tpu.vector_load %arg7[%get3A_4303, %get3A_4304] {strides = array<i32>} : memref<131x256xf32, #tpu.memory_space<vmem>>, vector<1x16xf32>,
        %get3A_4306 = vector.shape_cast %get3A_4305 : vector<1x16xf32> to vector<16xf32>
        %add3A_4307 = arith.addf %get3A_4300, %get3A_4306 : vector<16xf32>
        %add3A_4308 = arith.addf %add3A_4294, %add3A_4307 : vector<16xf32>
        %add3A_4309 = arith.addf %while3A_3941, %add3A_4308 : vector<16xf32>
        %get3A_4310 = arith.index_cast %mul3A_3945 : i32 to index
        %get3A_4311 = arith.constant 224 : index
        %get3A_4312 = tpu.vector_load %arg7[%get3A_4310, %get3A_4311] {strides = array<i32>} : memref<131x256xf32, #tpu.memory_space<vmem>>, vector<1x16xf32>,
        %get3A_4313 = vector.shape_cast %get3A_4312 : vector<1x16xf32> to vector<16xf32>
        %add3A_4314 = arith.constant 1 : i32
        %add3A_4315 = arith.addi %mul3A_3945, %add3A_4314 : i32
        %get3A_4316 = arith.index_cast %add3A_4315 : i32 to index
        %get3A_4317 = arith.constant 224 : index
        %get3A_4318 = tpu.vector_load %arg7[%get3A_4316, %get3A_4317] {strides = array<i32>} : memref<131x256xf32, #tpu.memory_space<vmem>>, vector<1x16xf32>,
        %get3A_4319 = vector.shape_cast %get3A_4318 : vector<1x16xf32> to vector<16xf32>
        %add3A_4320 = arith.addf %get3A_4313, %get3A_4319 : vector<16xf32>
        %add3A_4321 = arith.constant 2 : i32
        %add3A_4322 = arith.addi %mul3A_3945, %add3A_4321 : i32
        %get3A_4323 = arith.index_cast %add3A_4322 : i32 to index
        %get3A_4324 = arith.constant 224 : index
        %get3A_4325 = tpu.vector_load %arg7[%get3A_4323, %get3A_4324] {strides = array<i32>} : memref<131x256xf32, #tpu.memory_space<vmem>>, vector<1x16xf32>,
        %get3A_4326 = vector.shape_cast %get3A_4325 : vector<1x16xf32> to vector<16xf32>
        %add3A_4327 = arith.constant 3 : i32
        %add3A_4328 = arith.addi %mul3A_3945, %add3A_4327 : i32
        %get3A_4329 = arith.index_cast %add3A_4328 : i32 to index
        %get3A_4330 = arith.constant 224 : index
        %get3A_4331 = tpu.vector_load %arg7[%get3A_4329, %get3A_4330] {strides = array<i32>} : memref<131x256xf32, #tpu.memory_space<vmem>>, vector<1x16xf32>,
        %get3A_4332 = vector.shape_cast %get3A_4331 : vector<1x16xf32> to vector<16xf32>
        %add3A_4333 = arith.addf %get3A_4326, %get3A_4332 : vector<16xf32>
        %add3A_4334 = arith.addf %add3A_4320, %add3A_4333 : vector<16xf32>
        %add3A_4335 = arith.addf %while3A_3942, %add3A_4334 : vector<16xf32>
        %get3A_4336 = arith.index_cast %mul3A_3945 : i32 to index
        %get3A_4337 = arith.constant 240 : index
        %get3A_4338 = tpu.vector_load %arg7[%get3A_4336, %get3A_4337] {strides = array<i32>} : memref<131x256xf32, #tpu.memory_space<vmem>>, vector<1x16xf32>,
        %get3A_4339 = vector.shape_cast %get3A_4338 : vector<1x16xf32> to vector<16xf32>
        %add3A_4340 = arith.constant 1 : i32
        %add3A_4341 = arith.addi %mul3A_3945, %add3A_4340 : i32
        %get3A_4342 = arith.index_cast %add3A_4341 : i32 to index
        %get3A_4343 = arith.constant 240 : index
        %get3A_4344 = tpu.vector_load %arg7[%get3A_4342, %get3A_4343] {strides = array<i32>} : memref<131x256xf32, #tpu.memory_space<vmem>>, vector<1x16xf32>,
        %get3A_4345 = vector.shape_cast %get3A_4344 : vector<1x16xf32> to vector<16xf32>
        %add3A_4346 = arith.addf %get3A_4339, %get3A_4345 : vector<16xf32>
        %add3A_4347 = arith.constant 2 : i32
        %add3A_4348 = arith.addi %mul3A_3945, %add3A_4347 : i32
        %get3A_4349 = arith.index_cast %add3A_4348 : i32 to index
        %get3A_4350 = arith.constant 240 : index
        %get3A_4351 = tpu.vector_load %arg7[%get3A_4349, %get3A_4350] {strides = array<i32>} : memref<131x256xf32, #tpu.memory_space<vmem>>, vector<1x16xf32>,
        %get3A_4352 = vector.shape_cast %get3A_4351 : vector<1x16xf32> to vector<16xf32>
        %add3A_4353 = arith.constant 3 : i32
        %add3A_4354 = arith.addi %mul3A_3945, %add3A_4353 : i32
        %get3A_4355 = arith.index_cast %add3A_4354 : i32 to index
        %get3A_4356 = arith.constant 240 : index
        %get3A_4357 = tpu.vector_load %arg7[%get3A_4355, %get3A_4356] {strides = array<i32>} : memref<131x256xf32, #tpu.memory_space<vmem>>, vector<1x16xf32>,
        %get3A_4358 = vector.shape_cast %get3A_4357 : vector<1x16xf32> to vector<16xf32>
        %add3A_4359 = arith.addf %get3A_4352, %get3A_4358 : vector<16xf32>
        %add3A_4360 = arith.addf %add3A_4346, %add3A_4359 : vector<16xf32>
        %add3A_4361 = arith.addf %while3A_3943, %add3A_4360 : vector<16xf32>
        scf.yield %add3A_3971, %add3A_3997, %add3A_4023, %add3A_4049, %add3A_4075, %add3A_4101, %add3A_4127, %add3A_4153, %add3A_4179, %add3A_4205, %add3A_4231, %add3A_4257, %add3A_4283, %add3A_4309, %add3A_4335, %add3A_4361 : vector<16xf32>, vector<16xf32>, vector<16xf32>, vector<16xf32>, vector<16xf32>, vector<16xf32>, vector<16xf32>, vector<16xf32>, vector<16xf32>, vector<16xf32>, vector<16xf32>, vector<16xf32>, vector<16xf32>, vector<16xf32>, vector<16xf32>, vector<16xf32>
      }
      %jit3A_2132 = arith.constant 4 : i32
      %div3A_2133 = arith.divsi %squeeze3A_2028, %jit3A_2132 : i32
      %sign3A_2134 = arith.constant 0 : i32
      %sign3A_2135 = arith.cmpi sgt, %squeeze3A_2028, %sign3A_2134 : i32
      %sign3A_2136 = arith.extui %sign3A_2135 : i1 to i32
      %sign3A_2137 = arith.constant 0 : i32
      %sign3A_2138 = arith.cmpi slt, %squeeze3A_2028, %sign3A_2137 : i32
      %sign3A_2139 = arith.extui %sign3A_2138 : i1 to i32
      %sign3A_2140 = arith.subi %sign3A_2136, %sign3A_2139 : i32
      %sign3A_2141 = arith.constant 0 : i32
      %sign3A_2142 = arith.cmpi sgt, %jit3A_2132, %sign3A_2141 : i32
      %sign3A_2143 = arith.extui %sign3A_2142 : i1 to i32
      %sign3A_2144 = arith.constant 0 : i32
      %sign3A_2145 = arith.cmpi slt, %jit3A_2132, %sign3A_2144 : i32
      %sign3A_2146 = arith.extui %sign3A_2145 : i1 to i32
      %sign3A_2147 = arith.subi %sign3A_2143, %sign3A_2146 : i32
      %ne3A_2148 = arith.cmpi ne, %sign3A_2140, %sign3A_2147 : i32
      %rem3A_2149 = arith.remsi %squeeze3A_2028, %jit3A_2132 : i32
      %ne3A_2150 = arith.constant 0 : i32
      %ne3A_2151 = arith.cmpi ne, %rem3A_2149, %ne3A_2150 : i32
      %and3A_2152 = arith.andi %ne3A_2148, %ne3A_2151 : i1
      %sub3A_2153 = arith.constant 1 : i32
      %sub3A_2154 = arith.subi %div3A_2133, %sub3A_2153 : i32
      %select_n3A_2155 = arith.select %and3A_2152, %sub3A_2154, %div3A_2133 : i32
      %mul3A_2156 = arith.constant 4 : i32
      %mul3A_2157 = arith.muli %select_n3A_2155, %mul3A_2156 : i32
      %sub3A_2158 = arith.subi %squeeze3A_2028, %mul3A_2157 : i32
      %broadcast_in_dim3A_2159 = arith.constant 0.000000e+00 : f32
      %broadcast_in_dim3A_2160 = vector.broadcast %broadcast_in_dim3A_2159 : f32 to vector<16xf32>
      %gt3A_2161 = arith.constant 0 : i32
      %gt3A_2162 = arith.cmpi sgt, %sub3A_2158, %gt3A_2161 : i32
      %jit3A_2163 = arith.constant 4 : i32
      %div3A_2164 = arith.divsi %squeeze3A_2028, %jit3A_2163 : i32
      %sign3A_2165 = arith.constant 0 : i32
      %sign3A_2166 = arith.cmpi sgt, %squeeze3A_2028, %sign3A_2165 : i32
      %sign3A_2167 = arith.extui %sign3A_2166 : i1 to i32
      %sign3A_2168 = arith.constant 0 : i32
      %sign3A_2169 = arith.cmpi slt, %squeeze3A_2028, %sign3A_2168 : i32
      %sign3A_2170 = arith.extui %sign3A_2169 : i1 to i32
      %sign3A_2171 = arith.subi %sign3A_2167, %sign3A_2170 : i32
      %sign3A_2172 = arith.constant 0 : i32
      %sign3A_2173 = arith.cmpi sgt, %jit3A_2163, %sign3A_2172 : i32
      %sign3A_2174 = arith.extui %sign3A_2173 : i1 to i32
      %sign3A_2175 = arith.constant 0 : i32
      %sign3A_2176 = arith.cmpi slt, %jit3A_2163, %sign3A_2175 : i32
      %sign3A_2177 = arith.extui %sign3A_2176 : i1 to i32
      %sign3A_2178 = arith.subi %sign3A_2174, %sign3A_2177 : i32
      %ne3A_2179 = arith.cmpi ne, %sign3A_2171, %sign3A_2178 : i32
      %rem3A_2180 = arith.remsi %squeeze3A_2028, %jit3A_2163 : i32
      %ne3A_2181 = arith.constant 0 : i32
      %ne3A_2182 = arith.cmpi ne, %rem3A_2180, %ne3A_2181 : i32
      %and3A_2183 = arith.andi %ne3A_2179, %ne3A_2182 : i1
      %sub3A_2184 = arith.constant 1 : i32
      %sub3A_2185 = arith.subi %div3A_2164, %sub3A_2184 : i32
      %select_n3A_2186 = arith.select %and3A_2183, %sub3A_2185, %div3A_2164 : i32
      %mul3A_2187 = arith.constant 4 : i32
      %mul3A_2188 = arith.muli %select_n3A_2186, %mul3A_2187 : i32
      %add3A_2189 = arith.constant 0 : i32
      %add3A_2190 = arith.addi %mul3A_2188, %add3A_2189 : i32
      %get3A_2191 = arith.index_cast %add3A_2190 : i32 to index
      %get3A_2192 = arith.constant 0 : index
      %get3A_2193 = tpu.vector_load %arg7[%get3A_2191, %get3A_2192] {strides = array<i32>} : memref<131x256xf32, #tpu.memory_space<vmem>>, vector<1x16xf32>,
      %get3A_2194 = vector.shape_cast %get3A_2193 : vector<1x16xf32> to vector<16xf32>
      %select_n3A_2195 = arith.select %gt3A_2162, %get3A_2194, %broadcast_in_dim3A_2160 : vector<16xf32>
      %add3A_2196 = arith.addf %while3A_2131#0, %select_n3A_2195 : vector<16xf32>
      %jit3A_2197 = arith.constant 4 : i32
      %div3A_2198 = arith.divsi %squeeze3A_2028, %jit3A_2197 : i32
      %sign3A_2199 = arith.constant 0 : i32
      %sign3A_2200 = arith.cmpi sgt, %squeeze3A_2028, %sign3A_2199 : i32
      %sign3A_2201 = arith.extui %sign3A_2200 : i1 to i32
      %sign3A_2202 = arith.constant 0 : i32
      %sign3A_2203 = arith.cmpi slt, %squeeze3A_2028, %sign3A_2202 : i32
      %sign3A_2204 = arith.extui %sign3A_2203 : i1 to i32
      %sign3A_2205 = arith.subi %sign3A_2201, %sign3A_2204 : i32
      %sign3A_2206 = arith.constant 0 : i32
      %sign3A_2207 = arith.cmpi sgt, %jit3A_2197, %sign3A_2206 : i32
      %sign3A_2208 = arith.extui %sign3A_2207 : i1 to i32
      %sign3A_2209 = arith.constant 0 : i32
      %sign3A_2210 = arith.cmpi slt, %jit3A_2197, %sign3A_2209 : i32
      %sign3A_2211 = arith.extui %sign3A_2210 : i1 to i32
      %sign3A_2212 = arith.subi %sign3A_2208, %sign3A_2211 : i32
      %ne3A_2213 = arith.cmpi ne, %sign3A_2205, %sign3A_2212 : i32
      %rem3A_2214 = arith.remsi %squeeze3A_2028, %jit3A_2197 : i32
      %ne3A_2215 = arith.constant 0 : i32
      %ne3A_2216 = arith.cmpi ne, %rem3A_2214, %ne3A_2215 : i32
      %and3A_2217 = arith.andi %ne3A_2213, %ne3A_2216 : i1
      %sub3A_2218 = arith.constant 1 : i32
      %sub3A_2219 = arith.subi %div3A_2198, %sub3A_2218 : i32
      %select_n3A_2220 = arith.select %and3A_2217, %sub3A_2219, %div3A_2198 : i32
      %mul3A_2221 = arith.constant 4 : i32
      %mul3A_2222 = arith.muli %select_n3A_2220, %mul3A_2221 : i32
      %add3A_2223 = arith.constant 0 : i32
      %add3A_2224 = arith.addi %mul3A_2222, %add3A_2223 : i32
      %get3A_2225 = arith.index_cast %add3A_2224 : i32 to index
      %get3A_2226 = arith.constant 16 : index
      %get3A_2227 = tpu.vector_load %arg7[%get3A_2225, %get3A_2226] {strides = array<i32>} : memref<131x256xf32, #tpu.memory_space<vmem>>, vector<1x16xf32>,
      %get3A_2228 = vector.shape_cast %get3A_2227 : vector<1x16xf32> to vector<16xf32>
      %select_n3A_2229 = arith.select %gt3A_2162, %get3A_2228, %broadcast_in_dim3A_2160 : vector<16xf32>
      %add3A_2230 = arith.addf %while3A_2131#1, %select_n3A_2229 : vector<16xf32>
      %jit3A_2231 = arith.constant 4 : i32
      %div3A_2232 = arith.divsi %squeeze3A_2028, %jit3A_2231 : i32
      %sign3A_2233 = arith.constant 0 : i32
      %sign3A_2234 = arith.cmpi sgt, %squeeze3A_2028, %sign3A_2233 : i32
      %sign3A_2235 = arith.extui %sign3A_2234 : i1 to i32
      %sign3A_2236 = arith.constant 0 : i32
      %sign3A_2237 = arith.cmpi slt, %squeeze3A_2028, %sign3A_2236 : i32
      %sign3A_2238 = arith.extui %sign3A_2237 : i1 to i32
      %sign3A_2239 = arith.subi %sign3A_2235, %sign3A_2238 : i32
      %sign3A_2240 = arith.constant 0 : i32
      %sign3A_2241 = arith.cmpi sgt, %jit3A_2231, %sign3A_2240 : i32
      %sign3A_2242 = arith.extui %sign3A_2241 : i1 to i32
      %sign3A_2243 = arith.constant 0 : i32
      %sign3A_2244 = arith.cmpi slt, %jit3A_2231, %sign3A_2243 : i32
      %sign3A_2245 = arith.extui %sign3A_2244 : i1 to i32
      %sign3A_2246 = arith.subi %sign3A_2242, %sign3A_2245 : i32
      %ne3A_2247 = arith.cmpi ne, %sign3A_2239, %sign3A_2246 : i32
      %rem3A_2248 = arith.remsi %squeeze3A_2028, %jit3A_2231 : i32
      %ne3A_2249 = arith.constant 0 : i32
      %ne3A_2250 = arith.cmpi ne, %rem3A_2248, %ne3A_2249 : i32
      %and3A_2251 = arith.andi %ne3A_2247, %ne3A_2250 : i1
      %sub3A_2252 = arith.constant 1 : i32
      %sub3A_2253 = arith.subi %div3A_2232, %sub3A_2252 : i32
      %select_n3A_2254 = arith.select %and3A_2251, %sub3A_2253, %div3A_2232 : i32
      %mul3A_2255 = arith.constant 4 : i32
      %mul3A_2256 = arith.muli %select_n3A_2254, %mul3A_2255 : i32
      %add3A_2257 = arith.constant 0 : i32
      %add3A_2258 = arith.addi %mul3A_2256, %add3A_2257 : i32
      %get3A_2259 = arith.index_cast %add3A_2258 : i32 to index
      %get3A_2260 = arith.constant 32 : index
      %get3A_2261 = tpu.vector_load %arg7[%get3A_2259, %get3A_2260] {strides = array<i32>} : memref<131x256xf32, #tpu.memory_space<vmem>>, vector<1x16xf32>,
      %get3A_2262 = vector.shape_cast %get3A_2261 : vector<1x16xf32> to vector<16xf32>
      %select_n3A_2263 = arith.select %gt3A_2162, %get3A_2262, %broadcast_in_dim3A_2160 : vector<16xf32>
      %add3A_2264 = arith.addf %while3A_2131#2, %select_n3A_2263 : vector<16xf32>
      %jit3A_2265 = arith.constant 4 : i32
      %div3A_2266 = arith.divsi %squeeze3A_2028, %jit3A_2265 : i32
      %sign3A_2267 = arith.constant 0 : i32
      %sign3A_2268 = arith.cmpi sgt, %squeeze3A_2028, %sign3A_2267 : i32
      %sign3A_2269 = arith.extui %sign3A_2268 : i1 to i32
      %sign3A_2270 = arith.constant 0 : i32
      %sign3A_2271 = arith.cmpi slt, %squeeze3A_2028, %sign3A_2270 : i32
      %sign3A_2272 = arith.extui %sign3A_2271 : i1 to i32
      %sign3A_2273 = arith.subi %sign3A_2269, %sign3A_2272 : i32
      %sign3A_2274 = arith.constant 0 : i32
      %sign3A_2275 = arith.cmpi sgt, %jit3A_2265, %sign3A_2274 : i32
      %sign3A_2276 = arith.extui %sign3A_2275 : i1 to i32
      %sign3A_2277 = arith.constant 0 : i32
      %sign3A_2278 = arith.cmpi slt, %jit3A_2265, %sign3A_2277 : i32
      %sign3A_2279 = arith.extui %sign3A_2278 : i1 to i32
      %sign3A_2280 = arith.subi %sign3A_2276, %sign3A_2279 : i32
      %ne3A_2281 = arith.cmpi ne, %sign3A_2273, %sign3A_2280 : i32
      %rem3A_2282 = arith.remsi %squeeze3A_2028, %jit3A_2265 : i32
      %ne3A_2283 = arith.constant 0 : i32
      %ne3A_2284 = arith.cmpi ne, %rem3A_2282, %ne3A_2283 : i32
      %and3A_2285 = arith.andi %ne3A_2281, %ne3A_2284 : i1
      %sub3A_2286 = arith.constant 1 : i32
      %sub3A_2287 = arith.subi %div3A_2266, %sub3A_2286 : i32
      %select_n3A_2288 = arith.select %and3A_2285, %sub3A_2287, %div3A_2266 : i32
      %mul3A_2289 = arith.constant 4 : i32
      %mul3A_2290 = arith.muli %select_n3A_2288, %mul3A_2289 : i32
      %add3A_2291 = arith.constant 0 : i32
      %add3A_2292 = arith.addi %mul3A_2290, %add3A_2291 : i32
      %get3A_2293 = arith.index_cast %add3A_2292 : i32 to index
      %get3A_2294 = arith.constant 48 : index
      %get3A_2295 = tpu.vector_load %arg7[%get3A_2293, %get3A_2294] {strides = array<i32>} : memref<131x256xf32, #tpu.memory_space<vmem>>, vector<1x16xf32>,
      %get3A_2296 = vector.shape_cast %get3A_2295 : vector<1x16xf32> to vector<16xf32>
      %select_n3A_2297 = arith.select %gt3A_2162, %get3A_2296, %broadcast_in_dim3A_2160 : vector<16xf32>
      %add3A_2298 = arith.addf %while3A_2131#3, %select_n3A_2297 : vector<16xf32>
      %jit3A_2299 = arith.constant 4 : i32
      %div3A_2300 = arith.divsi %squeeze3A_2028, %jit3A_2299 : i32
      %sign3A_2301 = arith.constant 0 : i32
      %sign3A_2302 = arith.cmpi sgt, %squeeze3A_2028, %sign3A_2301 : i32
      %sign3A_2303 = arith.extui %sign3A_2302 : i1 to i32
      %sign3A_2304 = arith.constant 0 : i32
      %sign3A_2305 = arith.cmpi slt, %squeeze3A_2028, %sign3A_2304 : i32
      %sign3A_2306 = arith.extui %sign3A_2305 : i1 to i32
      %sign3A_2307 = arith.subi %sign3A_2303, %sign3A_2306 : i32
      %sign3A_2308 = arith.constant 0 : i32
      %sign3A_2309 = arith.cmpi sgt, %jit3A_2299, %sign3A_2308 : i32
      %sign3A_2310 = arith.extui %sign3A_2309 : i1 to i32
      %sign3A_2311 = arith.constant 0 : i32
      %sign3A_2312 = arith.cmpi slt, %jit3A_2299, %sign3A_2311 : i32
      %sign3A_2313 = arith.extui %sign3A_2312 : i1 to i32
      %sign3A_2314 = arith.subi %sign3A_2310, %sign3A_2313 : i32
      %ne3A_2315 = arith.cmpi ne, %sign3A_2307, %sign3A_2314 : i32
      %rem3A_2316 = arith.remsi %squeeze3A_2028, %jit3A_2299 : i32
      %ne3A_2317 = arith.constant 0 : i32
      %ne3A_2318 = arith.cmpi ne, %rem3A_2316, %ne3A_2317 : i32
      %and3A_2319 = arith.andi %ne3A_2315, %ne3A_2318 : i1
      %sub3A_2320 = arith.constant 1 : i32
      %sub3A_2321 = arith.subi %div3A_2300, %sub3A_2320 : i32
      %select_n3A_2322 = arith.select %and3A_2319, %sub3A_2321, %div3A_2300 : i32
      %mul3A_2323 = arith.constant 4 : i32
      %mul3A_2324 = arith.muli %select_n3A_2322, %mul3A_2323 : i32
      %add3A_2325 = arith.constant 0 : i32
      %add3A_2326 = arith.addi %mul3A_2324, %add3A_2325 : i32
      %get3A_2327 = arith.index_cast %add3A_2326 : i32 to index
      %get3A_2328 = arith.constant 64 : index
      %get3A_2329 = tpu.vector_load %arg7[%get3A_2327, %get3A_2328] {strides = array<i32>} : memref<131x256xf32, #tpu.memory_space<vmem>>, vector<1x16xf32>,
      %get3A_2330 = vector.shape_cast %get3A_2329 : vector<1x16xf32> to vector<16xf32>
      %select_n3A_2331 = arith.select %gt3A_2162, %get3A_2330, %broadcast_in_dim3A_2160 : vector<16xf32>
      %add3A_2332 = arith.addf %while3A_2131#4, %select_n3A_2331 : vector<16xf32>
      %jit3A_2333 = arith.constant 4 : i32
      %div3A_2334 = arith.divsi %squeeze3A_2028, %jit3A_2333 : i32
      %sign3A_2335 = arith.constant 0 : i32
      %sign3A_2336 = arith.cmpi sgt, %squeeze3A_2028, %sign3A_2335 : i32
      %sign3A_2337 = arith.extui %sign3A_2336 : i1 to i32
      %sign3A_2338 = arith.constant 0 : i32
      %sign3A_2339 = arith.cmpi slt, %squeeze3A_2028, %sign3A_2338 : i32
      %sign3A_2340 = arith.extui %sign3A_2339 : i1 to i32
      %sign3A_2341 = arith.subi %sign3A_2337, %sign3A_2340 : i32
      %sign3A_2342 = arith.constant 0 : i32
      %sign3A_2343 = arith.cmpi sgt, %jit3A_2333, %sign3A_2342 : i32
      %sign3A_2344 = arith.extui %sign3A_2343 : i1 to i32
      %sign3A_2345 = arith.constant 0 : i32
      %sign3A_2346 = arith.cmpi slt, %jit3A_2333, %sign3A_2345 : i32
      %sign3A_2347 = arith.extui %sign3A_2346 : i1 to i32
      %sign3A_2348 = arith.subi %sign3A_2344, %sign3A_2347 : i32
      %ne3A_2349 = arith.cmpi ne, %sign3A_2341, %sign3A_2348 : i32
      %rem3A_2350 = arith.remsi %squeeze3A_2028, %jit3A_2333 : i32
      %ne3A_2351 = arith.constant 0 : i32
      %ne3A_2352 = arith.cmpi ne, %rem3A_2350, %ne3A_2351 : i32
      %and3A_2353 = arith.andi %ne3A_2349, %ne3A_2352 : i1
      %sub3A_2354 = arith.constant 1 : i32
      %sub3A_2355 = arith.subi %div3A_2334, %sub3A_2354 : i32
      %select_n3A_2356 = arith.select %and3A_2353, %sub3A_2355, %div3A_2334 : i32
      %mul3A_2357 = arith.constant 4 : i32
      %mul3A_2358 = arith.muli %select_n3A_2356, %mul3A_2357 : i32
      %add3A_2359 = arith.constant 0 : i32
      %add3A_2360 = arith.addi %mul3A_2358, %add3A_2359 : i32
      %get3A_2361 = arith.index_cast %add3A_2360 : i32 to index
      %get3A_2362 = arith.constant 80 : index
      %get3A_2363 = tpu.vector_load %arg7[%get3A_2361, %get3A_2362] {strides = array<i32>} : memref<131x256xf32, #tpu.memory_space<vmem>>, vector<1x16xf32>,
      %get3A_2364 = vector.shape_cast %get3A_2363 : vector<1x16xf32> to vector<16xf32>
      %select_n3A_2365 = arith.select %gt3A_2162, %get3A_2364, %broadcast_in_dim3A_2160 : vector<16xf32>
      %add3A_2366 = arith.addf %while3A_2131#5, %select_n3A_2365 : vector<16xf32>
      %jit3A_2367 = arith.constant 4 : i32
      %div3A_2368 = arith.divsi %squeeze3A_2028, %jit3A_2367 : i32
      %sign3A_2369 = arith.constant 0 : i32
      %sign3A_2370 = arith.cmpi sgt, %squeeze3A_2028, %sign3A_2369 : i32
      %sign3A_2371 = arith.extui %sign3A_2370 : i1 to i32
      %sign3A_2372 = arith.constant 0 : i32
      %sign3A_2373 = arith.cmpi slt, %squeeze3A_2028, %sign3A_2372 : i32
      %sign3A_2374 = arith.extui %sign3A_2373 : i1 to i32
      %sign3A_2375 = arith.subi %sign3A_2371, %sign3A_2374 : i32
      %sign3A_2376 = arith.constant 0 : i32
      %sign3A_2377 = arith.cmpi sgt, %jit3A_2367, %sign3A_2376 : i32
      %sign3A_2378 = arith.extui %sign3A_2377 : i1 to i32
      %sign3A_2379 = arith.constant 0 : i32
      %sign3A_2380 = arith.cmpi slt, %jit3A_2367, %sign3A_2379 : i32
      %sign3A_2381 = arith.extui %sign3A_2380 : i1 to i32
      %sign3A_2382 = arith.subi %sign3A_2378, %sign3A_2381 : i32
      %ne3A_2383 = arith.cmpi ne, %sign3A_2375, %sign3A_2382 : i32
      %rem3A_2384 = arith.remsi %squeeze3A_2028, %jit3A_2367 : i32
      %ne3A_2385 = arith.constant 0 : i32
      %ne3A_2386 = arith.cmpi ne, %rem3A_2384, %ne3A_2385 : i32
      %and3A_2387 = arith.andi %ne3A_2383, %ne3A_2386 : i1
      %sub3A_2388 = arith.constant 1 : i32
      %sub3A_2389 = arith.subi %div3A_2368, %sub3A_2388 : i32
      %select_n3A_2390 = arith.select %and3A_2387, %sub3A_2389, %div3A_2368 : i32
      %mul3A_2391 = arith.constant 4 : i32
      %mul3A_2392 = arith.muli %select_n3A_2390, %mul3A_2391 : i32
      %add3A_2393 = arith.constant 0 : i32
      %add3A_2394 = arith.addi %mul3A_2392, %add3A_2393 : i32
      %get3A_2395 = arith.index_cast %add3A_2394 : i32 to index
      %get3A_2396 = arith.constant 96 : index
      %get3A_2397 = tpu.vector_load %arg7[%get3A_2395, %get3A_2396] {strides = array<i32>} : memref<131x256xf32, #tpu.memory_space<vmem>>, vector<1x16xf32>,
      %get3A_2398 = vector.shape_cast %get3A_2397 : vector<1x16xf32> to vector<16xf32>
      %select_n3A_2399 = arith.select %gt3A_2162, %get3A_2398, %broadcast_in_dim3A_2160 : vector<16xf32>
      %add3A_2400 = arith.addf %while3A_2131#6, %select_n3A_2399 : vector<16xf32>
      %jit3A_2401 = arith.constant 4 : i32
      %div3A_2402 = arith.divsi %squeeze3A_2028, %jit3A_2401 : i32
      %sign3A_2403 = arith.constant 0 : i32
      %sign3A_2404 = arith.cmpi sgt, %squeeze3A_2028, %sign3A_2403 : i32
      %sign3A_2405 = arith.extui %sign3A_2404 : i1 to i32
      %sign3A_2406 = arith.constant 0 : i32
      %sign3A_2407 = arith.cmpi slt, %squeeze3A_2028, %sign3A_2406 : i32
      %sign3A_2408 = arith.extui %sign3A_2407 : i1 to i32
      %sign3A_2409 = arith.subi %sign3A_2405, %sign3A_2408 : i32
      %sign3A_2410 = arith.constant 0 : i32
      %sign3A_2411 = arith.cmpi sgt, %jit3A_2401, %sign3A_2410 : i32
      %sign3A_2412 = arith.extui %sign3A_2411 : i1 to i32
      %sign3A_2413 = arith.constant 0 : i32
      %sign3A_2414 = arith.cmpi slt, %jit3A_2401, %sign3A_2413 : i32
      %sign3A_2415 = arith.extui %sign3A_2414 : i1 to i32
      %sign3A_2416 = arith.subi %sign3A_2412, %sign3A_2415 : i32
      %ne3A_2417 = arith.cmpi ne, %sign3A_2409, %sign3A_2416 : i32
      %rem3A_2418 = arith.remsi %squeeze3A_2028, %jit3A_2401 : i32
      %ne3A_2419 = arith.constant 0 : i32
      %ne3A_2420 = arith.cmpi ne, %rem3A_2418, %ne3A_2419 : i32
      %and3A_2421 = arith.andi %ne3A_2417, %ne3A_2420 : i1
      %sub3A_2422 = arith.constant 1 : i32
      %sub3A_2423 = arith.subi %div3A_2402, %sub3A_2422 : i32
      %select_n3A_2424 = arith.select %and3A_2421, %sub3A_2423, %div3A_2402 : i32
      %mul3A_2425 = arith.constant 4 : i32
      %mul3A_2426 = arith.muli %select_n3A_2424, %mul3A_2425 : i32
      %add3A_2427 = arith.constant 0 : i32
      %add3A_2428 = arith.addi %mul3A_2426, %add3A_2427 : i32
      %get3A_2429 = arith.index_cast %add3A_2428 : i32 to index
      %get3A_2430 = arith.constant 112 : index
      %get3A_2431 = tpu.vector_load %arg7[%get3A_2429, %get3A_2430] {strides = array<i32>} : memref<131x256xf32, #tpu.memory_space<vmem>>, vector<1x16xf32>,
      %get3A_2432 = vector.shape_cast %get3A_2431 : vector<1x16xf32> to vector<16xf32>
      %select_n3A_2433 = arith.select %gt3A_2162, %get3A_2432, %broadcast_in_dim3A_2160 : vector<16xf32>
      %add3A_2434 = arith.addf %while3A_2131#7, %select_n3A_2433 : vector<16xf32>
      %jit3A_2435 = arith.constant 4 : i32
      %div3A_2436 = arith.divsi %squeeze3A_2028, %jit3A_2435 : i32
      %sign3A_2437 = arith.constant 0 : i32
      %sign3A_2438 = arith.cmpi sgt, %squeeze3A_2028, %sign3A_2437 : i32
      %sign3A_2439 = arith.extui %sign3A_2438 : i1 to i32
      %sign3A_2440 = arith.constant 0 : i32
      %sign3A_2441 = arith.cmpi slt, %squeeze3A_2028, %sign3A_2440 : i32
      %sign3A_2442 = arith.extui %sign3A_2441 : i1 to i32
      %sign3A_2443 = arith.subi %sign3A_2439, %sign3A_2442 : i32
      %sign3A_2444 = arith.constant 0 : i32
      %sign3A_2445 = arith.cmpi sgt, %jit3A_2435, %sign3A_2444 : i32
      %sign3A_2446 = arith.extui %sign3A_2445 : i1 to i32
      %sign3A_2447 = arith.constant 0 : i32
      %sign3A_2448 = arith.cmpi slt, %jit3A_2435, %sign3A_2447 : i32
      %sign3A_2449 = arith.extui %sign3A_2448 : i1 to i32
      %sign3A_2450 = arith.subi %sign3A_2446, %sign3A_2449 : i32
      %ne3A_2451 = arith.cmpi ne, %sign3A_2443, %sign3A_2450 : i32
      %rem3A_2452 = arith.remsi %squeeze3A_2028, %jit3A_2435 : i32
      %ne3A_2453 = arith.constant 0 : i32
      %ne3A_2454 = arith.cmpi ne, %rem3A_2452, %ne3A_2453 : i32
      %and3A_2455 = arith.andi %ne3A_2451, %ne3A_2454 : i1
      %sub3A_2456 = arith.constant 1 : i32
      %sub3A_2457 = arith.subi %div3A_2436, %sub3A_2456 : i32
      %select_n3A_2458 = arith.select %and3A_2455, %sub3A_2457, %div3A_2436 : i32
      %mul3A_2459 = arith.constant 4 : i32
      %mul3A_2460 = arith.muli %select_n3A_2458, %mul3A_2459 : i32
      %add3A_2461 = arith.constant 0 : i32
      %add3A_2462 = arith.addi %mul3A_2460, %add3A_2461 : i32
      %get3A_2463 = arith.index_cast %add3A_2462 : i32 to index
      %get3A_2464 = arith.constant 128 : index
      %get3A_2465 = tpu.vector_load %arg7[%get3A_2463, %get3A_2464] {strides = array<i32>} : memref<131x256xf32, #tpu.memory_space<vmem>>, vector<1x16xf32>,
      %get3A_2466 = vector.shape_cast %get3A_2465 : vector<1x16xf32> to vector<16xf32>
      %select_n3A_2467 = arith.select %gt3A_2162, %get3A_2466, %broadcast_in_dim3A_2160 : vector<16xf32>
      %add3A_2468 = arith.addf %while3A_2131#8, %select_n3A_2467 : vector<16xf32>
      %jit3A_2469 = arith.constant 4 : i32
      %div3A_2470 = arith.divsi %squeeze3A_2028, %jit3A_2469 : i32
      %sign3A_2471 = arith.constant 0 : i32
      %sign3A_2472 = arith.cmpi sgt, %squeeze3A_2028, %sign3A_2471 : i32
      %sign3A_2473 = arith.extui %sign3A_2472 : i1 to i32
      %sign3A_2474 = arith.constant 0 : i32
      %sign3A_2475 = arith.cmpi slt, %squeeze3A_2028, %sign3A_2474 : i32
      %sign3A_2476 = arith.extui %sign3A_2475 : i1 to i32
      %sign3A_2477 = arith.subi %sign3A_2473, %sign3A_2476 : i32
      %sign3A_2478 = arith.constant 0 : i32
      %sign3A_2479 = arith.cmpi sgt, %jit3A_2469, %sign3A_2478 : i32
      %sign3A_2480 = arith.extui %sign3A_2479 : i1 to i32
      %sign3A_2481 = arith.constant 0 : i32
      %sign3A_2482 = arith.cmpi slt, %jit3A_2469, %sign3A_2481 : i32
      %sign3A_2483 = arith.extui %sign3A_2482 : i1 to i32
      %sign3A_2484 = arith.subi %sign3A_2480, %sign3A_2483 : i32
      %ne3A_2485 = arith.cmpi ne, %sign3A_2477, %sign3A_2484 : i32
      %rem3A_2486 = arith.remsi %squeeze3A_2028, %jit3A_2469 : i32
      %ne3A_2487 = arith.constant 0 : i32
      %ne3A_2488 = arith.cmpi ne, %rem3A_2486, %ne3A_2487 : i32
      %and3A_2489 = arith.andi %ne3A_2485, %ne3A_2488 : i1
      %sub3A_2490 = arith.constant 1 : i32
      %sub3A_2491 = arith.subi %div3A_2470, %sub3A_2490 : i32
      %select_n3A_2492 = arith.select %and3A_2489, %sub3A_2491, %div3A_2470 : i32
      %mul3A_2493 = arith.constant 4 : i32
      %mul3A_2494 = arith.muli %select_n3A_2492, %mul3A_2493 : i32
      %add3A_2495 = arith.constant 0 : i32
      %add3A_2496 = arith.addi %mul3A_2494, %add3A_2495 : i32
      %get3A_2497 = arith.index_cast %add3A_2496 : i32 to index
      %get3A_2498 = arith.constant 144 : index
      %get3A_2499 = tpu.vector_load %arg7[%get3A_2497, %get3A_2498] {strides = array<i32>} : memref<131x256xf32, #tpu.memory_space<vmem>>, vector<1x16xf32>,
      %get3A_2500 = vector.shape_cast %get3A_2499 : vector<1x16xf32> to vector<16xf32>
      %select_n3A_2501 = arith.select %gt3A_2162, %get3A_2500, %broadcast_in_dim3A_2160 : vector<16xf32>
      %add3A_2502 = arith.addf %while3A_2131#9, %select_n3A_2501 : vector<16xf32>
      %jit3A_2503 = arith.constant 4 : i32
      %div3A_2504 = arith.divsi %squeeze3A_2028, %jit3A_2503 : i32
      %sign3A_2505 = arith.constant 0 : i32
      %sign3A_2506 = arith.cmpi sgt, %squeeze3A_2028, %sign3A_2505 : i32
      %sign3A_2507 = arith.extui %sign3A_2506 : i1 to i32
      %sign3A_2508 = arith.constant 0 : i32
      %sign3A_2509 = arith.cmpi slt, %squeeze3A_2028, %sign3A_2508 : i32
      %sign3A_2510 = arith.extui %sign3A_2509 : i1 to i32
      %sign3A_2511 = arith.subi %sign3A_2507, %sign3A_2510 : i32
      %sign3A_2512 = arith.constant 0 : i32
      %sign3A_2513 = arith.cmpi sgt, %jit3A_2503, %sign3A_2512 : i32
      %sign3A_2514 = arith.extui %sign3A_2513 : i1 to i32
      %sign3A_2515 = arith.constant 0 : i32
      %sign3A_2516 = arith.cmpi slt, %jit3A_2503, %sign3A_2515 : i32
      %sign3A_2517 = arith.extui %sign3A_2516 : i1 to i32
      %sign3A_2518 = arith.subi %sign3A_2514, %sign3A_2517 : i32
      %ne3A_2519 = arith.cmpi ne, %sign3A_2511, %sign3A_2518 : i32
      %rem3A_2520 = arith.remsi %squeeze3A_2028, %jit3A_2503 : i32
      %ne3A_2521 = arith.constant 0 : i32
      %ne3A_2522 = arith.cmpi ne, %rem3A_2520, %ne3A_2521 : i32
      %and3A_2523 = arith.andi %ne3A_2519, %ne3A_2522 : i1
      %sub3A_2524 = arith.constant 1 : i32
      %sub3A_2525 = arith.subi %div3A_2504, %sub3A_2524 : i32
      %select_n3A_2526 = arith.select %and3A_2523, %sub3A_2525, %div3A_2504 : i32
      %mul3A_2527 = arith.constant 4 : i32
      %mul3A_2528 = arith.muli %select_n3A_2526, %mul3A_2527 : i32
      %add3A_2529 = arith.constant 0 : i32
      %add3A_2530 = arith.addi %mul3A_2528, %add3A_2529 : i32
      %get3A_2531 = arith.index_cast %add3A_2530 : i32 to index
      %get3A_2532 = arith.constant 160 : index
      %get3A_2533 = tpu.vector_load %arg7[%get3A_2531, %get3A_2532] {strides = array<i32>} : memref<131x256xf32, #tpu.memory_space<vmem>>, vector<1x16xf32>,
      %get3A_2534 = vector.shape_cast %get3A_2533 : vector<1x16xf32> to vector<16xf32>
      %select_n3A_2535 = arith.select %gt3A_2162, %get3A_2534, %broadcast_in_dim3A_2160 : vector<16xf32>
      %add3A_2536 = arith.addf %while3A_2131#10, %select_n3A_2535 : vector<16xf32>
      %jit3A_2537 = arith.constant 4 : i32
      %div3A_2538 = arith.divsi %squeeze3A_2028, %jit3A_2537 : i32
      %sign3A_2539 = arith.constant 0 : i32
      %sign3A_2540 = arith.cmpi sgt, %squeeze3A_2028, %sign3A_2539 : i32
      %sign3A_2541 = arith.extui %sign3A_2540 : i1 to i32
      %sign3A_2542 = arith.constant 0 : i32
      %sign3A_2543 = arith.cmpi slt, %squeeze3A_2028, %sign3A_2542 : i32
      %sign3A_2544 = arith.extui %sign3A_2543 : i1 to i32
      %sign3A_2545 = arith.subi %sign3A_2541, %sign3A_2544 : i32
      %sign3A_2546 = arith.constant 0 : i32
      %sign3A_2547 = arith.cmpi sgt, %jit3A_2537, %sign3A_2546 : i32
      %sign3A_2548 = arith.extui %sign3A_2547 : i1 to i32
      %sign3A_2549 = arith.constant 0 : i32
      %sign3A_2550 = arith.cmpi slt, %jit3A_2537, %sign3A_2549 : i32
      %sign3A_2551 = arith.extui %sign3A_2550 : i1 to i32
      %sign3A_2552 = arith.subi %sign3A_2548, %sign3A_2551 : i32
      %ne3A_2553 = arith.cmpi ne, %sign3A_2545, %sign3A_2552 : i32
      %rem3A_2554 = arith.remsi %squeeze3A_2028, %jit3A_2537 : i32
      %ne3A_2555 = arith.constant 0 : i32
      %ne3A_2556 = arith.cmpi ne, %rem3A_2554, %ne3A_2555 : i32
      %and3A_2557 = arith.andi %ne3A_2553, %ne3A_2556 : i1
      %sub3A_2558 = arith.constant 1 : i32
      %sub3A_2559 = arith.subi %div3A_2538, %sub3A_2558 : i32
      %select_n3A_2560 = arith.select %and3A_2557, %sub3A_2559, %div3A_2538 : i32
      %mul3A_2561 = arith.constant 4 : i32
      %mul3A_2562 = arith.muli %select_n3A_2560, %mul3A_2561 : i32
      %add3A_2563 = arith.constant 0 : i32
      %add3A_2564 = arith.addi %mul3A_2562, %add3A_2563 : i32
      %get3A_2565 = arith.index_cast %add3A_2564 : i32 to index
      %get3A_2566 = arith.constant 176 : index
      %get3A_2567 = tpu.vector_load %arg7[%get3A_2565, %get3A_2566] {strides = array<i32>} : memref<131x256xf32, #tpu.memory_space<vmem>>, vector<1x16xf32>,
      %get3A_2568 = vector.shape_cast %get3A_2567 : vector<1x16xf32> to vector<16xf32>
      %select_n3A_2569 = arith.select %gt3A_2162, %get3A_2568, %broadcast_in_dim3A_2160 : vector<16xf32>
      %add3A_2570 = arith.addf %while3A_2131#11, %select_n3A_2569 : vector<16xf32>
      %jit3A_2571 = arith.constant 4 : i32
      %div3A_2572 = arith.divsi %squeeze3A_2028, %jit3A_2571 : i32
      %sign3A_2573 = arith.constant 0 : i32
      %sign3A_2574 = arith.cmpi sgt, %squeeze3A_2028, %sign3A_2573 : i32
      %sign3A_2575 = arith.extui %sign3A_2574 : i1 to i32
      %sign3A_2576 = arith.constant 0 : i32
      %sign3A_2577 = arith.cmpi slt, %squeeze3A_2028, %sign3A_2576 : i32
      %sign3A_2578 = arith.extui %sign3A_2577 : i1 to i32
      %sign3A_2579 = arith.subi %sign3A_2575, %sign3A_2578 : i32
      %sign3A_2580 = arith.constant 0 : i32
      %sign3A_2581 = arith.cmpi sgt, %jit3A_2571, %sign3A_2580 : i32
      %sign3A_2582 = arith.extui %sign3A_2581 : i1 to i32
      %sign3A_2583 = arith.constant 0 : i32
      %sign3A_2584 = arith.cmpi slt, %jit3A_2571, %sign3A_2583 : i32
      %sign3A_2585 = arith.extui %sign3A_2584 : i1 to i32
      %sign3A_2586 = arith.subi %sign3A_2582, %sign3A_2585 : i32
      %ne3A_2587 = arith.cmpi ne, %sign3A_2579, %sign3A_2586 : i32
      %rem3A_2588 = arith.remsi %squeeze3A_2028, %jit3A_2571 : i32
      %ne3A_2589 = arith.constant 0 : i32
      %ne3A_2590 = arith.cmpi ne, %rem3A_2588, %ne3A_2589 : i32
      %and3A_2591 = arith.andi %ne3A_2587, %ne3A_2590 : i1
      %sub3A_2592 = arith.constant 1 : i32
      %sub3A_2593 = arith.subi %div3A_2572, %sub3A_2592 : i32
      %select_n3A_2594 = arith.select %and3A_2591, %sub3A_2593, %div3A_2572 : i32
      %mul3A_2595 = arith.constant 4 : i32
      %mul3A_2596 = arith.muli %select_n3A_2594, %mul3A_2595 : i32
      %add3A_2597 = arith.constant 0 : i32
      %add3A_2598 = arith.addi %mul3A_2596, %add3A_2597 : i32
      %get3A_2599 = arith.index_cast %add3A_2598 : i32 to index
      %get3A_2600 = arith.constant 192 : index
      %get3A_2601 = tpu.vector_load %arg7[%get3A_2599, %get3A_2600] {strides = array<i32>} : memref<131x256xf32, #tpu.memory_space<vmem>>, vector<1x16xf32>,
      %get3A_2602 = vector.shape_cast %get3A_2601 : vector<1x16xf32> to vector<16xf32>
      %select_n3A_2603 = arith.select %gt3A_2162, %get3A_2602, %broadcast_in_dim3A_2160 : vector<16xf32>
      %add3A_2604 = arith.addf %while3A_2131#12, %select_n3A_2603 : vector<16xf32>
      %jit3A_2605 = arith.constant 4 : i32
      %div3A_2606 = arith.divsi %squeeze3A_2028, %jit3A_2605 : i32
      %sign3A_2607 = arith.constant 0 : i32
      %sign3A_2608 = arith.cmpi sgt, %squeeze3A_2028, %sign3A_2607 : i32
      %sign3A_2609 = arith.extui %sign3A_2608 : i1 to i32
      %sign3A_2610 = arith.constant 0 : i32
      %sign3A_2611 = arith.cmpi slt, %squeeze3A_2028, %sign3A_2610 : i32
      %sign3A_2612 = arith.extui %sign3A_2611 : i1 to i32
      %sign3A_2613 = arith.subi %sign3A_2609, %sign3A_2612 : i32
      %sign3A_2614 = arith.constant 0 : i32
      %sign3A_2615 = arith.cmpi sgt, %jit3A_2605, %sign3A_2614 : i32
      %sign3A_2616 = arith.extui %sign3A_2615 : i1 to i32
      %sign3A_2617 = arith.constant 0 : i32
      %sign3A_2618 = arith.cmpi slt, %jit3A_2605, %sign3A_2617 : i32
      %sign3A_2619 = arith.extui %sign3A_2618 : i1 to i32
      %sign3A_2620 = arith.subi %sign3A_2616, %sign3A_2619 : i32
      %ne3A_2621 = arith.cmpi ne, %sign3A_2613, %sign3A_2620 : i32
      %rem3A_2622 = arith.remsi %squeeze3A_2028, %jit3A_2605 : i32
      %ne3A_2623 = arith.constant 0 : i32
      %ne3A_2624 = arith.cmpi ne, %rem3A_2622, %ne3A_2623 : i32
      %and3A_2625 = arith.andi %ne3A_2621, %ne3A_2624 : i1
      %sub3A_2626 = arith.constant 1 : i32
      %sub3A_2627 = arith.subi %div3A_2606, %sub3A_2626 : i32
      %select_n3A_2628 = arith.select %and3A_2625, %sub3A_2627, %div3A_2606 : i32
      %mul3A_2629 = arith.constant 4 : i32
      %mul3A_2630 = arith.muli %select_n3A_2628, %mul3A_2629 : i32
      %add3A_2631 = arith.constant 0 : i32
      %add3A_2632 = arith.addi %mul3A_2630, %add3A_2631 : i32
      %get3A_2633 = arith.index_cast %add3A_2632 : i32 to index
      %get3A_2634 = arith.constant 208 : index
      %get3A_2635 = tpu.vector_load %arg7[%get3A_2633, %get3A_2634] {strides = array<i32>} : memref<131x256xf32, #tpu.memory_space<vmem>>, vector<1x16xf32>,
      %get3A_2636 = vector.shape_cast %get3A_2635 : vector<1x16xf32> to vector<16xf32>
      %select_n3A_2637 = arith.select %gt3A_2162, %get3A_2636, %broadcast_in_dim3A_2160 : vector<16xf32>
      %add3A_2638 = arith.addf %while3A_2131#13, %select_n3A_2637 : vector<16xf32>
      %jit3A_2639 = arith.constant 4 : i32
      %div3A_2640 = arith.divsi %squeeze3A_2028, %jit3A_2639 : i32
      %sign3A_2641 = arith.constant 0 : i32
      %sign3A_2642 = arith.cmpi sgt, %squeeze3A_2028, %sign3A_2641 : i32
      %sign3A_2643 = arith.extui %sign3A_2642 : i1 to i32
      %sign3A_2644 = arith.constant 0 : i32
      %sign3A_2645 = arith.cmpi slt, %squeeze3A_2028, %sign3A_2644 : i32
      %sign3A_2646 = arith.extui %sign3A_2645 : i1 to i32
      %sign3A_2647 = arith.subi %sign3A_2643, %sign3A_2646 : i32
      %sign3A_2648 = arith.constant 0 : i32
      %sign3A_2649 = arith.cmpi sgt, %jit3A_2639, %sign3A_2648 : i32
      %sign3A_2650 = arith.extui %sign3A_2649 : i1 to i32
      %sign3A_2651 = arith.constant 0 : i32
      %sign3A_2652 = arith.cmpi slt, %jit3A_2639, %sign3A_2651 : i32
      %sign3A_2653 = arith.extui %sign3A_2652 : i1 to i32
      %sign3A_2654 = arith.subi %sign3A_2650, %sign3A_2653 : i32
      %ne3A_2655 = arith.cmpi ne, %sign3A_2647, %sign3A_2654 : i32
      %rem3A_2656 = arith.remsi %squeeze3A_2028, %jit3A_2639 : i32
      %ne3A_2657 = arith.constant 0 : i32
      %ne3A_2658 = arith.cmpi ne, %rem3A_2656, %ne3A_2657 : i32
      %and3A_2659 = arith.andi %ne3A_2655, %ne3A_2658 : i1
      %sub3A_2660 = arith.constant 1 : i32
      %sub3A_2661 = arith.subi %div3A_2640, %sub3A_2660 : i32
      %select_n3A_2662 = arith.select %and3A_2659, %sub3A_2661, %div3A_2640 : i32
      %mul3A_2663 = arith.constant 4 : i32
      %mul3A_2664 = arith.muli %select_n3A_2662, %mul3A_2663 : i32
      %add3A_2665 = arith.constant 0 : i32
      %add3A_2666 = arith.addi %mul3A_2664, %add3A_2665 : i32
      %get3A_2667 = arith.index_cast %add3A_2666 : i32 to index
      %get3A_2668 = arith.constant 224 : index
      %get3A_2669 = tpu.vector_load %arg7[%get3A_2667, %get3A_2668] {strides = array<i32>} : memref<131x256xf32, #tpu.memory_space<vmem>>, vector<1x16xf32>,
      %get3A_2670 = vector.shape_cast %get3A_2669 : vector<1x16xf32> to vector<16xf32>
      %select_n3A_2671 = arith.select %gt3A_2162, %get3A_2670, %broadcast_in_dim3A_2160 : vector<16xf32>
      %add3A_2672 = arith.addf %while3A_2131#14, %select_n3A_2671 : vector<16xf32>
      %jit3A_2673 = arith.constant 4 : i32
      %div3A_2674 = arith.divsi %squeeze3A_2028, %jit3A_2673 : i32
      %sign3A_2675 = arith.constant 0 : i32
      %sign3A_2676 = arith.cmpi sgt, %squeeze3A_2028, %sign3A_2675 : i32
      %sign3A_2677 = arith.extui %sign3A_2676 : i1 to i32
      %sign3A_2678 = arith.constant 0 : i32
      %sign3A_2679 = arith.cmpi slt, %squeeze3A_2028, %sign3A_2678 : i32
      %sign3A_2680 = arith.extui %sign3A_2679 : i1 to i32
      %sign3A_2681 = arith.subi %sign3A_2677, %sign3A_2680 : i32
      %sign3A_2682 = arith.constant 0 : i32
      %sign3A_2683 = arith.cmpi sgt, %jit3A_2673, %sign3A_2682 : i32
      %sign3A_2684 = arith.extui %sign3A_2683 : i1 to i32
      %sign3A_2685 = arith.constant 0 : i32
      %sign3A_2686 = arith.cmpi slt, %jit3A_2673, %sign3A_2685 : i32
      %sign3A_2687 = arith.extui %sign3A_2686 : i1 to i32
      %sign3A_2688 = arith.subi %sign3A_2684, %sign3A_2687 : i32
      %ne3A_2689 = arith.cmpi ne, %sign3A_2681, %sign3A_2688 : i32
      %rem3A_2690 = arith.remsi %squeeze3A_2028, %jit3A_2673 : i32
      %ne3A_2691 = arith.constant 0 : i32
      %ne3A_2692 = arith.cmpi ne, %rem3A_2690, %ne3A_2691 : i32
      %and3A_2693 = arith.andi %ne3A_2689, %ne3A_2692 : i1
      %sub3A_2694 = arith.constant 1 : i32
      %sub3A_2695 = arith.subi %div3A_2674, %sub3A_2694 : i32
      %select_n3A_2696 = arith.select %and3A_2693, %sub3A_2695, %div3A_2674 : i32
      %mul3A_2697 = arith.constant 4 : i32
      %mul3A_2698 = arith.muli %select_n3A_2696, %mul3A_2697 : i32
      %add3A_2699 = arith.constant 0 : i32
      %add3A_2700 = arith.addi %mul3A_2698, %add3A_2699 : i32
      %get3A_2701 = arith.index_cast %add3A_2700 : i32 to index
      %get3A_2702 = arith.constant 240 : index
      %get3A_2703 = tpu.vector_load %arg7[%get3A_2701, %get3A_2702] {strides = array<i32>} : memref<131x256xf32, #tpu.memory_space<vmem>>, vector<1x16xf32>,
      %get3A_2704 = vector.shape_cast %get3A_2703 : vector<1x16xf32> to vector<16xf32>
      %select_n3A_2705 = arith.select %gt3A_2162, %get3A_2704, %broadcast_in_dim3A_2160 : vector<16xf32>
      %add3A_2706 = arith.addf %while3A_2131#15, %select_n3A_2705 : vector<16xf32>
      %gt3A_2707 = arith.constant 1 : i32
      %gt3A_2708 = arith.cmpi sgt, %sub3A_2158, %gt3A_2707 : i32
      %jit3A_2709 = arith.constant 4 : i32
      %div3A_2710 = arith.divsi %squeeze3A_2028, %jit3A_2709 : i32
      %sign3A_2711 = arith.constant 0 : i32
      %sign3A_2712 = arith.cmpi sgt, %squeeze3A_2028, %sign3A_2711 : i32
      %sign3A_2713 = arith.extui %sign3A_2712 : i1 to i32
      %sign3A_2714 = arith.constant 0 : i32
      %sign3A_2715 = arith.cmpi slt, %squeeze3A_2028, %sign3A_2714 : i32
      %sign3A_2716 = arith.extui %sign3A_2715 : i1 to i32
      %sign3A_2717 = arith.subi %sign3A_2713, %sign3A_2716 : i32
      %sign3A_2718 = arith.constant 0 : i32
      %sign3A_2719 = arith.cmpi sgt, %jit3A_2709, %sign3A_2718 : i32
      %sign3A_2720 = arith.extui %sign3A_2719 : i1 to i32
      %sign3A_2721 = arith.constant 0 : i32
      %sign3A_2722 = arith.cmpi slt, %jit3A_2709, %sign3A_2721 : i32
      %sign3A_2723 = arith.extui %sign3A_2722 : i1 to i32
      %sign3A_2724 = arith.subi %sign3A_2720, %sign3A_2723 : i32
      %ne3A_2725 = arith.cmpi ne, %sign3A_2717, %sign3A_2724 : i32
      %rem3A_2726 = arith.remsi %squeeze3A_2028, %jit3A_2709 : i32
      %ne3A_2727 = arith.constant 0 : i32
      %ne3A_2728 = arith.cmpi ne, %rem3A_2726, %ne3A_2727 : i32
      %and3A_2729 = arith.andi %ne3A_2725, %ne3A_2728 : i1
      %sub3A_2730 = arith.constant 1 : i32
      %sub3A_2731 = arith.subi %div3A_2710, %sub3A_2730 : i32
      %select_n3A_2732 = arith.select %and3A_2729, %sub3A_2731, %div3A_2710 : i32
      %mul3A_2733 = arith.constant 4 : i32
      %mul3A_2734 = arith.muli %select_n3A_2732, %mul3A_2733 : i32
      %add3A_2735 = arith.constant 1 : i32
      %add3A_2736 = arith.addi %mul3A_2734, %add3A_2735 : i32
      %get3A_2737 = arith.index_cast %add3A_2736 : i32 to index
      %get3A_2738 = arith.constant 0 : index
      %get3A_2739 = tpu.vector_load %arg7[%get3A_2737, %get3A_2738] {strides = array<i32>} : memref<131x256xf32, #tpu.memory_space<vmem>>, vector<1x16xf32>,
      %get3A_2740 = vector.shape_cast %get3A_2739 : vector<1x16xf32> to vector<16xf32>
      %select_n3A_2741 = arith.select %gt3A_2708, %get3A_2740, %broadcast_in_dim3A_2160 : vector<16xf32>
      %add3A_2742 = arith.addf %add3A_2196, %select_n3A_2741 : vector<16xf32>
      %jit3A_2743 = arith.constant 4 : i32
      %div3A_2744 = arith.divsi %squeeze3A_2028, %jit3A_2743 : i32
      %sign3A_2745 = arith.constant 0 : i32
      %sign3A_2746 = arith.cmpi sgt, %squeeze3A_2028, %sign3A_2745 : i32
      %sign3A_2747 = arith.extui %sign3A_2746 : i1 to i32
      %sign3A_2748 = arith.constant 0 : i32
      %sign3A_2749 = arith.cmpi slt, %squeeze3A_2028, %sign3A_2748 : i32
      %sign3A_2750 = arith.extui %sign3A_2749 : i1 to i32
      %sign3A_2751 = arith.subi %sign3A_2747, %sign3A_2750 : i32
      %sign3A_2752 = arith.constant 0 : i32
      %sign3A_2753 = arith.cmpi sgt, %jit3A_2743, %sign3A_2752 : i32
      %sign3A_2754 = arith.extui %sign3A_2753 : i1 to i32
      %sign3A_2755 = arith.constant 0 : i32
      %sign3A_2756 = arith.cmpi slt, %jit3A_2743, %sign3A_2755 : i32
      %sign3A_2757 = arith.extui %sign3A_2756 : i1 to i32
      %sign3A_2758 = arith.subi %sign3A_2754, %sign3A_2757 : i32
      %ne3A_2759 = arith.cmpi ne, %sign3A_2751, %sign3A_2758 : i32
      %rem3A_2760 = arith.remsi %squeeze3A_2028, %jit3A_2743 : i32
      %ne3A_2761 = arith.constant 0 : i32
      %ne3A_2762 = arith.cmpi ne, %rem3A_2760, %ne3A_2761 : i32
      %and3A_2763 = arith.andi %ne3A_2759, %ne3A_2762 : i1
      %sub3A_2764 = arith.constant 1 : i32
      %sub3A_2765 = arith.subi %div3A_2744, %sub3A_2764 : i32
      %select_n3A_2766 = arith.select %and3A_2763, %sub3A_2765, %div3A_2744 : i32
      %mul3A_2767 = arith.constant 4 : i32
      %mul3A_2768 = arith.muli %select_n3A_2766, %mul3A_2767 : i32
      %add3A_2769 = arith.constant 1 : i32
      %add3A_2770 = arith.addi %mul3A_2768, %add3A_2769 : i32
      %get3A_2771 = arith.index_cast %add3A_2770 : i32 to index
      %get3A_2772 = arith.constant 16 : index
      %get3A_2773 = tpu.vector_load %arg7[%get3A_2771, %get3A_2772] {strides = array<i32>} : memref<131x256xf32, #tpu.memory_space<vmem>>, vector<1x16xf32>,
      %get3A_2774 = vector.shape_cast %get3A_2773 : vector<1x16xf32> to vector<16xf32>
      %select_n3A_2775 = arith.select %gt3A_2708, %get3A_2774, %broadcast_in_dim3A_2160 : vector<16xf32>
      %add3A_2776 = arith.addf %add3A_2230, %select_n3A_2775 : vector<16xf32>
      %jit3A_2777 = arith.constant 4 : i32
      %div3A_2778 = arith.divsi %squeeze3A_2028, %jit3A_2777 : i32
      %sign3A_2779 = arith.constant 0 : i32
      %sign3A_2780 = arith.cmpi sgt, %squeeze3A_2028, %sign3A_2779 : i32
      %sign3A_2781 = arith.extui %sign3A_2780 : i1 to i32
      %sign3A_2782 = arith.constant 0 : i32
      %sign3A_2783 = arith.cmpi slt, %squeeze3A_2028, %sign3A_2782 : i32
      %sign3A_2784 = arith.extui %sign3A_2783 : i1 to i32
      %sign3A_2785 = arith.subi %sign3A_2781, %sign3A_2784 : i32
      %sign3A_2786 = arith.constant 0 : i32
      %sign3A_2787 = arith.cmpi sgt, %jit3A_2777, %sign3A_2786 : i32
      %sign3A_2788 = arith.extui %sign3A_2787 : i1 to i32
      %sign3A_2789 = arith.constant 0 : i32
      %sign3A_2790 = arith.cmpi slt, %jit3A_2777, %sign3A_2789 : i32
      %sign3A_2791 = arith.extui %sign3A_2790 : i1 to i32
      %sign3A_2792 = arith.subi %sign3A_2788, %sign3A_2791 : i32
      %ne3A_2793 = arith.cmpi ne, %sign3A_2785, %sign3A_2792 : i32
      %rem3A_2794 = arith.remsi %squeeze3A_2028, %jit3A_2777 : i32
      %ne3A_2795 = arith.constant 0 : i32
      %ne3A_2796 = arith.cmpi ne, %rem3A_2794, %ne3A_2795 : i32
      %and3A_2797 = arith.andi %ne3A_2793, %ne3A_2796 : i1
      %sub3A_2798 = arith.constant 1 : i32
      %sub3A_2799 = arith.subi %div3A_2778, %sub3A_2798 : i32
      %select_n3A_2800 = arith.select %and3A_2797, %sub3A_2799, %div3A_2778 : i32
      %mul3A_2801 = arith.constant 4 : i32
      %mul3A_2802 = arith.muli %select_n3A_2800, %mul3A_2801 : i32
      %add3A_2803 = arith.constant 1 : i32
      %add3A_2804 = arith.addi %mul3A_2802, %add3A_2803 : i32
      %get3A_2805 = arith.index_cast %add3A_2804 : i32 to index
      %get3A_2806 = arith.constant 32 : index
      %get3A_2807 = tpu.vector_load %arg7[%get3A_2805, %get3A_2806] {strides = array<i32>} : memref<131x256xf32, #tpu.memory_space<vmem>>, vector<1x16xf32>,
      %get3A_2808 = vector.shape_cast %get3A_2807 : vector<1x16xf32> to vector<16xf32>
      %select_n3A_2809 = arith.select %gt3A_2708, %get3A_2808, %broadcast_in_dim3A_2160 : vector<16xf32>
      %add3A_2810 = arith.addf %add3A_2264, %select_n3A_2809 : vector<16xf32>
      %jit3A_2811 = arith.constant 4 : i32
      %div3A_2812 = arith.divsi %squeeze3A_2028, %jit3A_2811 : i32
      %sign3A_2813 = arith.constant 0 : i32
      %sign3A_2814 = arith.cmpi sgt, %squeeze3A_2028, %sign3A_2813 : i32
      %sign3A_2815 = arith.extui %sign3A_2814 : i1 to i32
      %sign3A_2816 = arith.constant 0 : i32
      %sign3A_2817 = arith.cmpi slt, %squeeze3A_2028, %sign3A_2816 : i32
      %sign3A_2818 = arith.extui %sign3A_2817 : i1 to i32
      %sign3A_2819 = arith.subi %sign3A_2815, %sign3A_2818 : i32
      %sign3A_2820 = arith.constant 0 : i32
      %sign3A_2821 = arith.cmpi sgt, %jit3A_2811, %sign3A_2820 : i32
      %sign3A_2822 = arith.extui %sign3A_2821 : i1 to i32
      %sign3A_2823 = arith.constant 0 : i32
      %sign3A_2824 = arith.cmpi slt, %jit3A_2811, %sign3A_2823 : i32
      %sign3A_2825 = arith.extui %sign3A_2824 : i1 to i32
      %sign3A_2826 = arith.subi %sign3A_2822, %sign3A_2825 : i32
      %ne3A_2827 = arith.cmpi ne, %sign3A_2819, %sign3A_2826 : i32
      %rem3A_2828 = arith.remsi %squeeze3A_2028, %jit3A_2811 : i32
      %ne3A_2829 = arith.constant 0 : i32
      %ne3A_2830 = arith.cmpi ne, %rem3A_2828, %ne3A_2829 : i32
      %and3A_2831 = arith.andi %ne3A_2827, %ne3A_2830 : i1
      %sub3A_2832 = arith.constant 1 : i32
      %sub3A_2833 = arith.subi %div3A_2812, %sub3A_2832 : i32
      %select_n3A_2834 = arith.select %and3A_2831, %sub3A_2833, %div3A_2812 : i32
      %mul3A_2835 = arith.constant 4 : i32
      %mul3A_2836 = arith.muli %select_n3A_2834, %mul3A_2835 : i32
      %add3A_2837 = arith.constant 1 : i32
      %add3A_2838 = arith.addi %mul3A_2836, %add3A_2837 : i32
      %get3A_2839 = arith.index_cast %add3A_2838 : i32 to index
      %get3A_2840 = arith.constant 48 : index
      %get3A_2841 = tpu.vector_load %arg7[%get3A_2839, %get3A_2840] {strides = array<i32>} : memref<131x256xf32, #tpu.memory_space<vmem>>, vector<1x16xf32>,
      %get3A_2842 = vector.shape_cast %get3A_2841 : vector<1x16xf32> to vector<16xf32>
      %select_n3A_2843 = arith.select %gt3A_2708, %get3A_2842, %broadcast_in_dim3A_2160 : vector<16xf32>
      %add3A_2844 = arith.addf %add3A_2298, %select_n3A_2843 : vector<16xf32>
      %jit3A_2845 = arith.constant 4 : i32
      %div3A_2846 = arith.divsi %squeeze3A_2028, %jit3A_2845 : i32
      %sign3A_2847 = arith.constant 0 : i32
      %sign3A_2848 = arith.cmpi sgt, %squeeze3A_2028, %sign3A_2847 : i32
      %sign3A_2849 = arith.extui %sign3A_2848 : i1 to i32
      %sign3A_2850 = arith.constant 0 : i32
      %sign3A_2851 = arith.cmpi slt, %squeeze3A_2028, %sign3A_2850 : i32
      %sign3A_2852 = arith.extui %sign3A_2851 : i1 to i32
      %sign3A_2853 = arith.subi %sign3A_2849, %sign3A_2852 : i32
      %sign3A_2854 = arith.constant 0 : i32
      %sign3A_2855 = arith.cmpi sgt, %jit3A_2845, %sign3A_2854 : i32
      %sign3A_2856 = arith.extui %sign3A_2855 : i1 to i32
      %sign3A_2857 = arith.constant 0 : i32
      %sign3A_2858 = arith.cmpi slt, %jit3A_2845, %sign3A_2857 : i32
      %sign3A_2859 = arith.extui %sign3A_2858 : i1 to i32
      %sign3A_2860 = arith.subi %sign3A_2856, %sign3A_2859 : i32
      %ne3A_2861 = arith.cmpi ne, %sign3A_2853, %sign3A_2860 : i32
      %rem3A_2862 = arith.remsi %squeeze3A_2028, %jit3A_2845 : i32
      %ne3A_2863 = arith.constant 0 : i32
      %ne3A_2864 = arith.cmpi ne, %rem3A_2862, %ne3A_2863 : i32
      %and3A_2865 = arith.andi %ne3A_2861, %ne3A_2864 : i1
      %sub3A_2866 = arith.constant 1 : i32
      %sub3A_2867 = arith.subi %div3A_2846, %sub3A_2866 : i32
      %select_n3A_2868 = arith.select %and3A_2865, %sub3A_2867, %div3A_2846 : i32
      %mul3A_2869 = arith.constant 4 : i32
      %mul3A_2870 = arith.muli %select_n3A_2868, %mul3A_2869 : i32
      %add3A_2871 = arith.constant 1 : i32
      %add3A_2872 = arith.addi %mul3A_2870, %add3A_2871 : i32
      %get3A_2873 = arith.index_cast %add3A_2872 : i32 to index
      %get3A_2874 = arith.constant 64 : index
      %get3A_2875 = tpu.vector_load %arg7[%get3A_2873, %get3A_2874] {strides = array<i32>} : memref<131x256xf32, #tpu.memory_space<vmem>>, vector<1x16xf32>,
      %get3A_2876 = vector.shape_cast %get3A_2875 : vector<1x16xf32> to vector<16xf32>
      %select_n3A_2877 = arith.select %gt3A_2708, %get3A_2876, %broadcast_in_dim3A_2160 : vector<16xf32>
      %add3A_2878 = arith.addf %add3A_2332, %select_n3A_2877 : vector<16xf32>
      %jit3A_2879 = arith.constant 4 : i32
      %div3A_2880 = arith.divsi %squeeze3A_2028, %jit3A_2879 : i32
      %sign3A_2881 = arith.constant 0 : i32
      %sign3A_2882 = arith.cmpi sgt, %squeeze3A_2028, %sign3A_2881 : i32
      %sign3A_2883 = arith.extui %sign3A_2882 : i1 to i32
      %sign3A_2884 = arith.constant 0 : i32
      %sign3A_2885 = arith.cmpi slt, %squeeze3A_2028, %sign3A_2884 : i32
      %sign3A_2886 = arith.extui %sign3A_2885 : i1 to i32
      %sign3A_2887 = arith.subi %sign3A_2883, %sign3A_2886 : i32
      %sign3A_2888 = arith.constant 0 : i32
      %sign3A_2889 = arith.cmpi sgt, %jit3A_2879, %sign3A_2888 : i32
      %sign3A_2890 = arith.extui %sign3A_2889 : i1 to i32
      %sign3A_2891 = arith.constant 0 : i32
      %sign3A_2892 = arith.cmpi slt, %jit3A_2879, %sign3A_2891 : i32
      %sign3A_2893 = arith.extui %sign3A_2892 : i1 to i32
      %sign3A_2894 = arith.subi %sign3A_2890, %sign3A_2893 : i32
      %ne3A_2895 = arith.cmpi ne, %sign3A_2887, %sign3A_2894 : i32
      %rem3A_2896 = arith.remsi %squeeze3A_2028, %jit3A_2879 : i32
      %ne3A_2897 = arith.constant 0 : i32
      %ne3A_2898 = arith.cmpi ne, %rem3A_2896, %ne3A_2897 : i32
      %and3A_2899 = arith.andi %ne3A_2895, %ne3A_2898 : i1
      %sub3A_2900 = arith.constant 1 : i32
      %sub3A_2901 = arith.subi %div3A_2880, %sub3A_2900 : i32
      %select_n3A_2902 = arith.select %and3A_2899, %sub3A_2901, %div3A_2880 : i32
      %mul3A_2903 = arith.constant 4 : i32
      %mul3A_2904 = arith.muli %select_n3A_2902, %mul3A_2903 : i32
      %add3A_2905 = arith.constant 1 : i32
      %add3A_2906 = arith.addi %mul3A_2904, %add3A_2905 : i32
      %get3A_2907 = arith.index_cast %add3A_2906 : i32 to index
      %get3A_2908 = arith.constant 80 : index
      %get3A_2909 = tpu.vector_load %arg7[%get3A_2907, %get3A_2908] {strides = array<i32>} : memref<131x256xf32, #tpu.memory_space<vmem>>, vector<1x16xf32>,
      %get3A_2910 = vector.shape_cast %get3A_2909 : vector<1x16xf32> to vector<16xf32>
      %select_n3A_2911 = arith.select %gt3A_2708, %get3A_2910, %broadcast_in_dim3A_2160 : vector<16xf32>
      %add3A_2912 = arith.addf %add3A_2366, %select_n3A_2911 : vector<16xf32>
      %jit3A_2913 = arith.constant 4 : i32
      %div3A_2914 = arith.divsi %squeeze3A_2028, %jit3A_2913 : i32
      %sign3A_2915 = arith.constant 0 : i32
      %sign3A_2916 = arith.cmpi sgt, %squeeze3A_2028, %sign3A_2915 : i32
      %sign3A_2917 = arith.extui %sign3A_2916 : i1 to i32
      %sign3A_2918 = arith.constant 0 : i32
      %sign3A_2919 = arith.cmpi slt, %squeeze3A_2028, %sign3A_2918 : i32
      %sign3A_2920 = arith.extui %sign3A_2919 : i1 to i32
      %sign3A_2921 = arith.subi %sign3A_2917, %sign3A_2920 : i32
      %sign3A_2922 = arith.constant 0 : i32
      %sign3A_2923 = arith.cmpi sgt, %jit3A_2913, %sign3A_2922 : i32
      %sign3A_2924 = arith.extui %sign3A_2923 : i1 to i32
      %sign3A_2925 = arith.constant 0 : i32
      %sign3A_2926 = arith.cmpi slt, %jit3A_2913, %sign3A_2925 : i32
      %sign3A_2927 = arith.extui %sign3A_2926 : i1 to i32
      %sign3A_2928 = arith.subi %sign3A_2924, %sign3A_2927 : i32
      %ne3A_2929 = arith.cmpi ne, %sign3A_2921, %sign3A_2928 : i32
      %rem3A_2930 = arith.remsi %squeeze3A_2028, %jit3A_2913 : i32
      %ne3A_2931 = arith.constant 0 : i32
      %ne3A_2932 = arith.cmpi ne, %rem3A_2930, %ne3A_2931 : i32
      %and3A_2933 = arith.andi %ne3A_2929, %ne3A_2932 : i1
      %sub3A_2934 = arith.constant 1 : i32
      %sub3A_2935 = arith.subi %div3A_2914, %sub3A_2934 : i32
      %select_n3A_2936 = arith.select %and3A_2933, %sub3A_2935, %div3A_2914 : i32
      %mul3A_2937 = arith.constant 4 : i32
      %mul3A_2938 = arith.muli %select_n3A_2936, %mul3A_2937 : i32
      %add3A_2939 = arith.constant 1 : i32
      %add3A_2940 = arith.addi %mul3A_2938, %add3A_2939 : i32
      %get3A_2941 = arith.index_cast %add3A_2940 : i32 to index
      %get3A_2942 = arith.constant 96 : index
      %get3A_2943 = tpu.vector_load %arg7[%get3A_2941, %get3A_2942] {strides = array<i32>} : memref<131x256xf32, #tpu.memory_space<vmem>>, vector<1x16xf32>,
      %get3A_2944 = vector.shape_cast %get3A_2943 : vector<1x16xf32> to vector<16xf32>
      %select_n3A_2945 = arith.select %gt3A_2708, %get3A_2944, %broadcast_in_dim3A_2160 : vector<16xf32>
      %add3A_2946 = arith.addf %add3A_2400, %select_n3A_2945 : vector<16xf32>
      %jit3A_2947 = arith.constant 4 : i32
      %div3A_2948 = arith.divsi %squeeze3A_2028, %jit3A_2947 : i32
      %sign3A_2949 = arith.constant 0 : i32
      %sign3A_2950 = arith.cmpi sgt, %squeeze3A_2028, %sign3A_2949 : i32
      %sign3A_2951 = arith.extui %sign3A_2950 : i1 to i32
      %sign3A_2952 = arith.constant 0 : i32
      %sign3A_2953 = arith.cmpi slt, %squeeze3A_2028, %sign3A_2952 : i32
      %sign3A_2954 = arith.extui %sign3A_2953 : i1 to i32
      %sign3A_2955 = arith.subi %sign3A_2951, %sign3A_2954 : i32
      %sign3A_2956 = arith.constant 0 : i32
      %sign3A_2957 = arith.cmpi sgt, %jit3A_2947, %sign3A_2956 : i32
      %sign3A_2958 = arith.extui %sign3A_2957 : i1 to i32
      %sign3A_2959 = arith.constant 0 : i32
      %sign3A_2960 = arith.cmpi slt, %jit3A_2947, %sign3A_2959 : i32
      %sign3A_2961 = arith.extui %sign3A_2960 : i1 to i32
      %sign3A_2962 = arith.subi %sign3A_2958, %sign3A_2961 : i32
      %ne3A_2963 = arith.cmpi ne, %sign3A_2955, %sign3A_2962 : i32
      %rem3A_2964 = arith.remsi %squeeze3A_2028, %jit3A_2947 : i32
      %ne3A_2965 = arith.constant 0 : i32
      %ne3A_2966 = arith.cmpi ne, %rem3A_2964, %ne3A_2965 : i32
      %and3A_2967 = arith.andi %ne3A_2963, %ne3A_2966 : i1
      %sub3A_2968 = arith.constant 1 : i32
      %sub3A_2969 = arith.subi %div3A_2948, %sub3A_2968 : i32
      %select_n3A_2970 = arith.select %and3A_2967, %sub3A_2969, %div3A_2948 : i32
      %mul3A_2971 = arith.constant 4 : i32
      %mul3A_2972 = arith.muli %select_n3A_2970, %mul3A_2971 : i32
      %add3A_2973 = arith.constant 1 : i32
      %add3A_2974 = arith.addi %mul3A_2972, %add3A_2973 : i32
      %get3A_2975 = arith.index_cast %add3A_2974 : i32 to index
      %get3A_2976 = arith.constant 112 : index
      %get3A_2977 = tpu.vector_load %arg7[%get3A_2975, %get3A_2976] {strides = array<i32>} : memref<131x256xf32, #tpu.memory_space<vmem>>, vector<1x16xf32>,
      %get3A_2978 = vector.shape_cast %get3A_2977 : vector<1x16xf32> to vector<16xf32>
      %select_n3A_2979 = arith.select %gt3A_2708, %get3A_2978, %broadcast_in_dim3A_2160 : vector<16xf32>
      %add3A_2980 = arith.addf %add3A_2434, %select_n3A_2979 : vector<16xf32>
      %jit3A_2981 = arith.constant 4 : i32
      %div3A_2982 = arith.divsi %squeeze3A_2028, %jit3A_2981 : i32
      %sign3A_2983 = arith.constant 0 : i32
      %sign3A_2984 = arith.cmpi sgt, %squeeze3A_2028, %sign3A_2983 : i32
      %sign3A_2985 = arith.extui %sign3A_2984 : i1 to i32
      %sign3A_2986 = arith.constant 0 : i32
      %sign3A_2987 = arith.cmpi slt, %squeeze3A_2028, %sign3A_2986 : i32
      %sign3A_2988 = arith.extui %sign3A_2987 : i1 to i32
      %sign3A_2989 = arith.subi %sign3A_2985, %sign3A_2988 : i32
      %sign3A_2990 = arith.constant 0 : i32
      %sign3A_2991 = arith.cmpi sgt, %jit3A_2981, %sign3A_2990 : i32
      %sign3A_2992 = arith.extui %sign3A_2991 : i1 to i32
      %sign3A_2993 = arith.constant 0 : i32
      %sign3A_2994 = arith.cmpi slt, %jit3A_2981, %sign3A_2993 : i32
      %sign3A_2995 = arith.extui %sign3A_2994 : i1 to i32
      %sign3A_2996 = arith.subi %sign3A_2992, %sign3A_2995 : i32
      %ne3A_2997 = arith.cmpi ne, %sign3A_2989, %sign3A_2996 : i32
      %rem3A_2998 = arith.remsi %squeeze3A_2028, %jit3A_2981 : i32
      %ne3A_2999 = arith.constant 0 : i32
      %ne3A_3000 = arith.cmpi ne, %rem3A_2998, %ne3A_2999 : i32
      %and3A_3001 = arith.andi %ne3A_2997, %ne3A_3000 : i1
      %sub3A_3002 = arith.constant 1 : i32
      %sub3A_3003 = arith.subi %div3A_2982, %sub3A_3002 : i32
      %select_n3A_3004 = arith.select %and3A_3001, %sub3A_3003, %div3A_2982 : i32
      %mul3A_3005 = arith.constant 4 : i32
      %mul3A_3006 = arith.muli %select_n3A_3004, %mul3A_3005 : i32
      %add3A_3007 = arith.constant 1 : i32
      %add3A_3008 = arith.addi %mul3A_3006, %add3A_3007 : i32
      %get3A_3009 = arith.index_cast %add3A_3008 : i32 to index
      %get3A_3010 = arith.constant 128 : index
      %get3A_3011 = tpu.vector_load %arg7[%get3A_3009, %get3A_3010] {strides = array<i32>} : memref<131x256xf32, #tpu.memory_space<vmem>>, vector<1x16xf32>,
      %get3A_3012 = vector.shape_cast %get3A_3011 : vector<1x16xf32> to vector<16xf32>
      %select_n3A_3013 = arith.select %gt3A_2708, %get3A_3012, %broadcast_in_dim3A_2160 : vector<16xf32>
      %add3A_3014 = arith.addf %add3A_2468, %select_n3A_3013 : vector<16xf32>
      %jit3A_3015 = arith.constant 4 : i32
      %div3A_3016 = arith.divsi %squeeze3A_2028, %jit3A_3015 : i32
      %sign3A_3017 = arith.constant 0 : i32
      %sign3A_3018 = arith.cmpi sgt, %squeeze3A_2028, %sign3A_3017 : i32
      %sign3A_3019 = arith.extui %sign3A_3018 : i1 to i32
      %sign3A_3020 = arith.constant 0 : i32
      %sign3A_3021 = arith.cmpi slt, %squeeze3A_2028, %sign3A_3020 : i32
      %sign3A_3022 = arith.extui %sign3A_3021 : i1 to i32
      %sign3A_3023 = arith.subi %sign3A_3019, %sign3A_3022 : i32
      %sign3A_3024 = arith.constant 0 : i32
      %sign3A_3025 = arith.cmpi sgt, %jit3A_3015, %sign3A_3024 : i32
      %sign3A_3026 = arith.extui %sign3A_3025 : i1 to i32
      %sign3A_3027 = arith.constant 0 : i32
      %sign3A_3028 = arith.cmpi slt, %jit3A_3015, %sign3A_3027 : i32
      %sign3A_3029 = arith.extui %sign3A_3028 : i1 to i32
      %sign3A_3030 = arith.subi %sign3A_3026, %sign3A_3029 : i32
      %ne3A_3031 = arith.cmpi ne, %sign3A_3023, %sign3A_3030 : i32
      %rem3A_3032 = arith.remsi %squeeze3A_2028, %jit3A_3015 : i32
      %ne3A_3033 = arith.constant 0 : i32
      %ne3A_3034 = arith.cmpi ne, %rem3A_3032, %ne3A_3033 : i32
      %and3A_3035 = arith.andi %ne3A_3031, %ne3A_3034 : i1
      %sub3A_3036 = arith.constant 1 : i32
      %sub3A_3037 = arith.subi %div3A_3016, %sub3A_3036 : i32
      %select_n3A_3038 = arith.select %and3A_3035, %sub3A_3037, %div3A_3016 : i32
      %mul3A_3039 = arith.constant 4 : i32
      %mul3A_3040 = arith.muli %select_n3A_3038, %mul3A_3039 : i32
      %add3A_3041 = arith.constant 1 : i32
      %add3A_3042 = arith.addi %mul3A_3040, %add3A_3041 : i32
      %get3A_3043 = arith.index_cast %add3A_3042 : i32 to index
      %get3A_3044 = arith.constant 144 : index
      %get3A_3045 = tpu.vector_load %arg7[%get3A_3043, %get3A_3044] {strides = array<i32>} : memref<131x256xf32, #tpu.memory_space<vmem>>, vector<1x16xf32>,
      %get3A_3046 = vector.shape_cast %get3A_3045 : vector<1x16xf32> to vector<16xf32>
      %select_n3A_3047 = arith.select %gt3A_2708, %get3A_3046, %broadcast_in_dim3A_2160 : vector<16xf32>
      %add3A_3048 = arith.addf %add3A_2502, %select_n3A_3047 : vector<16xf32>
      %jit3A_3049 = arith.constant 4 : i32
      %div3A_3050 = arith.divsi %squeeze3A_2028, %jit3A_3049 : i32
      %sign3A_3051 = arith.constant 0 : i32
      %sign3A_3052 = arith.cmpi sgt, %squeeze3A_2028, %sign3A_3051 : i32
      %sign3A_3053 = arith.extui %sign3A_3052 : i1 to i32
      %sign3A_3054 = arith.constant 0 : i32
      %sign3A_3055 = arith.cmpi slt, %squeeze3A_2028, %sign3A_3054 : i32
      %sign3A_3056 = arith.extui %sign3A_3055 : i1 to i32
      %sign3A_3057 = arith.subi %sign3A_3053, %sign3A_3056 : i32
      %sign3A_3058 = arith.constant 0 : i32
      %sign3A_3059 = arith.cmpi sgt, %jit3A_3049, %sign3A_3058 : i32
      %sign3A_3060 = arith.extui %sign3A_3059 : i1 to i32
      %sign3A_3061 = arith.constant 0 : i32
      %sign3A_3062 = arith.cmpi slt, %jit3A_3049, %sign3A_3061 : i32
      %sign3A_3063 = arith.extui %sign3A_3062 : i1 to i32
      %sign3A_3064 = arith.subi %sign3A_3060, %sign3A_3063 : i32
      %ne3A_3065 = arith.cmpi ne, %sign3A_3057, %sign3A_3064 : i32
      %rem3A_3066 = arith.remsi %squeeze3A_2028, %jit3A_3049 : i32
      %ne3A_3067 = arith.constant 0 : i32
      %ne3A_3068 = arith.cmpi ne, %rem3A_3066, %ne3A_3067 : i32
      %and3A_3069 = arith.andi %ne3A_3065, %ne3A_3068 : i1
      %sub3A_3070 = arith.constant 1 : i32
      %sub3A_3071 = arith.subi %div3A_3050, %sub3A_3070 : i32
      %select_n3A_3072 = arith.select %and3A_3069, %sub3A_3071, %div3A_3050 : i32
      %mul3A_3073 = arith.constant 4 : i32
      %mul3A_3074 = arith.muli %select_n3A_3072, %mul3A_3073 : i32
      %add3A_3075 = arith.constant 1 : i32
      %add3A_3076 = arith.addi %mul3A_3074, %add3A_3075 : i32
      %get3A_3077 = arith.index_cast %add3A_3076 : i32 to index
      %get3A_3078 = arith.constant 160 : index
      %get3A_3079 = tpu.vector_load %arg7[%get3A_3077, %get3A_3078] {strides = array<i32>} : memref<131x256xf32, #tpu.memory_space<vmem>>, vector<1x16xf32>,
      %get3A_3080 = vector.shape_cast %get3A_3079 : vector<1x16xf32> to vector<16xf32>
      %select_n3A_3081 = arith.select %gt3A_2708, %get3A_3080, %broadcast_in_dim3A_2160 : vector<16xf32>
      %add3A_3082 = arith.addf %add3A_2536, %select_n3A_3081 : vector<16xf32>
      %jit3A_3083 = arith.constant 4 : i32
      %div3A_3084 = arith.divsi %squeeze3A_2028, %jit3A_3083 : i32
      %sign3A_3085 = arith.constant 0 : i32
      %sign3A_3086 = arith.cmpi sgt, %squeeze3A_2028, %sign3A_3085 : i32
      %sign3A_3087 = arith.extui %sign3A_3086 : i1 to i32
      %sign3A_3088 = arith.constant 0 : i32
      %sign3A_3089 = arith.cmpi slt, %squeeze3A_2028, %sign3A_3088 : i32
      %sign3A_3090 = arith.extui %sign3A_3089 : i1 to i32
      %sign3A_3091 = arith.subi %sign3A_3087, %sign3A_3090 : i32
      %sign3A_3092 = arith.constant 0 : i32
      %sign3A_3093 = arith.cmpi sgt, %jit3A_3083, %sign3A_3092 : i32
      %sign3A_3094 = arith.extui %sign3A_3093 : i1 to i32
      %sign3A_3095 = arith.constant 0 : i32
      %sign3A_3096 = arith.cmpi slt, %jit3A_3083, %sign3A_3095 : i32
      %sign3A_3097 = arith.extui %sign3A_3096 : i1 to i32
      %sign3A_3098 = arith.subi %sign3A_3094, %sign3A_3097 : i32
      %ne3A_3099 = arith.cmpi ne, %sign3A_3091, %sign3A_3098 : i32
      %rem3A_3100 = arith.remsi %squeeze3A_2028, %jit3A_3083 : i32
      %ne3A_3101 = arith.constant 0 : i32
      %ne3A_3102 = arith.cmpi ne, %rem3A_3100, %ne3A_3101 : i32
      %and3A_3103 = arith.andi %ne3A_3099, %ne3A_3102 : i1
      %sub3A_3104 = arith.constant 1 : i32
      %sub3A_3105 = arith.subi %div3A_3084, %sub3A_3104 : i32
      %select_n3A_3106 = arith.select %and3A_3103, %sub3A_3105, %div3A_3084 : i32
      %mul3A_3107 = arith.constant 4 : i32
      %mul3A_3108 = arith.muli %select_n3A_3106, %mul3A_3107 : i32
      %add3A_3109 = arith.constant 1 : i32
      %add3A_3110 = arith.addi %mul3A_3108, %add3A_3109 : i32
      %get3A_3111 = arith.index_cast %add3A_3110 : i32 to index
      %get3A_3112 = arith.constant 176 : index
      %get3A_3113 = tpu.vector_load %arg7[%get3A_3111, %get3A_3112] {strides = array<i32>} : memref<131x256xf32, #tpu.memory_space<vmem>>, vector<1x16xf32>,
      %get3A_3114 = vector.shape_cast %get3A_3113 : vector<1x16xf32> to vector<16xf32>
      %select_n3A_3115 = arith.select %gt3A_2708, %get3A_3114, %broadcast_in_dim3A_2160 : vector<16xf32>
      %add3A_3116 = arith.addf %add3A_2570, %select_n3A_3115 : vector<16xf32>
      %jit3A_3117 = arith.constant 4 : i32
      %div3A_3118 = arith.divsi %squeeze3A_2028, %jit3A_3117 : i32
      %sign3A_3119 = arith.constant 0 : i32
      %sign3A_3120 = arith.cmpi sgt, %squeeze3A_2028, %sign3A_3119 : i32
      %sign3A_3121 = arith.extui %sign3A_3120 : i1 to i32
      %sign3A_3122 = arith.constant 0 : i32
      %sign3A_3123 = arith.cmpi slt, %squeeze3A_2028, %sign3A_3122 : i32
      %sign3A_3124 = arith.extui %sign3A_3123 : i1 to i32
      %sign3A_3125 = arith.subi %sign3A_3121, %sign3A_3124 : i32
      %sign3A_3126 = arith.constant 0 : i32
      %sign3A_3127 = arith.cmpi sgt, %jit3A_3117, %sign3A_3126 : i32
      %sign3A_3128 = arith.extui %sign3A_3127 : i1 to i32
      %sign3A_3129 = arith.constant 0 : i32
      %sign3A_3130 = arith.cmpi slt, %jit3A_3117, %sign3A_3129 : i32
      %sign3A_3131 = arith.extui %sign3A_3130 : i1 to i32
      %sign3A_3132 = arith.subi %sign3A_3128, %sign3A_3131 : i32
      %ne3A_3133 = arith.cmpi ne, %sign3A_3125, %sign3A_3132 : i32
      %rem3A_3134 = arith.remsi %squeeze3A_2028, %jit3A_3117 : i32
      %ne3A_3135 = arith.constant 0 : i32
      %ne3A_3136 = arith.cmpi ne, %rem3A_3134, %ne3A_3135 : i32
      %and3A_3137 = arith.andi %ne3A_3133, %ne3A_3136 : i1
      %sub3A_3138 = arith.constant 1 : i32
      %sub3A_3139 = arith.subi %div3A_3118, %sub3A_3138 : i32
      %select_n3A_3140 = arith.select %and3A_3137, %sub3A_3139, %div3A_3118 : i32
      %mul3A_3141 = arith.constant 4 : i32
      %mul3A_3142 = arith.muli %select_n3A_3140, %mul3A_3141 : i32
      %add3A_3143 = arith.constant 1 : i32
      %add3A_3144 = arith.addi %mul3A_3142, %add3A_3143 : i32
      %get3A_3145 = arith.index_cast %add3A_3144 : i32 to index
      %get3A_3146 = arith.constant 192 : index
      %get3A_3147 = tpu.vector_load %arg7[%get3A_3145, %get3A_3146] {strides = array<i32>} : memref<131x256xf32, #tpu.memory_space<vmem>>, vector<1x16xf32>,
      %get3A_3148 = vector.shape_cast %get3A_3147 : vector<1x16xf32> to vector<16xf32>
      %select_n3A_3149 = arith.select %gt3A_2708, %get3A_3148, %broadcast_in_dim3A_2160 : vector<16xf32>
      %add3A_3150 = arith.addf %add3A_2604, %select_n3A_3149 : vector<16xf32>
      %jit3A_3151 = arith.constant 4 : i32
      %div3A_3152 = arith.divsi %squeeze3A_2028, %jit3A_3151 : i32
      %sign3A_3153 = arith.constant 0 : i32
      %sign3A_3154 = arith.cmpi sgt, %squeeze3A_2028, %sign3A_3153 : i32
      %sign3A_3155 = arith.extui %sign3A_3154 : i1 to i32
      %sign3A_3156 = arith.constant 0 : i32
      %sign3A_3157 = arith.cmpi slt, %squeeze3A_2028, %sign3A_3156 : i32
      %sign3A_3158 = arith.extui %sign3A_3157 : i1 to i32
      %sign3A_3159 = arith.subi %sign3A_3155, %sign3A_3158 : i32
      %sign3A_3160 = arith.constant 0 : i32
      %sign3A_3161 = arith.cmpi sgt, %jit3A_3151, %sign3A_3160 : i32
      %sign3A_3162 = arith.extui %sign3A_3161 : i1 to i32
      %sign3A_3163 = arith.constant 0 : i32
      %sign3A_3164 = arith.cmpi slt, %jit3A_3151, %sign3A_3163 : i32
      %sign3A_3165 = arith.extui %sign3A_3164 : i1 to i32
      %sign3A_3166 = arith.subi %sign3A_3162, %sign3A_3165 : i32
      %ne3A_3167 = arith.cmpi ne, %sign3A_3159, %sign3A_3166 : i32
      %rem3A_3168 = arith.remsi %squeeze3A_2028, %jit3A_3151 : i32
      %ne3A_3169 = arith.constant 0 : i32
      %ne3A_3170 = arith.cmpi ne, %rem3A_3168, %ne3A_3169 : i32
      %and3A_3171 = arith.andi %ne3A_3167, %ne3A_3170 : i1
      %sub3A_3172 = arith.constant 1 : i32
      %sub3A_3173 = arith.subi %div3A_3152, %sub3A_3172 : i32
      %select_n3A_3174 = arith.select %and3A_3171, %sub3A_3173, %div3A_3152 : i32
      %mul3A_3175 = arith.constant 4 : i32
      %mul3A_3176 = arith.muli %select_n3A_3174, %mul3A_3175 : i32
      %add3A_3177 = arith.constant 1 : i32
      %add3A_3178 = arith.addi %mul3A_3176, %add3A_3177 : i32
      %get3A_3179 = arith.index_cast %add3A_3178 : i32 to index
      %get3A_3180 = arith.constant 208 : index
      %get3A_3181 = tpu.vector_load %arg7[%get3A_3179, %get3A_3180] {strides = array<i32>} : memref<131x256xf32, #tpu.memory_space<vmem>>, vector<1x16xf32>,
      %get3A_3182 = vector.shape_cast %get3A_3181 : vector<1x16xf32> to vector<16xf32>
      %select_n3A_3183 = arith.select %gt3A_2708, %get3A_3182, %broadcast_in_dim3A_2160 : vector<16xf32>
      %add3A_3184 = arith.addf %add3A_2638, %select_n3A_3183 : vector<16xf32>
      %jit3A_3185 = arith.constant 4 : i32
      %div3A_3186 = arith.divsi %squeeze3A_2028, %jit3A_3185 : i32
      %sign3A_3187 = arith.constant 0 : i32
      %sign3A_3188 = arith.cmpi sgt, %squeeze3A_2028, %sign3A_3187 : i32
      %sign3A_3189 = arith.extui %sign3A_3188 : i1 to i32
      %sign3A_3190 = arith.constant 0 : i32
      %sign3A_3191 = arith.cmpi slt, %squeeze3A_2028, %sign3A_3190 : i32
      %sign3A_3192 = arith.extui %sign3A_3191 : i1 to i32
      %sign3A_3193 = arith.subi %sign3A_3189, %sign3A_3192 : i32
      %sign3A_3194 = arith.constant 0 : i32
      %sign3A_3195 = arith.cmpi sgt, %jit3A_3185, %sign3A_3194 : i32
      %sign3A_3196 = arith.extui %sign3A_3195 : i1 to i32
      %sign3A_3197 = arith.constant 0 : i32
      %sign3A_3198 = arith.cmpi slt, %jit3A_3185, %sign3A_3197 : i32
      %sign3A_3199 = arith.extui %sign3A_3198 : i1 to i32
      %sign3A_3200 = arith.subi %sign3A_3196, %sign3A_3199 : i32
      %ne3A_3201 = arith.cmpi ne, %sign3A_3193, %sign3A_3200 : i32
      %rem3A_3202 = arith.remsi %squeeze3A_2028, %jit3A_3185 : i32
      %ne3A_3203 = arith.constant 0 : i32
      %ne3A_3204 = arith.cmpi ne, %rem3A_3202, %ne3A_3203 : i32
      %and3A_3205 = arith.andi %ne3A_3201, %ne3A_3204 : i1
      %sub3A_3206 = arith.constant 1 : i32
      %sub3A_3207 = arith.subi %div3A_3186, %sub3A_3206 : i32
      %select_n3A_3208 = arith.select %and3A_3205, %sub3A_3207, %div3A_3186 : i32
      %mul3A_3209 = arith.constant 4 : i32
      %mul3A_3210 = arith.muli %select_n3A_3208, %mul3A_3209 : i32
      %add3A_3211 = arith.constant 1 : i32
      %add3A_3212 = arith.addi %mul3A_3210, %add3A_3211 : i32
      %get3A_3213 = arith.index_cast %add3A_3212 : i32 to index
      %get3A_3214 = arith.constant 224 : index
      %get3A_3215 = tpu.vector_load %arg7[%get3A_3213, %get3A_3214] {strides = array<i32>} : memref<131x256xf32, #tpu.memory_space<vmem>>, vector<1x16xf32>,
      %get3A_3216 = vector.shape_cast %get3A_3215 : vector<1x16xf32> to vector<16xf32>
      %select_n3A_3217 = arith.select %gt3A_2708, %get3A_3216, %broadcast_in_dim3A_2160 : vector<16xf32>
      %add3A_3218 = arith.addf %add3A_2672, %select_n3A_3217 : vector<16xf32>
      %jit3A_3219 = arith.constant 4 : i32
      %div3A_3220 = arith.divsi %squeeze3A_2028, %jit3A_3219 : i32
      %sign3A_3221 = arith.constant 0 : i32
      %sign3A_3222 = arith.cmpi sgt, %squeeze3A_2028, %sign3A_3221 : i32
      %sign3A_3223 = arith.extui %sign3A_3222 : i1 to i32
      %sign3A_3224 = arith.constant 0 : i32
      %sign3A_3225 = arith.cmpi slt, %squeeze3A_2028, %sign3A_3224 : i32
      %sign3A_3226 = arith.extui %sign3A_3225 : i1 to i32
      %sign3A_3227 = arith.subi %sign3A_3223, %sign3A_3226 : i32
      %sign3A_3228 = arith.constant 0 : i32
      %sign3A_3229 = arith.cmpi sgt, %jit3A_3219, %sign3A_3228 : i32
      %sign3A_3230 = arith.extui %sign3A_3229 : i1 to i32
      %sign3A_3231 = arith.constant 0 : i32
      %sign3A_3232 = arith.cmpi slt, %jit3A_3219, %sign3A_3231 : i32
      %sign3A_3233 = arith.extui %sign3A_3232 : i1 to i32
      %sign3A_3234 = arith.subi %sign3A_3230, %sign3A_3233 : i32
      %ne3A_3235 = arith.cmpi ne, %sign3A_3227, %sign3A_3234 : i32
      %rem3A_3236 = arith.remsi %squeeze3A_2028, %jit3A_3219 : i32
      %ne3A_3237 = arith.constant 0 : i32
      %ne3A_3238 = arith.cmpi ne, %rem3A_3236, %ne3A_3237 : i32
      %and3A_3239 = arith.andi %ne3A_3235, %ne3A_3238 : i1
      %sub3A_3240 = arith.constant 1 : i32
      %sub3A_3241 = arith.subi %div3A_3220, %sub3A_3240 : i32
      %select_n3A_3242 = arith.select %and3A_3239, %sub3A_3241, %div3A_3220 : i32
      %mul3A_3243 = arith.constant 4 : i32
      %mul3A_3244 = arith.muli %select_n3A_3242, %mul3A_3243 : i32
      %add3A_3245 = arith.constant 1 : i32
      %add3A_3246 = arith.addi %mul3A_3244, %add3A_3245 : i32
      %get3A_3247 = arith.index_cast %add3A_3246 : i32 to index
      %get3A_3248 = arith.constant 240 : index
      %get3A_3249 = tpu.vector_load %arg7[%get3A_3247, %get3A_3248] {strides = array<i32>} : memref<131x256xf32, #tpu.memory_space<vmem>>, vector<1x16xf32>,
      %get3A_3250 = vector.shape_cast %get3A_3249 : vector<1x16xf32> to vector<16xf32>
      %select_n3A_3251 = arith.select %gt3A_2708, %get3A_3250, %broadcast_in_dim3A_2160 : vector<16xf32>
      %add3A_3252 = arith.addf %add3A_2706, %select_n3A_3251 : vector<16xf32>
      %gt3A_3253 = arith.constant 2 : i32
      %gt3A_3254 = arith.cmpi sgt, %sub3A_2158, %gt3A_3253 : i32
      %jit3A_3255 = arith.constant 4 : i32
      %div3A_3256 = arith.divsi %squeeze3A_2028, %jit3A_3255 : i32
      %sign3A_3257 = arith.constant 0 : i32
      %sign3A_3258 = arith.cmpi sgt, %squeeze3A_2028, %sign3A_3257 : i32
      %sign3A_3259 = arith.extui %sign3A_3258 : i1 to i32
      %sign3A_3260 = arith.constant 0 : i32
      %sign3A_3261 = arith.cmpi slt, %squeeze3A_2028, %sign3A_3260 : i32
      %sign3A_3262 = arith.extui %sign3A_3261 : i1 to i32
      %sign3A_3263 = arith.subi %sign3A_3259, %sign3A_3262 : i32
      %sign3A_3264 = arith.constant 0 : i32
      %sign3A_3265 = arith.cmpi sgt, %jit3A_3255, %sign3A_3264 : i32
      %sign3A_3266 = arith.extui %sign3A_3265 : i1 to i32
      %sign3A_3267 = arith.constant 0 : i32
      %sign3A_3268 = arith.cmpi slt, %jit3A_3255, %sign3A_3267 : i32
      %sign3A_3269 = arith.extui %sign3A_3268 : i1 to i32
      %sign3A_3270 = arith.subi %sign3A_3266, %sign3A_3269 : i32
      %ne3A_3271 = arith.cmpi ne, %sign3A_3263, %sign3A_3270 : i32
      %rem3A_3272 = arith.remsi %squeeze3A_2028, %jit3A_3255 : i32
      %ne3A_3273 = arith.constant 0 : i32
      %ne3A_3274 = arith.cmpi ne, %rem3A_3272, %ne3A_3273 : i32
      %and3A_3275 = arith.andi %ne3A_3271, %ne3A_3274 : i1
      %sub3A_3276 = arith.constant 1 : i32
      %sub3A_3277 = arith.subi %div3A_3256, %sub3A_3276 : i32
      %select_n3A_3278 = arith.select %and3A_3275, %sub3A_3277, %div3A_3256 : i32
      %mul3A_3279 = arith.constant 4 : i32
      %mul3A_3280 = arith.muli %select_n3A_3278, %mul3A_3279 : i32
      %add3A_3281 = arith.constant 2 : i32
      %add3A_3282 = arith.addi %mul3A_3280, %add3A_3281 : i32
      %get3A_3283 = arith.index_cast %add3A_3282 : i32 to index
      %get3A_3284 = arith.constant 0 : index
      %get3A_3285 = tpu.vector_load %arg7[%get3A_3283, %get3A_3284] {strides = array<i32>} : memref<131x256xf32, #tpu.memory_space<vmem>>, vector<1x16xf32>,
      %get3A_3286 = vector.shape_cast %get3A_3285 : vector<1x16xf32> to vector<16xf32>
      %select_n3A_3287 = arith.select %gt3A_3254, %get3A_3286, %broadcast_in_dim3A_2160 : vector<16xf32>
      %add3A_3288 = arith.addf %add3A_2742, %select_n3A_3287 : vector<16xf32>
      %jit3A_3289 = arith.constant 4 : i32
      %div3A_3290 = arith.divsi %squeeze3A_2028, %jit3A_3289 : i32
      %sign3A_3291 = arith.constant 0 : i32
      %sign3A_3292 = arith.cmpi sgt, %squeeze3A_2028, %sign3A_3291 : i32
      %sign3A_3293 = arith.extui %sign3A_3292 : i1 to i32
      %sign3A_3294 = arith.constant 0 : i32
      %sign3A_3295 = arith.cmpi slt, %squeeze3A_2028, %sign3A_3294 : i32
      %sign3A_3296 = arith.extui %sign3A_3295 : i1 to i32
      %sign3A_3297 = arith.subi %sign3A_3293, %sign3A_3296 : i32
      %sign3A_3298 = arith.constant 0 : i32
      %sign3A_3299 = arith.cmpi sgt, %jit3A_3289, %sign3A_3298 : i32
      %sign3A_3300 = arith.extui %sign3A_3299 : i1 to i32
      %sign3A_3301 = arith.constant 0 : i32
      %sign3A_3302 = arith.cmpi slt, %jit3A_3289, %sign3A_3301 : i32
      %sign3A_3303 = arith.extui %sign3A_3302 : i1 to i32
      %sign3A_3304 = arith.subi %sign3A_3300, %sign3A_3303 : i32
      %ne3A_3305 = arith.cmpi ne, %sign3A_3297, %sign3A_3304 : i32
      %rem3A_3306 = arith.remsi %squeeze3A_2028, %jit3A_3289 : i32
      %ne3A_3307 = arith.constant 0 : i32
      %ne3A_3308 = arith.cmpi ne, %rem3A_3306, %ne3A_3307 : i32
      %and3A_3309 = arith.andi %ne3A_3305, %ne3A_3308 : i1
      %sub3A_3310 = arith.constant 1 : i32
      %sub3A_3311 = arith.subi %div3A_3290, %sub3A_3310 : i32
      %select_n3A_3312 = arith.select %and3A_3309, %sub3A_3311, %div3A_3290 : i32
      %mul3A_3313 = arith.constant 4 : i32
      %mul3A_3314 = arith.muli %select_n3A_3312, %mul3A_3313 : i32
      %add3A_3315 = arith.constant 2 : i32
      %add3A_3316 = arith.addi %mul3A_3314, %add3A_3315 : i32
      %get3A_3317 = arith.index_cast %add3A_3316 : i32 to index
      %get3A_3318 = arith.constant 16 : index
      %get3A_3319 = tpu.vector_load %arg7[%get3A_3317, %get3A_3318] {strides = array<i32>} : memref<131x256xf32, #tpu.memory_space<vmem>>, vector<1x16xf32>,
      %get3A_3320 = vector.shape_cast %get3A_3319 : vector<1x16xf32> to vector<16xf32>
      %select_n3A_3321 = arith.select %gt3A_3254, %get3A_3320, %broadcast_in_dim3A_2160 : vector<16xf32>
      %add3A_3322 = arith.addf %add3A_2776, %select_n3A_3321 : vector<16xf32>
      %jit3A_3323 = arith.constant 4 : i32
      %div3A_3324 = arith.divsi %squeeze3A_2028, %jit3A_3323 : i32
      %sign3A_3325 = arith.constant 0 : i32
      %sign3A_3326 = arith.cmpi sgt, %squeeze3A_2028, %sign3A_3325 : i32
      %sign3A_3327 = arith.extui %sign3A_3326 : i1 to i32
      %sign3A_3328 = arith.constant 0 : i32
      %sign3A_3329 = arith.cmpi slt, %squeeze3A_2028, %sign3A_3328 : i32
      %sign3A_3330 = arith.extui %sign3A_3329 : i1 to i32
      %sign3A_3331 = arith.subi %sign3A_3327, %sign3A_3330 : i32
      %sign3A_3332 = arith.constant 0 : i32
      %sign3A_3333 = arith.cmpi sgt, %jit3A_3323, %sign3A_3332 : i32
      %sign3A_3334 = arith.extui %sign3A_3333 : i1 to i32
      %sign3A_3335 = arith.constant 0 : i32
      %sign3A_3336 = arith.cmpi slt, %jit3A_3323, %sign3A_3335 : i32
      %sign3A_3337 = arith.extui %sign3A_3336 : i1 to i32
      %sign3A_3338 = arith.subi %sign3A_3334, %sign3A_3337 : i32
      %ne3A_3339 = arith.cmpi ne, %sign3A_3331, %sign3A_3338 : i32
      %rem3A_3340 = arith.remsi %squeeze3A_2028, %jit3A_3323 : i32
      %ne3A_3341 = arith.constant 0 : i32
      %ne3A_3342 = arith.cmpi ne, %rem3A_3340, %ne3A_3341 : i32
      %and3A_3343 = arith.andi %ne3A_3339, %ne3A_3342 : i1
      %sub3A_3344 = arith.constant 1 : i32
      %sub3A_3345 = arith.subi %div3A_3324, %sub3A_3344 : i32
      %select_n3A_3346 = arith.select %and3A_3343, %sub3A_3345, %div3A_3324 : i32
      %mul3A_3347 = arith.constant 4 : i32
      %mul3A_3348 = arith.muli %select_n3A_3346, %mul3A_3347 : i32
      %add3A_3349 = arith.constant 2 : i32
      %add3A_3350 = arith.addi %mul3A_3348, %add3A_3349 : i32
      %get3A_3351 = arith.index_cast %add3A_3350 : i32 to index
      %get3A_3352 = arith.constant 32 : index
      %get3A_3353 = tpu.vector_load %arg7[%get3A_3351, %get3A_3352] {strides = array<i32>} : memref<131x256xf32, #tpu.memory_space<vmem>>, vector<1x16xf32>,
      %get3A_3354 = vector.shape_cast %get3A_3353 : vector<1x16xf32> to vector<16xf32>
      %select_n3A_3355 = arith.select %gt3A_3254, %get3A_3354, %broadcast_in_dim3A_2160 : vector<16xf32>
      %add3A_3356 = arith.addf %add3A_2810, %select_n3A_3355 : vector<16xf32>
      %jit3A_3357 = arith.constant 4 : i32
      %div3A_3358 = arith.divsi %squeeze3A_2028, %jit3A_3357 : i32
      %sign3A_3359 = arith.constant 0 : i32
      %sign3A_3360 = arith.cmpi sgt, %squeeze3A_2028, %sign3A_3359 : i32
      %sign3A_3361 = arith.extui %sign3A_3360 : i1 to i32
      %sign3A_3362 = arith.constant 0 : i32
      %sign3A_3363 = arith.cmpi slt, %squeeze3A_2028, %sign3A_3362 : i32
      %sign3A_3364 = arith.extui %sign3A_3363 : i1 to i32
      %sign3A_3365 = arith.subi %sign3A_3361, %sign3A_3364 : i32
      %sign3A_3366 = arith.constant 0 : i32
      %sign3A_3367 = arith.cmpi sgt, %jit3A_3357, %sign3A_3366 : i32
      %sign3A_3368 = arith.extui %sign3A_3367 : i1 to i32
      %sign3A_3369 = arith.constant 0 : i32
      %sign3A_3370 = arith.cmpi slt, %jit3A_3357, %sign3A_3369 : i32
      %sign3A_3371 = arith.extui %sign3A_3370 : i1 to i32
      %sign3A_3372 = arith.subi %sign3A_3368, %sign3A_3371 : i32
      %ne3A_3373 = arith.cmpi ne, %sign3A_3365, %sign3A_3372 : i32
      %rem3A_3374 = arith.remsi %squeeze3A_2028, %jit3A_3357 : i32
      %ne3A_3375 = arith.constant 0 : i32
      %ne3A_3376 = arith.cmpi ne, %rem3A_3374, %ne3A_3375 : i32
      %and3A_3377 = arith.andi %ne3A_3373, %ne3A_3376 : i1
      %sub3A_3378 = arith.constant 1 : i32
      %sub3A_3379 = arith.subi %div3A_3358, %sub3A_3378 : i32
      %select_n3A_3380 = arith.select %and3A_3377, %sub3A_3379, %div3A_3358 : i32
      %mul3A_3381 = arith.constant 4 : i32
      %mul3A_3382 = arith.muli %select_n3A_3380, %mul3A_3381 : i32
      %add3A_3383 = arith.constant 2 : i32
      %add3A_3384 = arith.addi %mul3A_3382, %add3A_3383 : i32
      %get3A_3385 = arith.index_cast %add3A_3384 : i32 to index
      %get3A_3386 = arith.constant 48 : index
      %get3A_3387 = tpu.vector_load %arg7[%get3A_3385, %get3A_3386] {strides = array<i32>} : memref<131x256xf32, #tpu.memory_space<vmem>>, vector<1x16xf32>,
      %get3A_3388 = vector.shape_cast %get3A_3387 : vector<1x16xf32> to vector<16xf32>
      %select_n3A_3389 = arith.select %gt3A_3254, %get3A_3388, %broadcast_in_dim3A_2160 : vector<16xf32>
      %add3A_3390 = arith.addf %add3A_2844, %select_n3A_3389 : vector<16xf32>
      %jit3A_3391 = arith.constant 4 : i32
      %div3A_3392 = arith.divsi %squeeze3A_2028, %jit3A_3391 : i32
      %sign3A_3393 = arith.constant 0 : i32
      %sign3A_3394 = arith.cmpi sgt, %squeeze3A_2028, %sign3A_3393 : i32
      %sign3A_3395 = arith.extui %sign3A_3394 : i1 to i32
      %sign3A_3396 = arith.constant 0 : i32
      %sign3A_3397 = arith.cmpi slt, %squeeze3A_2028, %sign3A_3396 : i32
      %sign3A_3398 = arith.extui %sign3A_3397 : i1 to i32
      %sign3A_3399 = arith.subi %sign3A_3395, %sign3A_3398 : i32
      %sign3A_3400 = arith.constant 0 : i32
      %sign3A_3401 = arith.cmpi sgt, %jit3A_3391, %sign3A_3400 : i32
      %sign3A_3402 = arith.extui %sign3A_3401 : i1 to i32
      %sign3A_3403 = arith.constant 0 : i32
      %sign3A_3404 = arith.cmpi slt, %jit3A_3391, %sign3A_3403 : i32
      %sign3A_3405 = arith.extui %sign3A_3404 : i1 to i32
      %sign3A_3406 = arith.subi %sign3A_3402, %sign3A_3405 : i32
      %ne3A_3407 = arith.cmpi ne, %sign3A_3399, %sign3A_3406 : i32
      %rem3A_3408 = arith.remsi %squeeze3A_2028, %jit3A_3391 : i32
      %ne3A_3409 = arith.constant 0 : i32
      %ne3A_3410 = arith.cmpi ne, %rem3A_3408, %ne3A_3409 : i32
      %and3A_3411 = arith.andi %ne3A_3407, %ne3A_3410 : i1
      %sub3A_3412 = arith.constant 1 : i32
      %sub3A_3413 = arith.subi %div3A_3392, %sub3A_3412 : i32
      %select_n3A_3414 = arith.select %and3A_3411, %sub3A_3413, %div3A_3392 : i32
      %mul3A_3415 = arith.constant 4 : i32
      %mul3A_3416 = arith.muli %select_n3A_3414, %mul3A_3415 : i32
      %add3A_3417 = arith.constant 2 : i32
      %add3A_3418 = arith.addi %mul3A_3416, %add3A_3417 : i32
      %get3A_3419 = arith.index_cast %add3A_3418 : i32 to index
      %get3A_3420 = arith.constant 64 : index
      %get3A_3421 = tpu.vector_load %arg7[%get3A_3419, %get3A_3420] {strides = array<i32>} : memref<131x256xf32, #tpu.memory_space<vmem>>, vector<1x16xf32>,
      %get3A_3422 = vector.shape_cast %get3A_3421 : vector<1x16xf32> to vector<16xf32>
      %select_n3A_3423 = arith.select %gt3A_3254, %get3A_3422, %broadcast_in_dim3A_2160 : vector<16xf32>
      %add3A_3424 = arith.addf %add3A_2878, %select_n3A_3423 : vector<16xf32>
      %jit3A_3425 = arith.constant 4 : i32
      %div3A_3426 = arith.divsi %squeeze3A_2028, %jit3A_3425 : i32
      %sign3A_3427 = arith.constant 0 : i32
      %sign3A_3428 = arith.cmpi sgt, %squeeze3A_2028, %sign3A_3427 : i32
      %sign3A_3429 = arith.extui %sign3A_3428 : i1 to i32
      %sign3A_3430 = arith.constant 0 : i32
      %sign3A_3431 = arith.cmpi slt, %squeeze3A_2028, %sign3A_3430 : i32
      %sign3A_3432 = arith.extui %sign3A_3431 : i1 to i32
      %sign3A_3433 = arith.subi %sign3A_3429, %sign3A_3432 : i32
      %sign3A_3434 = arith.constant 0 : i32
      %sign3A_3435 = arith.cmpi sgt, %jit3A_3425, %sign3A_3434 : i32
      %sign3A_3436 = arith.extui %sign3A_3435 : i1 to i32
      %sign3A_3437 = arith.constant 0 : i32
      %sign3A_3438 = arith.cmpi slt, %jit3A_3425, %sign3A_3437 : i32
      %sign3A_3439 = arith.extui %sign3A_3438 : i1 to i32
      %sign3A_3440 = arith.subi %sign3A_3436, %sign3A_3439 : i32
      %ne3A_3441 = arith.cmpi ne, %sign3A_3433, %sign3A_3440 : i32
      %rem3A_3442 = arith.remsi %squeeze3A_2028, %jit3A_3425 : i32
      %ne3A_3443 = arith.constant 0 : i32
      %ne3A_3444 = arith.cmpi ne, %rem3A_3442, %ne3A_3443 : i32
      %and3A_3445 = arith.andi %ne3A_3441, %ne3A_3444 : i1
      %sub3A_3446 = arith.constant 1 : i32
      %sub3A_3447 = arith.subi %div3A_3426, %sub3A_3446 : i32
      %select_n3A_3448 = arith.select %and3A_3445, %sub3A_3447, %div3A_3426 : i32
      %mul3A_3449 = arith.constant 4 : i32
      %mul3A_3450 = arith.muli %select_n3A_3448, %mul3A_3449 : i32
      %add3A_3451 = arith.constant 2 : i32
      %add3A_3452 = arith.addi %mul3A_3450, %add3A_3451 : i32
      %get3A_3453 = arith.index_cast %add3A_3452 : i32 to index
      %get3A_3454 = arith.constant 80 : index
      %get3A_3455 = tpu.vector_load %arg7[%get3A_3453, %get3A_3454] {strides = array<i32>} : memref<131x256xf32, #tpu.memory_space<vmem>>, vector<1x16xf32>,
      %get3A_3456 = vector.shape_cast %get3A_3455 : vector<1x16xf32> to vector<16xf32>
      %select_n3A_3457 = arith.select %gt3A_3254, %get3A_3456, %broadcast_in_dim3A_2160 : vector<16xf32>
      %add3A_3458 = arith.addf %add3A_2912, %select_n3A_3457 : vector<16xf32>
      %jit3A_3459 = arith.constant 4 : i32
      %div3A_3460 = arith.divsi %squeeze3A_2028, %jit3A_3459 : i32
      %sign3A_3461 = arith.constant 0 : i32
      %sign3A_3462 = arith.cmpi sgt, %squeeze3A_2028, %sign3A_3461 : i32
      %sign3A_3463 = arith.extui %sign3A_3462 : i1 to i32
      %sign3A_3464 = arith.constant 0 : i32
      %sign3A_3465 = arith.cmpi slt, %squeeze3A_2028, %sign3A_3464 : i32
      %sign3A_3466 = arith.extui %sign3A_3465 : i1 to i32
      %sign3A_3467 = arith.subi %sign3A_3463, %sign3A_3466 : i32
      %sign3A_3468 = arith.constant 0 : i32
      %sign3A_3469 = arith.cmpi sgt, %jit3A_3459, %sign3A_3468 : i32
      %sign3A_3470 = arith.extui %sign3A_3469 : i1 to i32
      %sign3A_3471 = arith.constant 0 : i32
      %sign3A_3472 = arith.cmpi slt, %jit3A_3459, %sign3A_3471 : i32
      %sign3A_3473 = arith.extui %sign3A_3472 : i1 to i32
      %sign3A_3474 = arith.subi %sign3A_3470, %sign3A_3473 : i32
      %ne3A_3475 = arith.cmpi ne, %sign3A_3467, %sign3A_3474 : i32
      %rem3A_3476 = arith.remsi %squeeze3A_2028, %jit3A_3459 : i32
      %ne3A_3477 = arith.constant 0 : i32
      %ne3A_3478 = arith.cmpi ne, %rem3A_3476, %ne3A_3477 : i32
      %and3A_3479 = arith.andi %ne3A_3475, %ne3A_3478 : i1
      %sub3A_3480 = arith.constant 1 : i32
      %sub3A_3481 = arith.subi %div3A_3460, %sub3A_3480 : i32
      %select_n3A_3482 = arith.select %and3A_3479, %sub3A_3481, %div3A_3460 : i32
      %mul3A_3483 = arith.constant 4 : i32
      %mul3A_3484 = arith.muli %select_n3A_3482, %mul3A_3483 : i32
      %add3A_3485 = arith.constant 2 : i32
      %add3A_3486 = arith.addi %mul3A_3484, %add3A_3485 : i32
      %get3A_3487 = arith.index_cast %add3A_3486 : i32 to index
      %get3A_3488 = arith.constant 96 : index
      %get3A_3489 = tpu.vector_load %arg7[%get3A_3487, %get3A_3488] {strides = array<i32>} : memref<131x256xf32, #tpu.memory_space<vmem>>, vector<1x16xf32>,
      %get3A_3490 = vector.shape_cast %get3A_3489 : vector<1x16xf32> to vector<16xf32>
      %select_n3A_3491 = arith.select %gt3A_3254, %get3A_3490, %broadcast_in_dim3A_2160 : vector<16xf32>
      %add3A_3492 = arith.addf %add3A_2946, %select_n3A_3491 : vector<16xf32>
      %jit3A_3493 = arith.constant 4 : i32
      %div3A_3494 = arith.divsi %squeeze3A_2028, %jit3A_3493 : i32
      %sign3A_3495 = arith.constant 0 : i32
      %sign3A_3496 = arith.cmpi sgt, %squeeze3A_2028, %sign3A_3495 : i32
      %sign3A_3497 = arith.extui %sign3A_3496 : i1 to i32
      %sign3A_3498 = arith.constant 0 : i32
      %sign3A_3499 = arith.cmpi slt, %squeeze3A_2028, %sign3A_3498 : i32
      %sign3A_3500 = arith.extui %sign3A_3499 : i1 to i32
      %sign3A_3501 = arith.subi %sign3A_3497, %sign3A_3500 : i32
      %sign3A_3502 = arith.constant 0 : i32
      %sign3A_3503 = arith.cmpi sgt, %jit3A_3493, %sign3A_3502 : i32
      %sign3A_3504 = arith.extui %sign3A_3503 : i1 to i32
      %sign3A_3505 = arith.constant 0 : i32
      %sign3A_3506 = arith.cmpi slt, %jit3A_3493, %sign3A_3505 : i32
      %sign3A_3507 = arith.extui %sign3A_3506 : i1 to i32
      %sign3A_3508 = arith.subi %sign3A_3504, %sign3A_3507 : i32
      %ne3A_3509 = arith.cmpi ne, %sign3A_3501, %sign3A_3508 : i32
      %rem3A_3510 = arith.remsi %squeeze3A_2028, %jit3A_3493 : i32
      %ne3A_3511 = arith.constant 0 : i32
      %ne3A_3512 = arith.cmpi ne, %rem3A_3510, %ne3A_3511 : i32
      %and3A_3513 = arith.andi %ne3A_3509, %ne3A_3512 : i1
      %sub3A_3514 = arith.constant 1 : i32
      %sub3A_3515 = arith.subi %div3A_3494, %sub3A_3514 : i32
      %select_n3A_3516 = arith.select %and3A_3513, %sub3A_3515, %div3A_3494 : i32
      %mul3A_3517 = arith.constant 4 : i32
      %mul3A_3518 = arith.muli %select_n3A_3516, %mul3A_3517 : i32
      %add3A_3519 = arith.constant 2 : i32
      %add3A_3520 = arith.addi %mul3A_3518, %add3A_3519 : i32
      %get3A_3521 = arith.index_cast %add3A_3520 : i32 to index
      %get3A_3522 = arith.constant 112 : index
      %get3A_3523 = tpu.vector_load %arg7[%get3A_3521, %get3A_3522] {strides = array<i32>} : memref<131x256xf32, #tpu.memory_space<vmem>>, vector<1x16xf32>,
      %get3A_3524 = vector.shape_cast %get3A_3523 : vector<1x16xf32> to vector<16xf32>
      %select_n3A_3525 = arith.select %gt3A_3254, %get3A_3524, %broadcast_in_dim3A_2160 : vector<16xf32>
      %add3A_3526 = arith.addf %add3A_2980, %select_n3A_3525 : vector<16xf32>
      %jit3A_3527 = arith.constant 4 : i32
      %div3A_3528 = arith.divsi %squeeze3A_2028, %jit3A_3527 : i32
      %sign3A_3529 = arith.constant 0 : i32
      %sign3A_3530 = arith.cmpi sgt, %squeeze3A_2028, %sign3A_3529 : i32
      %sign3A_3531 = arith.extui %sign3A_3530 : i1 to i32
      %sign3A_3532 = arith.constant 0 : i32
      %sign3A_3533 = arith.cmpi slt, %squeeze3A_2028, %sign3A_3532 : i32
      %sign3A_3534 = arith.extui %sign3A_3533 : i1 to i32
      %sign3A_3535 = arith.subi %sign3A_3531, %sign3A_3534 : i32
      %sign3A_3536 = arith.constant 0 : i32
      %sign3A_3537 = arith.cmpi sgt, %jit3A_3527, %sign3A_3536 : i32
      %sign3A_3538 = arith.extui %sign3A_3537 : i1 to i32
      %sign3A_3539 = arith.constant 0 : i32
      %sign3A_3540 = arith.cmpi slt, %jit3A_3527, %sign3A_3539 : i32
      %sign3A_3541 = arith.extui %sign3A_3540 : i1 to i32
      %sign3A_3542 = arith.subi %sign3A_3538, %sign3A_3541 : i32
      %ne3A_3543 = arith.cmpi ne, %sign3A_3535, %sign3A_3542 : i32
      %rem3A_3544 = arith.remsi %squeeze3A_2028, %jit3A_3527 : i32
      %ne3A_3545 = arith.constant 0 : i32
      %ne3A_3546 = arith.cmpi ne, %rem3A_3544, %ne3A_3545 : i32
      %and3A_3547 = arith.andi %ne3A_3543, %ne3A_3546 : i1
      %sub3A_3548 = arith.constant 1 : i32
      %sub3A_3549 = arith.subi %div3A_3528, %sub3A_3548 : i32
      %select_n3A_3550 = arith.select %and3A_3547, %sub3A_3549, %div3A_3528 : i32
      %mul3A_3551 = arith.constant 4 : i32
      %mul3A_3552 = arith.muli %select_n3A_3550, %mul3A_3551 : i32
      %add3A_3553 = arith.constant 2 : i32
      %add3A_3554 = arith.addi %mul3A_3552, %add3A_3553 : i32
      %get3A_3555 = arith.index_cast %add3A_3554 : i32 to index
      %get3A_3556 = arith.constant 128 : index
      %get3A_3557 = tpu.vector_load %arg7[%get3A_3555, %get3A_3556] {strides = array<i32>} : memref<131x256xf32, #tpu.memory_space<vmem>>, vector<1x16xf32>,
      %get3A_3558 = vector.shape_cast %get3A_3557 : vector<1x16xf32> to vector<16xf32>
      %select_n3A_3559 = arith.select %gt3A_3254, %get3A_3558, %broadcast_in_dim3A_2160 : vector<16xf32>
      %add3A_3560 = arith.addf %add3A_3014, %select_n3A_3559 : vector<16xf32>
      %jit3A_3561 = arith.constant 4 : i32
      %div3A_3562 = arith.divsi %squeeze3A_2028, %jit3A_3561 : i32
      %sign3A_3563 = arith.constant 0 : i32
      %sign3A_3564 = arith.cmpi sgt, %squeeze3A_2028, %sign3A_3563 : i32
      %sign3A_3565 = arith.extui %sign3A_3564 : i1 to i32
      %sign3A_3566 = arith.constant 0 : i32
      %sign3A_3567 = arith.cmpi slt, %squeeze3A_2028, %sign3A_3566 : i32
      %sign3A_3568 = arith.extui %sign3A_3567 : i1 to i32
      %sign3A_3569 = arith.subi %sign3A_3565, %sign3A_3568 : i32
      %sign3A_3570 = arith.constant 0 : i32
      %sign3A_3571 = arith.cmpi sgt, %jit3A_3561, %sign3A_3570 : i32
      %sign3A_3572 = arith.extui %sign3A_3571 : i1 to i32
      %sign3A_3573 = arith.constant 0 : i32
      %sign3A_3574 = arith.cmpi slt, %jit3A_3561, %sign3A_3573 : i32
      %sign3A_3575 = arith.extui %sign3A_3574 : i1 to i32
      %sign3A_3576 = arith.subi %sign3A_3572, %sign3A_3575 : i32
      %ne3A_3577 = arith.cmpi ne, %sign3A_3569, %sign3A_3576 : i32
      %rem3A_3578 = arith.remsi %squeeze3A_2028, %jit3A_3561 : i32
      %ne3A_3579 = arith.constant 0 : i32
      %ne3A_3580 = arith.cmpi ne, %rem3A_3578, %ne3A_3579 : i32
      %and3A_3581 = arith.andi %ne3A_3577, %ne3A_3580 : i1
      %sub3A_3582 = arith.constant 1 : i32
      %sub3A_3583 = arith.subi %div3A_3562, %sub3A_3582 : i32
      %select_n3A_3584 = arith.select %and3A_3581, %sub3A_3583, %div3A_3562 : i32
      %mul3A_3585 = arith.constant 4 : i32
      %mul3A_3586 = arith.muli %select_n3A_3584, %mul3A_3585 : i32
      %add3A_3587 = arith.constant 2 : i32
      %add3A_3588 = arith.addi %mul3A_3586, %add3A_3587 : i32
      %get3A_3589 = arith.index_cast %add3A_3588 : i32 to index
      %get3A_3590 = arith.constant 144 : index
      %get3A_3591 = tpu.vector_load %arg7[%get3A_3589, %get3A_3590] {strides = array<i32>} : memref<131x256xf32, #tpu.memory_space<vmem>>, vector<1x16xf32>,
      %get3A_3592 = vector.shape_cast %get3A_3591 : vector<1x16xf32> to vector<16xf32>
      %select_n3A_3593 = arith.select %gt3A_3254, %get3A_3592, %broadcast_in_dim3A_2160 : vector<16xf32>
      %add3A_3594 = arith.addf %add3A_3048, %select_n3A_3593 : vector<16xf32>
      %jit3A_3595 = arith.constant 4 : i32
      %div3A_3596 = arith.divsi %squeeze3A_2028, %jit3A_3595 : i32
      %sign3A_3597 = arith.constant 0 : i32
      %sign3A_3598 = arith.cmpi sgt, %squeeze3A_2028, %sign3A_3597 : i32
      %sign3A_3599 = arith.extui %sign3A_3598 : i1 to i32
      %sign3A_3600 = arith.constant 0 : i32
      %sign3A_3601 = arith.cmpi slt, %squeeze3A_2028, %sign3A_3600 : i32
      %sign3A_3602 = arith.extui %sign3A_3601 : i1 to i32
      %sign3A_3603 = arith.subi %sign3A_3599, %sign3A_3602 : i32
      %sign3A_3604 = arith.constant 0 : i32
      %sign3A_3605 = arith.cmpi sgt, %jit3A_3595, %sign3A_3604 : i32
      %sign3A_3606 = arith.extui %sign3A_3605 : i1 to i32
      %sign3A_3607 = arith.constant 0 : i32
      %sign3A_3608 = arith.cmpi slt, %jit3A_3595, %sign3A_3607 : i32
      %sign3A_3609 = arith.extui %sign3A_3608 : i1 to i32
      %sign3A_3610 = arith.subi %sign3A_3606, %sign3A_3609 : i32
      %ne3A_3611 = arith.cmpi ne, %sign3A_3603, %sign3A_3610 : i32
      %rem3A_3612 = arith.remsi %squeeze3A_2028, %jit3A_3595 : i32
      %ne3A_3613 = arith.constant 0 : i32
      %ne3A_3614 = arith.cmpi ne, %rem3A_3612, %ne3A_3613 : i32
      %and3A_3615 = arith.andi %ne3A_3611, %ne3A_3614 : i1
      %sub3A_3616 = arith.constant 1 : i32
      %sub3A_3617 = arith.subi %div3A_3596, %sub3A_3616 : i32
      %select_n3A_3618 = arith.select %and3A_3615, %sub3A_3617, %div3A_3596 : i32
      %mul3A_3619 = arith.constant 4 : i32
      %mul3A_3620 = arith.muli %select_n3A_3618, %mul3A_3619 : i32
      %add3A_3621 = arith.constant 2 : i32
      %add3A_3622 = arith.addi %mul3A_3620, %add3A_3621 : i32
      %get3A_3623 = arith.index_cast %add3A_3622 : i32 to index
      %get3A_3624 = arith.constant 160 : index
      %get3A_3625 = tpu.vector_load %arg7[%get3A_3623, %get3A_3624] {strides = array<i32>} : memref<131x256xf32, #tpu.memory_space<vmem>>, vector<1x16xf32>,
      %get3A_3626 = vector.shape_cast %get3A_3625 : vector<1x16xf32> to vector<16xf32>
      %select_n3A_3627 = arith.select %gt3A_3254, %get3A_3626, %broadcast_in_dim3A_2160 : vector<16xf32>
      %add3A_3628 = arith.addf %add3A_3082, %select_n3A_3627 : vector<16xf32>
      %jit3A_3629 = arith.constant 4 : i32
      %div3A_3630 = arith.divsi %squeeze3A_2028, %jit3A_3629 : i32
      %sign3A_3631 = arith.constant 0 : i32
      %sign3A_3632 = arith.cmpi sgt, %squeeze3A_2028, %sign3A_3631 : i32
      %sign3A_3633 = arith.extui %sign3A_3632 : i1 to i32
      %sign3A_3634 = arith.constant 0 : i32
      %sign3A_3635 = arith.cmpi slt, %squeeze3A_2028, %sign3A_3634 : i32
      %sign3A_3636 = arith.extui %sign3A_3635 : i1 to i32
      %sign3A_3637 = arith.subi %sign3A_3633, %sign3A_3636 : i32
      %sign3A_3638 = arith.constant 0 : i32
      %sign3A_3639 = arith.cmpi sgt, %jit3A_3629, %sign3A_3638 : i32
      %sign3A_3640 = arith.extui %sign3A_3639 : i1 to i32
      %sign3A_3641 = arith.constant 0 : i32
      %sign3A_3642 = arith.cmpi slt, %jit3A_3629, %sign3A_3641 : i32
      %sign3A_3643 = arith.extui %sign3A_3642 : i1 to i32
      %sign3A_3644 = arith.subi %sign3A_3640, %sign3A_3643 : i32
      %ne3A_3645 = arith.cmpi ne, %sign3A_3637, %sign3A_3644 : i32
      %rem3A_3646 = arith.remsi %squeeze3A_2028, %jit3A_3629 : i32
      %ne3A_3647 = arith.constant 0 : i32
      %ne3A_3648 = arith.cmpi ne, %rem3A_3646, %ne3A_3647 : i32
      %and3A_3649 = arith.andi %ne3A_3645, %ne3A_3648 : i1
      %sub3A_3650 = arith.constant 1 : i32
      %sub3A_3651 = arith.subi %div3A_3630, %sub3A_3650 : i32
      %select_n3A_3652 = arith.select %and3A_3649, %sub3A_3651, %div3A_3630 : i32
      %mul3A_3653 = arith.constant 4 : i32
      %mul3A_3654 = arith.muli %select_n3A_3652, %mul3A_3653 : i32
      %add3A_3655 = arith.constant 2 : i32
      %add3A_3656 = arith.addi %mul3A_3654, %add3A_3655 : i32
      %get3A_3657 = arith.index_cast %add3A_3656 : i32 to index
      %get3A_3658 = arith.constant 176 : index
      %get3A_3659 = tpu.vector_load %arg7[%get3A_3657, %get3A_3658] {strides = array<i32>} : memref<131x256xf32, #tpu.memory_space<vmem>>, vector<1x16xf32>,
      %get3A_3660 = vector.shape_cast %get3A_3659 : vector<1x16xf32> to vector<16xf32>
      %select_n3A_3661 = arith.select %gt3A_3254, %get3A_3660, %broadcast_in_dim3A_2160 : vector<16xf32>
      %add3A_3662 = arith.addf %add3A_3116, %select_n3A_3661 : vector<16xf32>
      %jit3A_3663 = arith.constant 4 : i32
      %div3A_3664 = arith.divsi %squeeze3A_2028, %jit3A_3663 : i32
      %sign3A_3665 = arith.constant 0 : i32
      %sign3A_3666 = arith.cmpi sgt, %squeeze3A_2028, %sign3A_3665 : i32
      %sign3A_3667 = arith.extui %sign3A_3666 : i1 to i32
      %sign3A_3668 = arith.constant 0 : i32
      %sign3A_3669 = arith.cmpi slt, %squeeze3A_2028, %sign3A_3668 : i32
      %sign3A_3670 = arith.extui %sign3A_3669 : i1 to i32
      %sign3A_3671 = arith.subi %sign3A_3667, %sign3A_3670 : i32
      %sign3A_3672 = arith.constant 0 : i32
      %sign3A_3673 = arith.cmpi sgt, %jit3A_3663, %sign3A_3672 : i32
      %sign3A_3674 = arith.extui %sign3A_3673 : i1 to i32
      %sign3A_3675 = arith.constant 0 : i32
      %sign3A_3676 = arith.cmpi slt, %jit3A_3663, %sign3A_3675 : i32
      %sign3A_3677 = arith.extui %sign3A_3676 : i1 to i32
      %sign3A_3678 = arith.subi %sign3A_3674, %sign3A_3677 : i32
      %ne3A_3679 = arith.cmpi ne, %sign3A_3671, %sign3A_3678 : i32
      %rem3A_3680 = arith.remsi %squeeze3A_2028, %jit3A_3663 : i32
      %ne3A_3681 = arith.constant 0 : i32
      %ne3A_3682 = arith.cmpi ne, %rem3A_3680, %ne3A_3681 : i32
      %and3A_3683 = arith.andi %ne3A_3679, %ne3A_3682 : i1
      %sub3A_3684 = arith.constant 1 : i32
      %sub3A_3685 = arith.subi %div3A_3664, %sub3A_3684 : i32
      %select_n3A_3686 = arith.select %and3A_3683, %sub3A_3685, %div3A_3664 : i32
      %mul3A_3687 = arith.constant 4 : i32
      %mul3A_3688 = arith.muli %select_n3A_3686, %mul3A_3687 : i32
      %add3A_3689 = arith.constant 2 : i32
      %add3A_3690 = arith.addi %mul3A_3688, %add3A_3689 : i32
      %get3A_3691 = arith.index_cast %add3A_3690 : i32 to index
      %get3A_3692 = arith.constant 192 : index
      %get3A_3693 = tpu.vector_load %arg7[%get3A_3691, %get3A_3692] {strides = array<i32>} : memref<131x256xf32, #tpu.memory_space<vmem>>, vector<1x16xf32>,
      %get3A_3694 = vector.shape_cast %get3A_3693 : vector<1x16xf32> to vector<16xf32>
      %select_n3A_3695 = arith.select %gt3A_3254, %get3A_3694, %broadcast_in_dim3A_2160 : vector<16xf32>
      %add3A_3696 = arith.addf %add3A_3150, %select_n3A_3695 : vector<16xf32>
      %jit3A_3697 = arith.constant 4 : i32
      %div3A_3698 = arith.divsi %squeeze3A_2028, %jit3A_3697 : i32
      %sign3A_3699 = arith.constant 0 : i32
      %sign3A_3700 = arith.cmpi sgt, %squeeze3A_2028, %sign3A_3699 : i32
      %sign3A_3701 = arith.extui %sign3A_3700 : i1 to i32
      %sign3A_3702 = arith.constant 0 : i32
      %sign3A_3703 = arith.cmpi slt, %squeeze3A_2028, %sign3A_3702 : i32
      %sign3A_3704 = arith.extui %sign3A_3703 : i1 to i32
      %sign3A_3705 = arith.subi %sign3A_3701, %sign3A_3704 : i32
      %sign3A_3706 = arith.constant 0 : i32
      %sign3A_3707 = arith.cmpi sgt, %jit3A_3697, %sign3A_3706 : i32
      %sign3A_3708 = arith.extui %sign3A_3707 : i1 to i32
      %sign3A_3709 = arith.constant 0 : i32
      %sign3A_3710 = arith.cmpi slt, %jit3A_3697, %sign3A_3709 : i32
      %sign3A_3711 = arith.extui %sign3A_3710 : i1 to i32
      %sign3A_3712 = arith.subi %sign3A_3708, %sign3A_3711 : i32
      %ne3A_3713 = arith.cmpi ne, %sign3A_3705, %sign3A_3712 : i32
      %rem3A_3714 = arith.remsi %squeeze3A_2028, %jit3A_3697 : i32
      %ne3A_3715 = arith.constant 0 : i32
      %ne3A_3716 = arith.cmpi ne, %rem3A_3714, %ne3A_3715 : i32
      %and3A_3717 = arith.andi %ne3A_3713, %ne3A_3716 : i1
      %sub3A_3718 = arith.constant 1 : i32
      %sub3A_3719 = arith.subi %div3A_3698, %sub3A_3718 : i32
      %select_n3A_3720 = arith.select %and3A_3717, %sub3A_3719, %div3A_3698 : i32
      %mul3A_3721 = arith.constant 4 : i32
      %mul3A_3722 = arith.muli %select_n3A_3720, %mul3A_3721 : i32
      %add3A_3723 = arith.constant 2 : i32
      %add3A_3724 = arith.addi %mul3A_3722, %add3A_3723 : i32
      %get3A_3725 = arith.index_cast %add3A_3724 : i32 to index
      %get3A_3726 = arith.constant 208 : index
      %get3A_3727 = tpu.vector_load %arg7[%get3A_3725, %get3A_3726] {strides = array<i32>} : memref<131x256xf32, #tpu.memory_space<vmem>>, vector<1x16xf32>,
      %get3A_3728 = vector.shape_cast %get3A_3727 : vector<1x16xf32> to vector<16xf32>
      %select_n3A_3729 = arith.select %gt3A_3254, %get3A_3728, %broadcast_in_dim3A_2160 : vector<16xf32>
      %add3A_3730 = arith.addf %add3A_3184, %select_n3A_3729 : vector<16xf32>
      %jit3A_3731 = arith.constant 4 : i32
      %div3A_3732 = arith.divsi %squeeze3A_2028, %jit3A_3731 : i32
      %sign3A_3733 = arith.constant 0 : i32
      %sign3A_3734 = arith.cmpi sgt, %squeeze3A_2028, %sign3A_3733 : i32
      %sign3A_3735 = arith.extui %sign3A_3734 : i1 to i32
      %sign3A_3736 = arith.constant 0 : i32
      %sign3A_3737 = arith.cmpi slt, %squeeze3A_2028, %sign3A_3736 : i32
      %sign3A_3738 = arith.extui %sign3A_3737 : i1 to i32
      %sign3A_3739 = arith.subi %sign3A_3735, %sign3A_3738 : i32
      %sign3A_3740 = arith.constant 0 : i32
      %sign3A_3741 = arith.cmpi sgt, %jit3A_3731, %sign3A_3740 : i32
      %sign3A_3742 = arith.extui %sign3A_3741 : i1 to i32
      %sign3A_3743 = arith.constant 0 : i32
      %sign3A_3744 = arith.cmpi slt, %jit3A_3731, %sign3A_3743 : i32
      %sign3A_3745 = arith.extui %sign3A_3744 : i1 to i32
      %sign3A_3746 = arith.subi %sign3A_3742, %sign3A_3745 : i32
      %ne3A_3747 = arith.cmpi ne, %sign3A_3739, %sign3A_3746 : i32
      %rem3A_3748 = arith.remsi %squeeze3A_2028, %jit3A_3731 : i32
      %ne3A_3749 = arith.constant 0 : i32
      %ne3A_3750 = arith.cmpi ne, %rem3A_3748, %ne3A_3749 : i32
      %and3A_3751 = arith.andi %ne3A_3747, %ne3A_3750 : i1
      %sub3A_3752 = arith.constant 1 : i32
      %sub3A_3753 = arith.subi %div3A_3732, %sub3A_3752 : i32
      %select_n3A_3754 = arith.select %and3A_3751, %sub3A_3753, %div3A_3732 : i32
      %mul3A_3755 = arith.constant 4 : i32
      %mul3A_3756 = arith.muli %select_n3A_3754, %mul3A_3755 : i32
      %add3A_3757 = arith.constant 2 : i32
      %add3A_3758 = arith.addi %mul3A_3756, %add3A_3757 : i32
      %get3A_3759 = arith.index_cast %add3A_3758 : i32 to index
      %get3A_3760 = arith.constant 224 : index
      %get3A_3761 = tpu.vector_load %arg7[%get3A_3759, %get3A_3760] {strides = array<i32>} : memref<131x256xf32, #tpu.memory_space<vmem>>, vector<1x16xf32>,
      %get3A_3762 = vector.shape_cast %get3A_3761 : vector<1x16xf32> to vector<16xf32>
      %select_n3A_3763 = arith.select %gt3A_3254, %get3A_3762, %broadcast_in_dim3A_2160 : vector<16xf32>
      %add3A_3764 = arith.addf %add3A_3218, %select_n3A_3763 : vector<16xf32>
      %jit3A_3765 = arith.constant 4 : i32
      %div3A_3766 = arith.divsi %squeeze3A_2028, %jit3A_3765 : i32
      %sign3A_3767 = arith.constant 0 : i32
      %sign3A_3768 = arith.cmpi sgt, %squeeze3A_2028, %sign3A_3767 : i32
      %sign3A_3769 = arith.extui %sign3A_3768 : i1 to i32
      %sign3A_3770 = arith.constant 0 : i32
      %sign3A_3771 = arith.cmpi slt, %squeeze3A_2028, %sign3A_3770 : i32
      %sign3A_3772 = arith.extui %sign3A_3771 : i1 to i32
      %sign3A_3773 = arith.subi %sign3A_3769, %sign3A_3772 : i32
      %sign3A_3774 = arith.constant 0 : i32
      %sign3A_3775 = arith.cmpi sgt, %jit3A_3765, %sign3A_3774 : i32
      %sign3A_3776 = arith.extui %sign3A_3775 : i1 to i32
      %sign3A_3777 = arith.constant 0 : i32
      %sign3A_3778 = arith.cmpi slt, %jit3A_3765, %sign3A_3777 : i32
      %sign3A_3779 = arith.extui %sign3A_3778 : i1 to i32
      %sign3A_3780 = arith.subi %sign3A_3776, %sign3A_3779 : i32
      %ne3A_3781 = arith.cmpi ne, %sign3A_3773, %sign3A_3780 : i32
      %rem3A_3782 = arith.remsi %squeeze3A_2028, %jit3A_3765 : i32
      %ne3A_3783 = arith.constant 0 : i32
      %ne3A_3784 = arith.cmpi ne, %rem3A_3782, %ne3A_3783 : i32
      %and3A_3785 = arith.andi %ne3A_3781, %ne3A_3784 : i1
      %sub3A_3786 = arith.constant 1 : i32
      %sub3A_3787 = arith.subi %div3A_3766, %sub3A_3786 : i32
      %select_n3A_3788 = arith.select %and3A_3785, %sub3A_3787, %div3A_3766 : i32
      %mul3A_3789 = arith.constant 4 : i32
      %mul3A_3790 = arith.muli %select_n3A_3788, %mul3A_3789 : i32
      %add3A_3791 = arith.constant 2 : i32
      %add3A_3792 = arith.addi %mul3A_3790, %add3A_3791 : i32
      %get3A_3793 = arith.index_cast %add3A_3792 : i32 to index
      %get3A_3794 = arith.constant 240 : index
      %get3A_3795 = tpu.vector_load %arg7[%get3A_3793, %get3A_3794] {strides = array<i32>} : memref<131x256xf32, #tpu.memory_space<vmem>>, vector<1x16xf32>,
      %get3A_3796 = vector.shape_cast %get3A_3795 : vector<1x16xf32> to vector<16xf32>
      %select_n3A_3797 = arith.select %gt3A_3254, %get3A_3796, %broadcast_in_dim3A_2160 : vector<16xf32>
      %add3A_3798 = arith.addf %add3A_3252, %select_n3A_3797 : vector<16xf32>
      %max3A_3799 = arith.constant 0.000000e+00 : f32
      %max3A_3800 = vector.broadcast %max3A_3799 : f32 to vector<16xf32>
      %max3A_3801 = arith.maximumf %add3A_3288, %max3A_3800 : vector<16xf32>
      %swap3A_3802 = arith.index_cast %add3A_2022 : i32 to index
      %swap3A_3803 = arith.constant 0 : index
      %swap3A_3804 = tpu.vector_load %arg8[%swap3A_3802, %swap3A_3803] {strides = array<i32>} : memref<16x256xf32, #tpu.memory_space<vmem>>, vector<1x16xf32>,
      %swap3A_3805 = vector.shape_cast %swap3A_3804 : vector<1x16xf32> to vector<16xf32>
      %swap3A_3806 = vector.shape_cast %max3A_3801 : vector<16xf32> to vector<1x16xf32>
      tpu.vector_store %arg8[%swap3A_3802, %swap3A_3803], %swap3A_3806 {strides = array<i32>} : memref<16x256xf32, #tpu.memory_space<vmem>>, vector<1x16xf32>,
      %max3A_3807 = arith.constant 0.000000e+00 : f32
      %max3A_3808 = vector.broadcast %max3A_3807 : f32 to vector<16xf32>
      %max3A_3809 = arith.maximumf %add3A_3322, %max3A_3808 : vector<16xf32>
      %swap3A_3810 = arith.index_cast %add3A_2022 : i32 to index
      %swap3A_3811 = arith.constant 16 : index
      %swap3A_3812 = tpu.vector_load %arg8[%swap3A_3810, %swap3A_3811] {strides = array<i32>} : memref<16x256xf32, #tpu.memory_space<vmem>>, vector<1x16xf32>,
      %swap3A_3813 = vector.shape_cast %swap3A_3812 : vector<1x16xf32> to vector<16xf32>
      %swap3A_3814 = vector.shape_cast %max3A_3809 : vector<16xf32> to vector<1x16xf32>
      tpu.vector_store %arg8[%swap3A_3810, %swap3A_3811], %swap3A_3814 {strides = array<i32>} : memref<16x256xf32, #tpu.memory_space<vmem>>, vector<1x16xf32>,
      %max3A_3815 = arith.constant 0.000000e+00 : f32
      %max3A_3816 = vector.broadcast %max3A_3815 : f32 to vector<16xf32>
      %max3A_3817 = arith.maximumf %add3A_3356, %max3A_3816 : vector<16xf32>
      %swap3A_3818 = arith.index_cast %add3A_2022 : i32 to index
      %swap3A_3819 = arith.constant 32 : index
      %swap3A_3820 = tpu.vector_load %arg8[%swap3A_3818, %swap3A_3819] {strides = array<i32>} : memref<16x256xf32, #tpu.memory_space<vmem>>, vector<1x16xf32>,
      %swap3A_3821 = vector.shape_cast %swap3A_3820 : vector<1x16xf32> to vector<16xf32>
      %swap3A_3822 = vector.shape_cast %max3A_3817 : vector<16xf32> to vector<1x16xf32>
      tpu.vector_store %arg8[%swap3A_3818, %swap3A_3819], %swap3A_3822 {strides = array<i32>} : memref<16x256xf32, #tpu.memory_space<vmem>>, vector<1x16xf32>,
      %max3A_3823 = arith.constant 0.000000e+00 : f32
      %max3A_3824 = vector.broadcast %max3A_3823 : f32 to vector<16xf32>
      %max3A_3825 = arith.maximumf %add3A_3390, %max3A_3824 : vector<16xf32>
      %swap3A_3826 = arith.index_cast %add3A_2022 : i32 to index
      %swap3A_3827 = arith.constant 48 : index
      %swap3A_3828 = tpu.vector_load %arg8[%swap3A_3826, %swap3A_3827] {strides = array<i32>} : memref<16x256xf32, #tpu.memory_space<vmem>>, vector<1x16xf32>,
      %swap3A_3829 = vector.shape_cast %swap3A_3828 : vector<1x16xf32> to vector<16xf32>
      %swap3A_3830 = vector.shape_cast %max3A_3825 : vector<16xf32> to vector<1x16xf32>
      tpu.vector_store %arg8[%swap3A_3826, %swap3A_3827], %swap3A_3830 {strides = array<i32>} : memref<16x256xf32, #tpu.memory_space<vmem>>, vector<1x16xf32>,
      %max3A_3831 = arith.constant 0.000000e+00 : f32
      %max3A_3832 = vector.broadcast %max3A_3831 : f32 to vector<16xf32>
      %max3A_3833 = arith.maximumf %add3A_3424, %max3A_3832 : vector<16xf32>
      %swap3A_3834 = arith.index_cast %add3A_2022 : i32 to index
      %swap3A_3835 = arith.constant 64 : index
      %swap3A_3836 = tpu.vector_load %arg8[%swap3A_3834, %swap3A_3835] {strides = array<i32>} : memref<16x256xf32, #tpu.memory_space<vmem>>, vector<1x16xf32>,
      %swap3A_3837 = vector.shape_cast %swap3A_3836 : vector<1x16xf32> to vector<16xf32>
      %swap3A_3838 = vector.shape_cast %max3A_3833 : vector<16xf32> to vector<1x16xf32>
      tpu.vector_store %arg8[%swap3A_3834, %swap3A_3835], %swap3A_3838 {strides = array<i32>} : memref<16x256xf32, #tpu.memory_space<vmem>>, vector<1x16xf32>,
      %max3A_3839 = arith.constant 0.000000e+00 : f32
      %max3A_3840 = vector.broadcast %max3A_3839 : f32 to vector<16xf32>
      %max3A_3841 = arith.maximumf %add3A_3458, %max3A_3840 : vector<16xf32>
      %swap3A_3842 = arith.index_cast %add3A_2022 : i32 to index
      %swap3A_3843 = arith.constant 80 : index
      %swap3A_3844 = tpu.vector_load %arg8[%swap3A_3842, %swap3A_3843] {strides = array<i32>} : memref<16x256xf32, #tpu.memory_space<vmem>>, vector<1x16xf32>,
      %swap3A_3845 = vector.shape_cast %swap3A_3844 : vector<1x16xf32> to vector<16xf32>
      %swap3A_3846 = vector.shape_cast %max3A_3841 : vector<16xf32> to vector<1x16xf32>
      tpu.vector_store %arg8[%swap3A_3842, %swap3A_3843], %swap3A_3846 {strides = array<i32>} : memref<16x256xf32, #tpu.memory_space<vmem>>, vector<1x16xf32>,
      %max3A_3847 = arith.constant 0.000000e+00 : f32
      %max3A_3848 = vector.broadcast %max3A_3847 : f32 to vector<16xf32>
      %max3A_3849 = arith.maximumf %add3A_3492, %max3A_3848 : vector<16xf32>
      %swap3A_3850 = arith.index_cast %add3A_2022 : i32 to index
      %swap3A_3851 = arith.constant 96 : index
      %swap3A_3852 = tpu.vector_load %arg8[%swap3A_3850, %swap3A_3851] {strides = array<i32>} : memref<16x256xf32, #tpu.memory_space<vmem>>, vector<1x16xf32>,
      %swap3A_3853 = vector.shape_cast %swap3A_3852 : vector<1x16xf32> to vector<16xf32>
      %swap3A_3854 = vector.shape_cast %max3A_3849 : vector<16xf32> to vector<1x16xf32>
      tpu.vector_store %arg8[%swap3A_3850, %swap3A_3851], %swap3A_3854 {strides = array<i32>} : memref<16x256xf32, #tpu.memory_space<vmem>>, vector<1x16xf32>,
      %max3A_3855 = arith.constant 0.000000e+00 : f32
      %max3A_3856 = vector.broadcast %max3A_3855 : f32 to vector<16xf32>
      %max3A_3857 = arith.maximumf %add3A_3526, %max3A_3856 : vector<16xf32>
      %swap3A_3858 = arith.index_cast %add3A_2022 : i32 to index
      %swap3A_3859 = arith.constant 112 : index
      %swap3A_3860 = tpu.vector_load %arg8[%swap3A_3858, %swap3A_3859] {strides = array<i32>} : memref<16x256xf32, #tpu.memory_space<vmem>>, vector<1x16xf32>,
      %swap3A_3861 = vector.shape_cast %swap3A_3860 : vector<1x16xf32> to vector<16xf32>
      %swap3A_3862 = vector.shape_cast %max3A_3857 : vector<16xf32> to vector<1x16xf32>
      tpu.vector_store %arg8[%swap3A_3858, %swap3A_3859], %swap3A_3862 {strides = array<i32>} : memref<16x256xf32, #tpu.memory_space<vmem>>, vector<1x16xf32>,
      %max3A_3863 = arith.constant 0.000000e+00 : f32
      %max3A_3864 = vector.broadcast %max3A_3863 : f32 to vector<16xf32>
      %max3A_3865 = arith.maximumf %add3A_3560, %max3A_3864 : vector<16xf32>
      %swap3A_3866 = arith.index_cast %add3A_2022 : i32 to index
      %swap3A_3867 = arith.constant 128 : index
      %swap3A_3868 = tpu.vector_load %arg8[%swap3A_3866, %swap3A_3867] {strides = array<i32>} : memref<16x256xf32, #tpu.memory_space<vmem>>, vector<1x16xf32>,
      %swap3A_3869 = vector.shape_cast %swap3A_3868 : vector<1x16xf32> to vector<16xf32>
      %swap3A_3870 = vector.shape_cast %max3A_3865 : vector<16xf32> to vector<1x16xf32>
      tpu.vector_store %arg8[%swap3A_3866, %swap3A_3867], %swap3A_3870 {strides = array<i32>} : memref<16x256xf32, #tpu.memory_space<vmem>>, vector<1x16xf32>,
      %max3A_3871 = arith.constant 0.000000e+00 : f32
      %max3A_3872 = vector.broadcast %max3A_3871 : f32 to vector<16xf32>
      %max3A_3873 = arith.maximumf %add3A_3594, %max3A_3872 : vector<16xf32>
      %swap3A_3874 = arith.index_cast %add3A_2022 : i32 to index
      %swap3A_3875 = arith.constant 144 : index
      %swap3A_3876 = tpu.vector_load %arg8[%swap3A_3874, %swap3A_3875] {strides = array<i32>} : memref<16x256xf32, #tpu.memory_space<vmem>>, vector<1x16xf32>,
      %swap3A_3877 = vector.shape_cast %swap3A_3876 : vector<1x16xf32> to vector<16xf32>
      %swap3A_3878 = vector.shape_cast %max3A_3873 : vector<16xf32> to vector<1x16xf32>
      tpu.vector_store %arg8[%swap3A_3874, %swap3A_3875], %swap3A_3878 {strides = array<i32>} : memref<16x256xf32, #tpu.memory_space<vmem>>, vector<1x16xf32>,
      %max3A_3879 = arith.constant 0.000000e+00 : f32
      %max3A_3880 = vector.broadcast %max3A_3879 : f32 to vector<16xf32>
      %max3A_3881 = arith.maximumf %add3A_3628, %max3A_3880 : vector<16xf32>
      %swap3A_3882 = arith.index_cast %add3A_2022 : i32 to index
      %swap3A_3883 = arith.constant 160 : index
      %swap3A_3884 = tpu.vector_load %arg8[%swap3A_3882, %swap3A_3883] {strides = array<i32>} : memref<16x256xf32, #tpu.memory_space<vmem>>, vector<1x16xf32>,
      %swap3A_3885 = vector.shape_cast %swap3A_3884 : vector<1x16xf32> to vector<16xf32>
      %swap3A_3886 = vector.shape_cast %max3A_3881 : vector<16xf32> to vector<1x16xf32>
      tpu.vector_store %arg8[%swap3A_3882, %swap3A_3883], %swap3A_3886 {strides = array<i32>} : memref<16x256xf32, #tpu.memory_space<vmem>>, vector<1x16xf32>,
      %max3A_3887 = arith.constant 0.000000e+00 : f32
      %max3A_3888 = vector.broadcast %max3A_3887 : f32 to vector<16xf32>
      %max3A_3889 = arith.maximumf %add3A_3662, %max3A_3888 : vector<16xf32>
      %swap3A_3890 = arith.index_cast %add3A_2022 : i32 to index
      %swap3A_3891 = arith.constant 176 : index
      %swap3A_3892 = tpu.vector_load %arg8[%swap3A_3890, %swap3A_3891] {strides = array<i32>} : memref<16x256xf32, #tpu.memory_space<vmem>>, vector<1x16xf32>,
      %swap3A_3893 = vector.shape_cast %swap3A_3892 : vector<1x16xf32> to vector<16xf32>
      %swap3A_3894 = vector.shape_cast %max3A_3889 : vector<16xf32> to vector<1x16xf32>
      tpu.vector_store %arg8[%swap3A_3890, %swap3A_3891], %swap3A_3894 {strides = array<i32>} : memref<16x256xf32, #tpu.memory_space<vmem>>, vector<1x16xf32>,
      %max3A_3895 = arith.constant 0.000000e+00 : f32
      %max3A_3896 = vector.broadcast %max3A_3895 : f32 to vector<16xf32>
      %max3A_3897 = arith.maximumf %add3A_3696, %max3A_3896 : vector<16xf32>
      %swap3A_3898 = arith.index_cast %add3A_2022 : i32 to index
      %swap3A_3899 = arith.constant 192 : index
      %swap3A_3900 = tpu.vector_load %arg8[%swap3A_3898, %swap3A_3899] {strides = array<i32>} : memref<16x256xf32, #tpu.memory_space<vmem>>, vector<1x16xf32>,
      %swap3A_3901 = vector.shape_cast %swap3A_3900 : vector<1x16xf32> to vector<16xf32>
      %swap3A_3902 = vector.shape_cast %max3A_3897 : vector<16xf32> to vector<1x16xf32>
      tpu.vector_store %arg8[%swap3A_3898, %swap3A_3899], %swap3A_3902 {strides = array<i32>} : memref<16x256xf32, #tpu.memory_space<vmem>>, vector<1x16xf32>,
      %max3A_3903 = arith.constant 0.000000e+00 : f32
      %max3A_3904 = vector.broadcast %max3A_3903 : f32 to vector<16xf32>
      %max3A_3905 = arith.maximumf %add3A_3730, %max3A_3904 : vector<16xf32>
      %swap3A_3906 = arith.index_cast %add3A_2022 : i32 to index
      %swap3A_3907 = arith.constant 208 : index
      %swap3A_3908 = tpu.vector_load %arg8[%swap3A_3906, %swap3A_3907] {strides = array<i32>} : memref<16x256xf32, #tpu.memory_space<vmem>>, vector<1x16xf32>,
      %swap3A_3909 = vector.shape_cast %swap3A_3908 : vector<1x16xf32> to vector<16xf32>
      %swap3A_3910 = vector.shape_cast %max3A_3905 : vector<16xf32> to vector<1x16xf32>
      tpu.vector_store %arg8[%swap3A_3906, %swap3A_3907], %swap3A_3910 {strides = array<i32>} : memref<16x256xf32, #tpu.memory_space<vmem>>, vector<1x16xf32>,
      %max3A_3911 = arith.constant 0.000000e+00 : f32
      %max3A_3912 = vector.broadcast %max3A_3911 : f32 to vector<16xf32>
      %max3A_3913 = arith.maximumf %add3A_3764, %max3A_3912 : vector<16xf32>
      %swap3A_3914 = arith.index_cast %add3A_2022 : i32 to index
      %swap3A_3915 = arith.constant 224 : index
      %swap3A_3916 = tpu.vector_load %arg8[%swap3A_3914, %swap3A_3915] {strides = array<i32>} : memref<16x256xf32, #tpu.memory_space<vmem>>, vector<1x16xf32>,
      %swap3A_3917 = vector.shape_cast %swap3A_3916 : vector<1x16xf32> to vector<16xf32>
      %swap3A_3918 = vector.shape_cast %max3A_3913 : vector<16xf32> to vector<1x16xf32>
      tpu.vector_store %arg8[%swap3A_3914, %swap3A_3915], %swap3A_3918 {strides = array<i32>} : memref<16x256xf32, #tpu.memory_space<vmem>>, vector<1x16xf32>,
      %max3A_3919 = arith.constant 0.000000e+00 : f32
      %max3A_3920 = vector.broadcast %max3A_3919 : f32 to vector<16xf32>
      %max3A_3921 = arith.maximumf %add3A_3798, %max3A_3920 : vector<16xf32>
      %swap3A_3922 = arith.index_cast %add3A_2022 : i32 to index
      %swap3A_3923 = arith.constant 240 : index
      %swap3A_3924 = tpu.vector_load %arg8[%swap3A_3922, %swap3A_3923] {strides = array<i32>} : memref<16x256xf32, #tpu.memory_space<vmem>>, vector<1x16xf32>,
      %swap3A_3925 = vector.shape_cast %swap3A_3924 : vector<1x16xf32> to vector<16xf32>
      %swap3A_3926 = vector.shape_cast %max3A_3921 : vector<16xf32> to vector<1x16xf32>
      tpu.vector_store %arg8[%swap3A_3922, %swap3A_3923], %swap3A_3926 {strides = array<i32>} : memref<16x256xf32, #tpu.memory_space<vmem>>, vector<1x16xf32>,
    }
    %scan3A_67 = arith.constant 8 : i32
    %mul3A_68 = arith.constant 16 : i32
    %mul3A_69 = arith.muli %add3A, %mul3A_68 : i32
    "tpu.region"() ({
      %run_scoped3A = tpu.sem_alloc : memref<!tpu.dma_semaphore, #tpu.memory_space<semaphore_mem>>
      %dma_start3A = arith.constant 0 : i32
      %dma_start3A_70 = tpu.memref_slice %arg4[%mul3A_69, %dma_start3A] : memref<512x256xf32, #tpu.memory_space<hbm>> -> memref<16x256xf32, #tpu.memory_space<hbm>>
      %dma_start3A_71 = arith.constant 0 : i32
      %dma_start3A_72 = tpu.memref_slice %arg4[%mul3A_69, %dma_start3A_71] : memref<512x256xf32, #tpu.memory_space<hbm>> -> memref<16x256xf32, #tpu.memory_space<hbm>>
      tpu.enqueue_dma source(%arg8 : memref<16x256xf32, #tpu.memory_space<vmem>>) target(%dma_start3A_72 : memref<16x256xf32, #tpu.memory_space<hbm>>) target_semaphore(%run_scoped3A : memref<!tpu.dma_semaphore, #tpu.memory_space<semaphore_mem>>)
      %dma_wait3A = arith.constant 0 : i32
      %dma_wait3A_73 = tpu.memref_slice %arg4[%mul3A_69, %dma_wait3A] : memref<512x256xf32, #tpu.memory_space<hbm>> -> memref<16x256xf32, #tpu.memory_space<hbm>>
      %dma_wait3A_74 = arith.constant 0 : i32
      %dma_wait3A_75 = tpu.memref_slice %arg4[%mul3A_69, %dma_wait3A_74] : memref<512x256xf32, #tpu.memory_space<hbm>> -> memref<16x256xf32, #tpu.memory_space<hbm>>
      tpu.wait_dma2 semaphore(%run_scoped3A : memref<!tpu.dma_semaphore, #tpu.memory_space<semaphore_mem>>) src(%arg8 : memref<16x256xf32, #tpu.memory_space<vmem>>) dst(%dma_wait3A_75 : memref<16x256xf32, #tpu.memory_space<hbm>>)
      tpu.yield
    }) : () -> ()
    return
  }
}

module attributes {stable_mosaic.version = 14 : i64} {
  func.func @_tc_body(%arg0: i32, %arg1: memref<32x2xi32, #tpu.memory_space<vmem>>, %arg2: memref<32x64x256xf32, #tpu.memory_space<vmem>>, %arg3: memref<32x64x256xf32, #tpu.memory_space<vmem>>, %arg4: memref<32x256xf32, #tpu.memory_space<vmem>>) attributes {dimension_semantics = [#tpu.dimension_semantics<arbitrary>], iteration_bounds = array<i64: 16>, scalar_prefetch = 0 : i64, scratch_operands = 0 : i64, tpu.core_type = #tpu.core_type<tc>, window_params = [{transform_indices = @transform_0, window_bounds = array<i64: 32, 2>}, {transform_indices = @transform_1, window_bounds = array<i64: 32, 64, 256>}, {transform_indices = @transform_2, window_bounds = array<i64: 32, 64, 256>}, {transform_indices = @transform_3, window_bounds = array<i64: 32, 256>}]} {
    %get3A = arith.constant 0 : index
    %get3A_0 = arith.constant 0 : index
    %get3A_1 = vector.load %arg1[%get3A, %get3A_0] : memref<32x2xi32, #tpu.memory_space<vmem>>, vector<32x1xi32>
    %get3A_2 = vector.shape_cast %get3A_1 : vector<32x1xi32> to vector<32xi32>
    %iota3A = tpu.iota {dimensions = array<i32: 1>} : vector<32x2048xi32>
    %iota3A_3 = tpu.iota {dimensions = array<i32: 0>} : vector<32x2048xi32>
    %mul3A = arith.constant 64 : i32
    %mul3A_4 = vector.broadcast %mul3A : i32 to vector<32x2048xi32>
    %mul3A_5 = arith.muli %iota3A_3, %mul3A_4 : vector<32x2048xi32>
    %sub3A = arith.subi %iota3A, %mul3A_5 : vector<32x2048xi32>
    %ge3A = arith.constant 0 : i32
    %ge3A_6 = vector.broadcast %ge3A : i32 to vector<32x2048xi32>
    %ge3A_7 = arith.cmpi sge, %sub3A, %ge3A_6 : vector<32x2048xi32>
    %lt3A = arith.constant 64 : i32
    %lt3A_8 = vector.broadcast %lt3A : i32 to vector<32x2048xi32>
    %lt3A_9 = arith.cmpi slt, %sub3A, %lt3A_8 : vector<32x2048xi32>
    %and3A = arith.andi %ge3A_7, %lt3A_9 : vector<32x2048xi1>
    %broadcast_in_dim3A = vector.shape_cast %get3A_2 : vector<32xi32> to vector<32x1xi32>
    %lt3A_10 = vector.broadcast %broadcast_in_dim3A : vector<32x1xi32> to vector<32x2048xi32>
    %lt3A_11 = arith.cmpi slt, %sub3A, %lt3A_10 : vector<32x2048xi32>
    %and3A_12 = arith.andi %and3A, %lt3A_11 : vector<32x2048xi1>
    %convert_element_type3A = arith.extui %and3A_12 : vector<32x2048xi1> to vector<32x2048xi32>
    %convert_element_type3A_13 = arith.sitofp %convert_element_type3A : vector<32x2048xi32> to vector<32x2048xf32>
    %add3A = arith.constant 64 : i32
    %add3A_14 = vector.broadcast %add3A : i32 to vector<32x2048xi32>
    %add3A_15 = arith.addi %sub3A, %add3A_14 : vector<32x2048xi32>
    %broadcast_in_dim3A_16 = vector.shape_cast %get3A_2 : vector<32xi32> to vector<32x1xi32>
    %lt3A_17 = vector.broadcast %broadcast_in_dim3A_16 : vector<32x1xi32> to vector<32x2048xi32>
    %lt3A_18 = arith.cmpi slt, %add3A_15, %lt3A_17 : vector<32x2048xi32>
    %and3A_19 = arith.andi %and3A, %lt3A_18 : vector<32x2048xi1>
    %convert_element_type3A_20 = arith.extui %and3A_19 : vector<32x2048xi1> to vector<32x2048xi32>
    %convert_element_type3A_21 = arith.sitofp %convert_element_type3A_20 : vector<32x2048xi32> to vector<32x2048xf32>
    %get3A_22 = arith.constant 0 : index
    %get3A_23 = arith.constant 0 : index
    %get3A_24 = arith.constant 0 : index
    %get3A_25 = vector.load %arg2[%get3A_22, %get3A_23, %get3A_24] : memref<32x64x256xf32, #tpu.memory_space<vmem>>, vector<32x64x256xf32>
    %reshape3A = vector.shape_cast %get3A_25 : vector<32x64x256xf32> to vector<2048x256xf32>
    %get3A_26 = arith.constant 0 : index
    %get3A_27 = arith.constant 0 : index
    %get3A_28 = arith.constant 0 : index
    %get3A_29 = vector.load %arg3[%get3A_26, %get3A_27, %get3A_28] : memref<32x64x256xf32, #tpu.memory_space<vmem>>, vector<32x64x256xf32>
    %reshape3A_30 = vector.shape_cast %get3A_29 : vector<32x64x256xf32> to vector<2048x256xf32>
    %dot_general3A = arith.constant dense<0.000000e+00> : vector<32x256xf32>
    %dot_general3A_31 = tpu.matmul %convert_element_type3A_13, %reshape3A, %dot_general3A {dimension_numbers = #tpu.dot_dimension_numbers<[1], [0], [0], [1], [0, 0, 1, 1], [], []>, transpose_lhs_hint = false} : vector<32x2048xf32>, vector<2048x256xf32>, vector<32x256xf32> -> vector<32x256xf32>
    %dot_general3A_32 = arith.constant dense<0.000000e+00> : vector<32x256xf32>
    %dot_general3A_33 = tpu.matmul %convert_element_type3A_21, %reshape3A_30, %dot_general3A_32 {dimension_numbers = #tpu.dot_dimension_numbers<[1], [0], [0], [1], [0, 0, 1, 1], [], []>, transpose_lhs_hint = false} : vector<32x2048xf32>, vector<2048x256xf32>, vector<32x256xf32> -> vector<32x256xf32>
    %add3A_34 = arith.addf %dot_general3A_31, %dot_general3A_33 : vector<32x256xf32>
    %max3A = arith.constant 0.000000e+00 : f32
    %max3A_35 = vector.broadcast %max3A : f32 to vector<32x256xf32>
    %max3A_36 = arith.maximumf %add3A_34, %max3A_35 : vector<32x256xf32>
    %swap3A = arith.constant 0 : index
    %swap3A_37 = arith.constant 0 : index
    %swap3A_38 = vector.load %arg4[%swap3A, %swap3A_37] : memref<32x256xf32, #tpu.memory_space<vmem>>, vector<32x256xf32>
    tpu.vector_store %arg4[%swap3A, %swap3A_37], %max3A_36 {strides = array<i32>} : memref<32x256xf32, #tpu.memory_space<vmem>>, vector<32x256xf32>,
    return
  }
  func.func @transform_0(%arg0: i32) -> (i32, i32) {
    %c0_i32 = arith.constant 0 : i32
    %c0_i32_0 = arith.constant 0 : i32
    return %arg0, %c0_i32 : i32, i32
  }
  func.func @transform_1(%arg0: i32) -> (i32, i32, i32) {
    %c0_i32 = arith.constant 0 : i32
    %c0_i32_0 = arith.constant 0 : i32
    %c0_i32_1 = arith.constant 0 : i32
    return %arg0, %c0_i32, %c0_i32_0 : i32, i32, i32
  }
  func.func @transform_2(%arg0: i32) -> (i32, i32, i32) {
    %c1_i32 = arith.constant 1 : i32
    %c0_i32 = arith.constant 0 : i32
    %c0_i32_0 = arith.constant 0 : i32
    return %arg0, %c1_i32, %c0_i32 : i32, i32, i32
  }
  func.func @transform_3(%arg0: i32) -> (i32, i32) {
    %c0_i32 = arith.constant 0 : i32
    %c0_i32_0 = arith.constant 0 : i32
    return %arg0, %c0_i32 : i32, i32
  }
}

</mosaic_0001>

<sc_bundles>
// kernel: kernel.4.cloned.1.call-start
scs
__scs_entry_jumppad:
0x0: {  	(pc) =	sbr.rel $0x88, $3  }
0x1: {  	(tag) =	ssettag $0x0;
	lr =	simm.s32 $0x1  }
0x2: {  	[smem:$0x3F9F] =	sst lr;
	_ =	strace $0xD0000000  }
0x3: {  	_ = 	snop  }
0x4: {  	_ = 	snop  }
0x5: {  	_ = 	snop  }
0x6: {  	_ = 	snop  }
0x7: {  	_ = 	snop  }
__scs_overlays_trampoline_lowered:
0x8: {  	[smem:$0x3FAE] =	sst s0  }
0x9: {  	[smem:$0x3FAF] =	sst s1  }
0xa: {  	[smem:$0x3FB0] =	sst s2  }
0xb: {  	[smem:$0x3FB1] =	sst s3  }
0xc: {  	[smem:$0x3FB2] =	sst s4  }
0xd: {  	[smem:$0x3FB3] =	sst s5  }
0xe: {  	[smem:$0x3FB4] =	sst s6  }
0xf: {  	[smem:$0x3FB5] =	sst s7  }
0x10: {  	[smem:$0x3FB6] =	sst s8  }
0x11: {  	[smem:$0x3FB7] =	sst s9;
	s0 =	simm.s32 @!p0 $0x0  }
0x12: {  	s1 =	sld [smem:$0x3F9D];
	s0 =	simm.s32 @p0 $0x1  }
0x13: {  	[smem:$0x3FB8] =	sst s0;
	s0 =	simm.s32 @!p1 $0x0  }
0x14: {  	s2 =	sld [smem:$0x3F9C];
	s0 =	simm.s32 @p1 $0x1  }
0x15: {  	[smem:$0x3FB9] =	sst s0;
	s0 =	simm.s32 @!p2 $0x0  }
0x16: {  	s3 =	sld [smem:$0x3FDB];
	s0 =	simm.s32 @p2 $0x1  }
0x17: {  	s4 =	simm.s32 $0x1BF5;
	[smem:$0x3FBB] =	sst s0  }
0x18: {  	s0 =	sld [smem:$0x3F9E];
	_ =	swait.ge [sflag:s4], $0x0  }
0x19: {  	s7 =	sld [smem:$0x3F9F]  }
0x1a: {  	s8 =	sadd.s32 $0xFFFFE003, lr  }
0x1b: {  	s9 =	sadd.s32 $0xFFFFFEF7, lr;
	s5 =	simm.s32 $0xFFFFFFFF;
	p2 =	slt.u32 s8, $0xFFFFF086  }
0x1c: {  	p1 =	slt.u32 s9, $0xF7A;
	s5 =	simm.s32 @!p2 $0x0  }
0x1d: {  	s5 =	simm.s32 @p1 $0x1;
	p0 =	seq.s32 s7, s2  }
0x1e: {  	s7 =	smul.u32 @!p0 $0xF7A, s2;
	p2 =	seq.s32 @!p0 s5, $0x0  }
0x1f: {  	s9 =	smul.u32 $0xF7A, s1;
	s8 =	simm.s32 @!p0 $0x1BF5;
	p2 =	por !p2, p0  }
0x20: {  	[sflag:s8] =	ssyncset.s32 @!p0 $0xFFFFF086;
	s6 =	sadd.s32 @!p0 s3, s7;
	s7 =	simm.s32 @!p0 $0x108  }
0x21: {  	s3 =	sadd.s32 s3, s9;
	s6 =	sadd.s32 @!p0 $0x88, s6;
	s7 =	simm.s32 @p2 $0x1082  }
0x22: {  	[simem:s7], [sflag:s8] =	dma.local @!p0 [hbm:s6], $0xF7A  }
0x23: {  	s9 =	sor.u32 $0xD0000000, s2;
	s6 =	simm.s32 $0x108;
	_ =	swait.ge @!p0 [sflag:s8], $0x0  }
0x24: {  	s3 =	sadd.s32 $0x88, s3;
	s6 =	simm.s32 @!p1 $0x1082;
	[sflag:s4] =	ssyncset.s32 $0xFFFFF086  }
0x25: {  	[simem:s6], [sflag:s4] =	dma.local [hbm:s3], $0xF7A  }
0x26: {  	[smem:$0x3F9F] =	sst s1;
	(tag) =	ssettag s2;
	_ =	strace s9  }
0x27: {  	s1 =	sld [smem:$0x3FAF]  }
0x28: {  	s2 =	sld [smem:$0x3FB0]  }
0x29: {  	s4 =	sld [smem:$0x3FB2]  }
0x2a: {  	p0 =	seq.s32 s5, $0x0;
	s5 =	sld [smem:$0x3FB3]  }
0x2b: {  	s6 =	sld [smem:$0x3FB4]  }
0x2c: {  	s7 =	sld [smem:$0x3FB5]  }
0x2d: {  	s3 =	simm.s32 $0x108;
	s8 =	sld [smem:$0x3FB6]  }
0x2e: {  	s3 =	simm.s32 @!p0 $0x1082;
	s9 =	sld [smem:$0x3FB7]  }
0x2f: {  	lr =	sadd.s32 s0, s3;
	s0 =	sld [smem:$0x3FAE]  }
0x30: {  	s3 =	sld [smem:$0x3FB1]  }
0x31: {  	[smem:$0x3FBA] =	sst s10  }
0x32: {  	s10 =	sld [smem:$0x3FB8];
	_ =	sdelay $0x3  }
0x33: {  	p0 =	seq.s32 s10, $0x1;
	s10 =	sld [smem:$0x3FBA];
	_ =	sdelay $0x3  }
0x34: {  	[smem:$0x3FBA] =	sst s10  }
0x35: {  	s10 =	sld [smem:$0x3FB9];
	_ =	sdelay $0x3  }
0x36: {  	p1 =	seq.s32 s10, $0x1;
	s10 =	sld [smem:$0x3FBA];
	_ =	sdelay $0x3  }
0x37: {  	[smem:$0x3FBA] =	sst s10  }
0x38: {  	s10 =	sld [smem:$0x3FBB]  }
0x39: {  	_ = 	snop;
	(pc) =	sbr.ind lr, $3  }
0x3a: {  	_ = 	snop  }
0x3b: {  	_ = 	snop  }
0x3c: {  	p2 =	seq.s32 s10, $0x1;
	s10 =	sld [smem:$0x3FBA]  }
0x3d: {  	_ =	shalt  }
0x3e: {  	_ =	shalt  }
0x3f: {  	_ =	shalt  }
0x40: {  	_ =	shalt  }
0x41: {  	_ =	shalt  }
0x42: {  	_ =	shalt  }
0x43: {  	_ =	shalt  }
0x44: {  	_ =	shalt  }
0x45: {  	_ =	shalt  }
0x46: {  	_ =	shalt  }
0x47: {  	_ =	shalt  }
0x48: {  	_ =	shalt  }
0x49: {  	_ =	shalt  }
0x4a: {  	_ =	shalt  }
0x4b: {  	_ =	shalt  }
0x4c: {  	_ =	shalt  }
0x4d: {  	_ =	shalt  }
0x4e: {  	_ =	shalt  }
0x4f: {  	_ =	shalt  }
0x50: {  	_ =	shalt  }
0x51: {  	_ =	shalt  }
0x52: {  	_ =	shalt  }
0x53: {  	_ =	shalt  }
0x54: {  	_ =	shalt  }
0x55: {  	_ =	shalt  }
0x56: {  	_ =	shalt  }
0x57: {  	_ =	shalt  }
0x58: {  	_ =	shalt  }
0x59: {  	_ =	shalt  }
0x5a: {  	_ =	shalt  }
0x5b: {  	_ =	shalt  }
0x5c: {  	_ =	shalt  }
0x5d: {  	_ =	shalt  }
0x5e: {  	_ =	shalt  }
0x5f: {  	_ =	shalt  }
0x60: {  	_ =	shalt  }
0x61: {  	_ =	shalt  }
0x62: {  	_ =	shalt  }
0x63: {  	_ =	shalt  }
0x64: {  	_ =	shalt  }
0x65: {  	_ =	shalt  }
0x66: {  	_ =	shalt  }
0x67: {  	_ =	shalt  }
0x68: {  	_ =	shalt  }
0x69: {  	_ =	shalt  }
0x6a: {  	_ =	shalt  }
0x6b: {  	_ =	shalt  }
0x6c: {  	_ =	shalt  }
0x6d: {  	_ =	shalt  }
0x6e: {  	_ =	shalt  }
0x6f: {  	_ =	shalt  }
0x70: {  	_ =	shalt  }
0x71: {  	_ =	shalt  }
0x72: {  	_ =	shalt  }
0x73: {  	_ =	shalt  }
0x74: {  	_ =	shalt  }
0x75: {  	_ =	shalt  }
0x76: {  	_ =	shalt  }
0x77: {  	_ =	shalt  }
0x78: {  	_ =	shalt  }
0x79: {  	_ =	shalt  }
0x7a: {  	_ =	shalt  }
0x7b: {  	_ =	shalt  }
0x7c: {  	_ =	shalt  }
0x7d: {  	_ =	shalt  }
0x7e: {  	_ =	shalt  }
0x7f: {  	_ =	shalt  }
0x80: {  	_ =	shalt  }
0x81: {  	_ =	shalt  }
0x82: {  	_ =	shalt  }
0x83: {  	_ =	shalt  }
0x84: {  	_ =	shalt  }
0x85: {  	_ =	shalt  }
0x86: {  	_ =	shalt  }
0x87: {  	_ =	shalt  }
.Lfunc_end0:
.L_simem_size_0:
called_computation_lowered:
.L_overlay_start_0:
0x88: {  	s2 =	sld [smem:$0x3FD9]  }
0x89: {  	s3 =	sld [smem:$0x3FFE];
	_ =	sdelay $0x1  }
0x8a: {  	s1 =	srdreg.scid  }
0x8b: {  	s0 =	sand.u32 $0x1, s1  }
0x8c: {  	s17 =	sshll.u32 s0, $0xA;
	s2 =	sadd.s32 s3, s2  }
0x8d: {  	s2 =	sadd.s32 s2, s17  }
0x8e: {  	[smem:$0x3FC6] =	sst s2  }
0x8f: {  	_ = 	snop  }
0x90: {  	s2 =	sld [smem:$0x3FC9]  }
0x91: {  	s18 =	sld [smem:$0x3FD0];
	(tm) =	ssettm $0x1  }
0x92: {  	s4 =	sld [smem:$0x3FFB];
	_ =	sdelay $0x3  }
0x93: {  	_ =	strace s4  }
0x94: {  	s4 =	sld [smem:$0x3FFC];
	_ =	sdelay $0x3  }
0x95: {  	_ =	strace s4  }
0x96: {  	s4 =	sld [smem:$0x3FFD];
	_ =	sdelay $0x3  }
0x97: {  	_ =	strace s4  }
0x98: {  	_ =	strace $0x8FFFFFFF  }
0x99: {  	s19 =	sld [smem:$0x3FDB];
	_ =	sdelay $0x1  }
0x9a: {  	s5 =	simm.s32 $_scs_section_size  }
0x9b: {  	s6 =	simm.s32 $_size__tile_overlayer_lowered;
	s7 =	simm.s32 $_tile_overlayer_lowered  }
0x9c: {  	s22 =	simm.s32 $0x1BFF;
	s21 =	sshll.u32 s7, $0x1;
	s4 =	sadd.s32 s5, s19  }
0x9d: {  	s8 =	simm.s32 $0x0;
	s20 =	sshll.u32 s6, $0x1;
	s6 =	sadd.s32 s21, s4  }
0x9e: {  	[timem:s8], [sflag:s22] =	dma.local [hbm:s6], s20  }
0x9f: {  	_ =	swait.ge [sflag:s22], s20  }
0xa0: {  	s5 =	ssub.s32 $0x0, s20;
	[sflag:s22] =	ssyncset.done $0x0  }
0xa1: {  	[sflag:s22] =	ssyncadd.s32 s5;
	_ =	sdelay $0x1  }
0xa2: {  	s23 =	simm.s32 $0x1B8B  }
0xa3: {  	_ =	swait.ge [sflag:s23], $0x1  }
0xa4: {  	[sflag:s23] =	ssyncset.done $0x0  }
0xa5: {  	s25 =	simm.s32 $0x1B8E;
	s24 =	sld [smem:$0x3FFE];
	[sflag:s23] =	ssyncadd.s32 $0xFFFFFFFF  }
0xa6: {  	s26 =	simm.s32 $execute0_lowered;
	[smem:$0x3FD2] =	sst s25  }
0xa7: {  	s6 =	sshll.u32 s26, $0x1;
	_ =	strace $0x80000046;
	[dreg:$0x1] =	wrdreg $0xFFFFFFFF  }
0xa8: {  	s28 =	simm.s32 $_size_execute0_lowered;
	s4 =	sadd.s32 s4, s6;
	[dreg:$0x0] =	wrdreg $0x0  }
0xa9: {  	s6 =	sshll.u32 s28, $0x1;
	[dreg:$0x2] =	wrdreg s4  }
0xaa: {  	[dreg:$0x3] =	wrdreg s6  }
0xab: {  	[dreg:$0x4] =	wrdreg $0xC0  }
0xac: {  	_ =	task [dreg:s8], $0x5FFFF  }
0xad: {  	[dreg:$0x1] =	wrdreg $0xFFFFFFFF  }
0xae: {  	[dreg:$0x0] =	wrdreg $0x60  }
0xaf: {  	[dreg:$0x2] =	wrdreg s2  }
0xb0: {  	[dreg:$0x3] =	wrdreg s18  }
0xb1: {  	[dreg:$0x4] =	wrdreg s24  }
0xb2: {  	[dreg:$0x5] =	wrdreg $0x9  }
0xb3: {  	_ =	task.clear_ibuf [dreg:s8], $0x6FFFF;
	_ =	strace $0x90000046  }
0xb4: {  	s29 =	simm.s32 $0x9;
	_ =	strace $0x80000048  }
0xb5: {  	_ =	swait.ge [sflag:s29], $0x1  }
0xb6: {  	[sflag:s29] =	ssyncadd.s32 $0xFFFFFFFF  }
0xb7: {  	_ =	strace $0x90000048  }
0xb8: {  	_ =	sfence  }
0xb9: {  	s30 =	sld [smem:$0x0];
	_ =	sdelay $0x2  }
0xba: {  	s31 =	sshll.u32 s1, $0xD;
	s1 =	sshrl.u32 s1, $0x2  }
0xbb: {  	s3 =	sand.u32 $0x4000, s31;
	s1 =	sadd.s32 s1, s30  }
0xbc: {  	s0 =	sor.u32 s3, s0;
	s1 =	sshll.u32 s1, $0x11  }
0xbd: {  	s0 =	sor.u32 s1, s0  }
0xbe: {  	s0 =	sadd.s32 $0x8F2B, s0  }
0xbf: {  	[sflag:s0] =	ssyncadd.remote.s32 $0x1  }
0xc0: {  	_ =	sfence.sel $0xFFFF  }
0xc1: {  	[dreg:$0x0] =	wrdreg $0xFFFFFFFF;
	(pc) =	sbr.abs _section_cstart, $3  }
0xc2: {  	[dreg:$0x1] =	wrdreg $0xFFFFFFFF  }
0xc3: {  	_ =	task.clear_ibuf [dreg:s8], $0x2FFFF;
	_ =	strace $0x9FFFFFFF  }
0xc4: {  	(tm) =	ssettm $0x7FFFFFFF  }
0xc5: {  	_ =	shalt  }
tec
execute0_lowered:
.L_overlay_start_1:
0x0: {  	(tag) =	ssettag $0x1  }
0x1: {  	s1 =	rddreg [dreg:$0x0]  }
0x2: {  	s4 =	rddreg [dreg:$0x1]  }
0x3: {  	s5 =	rddreg [dreg:$0x2];
	s6 =	srdreg.scid  }
0x4: {  	s3 =	simm.s32 $0x0;
	s0 =	stileid.u32;
	s12 =	simm.s32 $0x2  }
0x5: {  	s6 =	sand.u32 $0x1, s6;
	[smem:$0x7FF] =	sst s3;
	s7 =	sshll.u32 s0, $0x5  }
0x6: {  	s24 =	sshll.u32 s0, $0x14;
	s8 =	sshll.u32 s6, $0x4;
	s22 =	ssub.s32 $0x2, s6  }
0x7: {  	_ =	strace $0x80000047;
	s7 =	sor.u32 s8, s7;
	s10 =	sshrl.u32 s22, $0x1  }
0x8: {  	s6 =	sshll.u32 s6, $0x13;
	s9 =	sshll.u32 s7, $0x5;
	s8 =	ssub.s32 s22, s10  }
0x9: {  	s11 =	sor.u32 $0x200, s7;
	s26 =	sshll.u32 s7, $0xF;
	s28 =	smax.u32 s8, $0x1  }
0xa: {  	s23 =	sshrl.u32 s11, $0x3;
	s30 =	sor.u32 $0x1008000, s26;
	[dreg:$0x6] =	wrdreg s28  }
.Ltmp0:
0xb: {  	s31 =	sor.u32 $0x1010000, s26;
	[dreg:$0x8] =	wrdreg s30;
	(pc) =	sbr.rel .LBB2_1-.Ltmp0, $4  }
0xc: {  	s5 =	sadd.s32 s9, s5;
	s2 =	sadd.s32 s4, s23;
	[dreg:$0x9] =	wrdreg s31  }
0xd: {  	s9 =	sor.u32 s6, s24;
	s25 =	sadd.s32 $0x600, s5;
	[dreg:$0x4] =	wrdreg s2  }
0xe: {  	s11 =	simm.s32 $0x1;
	s29 =	sor.u32 $0x1000000, s9;
	[dreg:$0x5] =	wrdreg s25  }
0xf: {  	s4 =	simm.s32 $0x0;
	[dreg:$0x7] =	wrdreg s29;
	s2 =	simm.s32 $0x3  }
.LBB2_38:
0x10: {  	s0 =	rddreg [dreg:$0x5];
	s2 =	simm.s32 $0x11080  }
0x11: {  	[hbm4b:s0+s3] =	stream.linear.scatter [tilespmem:s2], [sflag:$0x3], $0x1000, $0x38;
	[tilespmem:$0x12080] =	vst v63  }
0x12: {  	s2 =	simm.s32 $0x3  }
0x13: {  	_ =	swait.ge [sflag:s2], $0x1000  }
0x14: {  	s4 =	rddreg [dreg:$0xa]  }
0x15: {  	s31 =	rddreg [dreg:$0x6];
	s4 =	sadd.s32 $0x1, s4  }
0x16: {  	p0 =	sne.s32 s4, s31  }
.Ltmp1:
0x17: {  	_ = 	snop;
	(pc) =	sbr.rel @!p0 .LBB2_39-.Ltmp1, $3  }
0x18: {  	_ =	sdelay $0x1  }
0x19: {  	[sflag:s2] =	ssyncset.done $0x0  }
0x1a: {  	[sflag:s2] =	ssyncadd.s32 $0xFFFFF000  }
.LBB2_1:
0x1b: {  	s0 =	rddreg [dreg:$0x4]  }
0x1c: {  	[tilespmem:s3], [sflag:$0x3] =	stream.linear.gather [hbm4b:s0+s3], $0x18, $0x38;
	[tilespmem:$0x12080] =	vst v63  }
0x1d: {  	_ =	swait.ge [sflag:s2], $0x18  }
0x1e: {  	[sflag:s2] =	ssyncset.done $0x0  }
0x1f: {  	[sflag:s2] =	ssyncadd.s32 $0xFFFFFFE8  }
0x20: {  	v0 =	vld [tilespmem:$0x0];
	_ =	sdelay $0x4  }
0x21: {  	(v2sf) =	vpush v0, $0x0;
	_ =	sdelay $0xe  }
0x22: {  	s15 =	spop (v2sf)  }
0x23: {  	s15 =	sadd.s32 $0xF, s15  }
0x24: {  	s16 =	sand.u32 $0xF, s15  }
0x25: {  	s31 =	sshra.s32 s15, $0x1F;
	p1 =	slt.s32 s15, $0x1;
	p0 =	sne.s32 s16, $0x0  }
0x26: {  	s16 =	sshrl.u32 s31, $0x1C;
	p0 =	por !p1, !p0  }
0x27: {  	s15 =	sadd.s32 s16, s15;
	s16 =	simm.s32 $0x1;
	p0 =	por !p0, !p0  }
0x28: {  	s15 =	sshra.s32 s15, $0x4;
	s16 =	simm.s32 @!p0 $0x0  }
0x29: {  	s16 =	ssub.s32 s15, s16  }
0x2a: {  	p0 =	slt.s32 s16, $0x1  }
.Ltmp2:
0x2b: {  	_ = 	snop;
	(pc) =	sbr.rel @p0 .LBB2_4-.Ltmp2, $2  }
0x2c: {  	_ =	sdelay $0x2  }
0x2d: {  	s15 =	simm.s32 $0x80  }
0x2e: {  	p0 =	sne.s32 s16, $0x1  }
.Ltmp3:
0x2f: {  	s0 =	rddreg [dreg:$0x7];
	(pc) =	sbr.rel @!p0 .LBB2_4-.Ltmp3, $4  }
0x30: {  	s17 =	sshrl.u32 s0, $0x3  }
0x31: {  	s17 =	sadd.s32 s1, s17  }
0x32: {  	[tilespmem:s15], [sflag:$0x1] =	stream.linear.gather [hbm4b:s17+s3], $0x1000, $0x38;
	[tilespmem:$0x12080] =	vst v63  }
0x33: {  	s16 =	sadd.s32 $0xFFFFFFFF, s16;
	s17 =	sadd.s32 $0x1000, s0  }
.LBB2_3:
0x34: {  	s18 =	sshrl.u32 s17, $0x3;
	p0 =	sne.s32 s16, $0x1;
	s16 =	sadd.s32 $0xFFFFFFFF, s16  }
.Ltmp4:
0x35: {  	s15 =	sadd.s32 $0x1000, s15;
	s18 =	sadd.s32 s1, s18;
	(pc) =	sbr.rel @p0 .LBB2_3-.Ltmp4, $3  }
0x36: {  	[tilespmem:s15], [sflag:$0x1] =	stream.linear.gather [hbm4b:s18+s3], $0x1000, $0x38;
	[tilespmem:$0x12080] =	vst v63  }
0x37: {  	_ =	sdelay $0x1  }
0x38: {  	s17 =	sadd.s32 $0x1000, s17  }
.LBB2_4:
.Ltmp5:
0x39: {  	(pc) =	sbr.rel .LBB2_5-.Ltmp5, $4  }
0x3a: {  	_ = 	snop  }
0x3b: {  	[dreg:$0xa] =	wrdreg s4  }
0x3c: {  	s7 =	rddreg [dreg:$0x9]  }
0x3d: {  	s6 =	simm.s32 $0x0;
	s0 =	rddreg [dreg:$0x8]  }
.LBB2_29:
0x3e: {  	v9 =	vimm.f32 $0.0e+00;
	v5 =	vimm.f32 $0.0e+00;
	v7 =	vimm.f32 $0.0e+00  }
0x3f: {  	v10 =	vimm.f32 $0.0e+00;
	v13 =	vimm.f32 $0.0e+00;
	v15 =	vimm.f32 $0.0e+00  }
0x40: {  	v11 =	vimm.f32 $0.0e+00;
	v1 =	vimm.f32 $0.0e+00;
	v14 =	vimm.f32 $0.0e+00  }
0x41: {  	v3 =	vimm.f32 $0.0e+00;
	v2 =	vimm.f32 $0.0e+00;
	v6 =	vimm.f32 $0.0e+00  }
0x42: {  	v4 =	vimm.f32 $0.0e+00;
	v8 =	vimm.f32 $0.0e+00;
	v12 =	vimm.f32 $0.0e+00  }
.LBB2_37:
0x43: {  	s21 =	sshll.u32 s10, $0xA  }
0x44: {  	s2 =	sshll.u32 s10, $0x9;
	s0 =	sand.u32 $0xFFFFF800, s21  }
0x45: {  	s23 =	sand.u32 $0x200, s2;
	s22 =	sadd.s32 $0x8880, s0  }
0x46: {  	s0 =	sor.u32 s23, s22  }
0x47: {  	v16 =	vld [tilespmem:s0+$0x0]  }
0x48: {  	v17 =	vld [tilespmem:s0+$0x10]  }
0x49: {  	v18 =	vld [tilespmem:s0+$0x20]  }
0x4a: {  	v19 =	vld [tilespmem:s0+$0x30]  }
0x4b: {  	v20 =	vld [tilespmem:s0+$0x40]  }
0x4c: {  	v21 =	vld [tilespmem:s0+$0x50]  }
0x4d: {  	s2 =	sor.u32 s21, s23;
	v22 =	vld [tilespmem:s0+$0x60]  }
0x4e: {  	s17 =	sor.u32 $0x400, s2;
	v23 =	vld [tilespmem:s0+$0x70]  }
0x4f: {  	s18 =	sor.u32 $0x410, s2;
	v24 =	vld [tilespmem:s17+$0x8880]  }
0x50: {  	s19 =	sor.u32 $0x420, s2;
	v25 =	vld [tilespmem:s18+$0x8880]  }
0x51: {  	s20 =	sor.u32 $0x430, s2;
	v26 =	vld [tilespmem:s19+$0x8880]  }
0x52: {  	s24 =	sor.u32 $0x440, s2;
	v27 =	vld [tilespmem:s20+$0x8880]  }
0x53: {  	s25 =	sor.u32 $0x450, s2;
	v28 =	vld [tilespmem:s24+$0x8880]  }
0x54: {  	s26 =	sor.u32 $0x460, s2;
	v29 =	vld [tilespmem:s25+$0x8880]  }
0x55: {  	s29 =	sor.u32 $0x80, s23;
	s28 =	sor.u32 $0x470, s2;
	v30 =	vld [tilespmem:s26+$0x8880]  }
0x56: {  	s30 =	sadd.s32 s29, s22;
	v31 =	vld [tilespmem:s28+$0x8880]  }
0x57: {  	v32 =	vld [tilespmem:s30+$0x0]  }
0x58: {  	v33 =	vld [tilespmem:s30+$0x10]  }
0x59: {  	v34 =	vld [tilespmem:s30+$0x20]  }
0x5a: {  	s4 =	sshll.u32 s10, $0x2;
	v35 =	vld [tilespmem:s30+$0x30]  }
0x5b: {  	v36 =	vld [tilespmem:s30+$0x40];
	s18 =	ssub.s32 s8, s4  }
0x5c: {  	v37 =	vld [tilespmem:s30+$0x50];
	p0 =	sgt.s32 s18, $0x0  }
0x5d: {  	s2 =	sor.u32 s21, s29;
	v38 =	vld [tilespmem:s30+$0x60];
	v16 =	vpsel !p0, $0x0, v16;
	v50 =	vpsel !p0, $0x0, v17  }
0x5e: {  	v39 =	vld [tilespmem:s30+$0x70];
	s8 =	sor.u32 $0x430, s2;
	v51 =	vpsel !p0, $0x0, v18;
	v52 =	vpsel !p0, $0x0, v19;
	v53 =	vpsel !p0, $0x0, v20  }
0x5f: {  	s16 =	sor.u32 $0x100, s23;
	s15 =	sor.u32 $0x470, s2;
	v56 =	vld [tilespmem:s8+$0x8880];
	v54 =	vpsel !p0, $0x0, v21;
	v55 =	vpsel !p0, $0x0, v22;
	v57 =	vpsel !p0, $0x0, v23  }
0x60: {  	s17 =	sor.u32 s16, s22;
	v63 =	vld [tilespmem:s15+$0x8880];
	v58 =	vpsel !p0, $0x0, v24;
	v59 =	vpsel !p0, $0x0, v25;
	v60 =	vpsel !p0, $0x0, v26  }
0x61: {  	v40 =	vld [tilespmem:s17+$0x20];
	v61 =	vpsel !p0, $0x0, v27;
	v62 =	vpsel !p0, $0x0, v28;
	v29 =	vpsel !p0, $0x0, v29  }
0x62: {  	p5 =	sgt.s32 s18, $0x1;
	v43 =	vld [tilespmem:s17+$0x30];
	v30 =	vpsel !p0, $0x0, v30;
	v31 =	vpsel !p0, $0x0, v31;
	v0 =	vadd.f32 v16, v0  }
0x63: {  	v45 =	vld [tilespmem:s17+$0x40];
	v32 =	vpsel !p5, $0x0, v32;
	v9 =	vadd.f32 v50, v9;
	v5 =	vadd.f32 v51, v5  }
0x64: {  	s31 =	sor.u32 $0x400, s2;
	v48 =	vld [tilespmem:s17+$0x50];
	v41 =	vpsel !p5, $0x0, v33;
	v7 =	vadd.f32 v52, v7;
	v10 =	vadd.f32 v53, v10  }
0x65: {  	s4 =	sor.u32 $0x410, s2;
	v17 =	vld [tilespmem:s31+$0x8880];
	v42 =	vpsel !p5, $0x0, v34;
	v13 =	vadd.f32 v54, v13;
	v15 =	vadd.f32 v55, v15  }
0x66: {  	s5 =	sor.u32 $0x420, s2;
	v19 =	vld [tilespmem:s4+$0x8880];
	v44 =	vpsel !p5, $0x0, v35;
	v11 =	vadd.f32 v57, v11;
	v1 =	vadd.f32 v58, v1  }
0x67: {  	s10 =	sor.u32 $0x440, s2;
	v18 =	vld [tilespmem:s5+$0x8880];
	v46 =	vpsel !p5, $0x0, v36;
	v14 =	vadd.f32 v59, v14;
	v3 =	vadd.f32 v60, v3  }
0x68: {  	s13 =	sor.u32 $0x450, s2;
	v20 =	vld [tilespmem:s10+$0x8880];
	v47 =	vpsel !p5, $0x0, v37;
	v2 =	vadd.f32 v61, v2;
	v6 =	vadd.f32 v62, v6  }
0x69: {  	s14 =	sor.u32 $0x460, s2;
	v23 =	vld [tilespmem:s13+$0x8880];
	v49 =	vpsel !p5, $0x0, v38;
	v4 =	vadd.f32 v29, v4;
	v8 =	vadd.f32 v30, v8  }
0x6a: {  	v22 =	vld [tilespmem:s14+$0x8880];
	v12 =	vadd.f32 v31, v12;
	v51 =	vpsel !p5, $0x0, v39;
	v56 =	vpsel !p5, $0x0, v56  }
0x6b: {  	s2 =	sor.u32 s21, s16;
	p6 =	sgt.s32 s18, $0x2;
	v24 =	vld [tilespmem:s17+$0x0];
	v62 =	vpsel !p5, $0x0, v63;
	v0 =	vadd.f32 v32, v0;
	v9 =	vadd.f32 v41, v9  }
0x6c: {  	s23 =	sor.u32 $0x440, s2;
	v27 =	vld [tilespmem:s17+$0x10];
	v36 =	vpsel !p6, $0x0, v40;
	v5 =	vadd.f32 v42, v5;
	v7 =	vadd.f32 v44, v7  }
0x6d: {  	s25 =	sor.u32 $0x450, s2;
	v33 =	vld [tilespmem:s23+$0x8880];
	v38 =	vpsel !p6, $0x0, v43;
	v10 =	vadd.f32 v46, v10;
	v13 =	vadd.f32 v47, v13  }
0x6e: {  	s26 =	sor.u32 $0x460, s2;
	v35 =	vld [tilespmem:s25+$0x8880];
	v40 =	vpsel !p6, $0x0, v45;
	v15 =	vadd.f32 v49, v15;
	v11 =	vadd.f32 v51, v11  }
0x6f: {  	v37 =	vld [tilespmem:s26+$0x8880];
	v2 =	vadd.f32 v56, v2;
	v12 =	vadd.f32 v62, v12;
	v41 =	vpsel !p6, $0x0, v48  }
0x70: {  	s22 =	sor.u32 $0x430, s2;
	v50 =	vld [tilespmem:s17+$0x60];
	v17 =	vpsel !p5, $0x0, v17;
	v53 =	vpsel !p5, $0x0, v19;
	v55 =	vpsel !p5, $0x0, v18  }
0x71: {  	s28 =	sor.u32 $0x470, s2;
	v63 =	vld [tilespmem:s22+$0x8880];
	v58 =	vpsel !p5, $0x0, v20;
	v60 =	vpsel !p5, $0x0, v23;
	v61 =	vpsel !p5, $0x0, v22  }
0x72: {  	s24 =	sshllo.u32 s6, $0x1;
	v39 =	vld [tilespmem:s28+$0x8880];
	v25 =	vpsel !p6, $0x0, v24;
	v5 =	vadd.f32 v36, v5;
	v7 =	vadd.f32 v38, v7  }
0x73: {  	s19 =	sor.u32 $0x400, s2;
	s4 =	sshll.u32 s24, $0x7;
	v52 =	vld [tilespmem:s17+$0x70];
	v34 =	vpsel !p6, $0x0, v27;
	v1 =	vadd.f32 v17, v1;
	v14 =	vadd.f32 v53, v14  }
0x74: {  	s21 =	sor.u32 $0x420, s2;
	v54 =	vld [tilespmem:s19+$0x8880];
	s29 =	sand.u32 $0x380, s4;
	v49 =	vpsel !p6, $0x0, v33;
	v3 =	vadd.f32 v55, v3;
	v6 =	vadd.f32 v58, v6  }
0x75: {  	s20 =	sor.u32 $0x410, s2;
	v59 =	vld [tilespmem:s21+$0x8880];
	s30 =	sadd.s32 s29, s9;
	v4 =	vadd.f32 v60, v4;
	v0 =	vadd.f32 v25, v0;
	v5 =	vmax.f32 v5, $0.0e+00  }
0x76: {  	v57 =	vld [tilespmem:s20+$0x8880];
	v9 =	vadd.f32 v34, v9;
	v48 =	vpsel !p6, $0x0, v63;
	v7 =	vmax.f32 v7, $0.0e+00;
	[tilespmem:s30+$0x20] =	vst v5  }
0x77: {  	v58 =	vpsel !p6, $0x0, v39;
	v2 =	vadd.f32 v48, v2;
	v0 =	vmax.f32 v0, $0.0e+00;
	[tilespmem:s30+$0x30] =	vst v7  }
0x78: {  	v42 =	vpsel !p6, $0x0, v50;
	v60 =	vadd.f32 v58, v12;
	v9 =	vmax.f32 v9, $0.0e+00;
	[tilespmem:s30+$0x0] =	vst v0  }
0x79: {  	v43 =	vpsel !p6, $0x0, v52;
	v5 =	vadd.f32 v42, v15;
	[tilespmem:s30+$0x10] =	vst v9;
	v56 =	vmax.f32 v2, $0.0e+00  }
0x7a: {  	v46 =	vpsel !p6, $0x0, v59;
	v7 =	vadd.f32 v43, v11;
	v63 =	vmax.f32 v60, $0.0e+00;
	[tilespmem:s30+$0x430] =	vst v56  }
0x7b: {  	v8 =	vadd.f32 v61, v8;
	v3 =	vadd.f32 v46, v3;
	v5 =	vmax.f32 v5, $0.0e+00;
	[tilespmem:s30+$0x470] =	vst v63  }
0x7c: {  	v52 =	vpsel !p6, $0x0, v35;
	v51 =	vadd.f32 v49, v6;
	v47 =	vmax.f32 v7, $0.0e+00;
	[tilespmem:s30+$0x60] =	vst v5  }
0x7d: {  	v44 =	vpsel !p6, $0x0, v54;
	v54 =	vadd.f32 v52, v4;
	v53 =	vmax.f32 v3, $0.0e+00;
	[tilespmem:s30+$0x70] =	vst v47  }
0x7e: {  	v55 =	vpsel !p6, $0x0, v37;
	v0 =	vadd.f32 v40, v10;
	v59 =	vmax.f32 v51, $0.0e+00;
	[tilespmem:s30+$0x420] =	vst v53  }
0x7f: {  	s6 =	sadd.s32 $0x1, s6;
	v45 =	vpsel !p6, $0x0, v57;
	v57 =	vadd.f32 v55, v8;
	v61 =	vmax.f32 v54, $0.0e+00;
	[tilespmem:s30+$0x440] =	vst v59  }
0x80: {  	p0 =	sne.s32 s6, $0x8;
	v9 =	vadd.f32 v41, v13;
	v0 =	vmax.f32 v0, $0.0e+00;
	[tilespmem:s30+$0x450] =	vst v61  }
.Ltmp6:
0x81: {  	v62 =	vmax.f32 v57, $0.0e+00;
	[tilespmem:s30+$0x40] =	vst v0;
	v0 =	vadd.f32 v44, v1;
	(pc) =	sbr.rel @!p0 .LBB2_38-.Ltmp6, $4  }
0x82: {  	v9 =	vmax.f32 v9, $0.0e+00;
	[tilespmem:s30+$0x460] =	vst v62;
	v1 =	vadd.f32 v45, v14  }
0x83: {  	[tilespmem:s30+$0x50] =	vst v9;
	v0 =	vmax.f32 v0, $0.0e+00  }
0x84: {  	s31 =	rddreg [dreg:$0xd];
	v50 =	vmax.f32 v1, $0.0e+00;
	[tilespmem:s30+$0x400] =	vst v0  }
0x85: {  	s7 =	sadd.s32 $0x10000, s7;
	s0 =	sadd.s32 $0x10000, s31;
	[tilespmem:s30+$0x410] =	vst v50  }
.LBB2_5:
0x86: {  	s8 =	sshll.u32 s6, $0x1  }
0x87: {  	v0 =	vld [tilespmem:s8+$0x1];
	_ =	sdelay $0x4  }
0x88: {  	(v2sf) =	vpush v0, $0x0;
	_ =	sdelay $0xe  }
0x89: {  	s19 =	spop (v2sf)  }
0x8a: {  	s19 =	sadd.s32 $0xF, s19  }
0x8b: {  	s20 =	sand.u32 $0xF, s19  }
0x8c: {  	s31 =	sshra.s32 s19, $0x1F;
	p1 =	slt.s32 s19, $0x1;
	p0 =	sne.s32 s20, $0x0  }
0x8d: {  	s20 =	sshrl.u32 s31, $0x1C;
	p0 =	por !p1, !p0  }
0x8e: {  	s19 =	sadd.s32 s20, s19;
	s20 =	simm.s32 $0x1;
	p0 =	por !p0, !p0  }
0x8f: {  	s19 =	sshra.s32 s19, $0x4;
	s20 =	simm.s32 @!p0 $0x0  }
0x90: {  	s20 =	ssub.s32 s19, s20  }
0x91: {  	p0 =	slt.s32 s20, $0x1  }
.Ltmp7:
0x92: {  	_ = 	snop;
	(pc) =	sbr.rel @p0 .LBB2_8-.Ltmp7, $2  }
0x93: {  	_ =	sdelay $0x2  }
0x94: {  	s19 =	simm.s32 $0x8880  }
0x95: {  	p0 =	sne.s32 s20, $0x1  }
.Ltmp8:
0x96: {  	_ = 	snop;
	(pc) =	sbr.rel @!p0 .LBB2_8-.Ltmp8, $4  }
0x97: {  	s21 =	sshrl.u32 s0, $0x3  }
0x98: {  	s21 =	sadd.s32 s1, s21  }
0x99: {  	[tilespmem:s19], [sflag:$0x2] =	stream.linear.gather [hbm4b:s21+s3], $0x1000, $0x38;
	[tilespmem:$0x12080] =	vst v63  }
0x9a: {  	s20 =	sadd.s32 $0xFFFFFFFF, s20;
	s21 =	sadd.s32 $0x1000, s0  }
.LBB2_7:
0x9b: {  	s22 =	sshrl.u32 s21, $0x3;
	p0 =	sne.s32 s20, $0x1;
	s20 =	sadd.s32 $0xFFFFFFFF, s20  }
.Ltmp9:
0x9c: {  	s19 =	sadd.s32 $0x1000, s19;
	s22 =	sadd.s32 s1, s22;
	(pc) =	sbr.rel @p0 .LBB2_7-.Ltmp9, $3  }
0x9d: {  	[tilespmem:s19], [sflag:$0x2] =	stream.linear.gather [hbm4b:s22+s3], $0x1000, $0x38;
	[tilespmem:$0x12080] =	vst v63  }
0x9e: {  	_ =	sdelay $0x1  }
0x9f: {  	s21 =	sadd.s32 $0x1000, s21  }
.LBB2_8:
0xa0: {  	v0 =	vld [tilespmem:s8+$0x0];
	_ =	sdelay $0x4  }
0xa1: {  	(v2sf) =	vpush v0, $0x0;
	_ =	sdelay $0xe  }
0xa2: {  	s9 =	spop (v2sf)  }
0xa3: {  	s20 =	sadd.s32 $0xF, s9  }
0xa4: {  	s21 =	sand.u32 $0xF, s20  }
0xa5: {  	s31 =	sshra.s32 s20, $0x1F;
	p1 =	slt.s32 s20, $0x1;
	p0 =	sne.s32 s21, $0x0  }
0xa6: {  	s21 =	sshrl.u32 s31, $0x1C;
	p0 =	por !p1, !p0  }
0xa7: {  	s20 =	sadd.s32 s21, s20;
	s21 =	simm.s32 $0x1;
	p0 =	por !p0, !p0  }
0xa8: {  	s20 =	sshra.s32 s20, $0x4;
	s21 =	simm.s32 @!p0 $0x0  }
0xa9: {  	s20 =	ssub.s32 s20, s21  }
0xaa: {  	p0 =	slt.s32 s20, $0x1  }
.Ltmp10:
0xab: {  	_ = 	snop;
	(pc) =	sbr.rel @p0 .LBB2_12-.Ltmp10, $1  }
0xac: {  	_ =	sdelay $0x3  }
0xad: {  	p0 =	sne.s32 s20, $0x1  }
.Ltmp11:
0xae: {  	_ = 	snop;
	(pc) =	sbr.rel @!p0 .LBB2_11-.Ltmp11, $3  }
0xaf: {  	_ =	sdelay $0x1  }
0xb0: {  	_ =	swait.ge [sflag:s11], $0x1000  }
0xb1: {  	s20 =	sadd.s32 $0xFFFFFFFF, s20;
	[sflag:s11] =	ssyncset.done $0x0  }
.LBB2_10:
0xb2: {  	p0 =	sne.s32 s20, $0x1;
	s20 =	sadd.s32 $0xFFFFFFFF, s20;
	[sflag:s11] =	ssyncadd.s32 $0xFFFFF000  }
.Ltmp12:
0xb3: {  	(pc) =	sbr.rel @p0 .LBB2_10-.Ltmp12, $3  }
0xb4: {  	_ =	sdelay $0x1  }
0xb5: {  	_ =	swait.ge [sflag:s11], $0x1000  }
0xb6: {  	[sflag:s11] =	ssyncset.done $0x0  }
.LBB2_11:
0xb7: {  	[sflag:s11] =	ssyncadd.s32 $0xFFFFF000  }
.LBB2_12:
0xb8: {  	s20 =	sand.u32 $0x3, s9  }
0xb9: {  	s21 =	sshra.s32 s9, $0x1F;
	p0 =	slt.s32 s9, $0x1;
	p1 =	sne.s32 s20, $0x0  }
0xba: {  	s31 =	sshrl.u32 s21, $0x1E;
	p0 =	por !p0, !p1  }
0xbb: {  	s21 =	simm.s32 $0x1;
	s20 =	sadd.s32 s31, s9;
	p0 =	por !p0, !p0  }
0xbc: {  	s20 =	sshra.s32 s20, $0x2;
	s21 =	simm.s32 @!p0 $0x0  }
0xbd: {  	s10 =	ssub.s32 s20, s21  }
0xbe: {  	p0 =	slt.s32 s10, $0x1  }
.Ltmp13:
0xbf: {  	_ = 	snop;
	(pc) =	sbr.rel @p0 .LBB2_13-.Ltmp13, $4  }
0xc0: {  	_ = 	snop  }
0xc1: {  	[dreg:$0xb] =	wrdreg s6  }
0xc2: {  	[dreg:$0xc] =	wrdreg s7  }
0xc3: {  	v0 =	vimm.f32 $0.0e+00;
	s25 =	simm.s32 $0x0;
	[dreg:$0xd] =	wrdreg s0  }
0xc4: {  	p1 =	sne.s32 s10, $0x1  }
.Ltmp14:
0xc5: {  	_ = 	snop;
	(pc) =	sbr.rel @!p1 .LBB2_15-.Ltmp14, $4  }
0xc6: {  	_ = 	snop  }
0xc7: {  	s21 =	sand.u32 $0x200, s25  }
0xc8: {  	s24 =	sand.u32 $0xFFFFF800, s25;
	s26 =	sadd.s32 $0xFFFFFFFF, s10;
	s22 =	sadd.s32 s21, s25  }
0xc9: {  	p0 =	por $0x0, $0x0;
	s28 =	sadd.s32 $0x80, s22;
	s30 =	sor.u32 $0x470, s22  }
0xca: {  	v1 =	vld [tilespmem:s30+$0x80];
	s29 =	sor.u32 $0x470, s28  }
0xcb: {  	s31 =	sor.u32 $0x400, s28;
	v2 =	vld [tilespmem:s29+$0x80]  }
0xcc: {  	s20 =	sor.u32 $0x410, s28;
	v5 =	vld [tilespmem:s31+$0x80]  }
0xcd: {  	s4 =	sor.u32 $0x420, s28;
	v8 =	vld [tilespmem:s20+$0x80]  }
0xce: {  	s7 =	sor.u32 $0x430, s28;
	v11 =	vld [tilespmem:s4+$0x80]  }
0xcf: {  	[dreg:$0x12] =	wrdreg s10;
	s10 =	sor.u32 $0x440, s28;
	v14 =	vld [tilespmem:s7+$0x80]  }
0xd0: {  	s15 =	sor.u32 $0x450, s28;
	v17 =	vld [tilespmem:s10+$0x80]  }
0xd1: {  	s23 =	sadd.s32 $0x100, s22;
	s28 =	sor.u32 $0x460, s28;
	v20 =	vld [tilespmem:s15+$0x80]  }
0xd2: {  	s30 =	sadd.s32 $0x180, s22;
	s16 =	sor.u32 $0x470, s23;
	v23 =	vld [tilespmem:s28+$0x80]  }
0xd3: {  	s17 =	sor.u32 $0x470, s30;
	v3 =	vld [tilespmem:s16+$0x80]  }
0xd4: {  	s18 =	sor.u32 $0x400, s23;
	v4 =	vld [tilespmem:s17+$0x80]  }
0xd5: {  	s19 =	sor.u32 $0x400, s30;
	v6 =	vld [tilespmem:s18+$0x80]  }
0xd6: {  	s0 =	sor.u32 $0x410, s23;
	v7 =	vld [tilespmem:s19+$0x80]  }
0xd7: {  	s2 =	sor.u32 $0x410, s30;
	v9 =	vld [tilespmem:s0+$0x80]  }
0xd8: {  	s5 =	sor.u32 $0x420, s23;
	v10 =	vld [tilespmem:s2+$0x80]  }
0xd9: {  	s6 =	sor.u32 $0x420, s30;
	v12 =	vld [tilespmem:s5+$0x80]  }
0xda: {  	[dreg:$0xe] =	wrdreg s8;
	s8 =	sor.u32 $0x430, s23;
	v13 =	vld [tilespmem:s6+$0x80]  }
0xdb: {  	[dreg:$0x10] =	wrdreg s9;
	s9 =	sor.u32 $0x430, s30;
	v15 =	vld [tilespmem:s8+$0x80]  }
0xdc: {  	s13 =	sor.u32 $0x440, s23;
	v16 =	vld [tilespmem:s9+$0x80]  }
0xdd: {  	s14 =	sor.u32 $0x440, s30;
	v18 =	vld [tilespmem:s13+$0x80]  }
0xde: {  	s28 =	sor.u32 $0x460, s30;
	v19 =	vld [tilespmem:s14+$0x80]  }
0xdf: {  	s20 =	sor.u32 $0x440, s22;
	v25 =	vld [tilespmem:s28+$0x80]  }
0xe0: {  	s31 =	sor.u32 s21, s24;
	v30 =	vld [tilespmem:s20+$0x80]  }
0xe1: {  	v33 =	vld [tilespmem:s31+$0x80]  }
0xe2: {  	s16 =	sor.u32 $0x450, s23;
	v34 =	vld [tilespmem:s31+$0x100]  }
0xe3: {  	s17 =	sor.u32 $0x450, s30;
	v21 =	vld [tilespmem:s16+$0x80]  }
0xe4: {  	s23 =	sor.u32 $0x460, s23;
	v22 =	vld [tilespmem:s17+$0x80]  }
0xe5: {  	s18 =	sor.u32 $0x400, s22;
	v24 =	vld [tilespmem:s23+$0x80]  }
0xe6: {  	s28 =	sor.u32 $0x410, s22;
	v26 =	vld [tilespmem:s18+$0x80]  }
0xe7: {  	s19 =	sor.u32 $0x420, s22;
	v27 =	vld [tilespmem:s28+$0x80]  }
0xe8: {  	s28 =	sor.u32 $0x430, s22;
	v28 =	vld [tilespmem:s19+$0x80]  }
0xe9: {  	s23 =	sor.u32 $0x460, s22;
	v29 =	vld [tilespmem:s28+$0x80]  }
0xea: {  	s28 =	sor.u32 $0x450, s22;
	v32 =	vld [tilespmem:s23+$0x80]  }
0xeb: {  	v31 =	vld [tilespmem:s28+$0x80]  }
0xec: {  	v1 =	vadd.f32 v2, v1;
	v2 =	vadd.f32 v4, v3;
	v3 =	vld [tilespmem:s31+$0x180]  }
0xed: {  	v4 =	vld [tilespmem:s31+$0x200]  }
0xee: {  	v5 =	vadd.f32 v5, v26;
	v26 =	vld [tilespmem:s31+$0xC0]  }
0xef: {  	v8 =	vadd.f32 v8, v27;
	v27 =	vld [tilespmem:s31+$0x140];
	v1 =	vadd.f32 v2, v1  }
0xf0: {  	v2 =	vadd.f32 v7, v6;
	v7 =	vld [tilespmem:s31+$0x90];
	v6 =	vadd.f32 v10, v9  }
0xf1: {  	v9 =	vadd.f32 v13, v12;
	v10 =	vld [tilespmem:s31+$0x110];
	v12 =	vadd.f32 v16, v15  }
0xf2: {  	v13 =	vadd.f32 v19, v18;
	v15 =	vld [tilespmem:s31+$0x190];
	v16 =	vadd.f32 v22, v21  }
0xf3: {  	v18 =	vld [tilespmem:s31+$0x210];
	v19 =	vadd.f32 v25, v24;
	v24 =	vadd.f32 v34, v33  }
0xf4: {  	v21 =	vld [tilespmem:s31+$0xA0];
	v20 =	vadd.f32 v20, v31;
	v2 =	vadd.f32 v2, v5  }
0xf5: {  	v22 =	vld [tilespmem:s31+$0xB0];
	v5 =	vadd.f32 v11, v28;
	v6 =	vadd.f32 v6, v8  }
0xf6: {  	v25 =	vld [tilespmem:s31+$0x230];
	v8 =	vadd.f32 v14, v29;
	v16 =	vadd.f32 v16, v20  }
0xf7: {  	v11 =	vld [tilespmem:s31+$0x120];
	v5 =	vadd.f32 v9, v5;
	v9 =	vadd.f32 v17, v30  }
0xf8: {  	v14 =	vld [tilespmem:s31+$0x1A0];
	v8 =	vadd.f32 v12, v8;
	v12 =	vadd.f32 v1, v0  }
0xf9: {  	v20 =	vld [tilespmem:s31+$0x1B0];
	v1 =	vadd.f32 v2, v0;
	v2 =	vadd.f32 v6, v0  }
0xfa: {  	v17 =	vld [tilespmem:s31+$0x220];
	v9 =	vadd.f32 v13, v9;
	v13 =	vadd.f32 v23, v32  }
0xfb: {  	v7 =	vadd.f32 v10, v7;
	v10 =	vld [tilespmem:s31+$0x240];
	v15 =	vadd.f32 v18, v15  }
0xfc: {  	v18 =	vld [tilespmem:s31+$0x150];
	v13 =	vadd.f32 v19, v13;
	v19 =	vadd.f32 v4, v3  }
0xfd: {  	v23 =	vld [tilespmem:s31+$0x130];
	v11 =	vadd.f32 v11, v21;
	v3 =	vadd.f32 v5, v0  }
0xfe: {  	v4 =	vadd.f32 v8, v0;
	v5 =	vadd.f32 v19, v24;
	v19 =	vld [tilespmem:s31+$0x1C0]  }
0xff: {  	v8 =	vadd.f32 v16, v0;
	v16 =	vld [tilespmem:s31+$0xD0];
	v14 =	vadd.f32 v17, v14  }
0x100: {  	v6 =	vadd.f32 v9, v0;
	v9 =	vadd.f32 v13, v0;
	v13 =	vld [tilespmem:s31+$0x1D0]  }
0x101: {  	v7 =	vadd.f32 v15, v7;
	v11 =	vadd.f32 v14, v11;
	v14 =	vld [tilespmem:s31+$0x250]  }
0x102: {  	v21 =	vld [tilespmem:s31+$0xE0];
	v20 =	vadd.f32 v25, v20;
	v15 =	vadd.f32 v23, v22  }
0x103: {  	v24 =	vld [tilespmem:s31+$0x160];
	v22 =	vadd.f32 v27, v26;
	v19 =	vadd.f32 v10, v19  }
0x104: {  	p1 =	sne.s32 s26, $0x1;
	v7 =	vadd.f32 v7, v0;
	v17 =	vld [tilespmem:s31+$0x1E0];
	v10 =	vadd.f32 v11, v0  }
.Ltmp15:
0x105: {  	v11 =	vadd.f32 v20, v15;
	v15 =	vadd.f32 v19, v22;
	v19 =	vld [tilespmem:s31+$0x260];
	(pc) =	sbr.rel @!p1 .LBB2_17-.Ltmp15, $4  }
0x106: {  	s23 =	sadd.s32 $0x200, s25;
	v16 =	vadd.f32 v18, v16;
	v18 =	vld [tilespmem:s31+$0xF0];
	v14 =	vadd.f32 v14, v13  }
0x107: {  	s25 =	sadd.s32 $0x400, s25;
	s21 =	sand.u32 $0x200, s23;
	v5 =	vadd.f32 v5, v0;
	v20 =	vld [tilespmem:s31+$0x170];
	v13 =	vadd.f32 v11, v0  }
0x108: {  	s26 =	sadd.s32 $0xFFFFFFFF, s26;
	p0 =	por $0x1, $0x1;
	s22 =	sadd.s32 s21, s25;
	v22 =	vadd.f32 v24, v21;
	v21 =	vld [tilespmem:s31+$0x1F0];
	v23 =	vadd.f32 v14, v16;
	v14 =	vimm.f32 $0.0e+00  }
0x109: {  	s24 =	sand.u32 $0xFFFFF800, s25;
	s28 =	sadd.s32 $0x80, s22;
	s30 =	sor.u32 $0x470, s22;
	v24 =	vld [tilespmem:s31+$0x270];
	v16 =	vimm.f32 $0.0e+00;
	v11 =	vadd.f32 v15, v0;
	v15 =	vimm.f32 $0.0e+00  }
.LBB2_18:
0x10a: {  	p1 =	sne.s32 s26, $0x1;
	s29 =	sadd.s32 $0x100, s22;
	v25 =	vld [tilespmem:s30+$0x80];
	s30 =	sor.u32 $0x470, s28;
	v14 =	vadd.f32 v23, v14;
	v17 =	vadd.f32 v19, v17  }
0x10b: {  	s31 =	sor.u32 $0x400, s28;
	s0 =	sadd.s32 $0x180, s22;
	v19 =	vld [tilespmem:s30+$0x80];
	s30 =	sor.u32 $0x470, s29  }
0x10c: {  	s2 =	sor.u32 $0x400, s29;
	s13 =	sor.u32 $0x400, s0;
	v23 =	vld [tilespmem:s30+$0x80];
	s30 =	sor.u32 $0x470, s0;
	v17 =	vadd.f32 v17, v22;
	v18 =	vadd.f32 v20, v18  }
0x10d: {  	s4 =	sor.u32 $0x410, s28;
	s5 =	sor.u32 $0x410, s29;
	s6 =	sor.u32 $0x410, s0;
	v20 =	vld [tilespmem:s30+$0x80]  }
0x10e: {  	s8 =	sor.u32 $0x420, s0;
	s30 =	sor.u32 $0x420, s28;
	v22 =	vld [tilespmem:s31+$0x80];
	s31 =	sor.u32 $0x420, s29;
	v15 =	vadd.f32 v17, v15;
	v17 =	vadd.f32 v24, v21  }
0x10f: {  	s9 =	sor.u32 $0x430, s29;
	s7 =	sor.u32 $0x430, s0;
	v21 =	vld [tilespmem:s2+$0x80];
	s2 =	sor.u32 $0x430, s28  }
0x110: {  	s10 =	sor.u32 $0x440, s29;
	s14 =	sor.u32 $0x440, s0;
	v24 =	vld [tilespmem:s13+$0x80];
	s13 =	sor.u32 $0x440, s28;
	v17 =	vadd.f32 v17, v18  }
0x111: {  	s16 =	sor.u32 $0x450, s29;
	s17 =	sor.u32 $0x450, s0;
	v18 =	vld [tilespmem:s4+$0x80];
	s4 =	sor.u32 $0x450, s28  }
0x112: {  	s0 =	sor.u32 $0x460, s0;
	v19 =	vadd.f32 v19, v25;
	v26 =	vld [tilespmem:s5+$0x80];
	s5 =	sor.u32 $0x460, s28;
	s28 =	sor.u32 $0x460, s29;
	v20 =	vadd.f32 v20, v23  }
0x113: {  	s18 =	sor.u32 $0x400, s22;
	s15 =	sor.u32 $0x410, s22;
	v16 =	vadd.f32 v17, v16;
	v23 =	vld [tilespmem:s6+$0x80];
	s6 =	sor.u32 $0x420, s22  }
0x114: {  	s20 =	sor.u32 $0x440, s22;
	s19 =	sor.u32 $0x450, s22;
	v17 =	vld [tilespmem:s30+$0x80];
	s30 =	sor.u32 $0x430, s22;
	v19 =	vadd.f32 v20, v19  }
0x115: {  	s29 =	sor.u32 s21, s24;
	s21 =	sor.u32 $0x460, s22;
	v20 =	vadd.f32 v24, v21;
	v21 =	vld [tilespmem:s31+$0x80]  }
0x116: {  	v24 =	vld [tilespmem:s8+$0x80];
	v12 =	vadd.f32 v19, v12  }
0x117: {  	v19 =	vld [tilespmem:s2+$0x80]  }
0x118: {  	v23 =	vadd.f32 v23, v26;
	v25 =	vld [tilespmem:s9+$0x80]  }
0x119: {  	v26 =	vld [tilespmem:s7+$0x80]  }
0x11a: {  	v27 =	vld [tilespmem:s13+$0x80]  }
0x11b: {  	v21 =	vadd.f32 v24, v21;
	v24 =	vld [tilespmem:s10+$0x80]  }
0x11c: {  	v28 =	vld [tilespmem:s14+$0x80]  }
0x11d: {  	v29 =	vld [tilespmem:s4+$0x80]  }
0x11e: {  	v25 =	vadd.f32 v26, v25;
	v26 =	vld [tilespmem:s16+$0x80]  }
0x11f: {  	v30 =	vld [tilespmem:s17+$0x80]  }
0x120: {  	v31 =	vld [tilespmem:s5+$0x80]  }
0x121: {  	v24 =	vadd.f32 v28, v24;
	v28 =	vld [tilespmem:s28+$0x80]  }
0x122: {  	v32 =	vld [tilespmem:s0+$0x80]  }
0x123: {  	v33 =	vld [tilespmem:s18+$0x80]  }
0x124: {  	v34 =	vld [tilespmem:s15+$0x80];
	v26 =	vadd.f32 v30, v26  }
0x125: {  	v30 =	vld [tilespmem:s6+$0x80]  }
0x126: {  	v35 =	vld [tilespmem:s30+$0x80]  }
0x127: {  	v36 =	vld [tilespmem:s20+$0x80];
	v28 =	vadd.f32 v32, v28  }
0x128: {  	v22 =	vadd.f32 v22, v33;
	v32 =	vld [tilespmem:s19+$0x80]  }
0x129: {  	v18 =	vadd.f32 v18, v34;
	v33 =	vld [tilespmem:s21+$0x80]  }
0x12a: {  	v34 =	vld [tilespmem:s29+$0x80];
	v20 =	vadd.f32 v20, v22;
	v17 =	vadd.f32 v17, v30  }
0x12b: {  	v22 =	vld [tilespmem:s29+$0x100];
	v18 =	vadd.f32 v23, v18;
	v19 =	vadd.f32 v19, v35  }
0x12c: {  	v23 =	vld [tilespmem:s29+$0x180];
	v17 =	vadd.f32 v21, v17;
	v21 =	vadd.f32 v27, v36  }
0x12d: {  	v27 =	vld [tilespmem:s29+$0x200];
	v19 =	vadd.f32 v25, v19;
	v25 =	vadd.f32 v29, v32  }
0x12e: {  	v29 =	vld [tilespmem:s29+$0x90];
	v21 =	vadd.f32 v24, v21;
	v24 =	vadd.f32 v31, v33  }
0x12f: {  	v1 =	vadd.f32 v20, v1;
	v30 =	vld [tilespmem:s29+$0x110];
	v20 =	vadd.f32 v26, v25  }
0x130: {  	v22 =	vadd.f32 v22, v34;
	v25 =	vld [tilespmem:s29+$0x190];
	v24 =	vadd.f32 v28, v24  }
0x131: {  	v2 =	vadd.f32 v18, v2;
	v3 =	vadd.f32 v17, v3;
	v26 =	vld [tilespmem:s29+$0x210]  }
0x132: {  	v4 =	vadd.f32 v19, v4;
	v17 =	vadd.f32 v27, v23;
	v18 =	vld [tilespmem:s29+$0xA0]  }
0x133: {  	v6 =	vadd.f32 v21, v6;
	v8 =	vadd.f32 v20, v8;
	v19 =	vld [tilespmem:s29+$0x120]  }
0x134: {  	v17 =	vadd.f32 v17, v22;
	v20 =	vadd.f32 v30, v29;
	v21 =	vld [tilespmem:s29+$0x1A0]  }
0x135: {  	v9 =	vadd.f32 v24, v9;
	v22 =	vld [tilespmem:s29+$0x220]  }
0x136: {  	v5 =	vadd.f32 v17, v5;
	v17 =	vadd.f32 v26, v25;
	v23 =	vld [tilespmem:s29+$0xB0]  }
0x137: {  	v24 =	vld [tilespmem:s29+$0x130]  }
0x138: {  	v17 =	vadd.f32 v17, v20;
	v18 =	vadd.f32 v19, v18;
	v19 =	vld [tilespmem:s29+$0x1B0]  }
0x139: {  	v20 =	vld [tilespmem:s29+$0x230]  }
0x13a: {  	v7 =	vadd.f32 v17, v7;
	v17 =	vadd.f32 v22, v21;
	v21 =	vld [tilespmem:s29+$0xC0]  }
0x13b: {  	v22 =	vld [tilespmem:s29+$0x140]  }
0x13c: {  	v17 =	vadd.f32 v17, v18;
	v18 =	vadd.f32 v24, v23;
	v23 =	vld [tilespmem:s29+$0x1C0]  }
0x13d: {  	v24 =	vld [tilespmem:s29+$0x240]  }
0x13e: {  	v10 =	vadd.f32 v17, v10;
	v17 =	vadd.f32 v20, v19;
	v19 =	vld [tilespmem:s29+$0xD0]  }
0x13f: {  	v20 =	vld [tilespmem:s29+$0x150]  }
0x140: {  	v17 =	vadd.f32 v17, v18;
	v18 =	vadd.f32 v22, v21;
	v21 =	vld [tilespmem:s29+$0x1D0]  }
0x141: {  	v22 =	vld [tilespmem:s29+$0x250]  }
0x142: {  	v13 =	vadd.f32 v17, v13;
	v17 =	vadd.f32 v24, v23;
	v24 =	vld [tilespmem:s29+$0xE0]  }
0x143: {  	v25 =	vld [tilespmem:s29+$0x160]  }
0x144: {  	v18 =	vadd.f32 v17, v18;
	v23 =	vadd.f32 v20, v19;
	v17 =	vld [tilespmem:s29+$0x1E0]  }
.Ltmp16:
0x145: {  	v19 =	vld [tilespmem:s29+$0x260];
	(pc) =	sbr.rel @p1 .LBB2_18-.Ltmp16, $4  }
0x146: {  	s23 =	sadd.s32 $0x200, s23;
	v11 =	vadd.f32 v18, v11;
	v21 =	vadd.f32 v22, v21;
	v18 =	vld [tilespmem:s29+$0xF0]  }
0x147: {  	s25 =	sadd.s32 $0x400, s25;
	s21 =	sand.u32 $0x200, s23;
	v20 =	vld [tilespmem:s29+$0x170]  }
0x148: {  	s24 =	sand.u32 $0xFFFFF800, s25;
	s22 =	sadd.s32 s21, s25;
	v23 =	vadd.f32 v21, v23;
	v22 =	vadd.f32 v25, v24;
	v21 =	vld [tilespmem:s29+$0x1F0]  }
0x149: {  	s26 =	sadd.s32 $0xFFFFFFFF, s26;
	s28 =	sadd.s32 $0x80, s22;
	s30 =	sor.u32 $0x470, s22;
	v24 =	vld [tilespmem:s29+$0x270]  }
0x14a: {  	s6 =	rddreg [dreg:$0xb]  }
0x14b: {  	s7 =	rddreg [dreg:$0xc]  }
0x14c: {  	s8 =	rddreg [dreg:$0xe]  }
0x14d: {  	s9 =	rddreg [dreg:$0x10]  }
0x14e: {  	s10 =	rddreg [dreg:$0x12]  }
.LBB2_20:
0x14f: {  	v25 =	vld [tilespmem:s30+$0x80];
	s2 =	sor.u32 $0x470, s28  }
0x150: {  	s5 =	sor.u32 $0x400, s28;
	v26 =	vld [tilespmem:s2+$0x80]  }
0x151: {  	s18 =	sor.u32 $0x410, s28;
	v29 =	vld [tilespmem:s5+$0x80]  }
0x152: {  	s23 =	sor.u32 $0x420, s28;
	v32 =	vld [tilespmem:s18+$0x80]  }
0x153: {  	s29 =	sor.u32 $0x430, s28;
	v35 =	vld [tilespmem:s23+$0x80]  }
0x154: {  	s13 =	sor.u32 $0x440, s28;
	v38 =	vld [tilespmem:s29+$0x80]  }
0x155: {  	s21 =	sor.u32 s21, s24;
	v41 =	vld [tilespmem:s13+$0x80]  }
0x156: {  	v57 =	vld [tilespmem:s21+$0x80]  }
0x157: {  	v58 =	vld [tilespmem:s21+$0x100]  }
0x158: {  	v59 =	vld [tilespmem:s21+$0x180]  }
0x159: {  	v60 =	vld [tilespmem:s21+$0x200]  }
0x15a: {  	v17 =	vadd.f32 @p0 v19, v17;
	v19 =	vld [tilespmem:s21+$0x90]  }
0x15b: {  	s0 =	sadd.s32 $0x100, s22;
	v18 =	vadd.f32 @p0 v20, v18;
	v20 =	vadd.f32 @p0 v24, v21;
	v21 =	vld [tilespmem:s21+$0x110]  }
0x15c: {  	s4 =	sadd.s32 $0x180, s22;
	s14 =	sor.u32 $0x470, s0;
	v24 =	vld [tilespmem:s21+$0x1A0]  }
0x15d: {  	s15 =	sor.u32 $0x470, s4;
	v27 =	vld [tilespmem:s14+$0x80]  }
0x15e: {  	s16 =	sor.u32 $0x400, s0;
	v28 =	vld [tilespmem:s15+$0x80]  }
0x15f: {  	s17 =	sor.u32 $0x400, s4;
	v30 =	vld [tilespmem:s16+$0x80]  }
0x160: {  	s19 =	sor.u32 $0x410, s0;
	v31 =	vld [tilespmem:s17+$0x80]  }
0x161: {  	s20 =	sor.u32 $0x410, s4;
	v33 =	vld [tilespmem:s19+$0x80]  }
0x162: {  	s25 =	sor.u32 $0x420, s0;
	v34 =	vld [tilespmem:s20+$0x80]  }
0x163: {  	s26 =	sor.u32 $0x420, s4;
	v36 =	vld [tilespmem:s25+$0x80]  }
0x164: {  	s30 =	sor.u32 $0x430, s0;
	v37 =	vld [tilespmem:s26+$0x80]  }
0x165: {  	s31 =	sor.u32 $0x430, s4;
	v39 =	vld [tilespmem:s30+$0x80]  }
0x166: {  	s18 =	sor.u32 $0x450, s4;
	v40 =	vld [tilespmem:s31+$0x80]  }
0x167: {  	s23 =	sor.u32 $0x400, s22;
	v46 =	vld [tilespmem:s18+$0x80]  }
0x168: {  	s29 =	sor.u32 $0x440, s22;
	v50 =	vld [tilespmem:s23+$0x80]  }
0x169: {  	v54 =	vld [tilespmem:s29+$0x80]  }
0x16a: {  	v18 =	vadd.f32 @p0 v20, v18;
	v20 =	vld [tilespmem:s21+$0x210]  }
0x16b: {  	s14 =	sor.u32 $0x440, s0;
	v17 =	vadd.f32 @p0 v17, v22;
	v22 =	vadd.f32 @p0 v23, v14;
	v23 =	vld [tilespmem:s21+$0xA0]  }
0x16c: {  	s15 =	sor.u32 $0x440, s4;
	v42 =	vld [tilespmem:s14+$0x80]  }
0x16d: {  	s16 =	sor.u32 $0x450, s28;
	v43 =	vld [tilespmem:s15+$0x80]  }
0x16e: {  	s17 =	sor.u32 $0x450, s0;
	v44 =	vld [tilespmem:s16+$0x80]  }
0x16f: {  	s19 =	sor.u32 $0x460, s28;
	v45 =	vld [tilespmem:s17+$0x80]  }
0x170: {  	s0 =	sor.u32 $0x460, s0;
	v47 =	vld [tilespmem:s19+$0x80]  }
0x171: {  	s20 =	sor.u32 $0x460, s4;
	v48 =	vld [tilespmem:s0+$0x80]  }
0x172: {  	s25 =	sor.u32 $0x410, s22;
	v49 =	vld [tilespmem:s20+$0x80]  }
0x173: {  	s26 =	sor.u32 $0x420, s22;
	v51 =	vld [tilespmem:s25+$0x80]  }
0x174: {  	s28 =	sor.u32 $0x430, s22;
	v52 =	vld [tilespmem:s26+$0x80]  }
0x175: {  	s30 =	sor.u32 $0x450, s22;
	v53 =	vld [tilespmem:s28+$0x80]  }
0x176: {  	s31 =	sor.u32 $0x460, s22;
	v55 =	vld [tilespmem:s30+$0x80];
	v15 =	vadd.f32 @p0 v17, v15  }
0x177: {  	v56 =	vld [tilespmem:s31+$0x80];
	v16 =	vadd.f32 @p0 v18, v16;
	v63 =	vadd.f32 v26, v25  }
0x178: {  	v17 =	vld [tilespmem:s21+$0x120];
	v19 =	vadd.f32 v21, v19;
	v28 =	vadd.f32 v28, v27  }
0x179: {  	v26 =	vld [tilespmem:s21+$0x190];
	v18 =	vadd.f32 v31, v30;
	v61 =	vadd.f32 v37, v36  }
0x17a: {  	v27 =	vld [tilespmem:s21+$0x220];
	v62 =	vadd.f32 v40, v39;
	v29 =	vadd.f32 v29, v50  }
0x17b: {  	v31 =	vld [tilespmem:s21+$0xB0];
	v46 =	vadd.f32 v46, v45;
	v50 =	vadd.f32 v49, v48  }
0x17c: {  	v37 =	vld [tilespmem:s21+$0x1B0];
	v32 =	vadd.f32 v32, v51;
	v51 =	vadd.f32 v35, v52  }
0x17d: {  	v39 =	vld [tilespmem:s21+$0x140];
	v52 =	vadd.f32 v38, v53;
	v53 =	vadd.f32 v41, v54  }
0x17e: {  	v40 =	vld [tilespmem:s21+$0x1C0];
	v54 =	vadd.f32 v44, v55;
	v55 =	vadd.f32 v47, v56  }
0x17f: {  	v35 =	vld [tilespmem:s21+$0x230];
	v45 =	vadd.f32 v60, v59;
	v14 =	vadd.f32 v28, v63  }
0x180: {  	v38 =	vld [tilespmem:s21+$0xC0];
	v63 =	vadd.f32 v43, v42;
	v18 =	vadd.f32 v18, v29  }
0x181: {  	v41 =	vld [tilespmem:s21+$0x240];
	v17 =	vadd.f32 v17, v23;
	v25 =	vadd.f32 v61, v51  }
0x182: {  	v47 =	vld [tilespmem:s21+$0xE0];
	v28 =	vadd.f32 v62, v52;
	v56 =	vadd.f32 v46, v54  }
0x183: {  	v49 =	vld [tilespmem:s21+$0x160];
	v61 =	vadd.f32 v58, v57;
	v30 =	vadd.f32 v50, v55  }
0x184: {  	v62 =	vld [tilespmem:s21+$0x150];
	v12 =	vadd.f32 v14, v12;
	v14 =	vadd.f32 v34, v33  }
0x185: {  	v46 =	vld [tilespmem:s21+$0x250];
	v29 =	vadd.f32 v63, v53;
	v1 =	vadd.f32 v18, v1  }
0x186: {  	v50 =	vld [tilespmem:s21+$0x1E0];
	v48 =	vadd.f32 v45, v61;
	v51 =	vadd.f32 v27, v24  }
0x187: {  	v52 =	vld [tilespmem:s21+$0x260];
	v14 =	vadd.f32 v14, v32;
	v6 =	vadd.f32 v29, v6  }
0x188: {  	v34 =	vld [tilespmem:s21+$0x130];
	v54 =	vadd.f32 v35, v37;
	v59 =	vadd.f32 v39, v38  }
0x189: {  	v55 =	vld [tilespmem:s21+$0xF0];
	v60 =	vadd.f32 v41, v40;
	v14 =	vadd.f32 v14, v2  }
0x18a: {  	v58 =	vld [tilespmem:s21+$0x1F0];
	v2 =	vadd.f32 v28, v4;
	v4 =	vadd.f32 v56, v8  }
0x18b: {  	v63 =	vld [tilespmem:s21+$0x1D0];
	v8 =	vadd.f32 v30, v9;
	v9 =	vadd.f32 v20, v26  }
0x18c: {  	v32 =	vld [tilespmem:s21+$0xD0];
	v18 =	vadd.f32 v49, v47;
	v29 =	vadd.f32 v48, v5  }
0x18d: {  	v56 =	vld [tilespmem:s21+$0x170];
	v53 =	vadd.f32 v34, v31;
	v5 =	vadd.f32 v9, v19  }
0x18e: {  	v61 =	vld [tilespmem:s21+$0x270];
	v17 =	vadd.f32 v51, v17;
	v20 =	vadd.f32 v52, v50  }
0x18f: {  	v57 =	vadd.f32 v54, v53;
	v9 =	vadd.f32 v5, v7  }
0x190: {  	v5 =	vadd.f32 v17, v10;
	v10 =	vadd.f32 v60, v59  }
0x191: {  	v17 =	vadd.f32 v46, v63;
	v7 =	vadd.f32 v57, v13  }
0x192: {  	v13 =	vadd.f32 v62, v32;
	v19 =	vadd.f32 v56, v55  }
.Ltmp17:
0x193: {  	v15 =	vpsel p0, v15, v0;
	v62 =	vadd.f32 v61, v58;
	v10 =	vadd.f32 v10, v11;
	(pc) =	sbr.rel .LBB2_21-.Ltmp17, $4  }
0x194: {  	v11 =	vadd.f32 v17, v13;
	v13 =	vpsel p0, v22, v0;
	v0 =	vpsel p0, v16, v0  }
0x195: {  	v17 =	vadd.f32 v20, v18;
	v63 =	vadd.f32 v62, v19  }
0x196: {  	v3 =	vadd.f32 v25, v3;
	v13 =	vadd.f32 v11, v13  }
0x197: {  	v15 =	vadd.f32 v17, v15;
	v11 =	vadd.f32 v63, v0;
	v0 =	vmov v29  }
.LBB2_13:
0x198: {  	v9 =	vimm.f32 $0.0e+00;
	v5 =	vimm.f32 $0.0e+00;
	v7 =	vimm.f32 $0.0e+00  }
0x199: {  	v10 =	vimm.f32 $0.0e+00;
	v13 =	vimm.f32 $0.0e+00;
	v15 =	vimm.f32 $0.0e+00  }
0x19a: {  	v11 =	vimm.f32 $0.0e+00;
	v1 =	vimm.f32 $0.0e+00;
	v14 =	vimm.f32 $0.0e+00  }
0x19b: {  	v3 =	vimm.f32 $0.0e+00;
	v2 =	vimm.f32 $0.0e+00;
	v6 =	vimm.f32 $0.0e+00  }
0x19c: {  	v4 =	vimm.f32 $0.0e+00;
	v8 =	vimm.f32 $0.0e+00;
	v12 =	vimm.f32 $0.0e+00  }
.LBB2_21:
0x19d: {  	s21 =	sshll.u32 s10, $0xA  }
0x19e: {  	s2 =	sshll.u32 s10, $0x9;
	s0 =	sand.u32 $0xFFFFF800, s21  }
0x19f: {  	s23 =	sand.u32 $0x200, s2;
	s22 =	sor.u32 $0x80, s0  }
0x1a0: {  	s0 =	sor.u32 s23, s22  }
0x1a1: {  	v16 =	vld [tilespmem:s0+$0x0]  }
0x1a2: {  	v17 =	vld [tilespmem:s0+$0x10]  }
0x1a3: {  	v18 =	vld [tilespmem:s0+$0x20]  }
0x1a4: {  	v19 =	vld [tilespmem:s0+$0x30]  }
0x1a5: {  	v20 =	vld [tilespmem:s0+$0x40]  }
0x1a6: {  	v21 =	vld [tilespmem:s0+$0x50]  }
0x1a7: {  	s2 =	sor.u32 s21, s23;
	v22 =	vld [tilespmem:s0+$0x60]  }
0x1a8: {  	s18 =	sor.u32 $0x480, s2;
	v23 =	vld [tilespmem:s0+$0x70]  }
0x1a9: {  	s19 =	sor.u32 $0x490, s2;
	v24 =	vld [tilespmem:s18+$0x0]  }
0x1aa: {  	s20 =	sor.u32 $0x4A0, s2;
	v25 =	vld [tilespmem:s19+$0x0]  }
0x1ab: {  	s24 =	sor.u32 $0x4B0, s2;
	v26 =	vld [tilespmem:s20+$0x0]  }
0x1ac: {  	s25 =	sor.u32 $0x4C0, s2;
	v27 =	vld [tilespmem:s24+$0x0]  }
0x1ad: {  	s26 =	sor.u32 $0x4D0, s2;
	v28 =	vld [tilespmem:s25+$0x0]  }
0x1ae: {  	s28 =	sor.u32 $0x4E0, s2;
	v29 =	vld [tilespmem:s26+$0x0]  }
0x1af: {  	s30 =	sor.u32 $0x80, s23;
	s29 =	sor.u32 $0x4F0, s2;
	v30 =	vld [tilespmem:s28+$0x0]  }
0x1b0: {  	s31 =	sadd.s32 s30, s22;
	v31 =	vld [tilespmem:s29+$0x0]  }
0x1b1: {  	v32 =	vld [tilespmem:s31+$0x0]  }
0x1b2: {  	v33 =	vld [tilespmem:s31+$0x10]  }
0x1b3: {  	v34 =	vld [tilespmem:s31+$0x20]  }
0x1b4: {  	s4 =	sshll.u32 s10, $0x2;
	v35 =	vld [tilespmem:s31+$0x30]  }
0x1b5: {  	v36 =	vld [tilespmem:s31+$0x40];
	s19 =	ssub.s32 s9, s4  }
0x1b6: {  	v37 =	vld [tilespmem:s31+$0x50];
	p0 =	sgt.s32 s19, $0x0  }
0x1b7: {  	s2 =	sor.u32 s21, s30;
	v38 =	vld [tilespmem:s31+$0x60];
	v16 =	vpsel !p0, $0x0, v16;
	v49 =	vpsel !p0, $0x0, v17  }
0x1b8: {  	s17 =	sor.u32 $0x100, s23;
	v39 =	vld [tilespmem:s31+$0x70];
	s10 =	sor.u32 $0x430, s2;
	v50 =	vpsel !p0, $0x0, v18;
	v51 =	vpsel !p0, $0x0, v19;
	v52 =	vpsel !p0, $0x0, v20  }
0x1b9: {  	s18 =	sor.u32 s17, s22;
	v55 =	vld [tilespmem:s10+$0x80];
	v53 =	vpsel !p0, $0x0, v21;
	v54 =	vpsel !p0, $0x0, v22;
	v56 =	vpsel !p0, $0x0, v23  }
0x1ba: {  	v63 =	vld [tilespmem:s18+$0x0];
	v57 =	vpsel !p0, $0x0, v24;
	v58 =	vpsel !p0, $0x0, v25;
	v59 =	vpsel !p0, $0x0, v26  }
0x1bb: {  	v42 =	vld [tilespmem:s18+$0x30];
	v60 =	vpsel !p0, $0x0, v27;
	v61 =	vpsel !p0, $0x0, v28;
	v62 =	vpsel !p0, $0x0, v29  }
0x1bc: {  	p1 =	sgt.s32 s19, $0x1;
	v44 =	vld [tilespmem:s18+$0x40];
	v30 =	vpsel !p0, $0x0, v30;
	v31 =	vpsel !p0, $0x0, v31;
	v0 =	vadd.f32 v16, v0  }
0x1bd: {  	s4 =	sor.u32 $0x400, s2;
	v47 =	vld [tilespmem:s18+$0x50];
	v32 =	vpsel !p1, $0x0, v32;
	v9 =	vadd.f32 v49, v9;
	v5 =	vadd.f32 v50, v5  }
0x1be: {  	s5 =	sor.u32 $0x410, s2;
	v17 =	vld [tilespmem:s4+$0x80];
	v40 =	vpsel !p1, $0x0, v33;
	v7 =	vadd.f32 v51, v7;
	v10 =	vadd.f32 v52, v10  }
0x1bf: {  	s9 =	sor.u32 $0x420, s2;
	v19 =	vld [tilespmem:s5+$0x80];
	v41 =	vpsel !p1, $0x0, v34;
	v13 =	vadd.f32 v53, v13;
	v15 =	vadd.f32 v54, v15  }
0x1c0: {  	s13 =	sor.u32 $0x440, s2;
	v18 =	vld [tilespmem:s9+$0x80];
	v43 =	vpsel !p1, $0x0, v35;
	v11 =	vadd.f32 v56, v11;
	v1 =	vadd.f32 v57, v1  }
0x1c1: {  	s14 =	sor.u32 $0x450, s2;
	v20 =	vld [tilespmem:s13+$0x80];
	v45 =	vpsel !p1, $0x0, v36;
	v14 =	vadd.f32 v58, v14;
	v3 =	vadd.f32 v59, v3  }
0x1c2: {  	s15 =	sor.u32 $0x460, s2;
	v23 =	vld [tilespmem:s14+$0x80];
	v46 =	vpsel !p1, $0x0, v37;
	v2 =	vadd.f32 v60, v2;
	v6 =	vadd.f32 v61, v6  }
0x1c3: {  	s16 =	sor.u32 $0x470, s2;
	v22 =	vld [tilespmem:s15+$0x80];
	v48 =	vpsel !p1, $0x0, v38;
	v4 =	vadd.f32 v62, v4;
	v8 =	vadd.f32 v30, v8  }
0x1c4: {  	v25 =	vld [tilespmem:s16+$0x80];
	v12 =	vadd.f32 v31, v12;
	v50 =	vpsel !p1, $0x0, v39;
	v0 =	vadd.f32 v32, v0  }
0x1c5: {  	s2 =	sor.u32 s21, s17;
	p6 =	sgt.s32 s19, $0x2;
	v27 =	vld [tilespmem:s18+$0x10];
	v55 =	vpsel !p1, $0x0, v55;
	v9 =	vadd.f32 v40, v9;
	v5 =	vadd.f32 v41, v5  }
0x1c6: {  	s25 =	sor.u32 $0x4D0, s2;
	v26 =	vld [tilespmem:s18+$0x20];
	v62 =	vpsel !p6, $0x0, v63;
	v7 =	vadd.f32 v43, v7;
	v10 =	vadd.f32 v45, v10  }
0x1c7: {  	s28 =	sor.u32 $0x4E0, s2;
	v35 =	vld [tilespmem:s25+$0x0];
	v38 =	vpsel !p6, $0x0, v42;
	v13 =	vadd.f32 v46, v13;
	v15 =	vadd.f32 v48, v15  }
0x1c8: {  	v37 =	vld [tilespmem:s28+$0x0];
	v11 =	vadd.f32 v50, v11;
	v2 =	vadd.f32 v55, v2;
	v40 =	vpsel !p6, $0x0, v44  }
0x1c9: {  	v49 =	vld [tilespmem:s18+$0x60];
	v41 =	vpsel !p6, $0x0, v47;
	v52 =	vpsel !p1, $0x0, v19;
	v54 =	vpsel !p1, $0x0, v18  }
0x1ca: {  	s23 =	sor.u32 $0x4B0, s2;
	v51 =	vld [tilespmem:s18+$0x70];
	v57 =	vpsel !p1, $0x0, v20;
	v59 =	vpsel !p1, $0x0, v23;
	v60 =	vpsel !p1, $0x0, v22  }
0x1cb: {  	s20 =	sor.u32 $0x480, s2;
	v61 =	vld [tilespmem:s23+$0x0];
	v33 =	vpsel !p1, $0x0, v25;
	v0 =	vadd.f32 v62, v0;
	v7 =	vadd.f32 v38, v7  }
0x1cc: {  	s26 =	sshll.u32 s6, $0x9;
	s21 =	sor.u32 $0x490, s2;
	v53 =	vld [tilespmem:s20+$0x0];
	v34 =	vpsel !p6, $0x0, v27;
	v14 =	vadd.f32 v52, v14;
	v3 =	vadd.f32 v54, v3  }
0x1cd: {  	s22 =	sor.u32 $0x4A0, s2;
	s4 =	sand.u32 $0x800, s26;
	s5 =	sshll.u32 s6, $0x8;
	v56 =	vld [tilespmem:s21+$0x0];
	v36 =	vpsel !p6, $0x0, v26;
	v6 =	vadd.f32 v57, v6;
	v4 =	vadd.f32 v59, v4  }
0x1ce: {  	s24 =	sor.u32 $0x4C0, s2;
	v58 =	vld [tilespmem:s22+$0x0];
	s30 =	sand.u32 $0x300, s5;
	s9 =	sor.u32 $0x11080, s4;
	v55 =	vpsel !p6, $0x0, v37;
	v8 =	vadd.f32 v60, v8;
	v12 =	vadd.f32 v33, v12  }
0x1cf: {  	s29 =	sor.u32 $0x4F0, s2;
	v63 =	vld [tilespmem:s24+$0x0];
	s31 =	sor.u32 s30, s9;
	v9 =	vadd.f32 v34, v9;
	v5 =	vadd.f32 v36, v5;
	v0 =	vmax.f32 v0, $0.0e+00  }
0x1d0: {  	v39 =	vld [tilespmem:s29+$0x0];
	v42 =	vpsel !p6, $0x0, v49;
	v48 =	vpsel !p6, $0x0, v61;
	v7 =	vmax.f32 v7, $0.0e+00;
	[tilespmem:s31+$0x0] =	vst v0  }
0x1d1: {  	v43 =	vpsel !p6, $0x0, v51;
	v2 =	vadd.f32 v48, v2;
	v9 =	vmax.f32 v9, $0.0e+00;
	[tilespmem:s31+$0x30] =	vst v7  }
0x1d2: {  	v45 =	vpsel !p6, $0x0, v56;
	v0 =	vadd.f32 v40, v10;
	v5 =	vmax.f32 v5, $0.0e+00;
	[tilespmem:s31+$0x10] =	vst v9  }
0x1d3: {  	v46 =	vpsel !p6, $0x0, v58;
	v7 =	vadd.f32 v43, v11;
	[tilespmem:s31+$0x20] =	vst v5;
	v56 =	vmax.f32 v2, $0.0e+00  }
0x1d4: {  	v49 =	vpsel !p6, $0x0, v63;
	v3 =	vadd.f32 v46, v3;
	v0 =	vmax.f32 v0, $0.0e+00;
	[tilespmem:s31+$0x430] =	vst v56  }
0x1d5: {  	v52 =	vpsel !p6, $0x0, v35;
	v51 =	vadd.f32 v49, v6;
	v47 =	vmax.f32 v7, $0.0e+00;
	[tilespmem:s31+$0x40] =	vst v0  }
0x1d6: {  	v44 =	vpsel !p6, $0x0, v53;
	v54 =	vadd.f32 v52, v4;
	v53 =	vmax.f32 v3, $0.0e+00;
	[tilespmem:s31+$0x70] =	vst v47  }
0x1d7: {  	v58 =	vpsel !p6, $0x0, v39;
	v57 =	vadd.f32 v55, v8;
	v59 =	vmax.f32 v51, $0.0e+00;
	[tilespmem:s31+$0x420] =	vst v53  }
0x1d8: {  	v17 =	vpsel !p1, $0x0, v17;
	v60 =	vadd.f32 v58, v12;
	v61 =	vmax.f32 v54, $0.0e+00;
	[tilespmem:s31+$0x440] =	vst v59  }
0x1d9: {  	v1 =	vadd.f32 v17, v1;
	v9 =	vadd.f32 v41, v13;
	v62 =	vmax.f32 v57, $0.0e+00;
	[tilespmem:s31+$0x450] =	vst v61  }
0x1da: {  	v5 =	vadd.f32 v42, v15;
	v63 =	vmax.f32 v60, $0.0e+00;
	[tilespmem:s31+$0x460] =	vst v62  }
0x1db: {  	v9 =	vmax.f32 v9, $0.0e+00;
	v0 =	vadd.f32 v44, v1;
	[tilespmem:s31+$0x470] =	vst v63  }
0x1dc: {  	v5 =	vmax.f32 v5, $0.0e+00;
	v1 =	vadd.f32 v45, v14;
	[tilespmem:s31+$0x50] =	vst v9  }
0x1dd: {  	[tilespmem:s31+$0x60] =	vst v5;
	v0 =	vmax.f32 v0, $0.0e+00  }
0x1de: {  	v50 =	vmax.f32 v1, $0.0e+00;
	[tilespmem:s31+$0x400] =	vst v0  }
0x1df: {  	p0 =	seq.s32 s6, $0x7;
	[tilespmem:s31+$0x410] =	vst v50  }
0x1e0: {  	v0 =	vld @!p0 [tilespmem:s8+$0x2];
	_ =	sdelay $0x4  }
0x1e1: {  	(v2sf) =	vpush @!p0 v0, $0x0;
	_ =	sdelay $0xe  }
0x1e2: {  	s0 =	spop @!p0 (v2sf)  }
0x1e3: {  	s0 =	sadd.s32 @!p0 $0xF, s0  }
0x1e4: {  	s2 =	sand.u32 @!p0 $0xF, s0  }
0x1e5: {  	p1 =	slt.s32 @!p0 s0, $0x1;
	p2 =	sne.s32 @!p0 s2, $0x0  }
0x1e6: {  	s2 =	sshra.s32 @!p0 s0, $0x1F;
	p1 =	por @!p0 !p1, !p2  }
0x1e7: {  	s2 =	sshrl.u32 @!p0 s2, $0x1C;
	p1 =	por @!p0 !p1, !p1  }
0x1e8: {  	s0 =	sadd.s32 @!p0 s2, s0;
	s2 =	simm.s32 @!p0 $0x1;
	p1 =	por !p1, p0  }
0x1e9: {  	s0 =	sshra.s32 @!p0 s0, $0x4;
	s2 =	simm.s32 @p1 $0x0  }
0x1ea: {  	s21 =	ssub.s32 @!p0 s0, s2  }
0x1eb: {  	p1 =	slt.s32 @!p0 s21, $0x1  }
0x1ec: {  	p1 =	por p0, p1  }
.Ltmp18:
0x1ed: {  	_ = 	snop;
	(pc) =	sbr.rel @p1 .LBB2_24-.Ltmp18, $2  }
0x1ee: {  	_ =	sdelay $0x2  }
0x1ef: {  	s20 =	simm.s32 @!p0 $0x80  }
0x1f0: {  	p0 =	sne.s32 s21, $0x1  }
.Ltmp19:
0x1f1: {  	_ = 	snop;
	(pc) =	sbr.rel @!p0 .LBB2_24-.Ltmp19, $4  }
0x1f2: {  	_ = 	snop  }
0x1f3: {  	s0 =	sshrl.u32 s7, $0x3  }
0x1f4: {  	s21 =	sadd.s32 $0xFFFFFFFF, s21;
	s22 =	sadd.s32 $0x1000, s7;
	s0 =	sadd.s32 s1, s0  }
0x1f5: {  	[tilespmem:s20], [sflag:$0x1] =	stream.linear.gather [hbm4b:s0+s3], $0x1000, $0x38;
	[tilespmem:$0x12080] =	vst v63  }
.LBB2_23:
0x1f6: {  	s0 =	sshrl.u32 s22, $0x3;
	p0 =	sne.s32 s21, $0x1;
	s21 =	sadd.s32 $0xFFFFFFFF, s21  }
.Ltmp20:
0x1f7: {  	s20 =	sadd.s32 $0x1000, s20;
	s0 =	sadd.s32 s1, s0;
	(pc) =	sbr.rel @p0 .LBB2_23-.Ltmp20, $3  }
0x1f8: {  	[tilespmem:s20], [sflag:$0x1] =	stream.linear.gather [hbm4b:s0+s3], $0x1000, $0x38;
	[tilespmem:$0x12080] =	vst v63  }
0x1f9: {  	_ =	sdelay $0x1  }
0x1fa: {  	s22 =	sadd.s32 $0x1000, s22  }
.LBB2_24:
0x1fb: {  	v0 =	vld [tilespmem:s8+$0x1];
	_ =	sdelay $0x4  }
0x1fc: {  	(v2sf) =	vpush v0, $0x0;
	_ =	sdelay $0xe  }
0x1fd: {  	s8 =	spop (v2sf)  }
0x1fe: {  	s0 =	sadd.s32 $0xF, s8  }
0x1ff: {  	s2 =	sand.u32 $0xF, s0  }
0x200: {  	s31 =	sshra.s32 s0, $0x1F;
	p1 =	slt.s32 s0, $0x1;
	p0 =	sne.s32 s2, $0x0  }
0x201: {  	s2 =	sshrl.u32 s31, $0x1C;
	p0 =	por !p1, !p0  }
0x202: {  	s0 =	sadd.s32 s2, s0;
	s2 =	simm.s32 $0x1;
	p0 =	por !p0, !p0  }
0x203: {  	s0 =	sshra.s32 s0, $0x4;
	s2 =	simm.s32 @!p0 $0x0  }
0x204: {  	s20 =	ssub.s32 s0, s2  }
0x205: {  	p0 =	slt.s32 s20, $0x1  }
.Ltmp21:
0x206: {  	_ = 	snop;
	(pc) =	sbr.rel @p0 .LBB2_28-.Ltmp21, $1  }
0x207: {  	_ =	sdelay $0x3  }
0x208: {  	p0 =	sne.s32 s20, $0x1  }
.Ltmp22:
0x209: {  	_ = 	snop;
	(pc) =	sbr.rel @!p0 .LBB2_27-.Ltmp22, $3  }
0x20a: {  	_ =	sdelay $0x1  }
0x20b: {  	_ =	swait.ge [sflag:s12], $0x1000  }
0x20c: {  	s20 =	sadd.s32 $0xFFFFFFFF, s20;
	[sflag:s12] =	ssyncset.done $0x0  }
.LBB2_26:
0x20d: {  	p0 =	sne.s32 s20, $0x1;
	s20 =	sadd.s32 $0xFFFFFFFF, s20;
	[sflag:s12] =	ssyncadd.s32 $0xFFFFF000  }
.Ltmp23:
0x20e: {  	(pc) =	sbr.rel @p0 .LBB2_26-.Ltmp23, $3  }
0x20f: {  	_ =	sdelay $0x1  }
0x210: {  	_ =	swait.ge [sflag:s12], $0x1000  }
0x211: {  	[sflag:s12] =	ssyncset.done $0x0  }
.LBB2_27:
0x212: {  	[sflag:s12] =	ssyncadd.s32 $0xFFFFF000  }
.LBB2_28:
0x213: {  	s0 =	sand.u32 $0x3, s8  }
0x214: {  	s2 =	sshra.s32 s8, $0x1F;
	p0 =	slt.s32 s8, $0x1;
	p1 =	sne.s32 s0, $0x0  }
0x215: {  	s31 =	sshrl.u32 s2, $0x1E;
	p0 =	por !p0, !p1  }
0x216: {  	s2 =	simm.s32 $0x1;
	s0 =	sadd.s32 s31, s8;
	p0 =	por !p0, !p0  }
0x217: {  	s0 =	sshra.s32 s0, $0x2;
	s2 =	simm.s32 @!p0 $0x0  }
0x218: {  	s10 =	ssub.s32 s0, s2  }
0x219: {  	p0 =	slt.s32 s10, $0x1  }
.Ltmp24:
0x21a: {  	_ = 	snop;
	(pc) =	sbr.rel @p0 .LBB2_29-.Ltmp24, $2  }
0x21b: {  	_ =	sdelay $0x2  }
0x21c: {  	v0 =	vimm.f32 $0.0e+00;
	s25 =	simm.s32 $0x0  }
0x21d: {  	p1 =	sne.s32 s10, $0x1  }
.Ltmp25:
0x21e: {  	_ = 	snop;
	(pc) =	sbr.rel @!p1 .LBB2_31-.Ltmp25, $4  }
0x21f: {  	_ = 	snop  }
0x220: {  	s21 =	sand.u32 $0x200, s25  }
0x221: {  	s24 =	sand.u32 $0xFFFFF800, s25;
	s26 =	sadd.s32 $0xFFFFFFFF, s10;
	s22 =	sadd.s32 s21, s25  }
0x222: {  	p0 =	por $0x0, $0x0;
	s28 =	sadd.s32 $0x80, s22;
	s30 =	sor.u32 $0x470, s22  }
0x223: {  	v1 =	vld [tilespmem:s30+$0x8880];
	s2 =	sor.u32 $0x470, s28  }
0x224: {  	s5 =	sor.u32 $0x400, s28;
	v2 =	vld [tilespmem:s2+$0x8880]  }
0x225: {  	s16 =	sor.u32 $0x410, s28;
	v5 =	vld [tilespmem:s5+$0x8880]  }
0x226: {  	s19 =	sor.u32 $0x420, s28;
	v8 =	vld [tilespmem:s16+$0x8880]  }
0x227: {  	s29 =	sor.u32 $0x430, s28;
	v11 =	vld [tilespmem:s19+$0x8880]  }
0x228: {  	s0 =	sadd.s32 $0x100, s22;
	s7 =	sor.u32 $0x440, s28;
	v14 =	vld [tilespmem:s29+$0x8880]  }
0x229: {  	[dreg:$0x13] =	wrdreg s10;
	s4 =	sadd.s32 $0x180, s22;
	s10 =	sor.u32 $0x470, s0;
	v17 =	vld [tilespmem:s7+$0x8880]  }
0x22a: {  	s13 =	sor.u32 $0x470, s4;
	v3 =	vld [tilespmem:s10+$0x8880]  }
0x22b: {  	s14 =	sor.u32 $0x400, s0;
	v4 =	vld [tilespmem:s13+$0x8880]  }
0x22c: {  	s15 =	sor.u32 $0x400, s4;
	v6 =	vld [tilespmem:s14+$0x8880]  }
0x22d: {  	s17 =	sor.u32 $0x410, s0;
	v7 =	vld [tilespmem:s15+$0x8880]  }
0x22e: {  	s18 =	sor.u32 $0x410, s4;
	v9 =	vld [tilespmem:s17+$0x8880]  }
0x22f: {  	s20 =	sor.u32 $0x420, s0;
	v10 =	vld [tilespmem:s18+$0x8880]  }
0x230: {  	s23 =	sor.u32 $0x420, s4;
	v12 =	vld [tilespmem:s20+$0x8880]  }
0x231: {  	s31 =	sor.u32 $0x430, s0;
	v13 =	vld [tilespmem:s23+$0x8880]  }
0x232: {  	s6 =	sor.u32 $0x430, s4;
	v15 =	vld [tilespmem:s31+$0x8880]  }
0x233: {  	[dreg:$0x11] =	wrdreg s8;
	s8 =	sor.u32 $0x440, s0;
	v16 =	vld [tilespmem:s6+$0x8880]  }
0x234: {  	[dreg:$0xf] =	wrdreg s9;
	s9 =	sor.u32 $0x440, s4;
	v18 =	vld [tilespmem:s8+$0x8880]  }
0x235: {  	s16 =	sor.u32 $0x460, s4;
	v19 =	vld [tilespmem:s9+$0x8880]  }
0x236: {  	s19 =	sor.u32 $0x420, s22;
	v25 =	vld [tilespmem:s16+$0x8880]  }
0x237: {  	s29 =	sor.u32 $0x450, s22;
	v28 =	vld [tilespmem:s19+$0x8880]  }
0x238: {  	s10 =	sor.u32 $0x450, s28;
	v31 =	vld [tilespmem:s29+$0x8880]  }
0x239: {  	s13 =	sor.u32 $0x450, s0;
	v20 =	vld [tilespmem:s10+$0x8880]  }
0x23a: {  	s14 =	sor.u32 $0x450, s4;
	v21 =	vld [tilespmem:s13+$0x8880]  }
0x23b: {  	s15 =	sor.u32 $0x460, s28;
	v22 =	vld [tilespmem:s14+$0x8880]  }
0x23c: {  	s0 =	sor.u32 $0x460, s0;
	v23 =	vld [tilespmem:s15+$0x8880]  }
0x23d: {  	s17 =	sor.u32 $0x400, s22;
	v24 =	vld [tilespmem:s0+$0x8880]  }
0x23e: {  	s18 =	sor.u32 $0x410, s22;
	v26 =	vld [tilespmem:s17+$0x8880]  }
0x23f: {  	s20 =	sor.u32 $0x430, s22;
	v27 =	vld [tilespmem:s18+$0x8880]  }
0x240: {  	s23 =	sor.u32 $0x440, s22;
	v29 =	vld [tilespmem:s20+$0x8880]  }
0x241: {  	s31 =	sor.u32 $0x460, s22;
	v30 =	vld [tilespmem:s23+$0x8880]  }
0x242: {  	s29 =	sor.u32 s21, s24;
	v32 =	vld [tilespmem:s31+$0x8880]  }
0x243: {  	v33 =	vld [tilespmem:s29+$0x8880]  }
0x244: {  	v34 =	vld [tilespmem:s29+$0x8900]  }
0x245: {  	v1 =	vadd.f32 v2, v1;
	v2 =	vadd.f32 v4, v3;
	v3 =	vld [tilespmem:s29+$0x8980]  }
0x246: {  	v4 =	vld [tilespmem:s29+$0x8A00]  }
0x247: {  	v5 =	vadd.f32 v5, v26;
	v26 =	vld [tilespmem:s29+$0x88C0]  }
0x248: {  	v8 =	vadd.f32 v8, v27;
	v20 =	vadd.f32 v20, v31;
	v27 =	vld [tilespmem:s29+$0x8940]  }
0x249: {  	v1 =	vadd.f32 v2, v1;
	v2 =	vadd.f32 v7, v6;
	v7 =	vld [tilespmem:s29+$0x8890]  }
0x24a: {  	v6 =	vadd.f32 v10, v9;
	v9 =	vadd.f32 v13, v12;
	v10 =	vld [tilespmem:s29+$0x8910]  }
0x24b: {  	v12 =	vadd.f32 v16, v15;
	v13 =	vadd.f32 v19, v18;
	v15 =	vld [tilespmem:s29+$0x8990]  }
0x24c: {  	v16 =	vadd.f32 v22, v21;
	v18 =	vld [tilespmem:s29+$0x8A10];
	v19 =	vadd.f32 v25, v24  }
0x24d: {  	v21 =	vld [tilespmem:s29+$0x88A0];
	v24 =	vadd.f32 v34, v33;
	v2 =	vadd.f32 v2, v5  }
0x24e: {  	v22 =	vld [tilespmem:s29+$0x88B0];
	v5 =	vadd.f32 v11, v28;
	v6 =	vadd.f32 v6, v8  }
0x24f: {  	v25 =	vld [tilespmem:s29+$0x8A30];
	v8 =	vadd.f32 v14, v29;
	v16 =	vadd.f32 v16, v20  }
0x250: {  	v11 =	vld [tilespmem:s29+$0x8920];
	v5 =	vadd.f32 v9, v5;
	v9 =	vadd.f32 v17, v30  }
0x251: {  	v14 =	vld [tilespmem:s29+$0x89A0];
	v8 =	vadd.f32 v12, v8;
	v12 =	vadd.f32 v1, v0  }
0x252: {  	v20 =	vld [tilespmem:s29+$0x89B0];
	v1 =	vadd.f32 v2, v0;
	v2 =	vadd.f32 v6, v0  }
0x253: {  	v17 =	vld [tilespmem:s29+$0x8A20];
	v9 =	vadd.f32 v13, v9;
	v13 =	vadd.f32 v23, v32  }
0x254: {  	v7 =	vadd.f32 v10, v7;
	v10 =	vld [tilespmem:s29+$0x8A40];
	v15 =	vadd.f32 v18, v15  }
0x255: {  	v18 =	vld [tilespmem:s29+$0x8950];
	v13 =	vadd.f32 v19, v13;
	v19 =	vadd.f32 v4, v3  }
0x256: {  	v23 =	vld [tilespmem:s29+$0x8930];
	v11 =	vadd.f32 v11, v21;
	v3 =	vadd.f32 v5, v0  }
0x257: {  	v4 =	vadd.f32 v8, v0;
	v5 =	vadd.f32 v19, v24;
	v19 =	vld [tilespmem:s29+$0x89C0]  }
0x258: {  	v8 =	vadd.f32 v16, v0;
	v16 =	vld [tilespmem:s29+$0x88D0];
	v14 =	vadd.f32 v17, v14  }
0x259: {  	v6 =	vadd.f32 v9, v0;
	v9 =	vadd.f32 v13, v0;
	v13 =	vld [tilespmem:s29+$0x89D0]  }
0x25a: {  	v7 =	vadd.f32 v15, v7;
	v11 =	vadd.f32 v14, v11;
	v14 =	vld [tilespmem:s29+$0x8A50]  }
0x25b: {  	v20 =	vadd.f32 v25, v20;
	v21 =	vld [tilespmem:s29+$0x88E0];
	v15 =	vadd.f32 v23, v22  }
0x25c: {  	v24 =	vld [tilespmem:s29+$0x8960];
	v22 =	vadd.f32 v27, v26;
	v19 =	vadd.f32 v10, v19  }
0x25d: {  	p1 =	sne.s32 s26, $0x1;
	v7 =	vadd.f32 v7, v0;
	v17 =	vld [tilespmem:s29+$0x89E0];
	v10 =	vadd.f32 v11, v0  }
.Ltmp26:
0x25e: {  	v11 =	vadd.f32 v20, v15;
	v15 =	vadd.f32 v19, v22;
	v19 =	vld [tilespmem:s29+$0x8A60];
	(pc) =	sbr.rel @!p1 .LBB2_33-.Ltmp26, $4  }
0x25f: {  	s23 =	sadd.s32 $0x200, s25;
	v16 =	vadd.f32 v18, v16;
	v18 =	vld [tilespmem:s29+$0x88F0];
	v14 =	vadd.f32 v14, v13  }
0x260: {  	s25 =	sadd.s32 $0x400, s25;
	s21 =	sand.u32 $0x200, s23;
	v5 =	vadd.f32 v5, v0;
	v20 =	vld [tilespmem:s29+$0x8970];
	v13 =	vadd.f32 v11, v0  }
0x261: {  	s26 =	sadd.s32 $0xFFFFFFFF, s26;
	p0 =	por $0x1, $0x1;
	s22 =	sadd.s32 s21, s25;
	v22 =	vadd.f32 v24, v21;
	v21 =	vld [tilespmem:s29+$0x89F0];
	v23 =	vadd.f32 v14, v16;
	v14 =	vimm.f32 $0.0e+00  }
0x262: {  	s24 =	sand.u32 $0xFFFFF800, s25;
	s28 =	sadd.s32 $0x80, s22;
	s30 =	sor.u32 $0x470, s22;
	v24 =	vld [tilespmem:s29+$0x8A70];
	v16 =	vimm.f32 $0.0e+00;
	v11 =	vadd.f32 v15, v0;
	v15 =	vimm.f32 $0.0e+00  }
.LBB2_34:
0x263: {  	p1 =	sne.s32 s26, $0x1;
	s0 =	sadd.s32 $0x100, s22;
	v25 =	vld [tilespmem:s30+$0x8880];
	s2 =	sor.u32 $0x470, s28;
	v14 =	vadd.f32 v23, v14;
	v17 =	vadd.f32 v19, v17  }
0x264: {  	s4 =	sor.u32 $0x400, s28;
	s5 =	sadd.s32 $0x180, s22;
	v19 =	vld [tilespmem:s2+$0x8880];
	s2 =	sor.u32 $0x470, s0  }
0x265: {  	s6 =	sor.u32 $0x400, s0;
	s7 =	sor.u32 $0x400, s5;
	v23 =	vld [tilespmem:s2+$0x8880];
	s2 =	sor.u32 $0x470, s5;
	v17 =	vadd.f32 v17, v22;
	v18 =	vadd.f32 v20, v18  }
0x266: {  	s8 =	sor.u32 $0x410, s28;
	s9 =	sor.u32 $0x410, s0;
	s10 =	sor.u32 $0x410, s5;
	v20 =	vld [tilespmem:s2+$0x8880]  }
0x267: {  	s13 =	sor.u32 $0x420, s5;
	s2 =	sor.u32 $0x420, s28;
	v22 =	vld [tilespmem:s4+$0x8880];
	s4 =	sor.u32 $0x420, s0;
	v15 =	vadd.f32 v17, v15;
	v17 =	vadd.f32 v24, v21  }
0x268: {  	s14 =	sor.u32 $0x430, s0;
	s15 =	sor.u32 $0x430, s5;
	v21 =	vld [tilespmem:s6+$0x8880];
	s6 =	sor.u32 $0x430, s28  }
0x269: {  	s16 =	sor.u32 $0x440, s0;
	s17 =	sor.u32 $0x440, s5;
	v24 =	vld [tilespmem:s7+$0x8880];
	s7 =	sor.u32 $0x440, s28;
	v17 =	vadd.f32 v17, v18  }
0x26a: {  	s30 =	sor.u32 $0x450, s0;
	s31 =	sor.u32 $0x450, s5;
	v18 =	vld [tilespmem:s8+$0x8880];
	s8 =	sor.u32 $0x450, s28  }
0x26b: {  	s5 =	sor.u32 $0x460, s5;
	s0 =	sor.u32 $0x460, s0;
	v19 =	vadd.f32 v19, v25;
	v26 =	vld [tilespmem:s9+$0x8880];
	s9 =	sor.u32 $0x460, s28;
	v20 =	vadd.f32 v20, v23  }
0x26c: {  	s19 =	sor.u32 $0x410, s22;
	s28 =	sor.u32 $0x400, s22;
	v16 =	vadd.f32 v17, v16;
	v23 =	vld [tilespmem:s10+$0x8880];
	s10 =	sor.u32 $0x420, s22  }
0x26d: {  	s20 =	sor.u32 $0x440, s22;
	s18 =	sor.u32 $0x450, s22;
	v17 =	vld [tilespmem:s2+$0x8880];
	s2 =	sor.u32 $0x430, s22;
	v19 =	vadd.f32 v20, v19  }
0x26e: {  	s29 =	sor.u32 s21, s24;
	v20 =	vadd.f32 v24, v21;
	v21 =	vld [tilespmem:s4+$0x8880];
	s4 =	sor.u32 $0x460, s22  }
0x26f: {  	v24 =	vld [tilespmem:s13+$0x8880];
	v12 =	vadd.f32 v19, v12  }
0x270: {  	v19 =	vld [tilespmem:s6+$0x8880]  }
0x271: {  	v23 =	vadd.f32 v23, v26;
	v25 =	vld [tilespmem:s14+$0x8880]  }
0x272: {  	v26 =	vld [tilespmem:s15+$0x8880]  }
0x273: {  	v27 =	vld [tilespmem:s7+$0x8880]  }
0x274: {  	v21 =	vadd.f32 v24, v21;
	v24 =	vld [tilespmem:s16+$0x8880]  }
0x275: {  	v28 =	vld [tilespmem:s17+$0x8880]  }
0x276: {  	v29 =	vld [tilespmem:s8+$0x8880]  }
0x277: {  	v25 =	vadd.f32 v26, v25;
	v26 =	vld [tilespmem:s30+$0x8880]  }
0x278: {  	v30 =	vld [tilespmem:s31+$0x8880]  }
0x279: {  	v31 =	vld [tilespmem:s9+$0x8880]  }
0x27a: {  	v24 =	vadd.f32 v28, v24;
	v28 =	vld [tilespmem:s0+$0x8880]  }
0x27b: {  	v32 =	vld [tilespmem:s5+$0x8880]  }
0x27c: {  	v33 =	vld [tilespmem:s28+$0x8880]  }
0x27d: {  	v34 =	vld [tilespmem:s19+$0x8880];
	v26 =	vadd.f32 v30, v26  }
0x27e: {  	v30 =	vld [tilespmem:s10+$0x8880]  }
0x27f: {  	v35 =	vld [tilespmem:s2+$0x8880]  }
0x280: {  	v36 =	vld [tilespmem:s20+$0x8880];
	v28 =	vadd.f32 v32, v28  }
0x281: {  	v22 =	vadd.f32 v22, v33;
	v32 =	vld [tilespmem:s18+$0x8880]  }
0x282: {  	v18 =	vadd.f32 v18, v34;
	v33 =	vld [tilespmem:s4+$0x8880]  }
0x283: {  	v34 =	vld [tilespmem:s29+$0x8880];
	v20 =	vadd.f32 v20, v22;
	v17 =	vadd.f32 v17, v30  }
0x284: {  	v22 =	vld [tilespmem:s29+$0x8900];
	v18 =	vadd.f32 v23, v18;
	v19 =	vadd.f32 v19, v35  }
0x285: {  	v23 =	vld [tilespmem:s29+$0x8980];
	v17 =	vadd.f32 v21, v17;
	v21 =	vadd.f32 v27, v36  }
0x286: {  	v27 =	vld [tilespmem:s29+$0x8A00];
	v19 =	vadd.f32 v25, v19;
	v25 =	vadd.f32 v29, v32  }
0x287: {  	v29 =	vld [tilespmem:s29+$0x8890];
	v21 =	vadd.f32 v24, v21;
	v24 =	vadd.f32 v31, v33  }
0x288: {  	v1 =	vadd.f32 v20, v1;
	v30 =	vld [tilespmem:s29+$0x8910];
	v20 =	vadd.f32 v26, v25  }
0x289: {  	v22 =	vadd.f32 v22, v34;
	v25 =	vld [tilespmem:s29+$0x8990];
	v24 =	vadd.f32 v28, v24  }
0x28a: {  	v2 =	vadd.f32 v18, v2;
	v3 =	vadd.f32 v17, v3;
	v26 =	vld [tilespmem:s29+$0x8A10]  }
0x28b: {  	v4 =	vadd.f32 v19, v4;
	v17 =	vadd.f32 v27, v23;
	v18 =	vld [tilespmem:s29+$0x88A0]  }
0x28c: {  	v6 =	vadd.f32 v21, v6;
	v8 =	vadd.f32 v20, v8;
	v19 =	vld [tilespmem:s29+$0x8920]  }
0x28d: {  	v17 =	vadd.f32 v17, v22;
	v20 =	vadd.f32 v30, v29;
	v21 =	vld [tilespmem:s29+$0x89A0]  }
0x28e: {  	v9 =	vadd.f32 v24, v9;
	v22 =	vld [tilespmem:s29+$0x8A20]  }
0x28f: {  	v5 =	vadd.f32 v17, v5;
	v17 =	vadd.f32 v26, v25;
	v23 =	vld [tilespmem:s29+$0x88B0]  }
0x290: {  	v24 =	vld [tilespmem:s29+$0x8930]  }
0x291: {  	v17 =	vadd.f32 v17, v20;
	v18 =	vadd.f32 v19, v18;
	v19 =	vld [tilespmem:s29+$0x89B0]  }
0x292: {  	v20 =	vld [tilespmem:s29+$0x8A30]  }
0x293: {  	v7 =	vadd.f32 v17, v7;
	v17 =	vadd.f32 v22, v21;
	v21 =	vld [tilespmem:s29+$0x88C0]  }
0x294: {  	v22 =	vld [tilespmem:s29+$0x8940]  }
0x295: {  	v17 =	vadd.f32 v17, v18;
	v18 =	vadd.f32 v24, v23;
	v23 =	vld [tilespmem:s29+$0x89C0]  }
0x296: {  	v24 =	vld [tilespmem:s29+$0x8A40]  }
0x297: {  	v10 =	vadd.f32 v17, v10;
	v17 =	vadd.f32 v20, v19;
	v19 =	vld [tilespmem:s29+$0x88D0]  }
0x298: {  	v20 =	vld [tilespmem:s29+$0x8950]  }
0x299: {  	v17 =	vadd.f32 v17, v18;
	v18 =	vadd.f32 v22, v21;
	v21 =	vld [tilespmem:s29+$0x89D0]  }
0x29a: {  	v22 =	vld [tilespmem:s29+$0x8A50]  }
0x29b: {  	v13 =	vadd.f32 v17, v13;
	v17 =	vadd.f32 v24, v23;
	v24 =	vld [tilespmem:s29+$0x88E0]  }
0x29c: {  	v25 =	vld [tilespmem:s29+$0x8960]  }
0x29d: {  	v18 =	vadd.f32 v17, v18;
	v23 =	vadd.f32 v20, v19;
	v17 =	vld [tilespmem:s29+$0x89E0]  }
.Ltmp27:
0x29e: {  	v19 =	vld [tilespmem:s29+$0x8A60];
	(pc) =	sbr.rel @p1 .LBB2_34-.Ltmp27, $4  }
0x29f: {  	s23 =	sadd.s32 $0x200, s23;
	v11 =	vadd.f32 v18, v11;
	v21 =	vadd.f32 v22, v21;
	v18 =	vld [tilespmem:s29+$0x88F0]  }
0x2a0: {  	s25 =	sadd.s32 $0x400, s25;
	s21 =	sand.u32 $0x200, s23;
	v20 =	vld [tilespmem:s29+$0x8970]  }
0x2a1: {  	s24 =	sand.u32 $0xFFFFF800, s25;
	s22 =	sadd.s32 s21, s25;
	v23 =	vadd.f32 v21, v23;
	v22 =	vadd.f32 v25, v24;
	v21 =	vld [tilespmem:s29+$0x89F0]  }
0x2a2: {  	s26 =	sadd.s32 $0xFFFFFFFF, s26;
	s30 =	sor.u32 $0x470, s22;
	s28 =	sadd.s32 $0x80, s22;
	v24 =	vld [tilespmem:s29+$0x8A70]  }
0x2a3: {  	s6 =	rddreg [dreg:$0xb]  }
0x2a4: {  	s7 =	rddreg [dreg:$0xc]  }
0x2a5: {  	s9 =	rddreg [dreg:$0xf]  }
0x2a6: {  	s8 =	rddreg [dreg:$0x11]  }
0x2a7: {  	s10 =	rddreg [dreg:$0x13]  }
.LBB2_36:
0x2a8: {  	v25 =	vld [tilespmem:s30+$0x8880];
	s2 =	sor.u32 $0x470, s28  }
0x2a9: {  	s5 =	sor.u32 $0x400, s28;
	v26 =	vld [tilespmem:s2+$0x8880]  }
0x2aa: {  	s18 =	sor.u32 $0x410, s28;
	v29 =	vld [tilespmem:s5+$0x8880]  }
0x2ab: {  	s23 =	sor.u32 $0x420, s28;
	v32 =	vld [tilespmem:s18+$0x8880]  }
0x2ac: {  	s29 =	sor.u32 $0x430, s28;
	v35 =	vld [tilespmem:s23+$0x8880]  }
0x2ad: {  	s13 =	sor.u32 $0x440, s28;
	v38 =	vld [tilespmem:s29+$0x8880]  }
0x2ae: {  	s21 =	sor.u32 s21, s24;
	v41 =	vld [tilespmem:s13+$0x8880]  }
0x2af: {  	v57 =	vld [tilespmem:s21+$0x8880]  }
0x2b0: {  	v58 =	vld [tilespmem:s21+$0x8900]  }
0x2b1: {  	v59 =	vld [tilespmem:s21+$0x8980]  }
0x2b2: {  	v60 =	vld [tilespmem:s21+$0x8A00]  }
0x2b3: {  	v17 =	vadd.f32 @p0 v19, v17;
	v19 =	vld [tilespmem:s21+$0x8890]  }
0x2b4: {  	s0 =	sadd.s32 $0x100, s22;
	v18 =	vadd.f32 @p0 v20, v18;
	v20 =	vadd.f32 @p0 v24, v21;
	v21 =	vld [tilespmem:s21+$0x8910]  }
0x2b5: {  	s4 =	sadd.s32 $0x180, s22;
	s14 =	sor.u32 $0x470, s0;
	v24 =	vld [tilespmem:s21+$0x89A0]  }
0x2b6: {  	s15 =	sor.u32 $0x470, s4;
	v27 =	vld [tilespmem:s14+$0x8880]  }
0x2b7: {  	s16 =	sor.u32 $0x400, s0;
	v28 =	vld [tilespmem:s15+$0x8880]  }
0x2b8: {  	s17 =	sor.u32 $0x400, s4;
	v30 =	vld [tilespmem:s16+$0x8880]  }
0x2b9: {  	s19 =	sor.u32 $0x410, s0;
	v31 =	vld [tilespmem:s17+$0x8880]  }
0x2ba: {  	s20 =	sor.u32 $0x410, s4;
	v33 =	vld [tilespmem:s19+$0x8880]  }
0x2bb: {  	s25 =	sor.u32 $0x420, s0;
	v34 =	vld [tilespmem:s20+$0x8880]  }
0x2bc: {  	s26 =	sor.u32 $0x420, s4;
	v36 =	vld [tilespmem:s25+$0x8880]  }
0x2bd: {  	s30 =	sor.u32 $0x430, s0;
	v37 =	vld [tilespmem:s26+$0x8880]  }
0x2be: {  	s31 =	sor.u32 $0x430, s4;
	v39 =	vld [tilespmem:s30+$0x8880]  }
0x2bf: {  	s18 =	sor.u32 $0x450, s4;
	v40 =	vld [tilespmem:s31+$0x8880]  }
0x2c0: {  	s23 =	sor.u32 $0x400, s22;
	v46 =	vld [tilespmem:s18+$0x8880]  }
0x2c1: {  	s29 =	sor.u32 $0x440, s22;
	v50 =	vld [tilespmem:s23+$0x8880]  }
0x2c2: {  	v54 =	vld [tilespmem:s29+$0x8880]  }
0x2c3: {  	v18 =	vadd.f32 @p0 v20, v18;
	v20 =	vld [tilespmem:s21+$0x8A10]  }
0x2c4: {  	s14 =	sor.u32 $0x440, s0;
	v17 =	vadd.f32 @p0 v17, v22;
	v22 =	vadd.f32 @p0 v23, v14;
	v23 =	vld [tilespmem:s21+$0x88A0]  }
0x2c5: {  	s15 =	sor.u32 $0x440, s4;
	v42 =	vld [tilespmem:s14+$0x8880]  }
0x2c6: {  	s16 =	sor.u32 $0x450, s28;
	v43 =	vld [tilespmem:s15+$0x8880]  }
0x2c7: {  	s17 =	sor.u32 $0x450, s0;
	v44 =	vld [tilespmem:s16+$0x8880]  }
0x2c8: {  	s19 =	sor.u32 $0x460, s28;
	v45 =	vld [tilespmem:s17+$0x8880]  }
0x2c9: {  	s0 =	sor.u32 $0x460, s0;
	v47 =	vld [tilespmem:s19+$0x8880]  }
0x2ca: {  	s20 =	sor.u32 $0x460, s4;
	v48 =	vld [tilespmem:s0+$0x8880]  }
0x2cb: {  	s25 =	sor.u32 $0x410, s22;
	v49 =	vld [tilespmem:s20+$0x8880]  }
0x2cc: {  	s26 =	sor.u32 $0x420, s22;
	v51 =	vld [tilespmem:s25+$0x8880]  }
0x2cd: {  	s28 =	sor.u32 $0x430, s22;
	v52 =	vld [tilespmem:s26+$0x8880]  }
0x2ce: {  	s30 =	sor.u32 $0x450, s22;
	v53 =	vld [tilespmem:s28+$0x8880]  }
0x2cf: {  	s31 =	sor.u32 $0x460, s22;
	v55 =	vld [tilespmem:s30+$0x8880];
	v15 =	vadd.f32 @p0 v17, v15  }
0x2d0: {  	v56 =	vld [tilespmem:s31+$0x8880];
	v16 =	vadd.f32 @p0 v18, v16;
	v63 =	vadd.f32 v26, v25  }
0x2d1: {  	v17 =	vld [tilespmem:s21+$0x8920];
	v19 =	vadd.f32 v21, v19;
	v28 =	vadd.f32 v28, v27  }
0x2d2: {  	v26 =	vld [tilespmem:s21+$0x8990];
	v18 =	vadd.f32 v31, v30;
	v61 =	vadd.f32 v37, v36  }
0x2d3: {  	v27 =	vld [tilespmem:s21+$0x8A20];
	v62 =	vadd.f32 v40, v39;
	v29 =	vadd.f32 v29, v50  }
0x2d4: {  	v31 =	vld [tilespmem:s21+$0x88B0];
	v46 =	vadd.f32 v46, v45;
	v50 =	vadd.f32 v49, v48  }
0x2d5: {  	v37 =	vld [tilespmem:s21+$0x89B0];
	v32 =	vadd.f32 v32, v51;
	v51 =	vadd.f32 v35, v52  }
0x2d6: {  	v39 =	vld [tilespmem:s21+$0x8940];
	v52 =	vadd.f32 v38, v53;
	v53 =	vadd.f32 v41, v54  }
0x2d7: {  	v40 =	vld [tilespmem:s21+$0x89C0];
	v54 =	vadd.f32 v44, v55;
	v55 =	vadd.f32 v47, v56  }
0x2d8: {  	v35 =	vld [tilespmem:s21+$0x8A30];
	v45 =	vadd.f32 v60, v59;
	v14 =	vadd.f32 v28, v63  }
0x2d9: {  	v38 =	vld [tilespmem:s21+$0x88C0];
	v63 =	vadd.f32 v43, v42;
	v18 =	vadd.f32 v18, v29  }
0x2da: {  	v41 =	vld [tilespmem:s21+$0x8A40];
	v17 =	vadd.f32 v17, v23;
	v25 =	vadd.f32 v61, v51  }
0x2db: {  	v47 =	vld [tilespmem:s21+$0x88E0];
	v28 =	vadd.f32 v62, v52;
	v56 =	vadd.f32 v46, v54  }
0x2dc: {  	v49 =	vld [tilespmem:s21+$0x8960];
	v61 =	vadd.f32 v58, v57;
	v30 =	vadd.f32 v50, v55  }
0x2dd: {  	v62 =	vld [tilespmem:s21+$0x8950];
	v12 =	vadd.f32 v14, v12;
	v14 =	vadd.f32 v34, v33  }
0x2de: {  	v46 =	vld [tilespmem:s21+$0x8A50];
	v29 =	vadd.f32 v63, v53;
	v1 =	vadd.f32 v18, v1  }
0x2df: {  	v50 =	vld [tilespmem:s21+$0x89E0];
	v48 =	vadd.f32 v45, v61;
	v51 =	vadd.f32 v27, v24  }
0x2e0: {  	v52 =	vld [tilespmem:s21+$0x8A60];
	v14 =	vadd.f32 v14, v32;
	v6 =	vadd.f32 v29, v6  }
0x2e1: {  	v34 =	vld [tilespmem:s21+$0x8930];
	v54 =	vadd.f32 v35, v37;
	v59 =	vadd.f32 v39, v38  }
0x2e2: {  	v55 =	vld [tilespmem:s21+$0x88F0];
	v60 =	vadd.f32 v41, v40;
	v14 =	vadd.f32 v14, v2  }
0x2e3: {  	v58 =	vld [tilespmem:s21+$0x89F0];
	v2 =	vadd.f32 v28, v4;
	v4 =	vadd.f32 v56, v8  }
0x2e4: {  	v63 =	vld [tilespmem:s21+$0x89D0];
	v8 =	vadd.f32 v30, v9;
	v9 =	vadd.f32 v20, v26  }
0x2e5: {  	v32 =	vld [tilespmem:s21+$0x88D0];
	v18 =	vadd.f32 v49, v47;
	v29 =	vadd.f32 v48, v5  }
0x2e6: {  	v56 =	vld [tilespmem:s21+$0x8970];
	v53 =	vadd.f32 v34, v31;
	v5 =	vadd.f32 v9, v19  }
0x2e7: {  	v61 =	vld [tilespmem:s21+$0x8A70];
	v17 =	vadd.f32 v51, v17;
	v20 =	vadd.f32 v52, v50  }
0x2e8: {  	v57 =	vadd.f32 v54, v53;
	v9 =	vadd.f32 v5, v7  }
0x2e9: {  	v5 =	vadd.f32 v17, v10;
	v10 =	vadd.f32 v60, v59  }
0x2ea: {  	v17 =	vadd.f32 v46, v63;
	v7 =	vadd.f32 v57, v13  }
0x2eb: {  	v13 =	vadd.f32 v62, v32;
	v19 =	vadd.f32 v56, v55  }
.Ltmp28:
0x2ec: {  	v15 =	vpsel p0, v15, v0;
	v62 =	vadd.f32 v61, v58;
	v10 =	vadd.f32 v10, v11;
	(pc) =	sbr.rel .LBB2_37-.Ltmp28, $4  }
0x2ed: {  	v11 =	vadd.f32 v17, v13;
	v13 =	vpsel p0, v22, v0;
	v0 =	vpsel p0, v16, v0  }
0x2ee: {  	v17 =	vadd.f32 v20, v18;
	v63 =	vadd.f32 v62, v19  }
0x2ef: {  	v3 =	vadd.f32 v25, v3;
	v13 =	vadd.f32 v11, v13  }
0x2f0: {  	v15 =	vadd.f32 v17, v15;
	v11 =	vadd.f32 v63, v0;
	v0 =	vmov v29  }
.LBB2_15:
0x2f1: {  	v14 =	vimm.f32 $0.0e+00  }
.Ltmp29:
0x2f2: {  	v15 =	vimm.f32 $0.0e+00;
	v16 =	vimm.f32 $0.0e+00;
	v12 =	vimm.f32 $0.0e+00;
	(pc) =	sbr.rel .LBB2_20-.Ltmp29, $4  }
0x2f3: {  	v1 =	vimm.f32 $0.0e+00;
	v2 =	vimm.f32 $0.0e+00;
	v3 =	vimm.f32 $0.0e+00  }
0x2f4: {  	v4 =	vimm.f32 $0.0e+00;
	v6 =	vimm.f32 $0.0e+00;
	v8 =	vimm.f32 $0.0e+00  }
0x2f5: {  	v9 =	vimm.f32 $0.0e+00;
	v5 =	vimm.f32 $0.0e+00;
	v7 =	vimm.f32 $0.0e+00  }
0x2f6: {  	v10 =	vimm.f32 $0.0e+00;
	v13 =	vimm.f32 $0.0e+00;
	v11 =	vimm.f32 $0.0e+00  }
.LBB2_31:
0x2f7: {  	v14 =	vimm.f32 $0.0e+00  }
.Ltmp30:
0x2f8: {  	v15 =	vimm.f32 $0.0e+00;
	v16 =	vimm.f32 $0.0e+00;
	v12 =	vimm.f32 $0.0e+00;
	(pc) =	sbr.rel .LBB2_36-.Ltmp30, $4  }
0x2f9: {  	v1 =	vimm.f32 $0.0e+00;
	v2 =	vimm.f32 $0.0e+00;
	v3 =	vimm.f32 $0.0e+00  }
0x2fa: {  	v4 =	vimm.f32 $0.0e+00;
	v6 =	vimm.f32 $0.0e+00;
	v8 =	vimm.f32 $0.0e+00  }
0x2fb: {  	v9 =	vimm.f32 $0.0e+00;
	v5 =	vimm.f32 $0.0e+00;
	v7 =	vimm.f32 $0.0e+00  }
0x2fc: {  	v10 =	vimm.f32 $0.0e+00;
	v13 =	vimm.f32 $0.0e+00;
	v11 =	vimm.f32 $0.0e+00  }
.LBB2_17:
.Ltmp31:
0x2fd: {  	s6 =	rddreg [dreg:$0xb];
	(pc) =	sbr.rel .LBB2_20-.Ltmp31, $4  }
0x2fe: {  	s7 =	rddreg [dreg:$0xc]  }
0x2ff: {  	s8 =	rddreg [dreg:$0xe]  }
0x300: {  	s9 =	rddreg [dreg:$0x10]  }
0x301: {  	v14 =	vimm.f32 $0.0e+00;
	v15 =	vimm.f32 $0.0e+00;
	v16 =	vimm.f32 $0.0e+00;
	s10 =	rddreg [dreg:$0x12]  }
.LBB2_33:
.Ltmp32:
0x302: {  	s6 =	rddreg [dreg:$0xb];
	(pc) =	sbr.rel .LBB2_36-.Ltmp32, $4  }
0x303: {  	s7 =	rddreg [dreg:$0xc]  }
0x304: {  	s9 =	rddreg [dreg:$0xf]  }
0x305: {  	s8 =	rddreg [dreg:$0x11]  }
0x306: {  	v14 =	vimm.f32 $0.0e+00;
	v15 =	vimm.f32 $0.0e+00;
	v16 =	vimm.f32 $0.0e+00;
	s10 =	rddreg [dreg:$0x13]  }
.LBB2_39:
0x307: {  	_ =	sfence.sel $0x180000  }
0x308: {  	[bflag:$0x0] =	sbarrier.arrive $0xFFFF  }
0x309: {  	_ =	strace $0x90000047  }
0x30a: {  	s0 =	stileid.u32;
	[bflag:$0x2] =	sbarrier.arrive $0xFFFF  }
0x30b: {  	p0 =	sne.s32 s0, $0x0;
	s0 =	rddreg [dreg:$0x3]  }
0x30c: {  	s0 =	sadd.s32 @!p0 $0x100000, s0  }
0x30d: {  	[sflag:s0] =	ssyncadd.tile.s32 @!p0 $0x1;
	_ =	shalt  }
.Lfunc_end2:
_tile_overlayer_lowered:
.L_overlay_start_2:
0x30e: {  	(tag) =	ssettag $0x2  }
0x30f: {  	s0 =	rddreg [dreg:$0x0];
	s2 =	stileid.u32  }
0x310: {  	s1 =	rddreg [dreg:$0x1];
	p0 =	sne.s32 s2, $0x0  }
0x311: {  	s3 =	rddreg [dreg:$0x2];
	[bflag:$0x3] =	sbarrier.arrive $0xFFFF;
	s2 =	simm.s32 @!p0 $0x1C03  }
0x312: {  	[timem:s3], [sflag:s2] =	dma.local @!p0 [hbm:s0], s1  }
0x313: {  	s0 =	simm.s32 @!p0 $0x3  }
0x314: {  	_ =	swait.ge @!p0 [sflag:s0], s1  }
0x315: {  	s1 =	ssub.s32 @!p0 $0x0, s1;
	[sflag:s0] =	ssyncset.done @!p0 $0x0  }
0x316: {  	[sflag:s0] =	ssyncadd.s32 @!p0 s1  }
0x317: {  	[bflag:$0x3] =	sbarrier.arrive $0xFFFF  }
0x318: {  	_ =	shalt  }

</sc_bundles>
